<compile_context>
chip_gen: v7x
topology: tpu7x:2x2x1
jax: 0.10.2.dev20260603
libtpu: 0.0.44.dev20260713+nightly
codegen_flags: <defaults>
</compile_context>

<pallas_src>
import functools

import jax
import jax.numpy as jnp
import numpy as np
from jax import lax
from jax.experimental import pallas as pl
from jax.experimental.pallas import tpu as pltpu
from jax.experimental.pallas import tpu_sc as plsc

B, T, D = 2, 4096, 768
E, K, C = 64, 2, 320
D_EXP, D_FF = 128, 256
N = B * T
R = N * K
NC, NS = 2, 16
NW = NC * NS
RPW = R // NW
TPW = N // NW
TB = 1024
NB = N // TB
CHT = 32
NCH = TPW // CHT
NSLOT = E * C
NBUF = NSLOT + C
DUMMY = NSLOT
SQRT1_2 = 0.7071067811865476


def _erf(x):
    a1, a2, a3, a4, a5 = 0.254829592, -0.284496736, 1.421413741, -1.453152027, 1.061405429
    p = 0.3275911
    ax = jnp.abs(x)
    t = 1.0 / (1.0 + p * ax)
    poly = ((((a5 * t + a4) * t + a3) * t + a2) * t + a1) * t
    y = 1.0 - poly * jnp.exp(-ax * ax)
    return jnp.sign(x) * y


def _gelu(x):
    return 0.5 * x * (1.0 + _erf(x * SQRT1_2))


_TRI = np.tril(np.ones((TB, TB), np.float32), -1).astype(np.dtype("bfloat16"))

DH = D // 2


def _router_body(x_ref, wr_ref, tri_ref, epos_ref, xp_ref, imp_ref,
                 cnt_ref):
    x = x_ref[...]
    wr = wr_ref[...]
    xb16 = x.astype(jnp.bfloat16)
    plo = lax.bitcast_convert_type(xb16[:, :DH], jnp.uint16)
    phi = lax.bitcast_convert_type(xb16[:, DH:], jnp.uint16)
    xp_ref[...] = lax.bitcast_convert_type(
        plo.astype(jnp.uint32) | (phi.astype(jnp.uint32) << 16), jnp.int32)
    logits = jnp.dot(x, wr, preferred_element_type=jnp.float32)
    m = jnp.max(logits, axis=-1, keepdims=True)
    ex = jnp.exp(logits - m)
    s = ex / jnp.sum(ex, axis=-1, keepdims=True)
    col = lax.broadcasted_iota(jnp.int32, s.shape, 1)
    v1 = jnp.max(s, axis=-1, keepdims=True)
    i1 = jnp.min(jnp.where(s == v1, col, E), axis=-1, keepdims=True)
    s2 = jnp.where(col == i1, -1.0, s)
    v2 = jnp.max(s2, axis=-1, keepdims=True)
    i2 = jnp.min(jnp.where(s2 == v2, col, E), axis=-1, keepdims=True)
    oh1 = (col == i1).astype(jnp.float32)
    oh2 = (col == i2).astype(jnp.float32)
    oh = oh1 + oh2
    pref = jnp.dot(tri_ref[...], oh.astype(jnp.bfloat16),
                   preferred_element_type=jnp.float32)
    p1 = jnp.sum(jnp.where(col == i1, pref, 0.0), axis=-1, keepdims=True)
    p2 = jnp.sum(jnp.where(col == i2, pref, 0.0), axis=-1, keepdims=True)
    gb = lax.bitcast_convert_type(
        jnp.concatenate([v1, v2], axis=1).astype(jnp.bfloat16), jnp.uint16
    ).astype(jnp.uint32)
    pu = jnp.concatenate([p1, p2], axis=1).astype(jnp.uint32)
    eu = jnp.concatenate([i1, i2], axis=1).astype(jnp.uint32)
    epos_ref[...] = lax.bitcast_convert_type(
        (gb << 17) | (pu << 6) | eu, jnp.int32)
    imp_ref[...] = jnp.sum(s, axis=0, keepdims=True)[None]
    cnt_ref[...] = jnp.sum(oh, axis=0, keepdims=True)[None]


def _router(x, wr, tri):
    return pl.pallas_call(
        _router_body,
        grid=(NB,),
        in_specs=[
            pl.BlockSpec((TB, D), lambda i: (i, 0)),
            pl.BlockSpec((D, E), lambda i: (0, 0)),
            pl.BlockSpec((TB, TB), lambda i: (0, 0)),
        ],
        out_specs=[
            pl.BlockSpec((TB, K), lambda i: (i, 0)),
            pl.BlockSpec((TB, DH), lambda i: (i, 0)),
            pl.BlockSpec((1, 1, E), lambda i: (i, 0, 0)),
            pl.BlockSpec((1, 1, E), lambda i: (i, 0, 0)),
        ],
        out_shape=[
            jax.ShapeDtypeStruct((N, K), jnp.int32),
            jax.ShapeDtypeStruct((N, DH), jnp.int32),
            jax.ShapeDtypeStruct((NB, 1, E), jnp.float32),
            jax.ShapeDtypeStruct((NB, 1, E), jnp.float32),
        ],
        compiler_params=pltpu.CompilerParams(
            dimension_semantics=("parallel",)),
    )(x, wr, tri)


def _dispatch_body(epos, blkcnt, x,
                   buf, slotr_o, geff_o,
                   ep_v, bc_v, base_v,
                   slotw_v, slotr_v, geff_v, rows_v, sem, seml, semw):
    wid = lax.axis_index("s") * NC + lax.axis_index("c")
    rbase = wid * RPW
    tbase = wid * TPW
    blk = wid // (NW // NB)
    pltpu.async_copy(epos.at[pl.ds(rbase, RPW)], ep_v, sem)
    pltpu.async_copy(blkcnt, bc_v, sem)
    pltpu.async_copy(x.at[pl.ds(tbase, 64)], rows_v.at[0], seml)
    pltpu.async_copy(x.at[pl.ds(tbase + 64, 64)], rows_v.at[1], seml)
    pltpu.make_async_copy(epos.at[pl.ds(0, RPW)], ep_v, sem).wait()
    pltpu.make_async_copy(blkcnt, bc_v, sem).wait()
    lane = lax.iota(jnp.int32, 16)
    for q in range(E // 16):
        acc = jnp.zeros((16,), jnp.float32)
        for b in range(NB):
            scale = jnp.where(b < blk, 1.0, 0.0)
            acc = acc + bc_v[pl.ds(b * E + q * 16, 16)] * scale
        base_v[pl.ds(q * 16, 16)] = acc.astype(jnp.int32)
    def slot_body(q, carry):
        i0 = q * 16
        ep16 = ep_v[pl.ds(i0, 16)]
        e16 = ep16 & (E - 1)
        p16 = ((ep16 >> 6) & 0x7FF) + plsc.load_gather(base_v, [e16])
        keep = p16 < C
        slot = e16 * C + p16
        slot_r16 = jnp.where(keep, slot, e16 * C)
        slot_w16 = jnp.where(keep, slot, DUMMY)
        gate16 = plsc.bitcast(((ep16 >> 17) & 0x7FFF) << 16, jnp.float32)
        geff16 = jnp.where(keep, gate16, 0.0)
        i_ = i0 + lane
        dest = (i_ // 32) * 32 + (i_ % 2) * 16 + (i_ % 32) // 2
        plsc.store_scatter(slotw_v, [dest], slot_w16)
        plsc.store_scatter(slotr_v, [dest], slot_r16)
        plsc.store_scatter(geff_v, [dest], geff16)
        return carry

    lax.fori_loop(0, RPW // 16, slot_body, 0)
    pltpu.async_copy(slotr_v, slotr_o.at[pl.ds(rbase, RPW)], sem)
    pltpu.async_copy(geff_v, geff_o.at[pl.ds(rbase, RPW)], sem)
    def drain_scatters(n):
        for _ in range(n):
            pltpu.make_async_copy(
                rows_v.at[0, pl.ds(0, 16)], buf.at[pl.ds(0, 16)], semw).wait()

    for c in range(4):
        p = c & 1
        pltpu.make_async_copy(x.at[pl.ds(0, 64)], rows_v.at[p], seml).wait()
        for j in range(4):
            gg = c * 4 + j
            sw0 = slotw_v[pl.ds(gg * 32, 16)]
            sw1 = slotw_v[pl.ds(gg * 32 + 16, 16)]
            src = rows_v.at[p, pl.ds(j * 16, 16)]
            pltpu.async_copy(src, buf.at[sw0], semw)
            pltpu.async_copy(src, buf.at[sw1], semw)
        if c + 2 < 4:
            drain_scatters(8)
            pltpu.async_copy(
                x.at[pl.ds(tbase + (c + 2) * 64, 64)], rows_v.at[p], seml)
    drain_scatters(16)
    pltpu.make_async_copy(slotr_v, slotr_o.at[pl.ds(0, RPW)], sem).wait()
    pltpu.make_async_copy(geff_v, geff_o.at[pl.ds(0, RPW)], sem).wait()


def _dispatch(epos, blkcnt, x):
    mesh = plsc.VectorSubcoreMesh(
        core_axis_name="c", subcore_axis_name="s", num_cores=NC, num_subcores=NS)
    fn = pl.kernel(
        _dispatch_body,
        out_type=[
            jax.ShapeDtypeStruct((NBUF, DH), jnp.int32),
            jax.ShapeDtypeStruct((R,), jnp.int32),
            jax.ShapeDtypeStruct((R,), jnp.float32),
        ],
        mesh=mesh,
        scratch_types=[
            pltpu.VMEM((RPW,), jnp.int32),
            pltpu.VMEM((NB * E,), jnp.float32),
            pltpu.VMEM((E,), jnp.int32),
            pltpu.VMEM((RPW,), jnp.int32),
            pltpu.VMEM((RPW,), jnp.int32),
            pltpu.VMEM((RPW,), jnp.float32),
            pltpu.VMEM((2, 64, DH), jnp.int32),
            pltpu.SemaphoreType.DMA,
            pltpu.SemaphoreType.DMA,
            pltpu.SemaphoreType.DMA,
        ],
        compiler_params=pltpu.CompilerParams(needs_layout_passes=False),
    )
    return fn(epos, blkcnt, x)


def _expert_body(x_ref, w1_ref, w2_ref, o_ref):
    u = lax.bitcast_convert_type(x_ref[...], jnp.uint32)
    xlo = lax.bitcast_convert_type((u & 0xFFFF).astype(jnp.uint16),
                                   jnp.bfloat16)
    xhi = lax.bitcast_convert_type((u >> 16).astype(jnp.uint16),
                                   jnp.bfloat16)
    w1 = w1_ref[0].astype(jnp.bfloat16)
    h = (jnp.dot(xlo, w1[:DH], preferred_element_type=jnp.float32)
         + jnp.dot(xhi, w1[DH:], preferred_element_type=jnp.float32))
    h = _gelu(h).astype(jnp.bfloat16)
    w2 = w2_ref[0].astype(jnp.bfloat16)
    olo = jnp.dot(h, w2[:, :DH], preferred_element_type=jnp.float32)
    ohi = jnp.dot(h, w2[:, DH:], preferred_element_type=jnp.float32)
    blo = lax.bitcast_convert_type(olo.astype(jnp.bfloat16), jnp.uint16)
    bhi = lax.bitcast_convert_type(ohi.astype(jnp.bfloat16), jnp.uint16)
    word = blo.astype(jnp.uint32) | (bhi.astype(jnp.uint32) << 16)
    o_ref[...] = lax.bitcast_convert_type(word, jnp.int32)


def _experts(buf, w1f, w2f):
    return pl.pallas_call(
        _expert_body,
        grid=(E,),
        in_specs=[
            pl.BlockSpec((C, DH), lambda e: (e, 0)),
            pl.BlockSpec((1, D, D_EXP), lambda e: (e, 0, 0)),
            pl.BlockSpec((1, D_EXP, D), lambda e: (e, 0, 0)),
        ],
        out_specs=pl.BlockSpec((C, DH), lambda e: (e, 0)),
        out_shape=jax.ShapeDtypeStruct((NSLOT, DH), jnp.int32),
        compiler_params=pltpu.CompilerParams(
            dimension_semantics=("parallel",)),
    )(buf, w1f, w2f)


def _shared_body(xp_ref, wg_ref, ws1_ref, ws2_ref, o_ref):
    u = lax.bitcast_convert_type(xp_ref[...], jnp.uint32)
    xlo = lax.bitcast_convert_type((u & 0xFFFF).astype(jnp.uint16),
                                   jnp.bfloat16)
    xhi = lax.bitcast_convert_type((u >> 16).astype(jnp.uint16),
                                   jnp.bfloat16)
    wg = wg_ref[...].astype(jnp.bfloat16)
    gs = 1.0 / (1.0 + jnp.exp(-(
        jnp.dot(xlo, wg[:DH], preferred_element_type=jnp.float32)
        + jnp.dot(xhi, wg[DH:], preferred_element_type=jnp.float32))))
    ws1 = ws1_ref[...].astype(jnp.bfloat16)
    h = _gelu(jnp.dot(xlo, ws1[:DH], preferred_element_type=jnp.float32)
              + jnp.dot(xhi, ws1[DH:], preferred_element_type=jnp.float32))
    h = h.astype(jnp.bfloat16)
    ws2 = ws2_ref[...].astype(jnp.bfloat16)
    olo = gs * jnp.dot(h, ws2[:, :DH], preferred_element_type=jnp.float32)
    ohi = gs * jnp.dot(h, ws2[:, DH:], preferred_element_type=jnp.float32)
    blo = lax.bitcast_convert_type(olo.astype(jnp.bfloat16), jnp.uint16)
    bhi = lax.bitcast_convert_type(ohi.astype(jnp.bfloat16), jnp.uint16)
    o_ref[...] = lax.bitcast_convert_type(
        blo.astype(jnp.uint32) | (bhi.astype(jnp.uint32) << 16), jnp.int32)


def _shared(xp, wg, ws1, ws2):
    return pl.pallas_call(
        _shared_body,
        grid=(NB,),
        in_specs=[
            pl.BlockSpec((TB, DH), lambda i: (i, 0)),
            pl.BlockSpec((D, 1), lambda i: (0, 0)),
            pl.BlockSpec((D, D_FF), lambda i: (0, 0)),
            pl.BlockSpec((D_FF, D), lambda i: (0, 0)),
        ],
        out_specs=pl.BlockSpec((TB, DH), lambda i: (i, 0)),
        out_shape=jax.ShapeDtypeStruct((N, DH), jnp.int32),
        compiler_params=pltpu.CompilerParams(
            dimension_semantics=("parallel",)),
    )(xp, wg, ws1, ws2)


def _combine_body(slotr_i, geff_i, eo, ysh,
                  y_o,
                  slotr_v, geff_v, r1_v, r2_v, ysh_v, out_v, semi, semo):
    wid = lax.axis_index("s") * NC + lax.axis_index("c")
    rbase = wid * RPW
    tbase = wid * TPW
    pltpu.sync_copy(slotr_i.at[pl.ds(rbase, RPW)], slotr_v)
    pltpu.sync_copy(geff_i.at[pl.ds(rbase, RPW)], geff_v.at[pl.ds(0, RPW)])

    def issue_in(g, p):
        sr0 = slotr_v[pl.ds(g * 32, 16)]
        sr1 = slotr_v[pl.ds(g * 32 + 16, 16)]
        pltpu.async_copy(eo.at[sr0], r1_v.at[p], semi)
        pltpu.async_copy(eo.at[sr1], r2_v.at[p], semi)
        pltpu.async_copy(ysh.at[pl.ds(tbase + g * 16, 16)], ysh_v.at[p], semi)

    def wait_in(p):
        pltpu.make_async_copy(eo.at[pl.ds(0, 16)], r1_v.at[p], semi).wait()
        pltpu.make_async_copy(eo.at[pl.ds(0, 16)], r2_v.at[p], semi).wait()
        pltpu.make_async_copy(ysh.at[pl.ds(0, 16)], ysh_v.at[p], semi).wait()

    def compute(g, p):
        def jbody(j, carry2):
            g1v = jnp.zeros((16,), jnp.float32) + geff_v[pl.ds(g * 32 + j, 16)][0]
            g2v = (jnp.zeros((16,), jnp.float32)
                   + geff_v[pl.ds(g * 32 + 16 + j, 16)][0])
            g1 = plsc.pack(g1v, g1v, format=plsc.PackFormat.INTERLEAVED)
            g2 = plsc.pack(g2v, g2v, format=plsc.PackFormat.INTERLEAVED)
            for si in range(D // 32):
                lo = pl.ds(si * 16, 16)
                hi = pl.ds(DH + si * 16, 16)
                w1_ = plsc.bitcast(r1_v[p, j, pl.ds(si * 16, 16)], jnp.bfloat16)
                w2_ = plsc.bitcast(r2_v[p, j, pl.ds(si * 16, 16)], jnp.bfloat16)
                sh_ = plsc.bitcast(ysh_v[p, j, pl.ds(si * 16, 16)],
                                   jnp.bfloat16)
                m = sh_ + g1 * w1_ + g2 * w2_
                a, b = plsc.unpack(m, format=plsc.PackFormat.INTERLEAVED)
                out_v[p, j, lo] = a
                out_v[p, j, hi] = b
            return carry2

        lax.fori_loop(0, 16, jbody, 0)

    def issue_out(g, p):
        pltpu.async_copy(out_v.at[p], y_o.at[pl.ds(tbase + g * 16, 16)], semo)

    def wait_out(p):
        pltpu.make_async_copy(out_v.at[p], y_o.at[pl.ds(0, 16)], semo).wait()

    issue_in(0, 0)

    def pair_body(i, carry):
        g0 = i * 2
        issue_in(g0 + 1, 1)
        wait_in(0)

        @pl.when(i > 0)
        def _wo0():
            wait_out(0)

        compute(g0, 0)
        issue_out(g0, 0)

        @pl.when(i < (TPW // 32) - 1)
        def _nxt():
            issue_in(g0 + 2, 0)

        wait_in(1)

        @pl.when(i > 0)
        def _wo1():
            wait_out(1)

        compute(g0 + 1, 1)
        issue_out(g0 + 1, 1)
        return carry

    lax.fori_loop(0, TPW // 32, pair_body, 0)
    wait_out(0)
    wait_out(1)


def _combine(slotr, geff, eo, ysh):
    mesh = plsc.VectorSubcoreMesh(
        core_axis_name="c", subcore_axis_name="s", num_cores=NC, num_subcores=NS)
    fn = pl.kernel(
        _combine_body,
        out_type=jax.ShapeDtypeStruct((N, D), jnp.float32),
        mesh=mesh,
        scratch_types=[
            pltpu.VMEM((RPW,), jnp.int32),
            pltpu.VMEM((RPW + 16,), jnp.float32),
            pltpu.VMEM((2, 16, DH), jnp.int32),
            pltpu.VMEM((2, 16, DH), jnp.int32),
            pltpu.VMEM((2, 16, DH), jnp.int32),
            pltpu.VMEM((2, 16, D), jnp.float32),
            pltpu.SemaphoreType.DMA,
            pltpu.SemaphoreType.DMA,
        ],
        compiler_params=pltpu.CompilerParams(needs_layout_passes=False),
    )
    return fn(slotr, geff, eo, ysh)


def kernel(hidden_state, stats, attention_mask, Wr, Wg, w1, w2, Ws1, Ws2):
    x = hidden_state.reshape(N, D)
    epos, xp, imp_p, cnt_p = _router(x, Wr, jnp.asarray(_TRI))
    imp_p = imp_p.reshape(NB, E)
    cnt_p = cnt_p.reshape(NB, E)
    buf, slotr, geff = _dispatch(
        epos.reshape(R), cnt_p.reshape(NB * E), xp)
    ysh = _shared(xp, Wg, Ws1, Ws2)
    eo = _experts(buf, w1, w2)
    y = _combine(slotr, geff, eo, ysh)
    y_out = y.reshape(B, T, D)
    importance = imp_p.sum(axis=0) / (N + 1e-12)
    load = cnt_p.sum(axis=0) / (R + 1e-12)
    stats_new = stats + jnp.stack([importance, load])
    return (y_out, stats_new)

# --- scband reference (transcript-rebuilt; emitter-appended) ---
"""Pipeline reference for scband-efficient-moelayer-7705171329368 (READ-ONLY COPY).

The authoritative reference and input builder live on the scoring server;
editing this copy changes nothing except your own understanding.
"""

import jax, jax.numpy as jnp
import numpy as np

B, T, D = 2, 4096, 768
E, K, C = 64, 2, 320
D_EXP, D_FF = 128, 256


def setup_inputs(seed: int = 0):
    key = jax.random.key(seed)
    ks = jax.random.split(key, 8)
    hidden_state = jax.random.normal(ks[0], (B, T, D), dtype=jnp.float32)
    stats = jnp.zeros((2, E), dtype=jnp.float32)
    attention_mask = jnp.ones((B, T), dtype=jnp.float32)
    Wr = jax.random.normal(ks[1], (D, E), dtype=jnp.float32) * 0.02
    Wg = jax.random.normal(ks[2], (D, 1), dtype=jnp.float32) * 0.02
    w1 = jax.random.normal(ks[3], (E, D, D_EXP), dtype=jnp.float32) * 0.02
    w2 = jax.random.normal(ks[4], (E, D_EXP, D), dtype=jnp.float32) * 0.02
    Ws1 = jax.random.normal(ks[5], (D, D_FF), dtype=jnp.float32) * 0.02
    Ws2 = jax.random.normal(ks[6], (D_FF, D), dtype=jnp.float32) * 0.02
    return {"hidden_state": hidden_state, "stats": stats, "attention_mask": attention_mask,
            "Wr": Wr, "Wg": Wg, "w1": w1, "w2": w2, "Ws1": Ws1, "Ws2": Ws2}


def reference(hidden_state, stats, attention_mask, Wr, Wg, w1, w2, Ws1, Ws2):
    N = B * T
    # Router
    logits = hidden_state @ Wr                      # (B,T,E)
    s = jax.nn.softmax(logits, axis=-1)
    g_shared = jax.nn.sigmoid(hidden_state @ Wg)    # (B,T,1)
    topk_vals, topk_idx = jax.lax.top_k(s, K)       # (B,T,K)
    x = hidden_state.reshape(N, D)
    token_for_route = jnp.repeat(jnp.arange(N), K)
    expert_for_route = topk_idx.reshape(-1)
    gate_for_route = topk_vals.reshape(-1)
    flat_mask = attention_mask.reshape(N)
    valid_route = jnp.repeat(flat_mask > 0, K)
    gate_for_route = gate_for_route * valid_route.astype(gate_for_route.dtype)
    expert_for_route = jnp.where(valid_route, expert_for_route, 0)
    # Sort routes by expert (stable, matching torch.sort semantics closely)
    order = jnp.argsort(expert_for_route)
    expert_sorted = expert_for_route[order]
    token_sorted = token_for_route[order]
    gate_sorted = gate_for_route[order]
    x_sorted = x[token_sorted]
    counts = jnp.bincount(expert_sorted, length=E)
    offsets = jnp.cumsum(counts)
    starts = offsets - counts
    r = jnp.arange(expert_sorted.shape[0])
    positions = r - starts[expert_sorted]
    in_cap = positions < C
    keep = in_cap & (gate_sorted != 0)
    p_idx = jnp.clip(positions, 0, C - 1)
    # Dropped routes are written to a dummy capacity slot C and sliced away
    p_write = jnp.where(keep, p_idx, C)
    buf = jnp.zeros((E, C + 1, D), dtype=x.dtype).at[expert_sorted, p_write].set(x_sorted)
    expert_inputs = buf[:, :C, :]
    # Batched experts
    h = jnp.einsum('ech,ehf->ecf', expert_inputs, w1)
    h = jax.nn.gelu(h, approximate=False)
    expert_outputs = jnp.einsum('ecf,efh->ech', h, w2)
    y_sorted = expert_outputs[expert_sorted, p_idx]
    y_sorted = y_sorted * keep.astype(y_sorted.dtype)[:, None]
    y_sorted = y_sorted * gate_sorted[:, None]
    y_out = jnp.zeros((N, D), dtype=x.dtype).at[token_sorted].add(y_sorted)
    y_out = y_out.reshape(B, T, D)
    # Shared expert
    shared = jax.nn.gelu(x @ Ws1, approximate=False) @ Ws2
    y_out = y_out + g_shared * shared.reshape(B, T, D)
    # Stats (attention_mask branch)
    denom = flat_mask.sum() + 1e-12
    importance = (s * attention_mask[..., None]).sum(axis=(0, 1)) / denom
    valid_routes = gate_for_route != 0
    load_counts = jnp.bincount(jnp.where(valid_routes, expert_for_route, E), length=E + 1)[:E]
    load = load_counts / (load_counts.sum() + 1e-12)
    stats_new = stats + jnp.stack([importance, load.astype(stats.dtype)])
    return (y_out, stats_new)

if __name__ == "__main__":
    import jax
    _d = setup_inputs()
    print(jax.jit(kernel)(*tuple(_d.values())))

</pallas_src>

<mosaic_0001>
#map = affine_map<(d0, d1) -> (0)>
#map1 = affine_map<(d0, d1) -> (0, 0)>
module attributes {stable_mosaic.version = 14 : i64} {
  func.func @_combine_body(%arg0: i32, %arg1: i32, %arg2: memref<16384xi32, #tpu.memory_space<hbm>>, %arg3: memref<16384xf32, #tpu.memory_space<hbm>>, %arg4: memref<20480x384xi32, #tpu.memory_space<hbm>>, %arg5: memref<8192x384xi32, #tpu.memory_space<hbm>>, %arg6: memref<8192x768xf32, #tpu.memory_space<hbm>>, %arg7: memref<512xi32, #tpu.memory_space<vmem>>, %arg8: memref<528xf32, #tpu.memory_space<vmem>>, %arg9: memref<2x16x384xi32, #tpu.memory_space<vmem>>, %arg10: memref<2x16x384xi32, #tpu.memory_space<vmem>>, %arg11: memref<2x16x384xi32, #tpu.memory_space<vmem>>, %arg12: memref<2x16x768xf32, #tpu.memory_space<vmem>>, %arg13: memref<!tpu.dma_semaphore, #tpu.memory_space<semaphore_mem>>, %arg14: memref<!tpu.dma_semaphore, #tpu.memory_space<semaphore_mem>>) attributes {dimension_semantics = [#tpu.dimension_semantics<core_parallel>, #tpu.dimension_semantics<subcore_parallel>], iteration_bounds = array<i64: 2, 16>, scalar_prefetch = 0 : i64, scratch_operands = 8 : i64, tpu.core_type = #tpu.core_type<sc_vector_subcore>, window_params = [{transform_indices = #map}, {transform_indices = #map}, {transform_indices = #map1}, {transform_indices = #map1}, {transform_indices = #map1}]} {
    %mul3A = arith.constant 2 : i32
    %mul3A_0 = arith.muli %arg1, %mul3A : i32
    %add3A = arith.addi %mul3A_0, %arg0 : i32
    %mul3A_1 = arith.constant 512 : i32
    %mul3A_2 = arith.muli %add3A, %mul3A_1 : i32
    %mul3A_3 = arith.constant 256 : i32
    %mul3A_4 = arith.muli %add3A, %mul3A_3 : i32
    "tpu.region"() ({
      %run_scoped3A = tpu.sem_alloc : memref<!tpu.dma_semaphore, #tpu.memory_space<semaphore_mem>>
      %dma_start3A_72 = tpu.memref_slice %arg2[%mul3A_2] : memref<16384xi32, #tpu.memory_space<hbm>> -> memref<512xi32, #tpu.memory_space<hbm>>
      %dma_start3A_73 = tpu.memref_slice %arg2[%mul3A_2] : memref<16384xi32, #tpu.memory_space<hbm>> -> memref<512xi32, #tpu.memory_space<hbm>>
      tpu.enqueue_dma source(%dma_start3A_73 : memref<512xi32, #tpu.memory_space<hbm>>) target(%arg7 : memref<512xi32, #tpu.memory_space<vmem>>) target_semaphore(%run_scoped3A : memref<!tpu.dma_semaphore, #tpu.memory_space<semaphore_mem>>)
      %dma_wait3A_74 = tpu.memref_slice %arg2[%mul3A_2] : memref<16384xi32, #tpu.memory_space<hbm>> -> memref<512xi32, #tpu.memory_space<hbm>>
      %dma_wait3A_75 = tpu.memref_slice %arg2[%mul3A_2] : memref<16384xi32, #tpu.memory_space<hbm>> -> memref<512xi32, #tpu.memory_space<hbm>>
      tpu.wait_dma2 semaphore(%run_scoped3A : memref<!tpu.dma_semaphore, #tpu.memory_space<semaphore_mem>>) src(%dma_wait3A_75 : memref<512xi32, #tpu.memory_space<hbm>>) dst(%arg7 : memref<512xi32, #tpu.memory_space<vmem>>)
      tpu.yield
    }) : () -> ()
    "tpu.region"() ({
      %run_scoped3A = tpu.sem_alloc : memref<!tpu.dma_semaphore, #tpu.memory_space<semaphore_mem>>
      %dma_start3A_72 = arith.constant 0 : i32
      %dma_start3A_73 = tpu.memref_slice %arg8[%dma_start3A_72] : memref<528xf32, #tpu.memory_space<vmem>> -> memref<512xf32, #tpu.memory_space<vmem>>
      %dma_start3A_74 = tpu.memref_slice %arg3[%mul3A_2] : memref<16384xf32, #tpu.memory_space<hbm>> -> memref<512xf32, #tpu.memory_space<hbm>>
      %dma_start3A_75 = arith.constant 0 : i32
      %dma_start3A_76 = tpu.memref_slice %arg8[%dma_start3A_75] : memref<528xf32, #tpu.memory_space<vmem>> -> memref<512xf32, #tpu.memory_space<vmem>>
      %dma_start3A_77 = tpu.memref_slice %arg3[%mul3A_2] : memref<16384xf32, #tpu.memory_space<hbm>> -> memref<512xf32, #tpu.memory_space<hbm>>
      tpu.enqueue_dma source(%dma_start3A_77 : memref<512xf32, #tpu.memory_space<hbm>>) target(%dma_start3A_76 : memref<512xf32, #tpu.memory_space<vmem>>) target_semaphore(%run_scoped3A : memref<!tpu.dma_semaphore, #tpu.memory_space<semaphore_mem>>)
      %dma_wait3A_78 = arith.constant 0 : i32
      %dma_wait3A_79 = tpu.memref_slice %arg8[%dma_wait3A_78] : memref<528xf32, #tpu.memory_space<vmem>> -> memref<512xf32, #tpu.memory_space<vmem>>
      %dma_wait3A_80 = tpu.memref_slice %arg3[%mul3A_2] : memref<16384xf32, #tpu.memory_space<hbm>> -> memref<512xf32, #tpu.memory_space<hbm>>
      %dma_wait3A_81 = arith.constant 0 : i32
      %dma_wait3A_82 = tpu.memref_slice %arg8[%dma_wait3A_81] : memref<528xf32, #tpu.memory_space<vmem>> -> memref<512xf32, #tpu.memory_space<vmem>>
      %dma_wait3A_83 = tpu.memref_slice %arg3[%mul3A_2] : memref<16384xf32, #tpu.memory_space<hbm>> -> memref<512xf32, #tpu.memory_space<hbm>>
      tpu.wait_dma2 semaphore(%run_scoped3A : memref<!tpu.dma_semaphore, #tpu.memory_space<semaphore_mem>>) src(%dma_wait3A_83 : memref<512xf32, #tpu.memory_space<hbm>>) dst(%dma_wait3A_82 : memref<512xf32, #tpu.memory_space<vmem>>)
      tpu.yield
    }) : () -> ()
    %get3A = arith.constant 0 : index
    %get3A_5 = tpu.vector_load %arg7[%get3A] {strides = array<i32>} : memref<512xi32, #tpu.memory_space<vmem>>, vector<16xi32>,
    %get3A_6 = arith.constant 16 : index
    %get3A_7 = tpu.vector_load %arg7[%get3A_6] {strides = array<i32>} : memref<512xi32, #tpu.memory_space<vmem>>, vector<16xi32>,
    %dma_start3A = arith.constant 0 : i32
    %dma_start3A_8 = arith.constant 0 : i32
    %dma_start3A_9 = arith.constant 0 : i32
    %dma_start3A_10 = tpu.memref_slice %arg9[%dma_start3A, %dma_start3A_8, %dma_start3A_9] : memref<2x16x384xi32, #tpu.memory_space<vmem>> -> memref<1x16x384xi32, #tpu.memory_space<vmem>>
    %dma_start3A_11 = tpu.memref_squeeze %dma_start3A_10 : memref<1x16x384xi32, #tpu.memory_space<vmem>> -> memref<16x384xi32, #tpu.memory_space<vmem>>
    %dma_start3A_12 = arith.constant 0 : i32
    %dma_start3A_13 = arith.constant 0 : i32
    %dma_start3A_14 = tpu.memref_slice %arg4[%dma_start3A_12, %dma_start3A_13] : memref<20480x384xi32, #tpu.memory_space<hbm>> -> memref<20480x384xi32, #tpu.memory_space<hbm>>
    tpu.enqueue_indirect_dma source(%dma_start3A_14 : memref<20480x384xi32, #tpu.memory_space<hbm>>) target(%dma_start3A_11 : memref<16x384xi32, #tpu.memory_space<vmem>>) offsets(%get3A_5 : vector<16xi32>) semaphore(%arg13 : memref<!tpu.dma_semaphore, #tpu.memory_space<semaphore_mem>>)
    %dma_start3A_15 = arith.constant 0 : i32
    %dma_start3A_16 = arith.constant 0 : i32
    %dma_start3A_17 = arith.constant 0 : i32
    %dma_start3A_18 = tpu.memref_slice %arg10[%dma_start3A_15, %dma_start3A_16, %dma_start3A_17] : memref<2x16x384xi32, #tpu.memory_space<vmem>> -> memref<1x16x384xi32, #tpu.memory_space<vmem>>
    %dma_start3A_19 = tpu.memref_squeeze %dma_start3A_18 : memref<1x16x384xi32, #tpu.memory_space<vmem>> -> memref<16x384xi32, #tpu.memory_space<vmem>>
    %dma_start3A_20 = arith.constant 0 : i32
    %dma_start3A_21 = arith.constant 0 : i32
    %dma_start3A_22 = tpu.memref_slice %arg4[%dma_start3A_20, %dma_start3A_21] : memref<20480x384xi32, #tpu.memory_space<hbm>> -> memref<20480x384xi32, #tpu.memory_space<hbm>>
    tpu.enqueue_indirect_dma source(%dma_start3A_22 : memref<20480x384xi32, #tpu.memory_space<hbm>>) target(%dma_start3A_19 : memref<16x384xi32, #tpu.memory_space<vmem>>) offsets(%get3A_7 : vector<16xi32>) semaphore(%arg13 : memref<!tpu.dma_semaphore, #tpu.memory_space<semaphore_mem>>)
    %add3A_23 = arith.constant 0 : i32
    %add3A_24 = arith.addi %mul3A_4, %add3A_23 : i32
    %dma_start3A_25 = arith.constant 0 : i32
    %dma_start3A_26 = arith.constant 0 : i32
    %dma_start3A_27 = arith.constant 0 : i32
    %dma_start3A_28 = tpu.memref_slice %arg11[%dma_start3A_25, %dma_start3A_26, %dma_start3A_27] : memref<2x16x384xi32, #tpu.memory_space<vmem>> -> memref<1x16x384xi32, #tpu.memory_space<vmem>>
    %dma_start3A_29 = tpu.memref_squeeze %dma_start3A_28 : memref<1x16x384xi32, #tpu.memory_space<vmem>> -> memref<16x384xi32, #tpu.memory_space<vmem>>
    %dma_start3A_30 = arith.constant 0 : i32
    %dma_start3A_31 = tpu.memref_slice %arg5[%add3A_24, %dma_start3A_30] : memref<8192x384xi32, #tpu.memory_space<hbm>> -> memref<16x384xi32, #tpu.memory_space<hbm>>
    %dma_start3A_32 = arith.constant 0 : i32
    %dma_start3A_33 = arith.constant 0 : i32
    %dma_start3A_34 = tpu.memref_slice %arg11[%dma_start3A_25, %dma_start3A_32, %dma_start3A_33] : memref<2x16x384xi32, #tpu.memory_space<vmem>> -> memref<1x16x384xi32, #tpu.memory_space<vmem>>
    %dma_start3A_35 = tpu.memref_squeeze %dma_start3A_34 : memref<1x16x384xi32, #tpu.memory_space<vmem>> -> memref<16x384xi32, #tpu.memory_space<vmem>>
    %dma_start3A_36 = arith.constant 0 : i32
    %dma_start3A_37 = tpu.memref_slice %arg5[%add3A_24, %dma_start3A_36] : memref<8192x384xi32, #tpu.memory_space<hbm>> -> memref<16x384xi32, #tpu.memory_space<hbm>>
    tpu.enqueue_dma source(%dma_start3A_37 : memref<16x384xi32, #tpu.memory_space<hbm>>) target(%dma_start3A_35 : memref<16x384xi32, #tpu.memory_space<vmem>>) target_semaphore(%arg13 : memref<!tpu.dma_semaphore, #tpu.memory_space<semaphore_mem>>)
    %scan3A = arith.constant 0 : i32
    %scan3A_38 = arith.constant 0 : i32
    %scan3A_39 = arith.constant 8 : i32
    %scan3A_40 = arith.addi %scan3A_38, %scan3A_39 : i32
    %scan3A_41 = arith.constant 1 : i32
    scf.for %scan3A_72 = %scan3A_38 to %scan3A_40 step %scan3A_41  : i32 {
      %mul3A_73 = arith.constant 2 : i32
      %mul3A_74 = arith.muli %scan3A_72, %mul3A_73 : i32
      %add3A_75 = arith.constant 1 : i32
      %add3A_76 = arith.addi %mul3A_74, %add3A_75 : i32
      %mul3A_77 = arith.constant 32 : i32
      %mul3A_78 = arith.muli %add3A_76, %mul3A_77 : i32
      %get3A_79 = arith.index_cast %mul3A_78 : i32 to index
      %get3A_80 = tpu.vector_load %arg7[%get3A_79] {strides = array<i32>} : memref<512xi32, #tpu.memory_space<vmem>>, vector<16xi32>,
      %mul3A_81 = arith.constant 32 : i32
      %mul3A_82 = arith.muli %add3A_76, %mul3A_81 : i32
      %add3A_83 = arith.constant 16 : i32
      %add3A_84 = arith.addi %mul3A_82, %add3A_83 : i32
      %get3A_85 = arith.index_cast %add3A_84 : i32 to index
      %get3A_86 = tpu.vector_load %arg7[%get3A_85] {strides = array<i32>} : memref<512xi32, #tpu.memory_space<vmem>>, vector<16xi32>,
      %dma_start3A_87 = arith.constant 1 : i32
      %dma_start3A_88 = arith.constant 0 : i32
      %dma_start3A_89 = arith.constant 0 : i32
      %dma_start3A_90 = tpu.memref_slice %arg9[%dma_start3A_87, %dma_start3A_88, %dma_start3A_89] : memref<2x16x384xi32, #tpu.memory_space<vmem>> -> memref<1x16x384xi32, #tpu.memory_space<vmem>>
      %dma_start3A_91 = tpu.memref_squeeze %dma_start3A_90 : memref<1x16x384xi32, #tpu.memory_space<vmem>> -> memref<16x384xi32, #tpu.memory_space<vmem>>
      %dma_start3A_92 = arith.constant 0 : i32
      %dma_start3A_93 = arith.constant 0 : i32
      %dma_start3A_94 = tpu.memref_slice %arg4[%dma_start3A_92, %dma_start3A_93] : memref<20480x384xi32, #tpu.memory_space<hbm>> -> memref<20480x384xi32, #tpu.memory_space<hbm>>
      tpu.enqueue_indirect_dma source(%dma_start3A_94 : memref<20480x384xi32, #tpu.memory_space<hbm>>) target(%dma_start3A_91 : memref<16x384xi32, #tpu.memory_space<vmem>>) offsets(%get3A_80 : vector<16xi32>) semaphore(%arg13 : memref<!tpu.dma_semaphore, #tpu.memory_space<semaphore_mem>>)
      %dma_start3A_95 = arith.constant 1 : i32
      %dma_start3A_96 = arith.constant 0 : i32
      %dma_start3A_97 = arith.constant 0 : i32
      %dma_start3A_98 = tpu.memref_slice %arg10[%dma_start3A_95, %dma_start3A_96, %dma_start3A_97] : memref<2x16x384xi32, #tpu.memory_space<vmem>> -> memref<1x16x384xi32, #tpu.memory_space<vmem>>
      %dma_start3A_99 = tpu.memref_squeeze %dma_start3A_98 : memref<1x16x384xi32, #tpu.memory_space<vmem>> -> memref<16x384xi32, #tpu.memory_space<vmem>>
      %dma_start3A_100 = arith.constant 0 : i32
      %dma_start3A_101 = arith.constant 0 : i32
      %dma_start3A_102 = tpu.memref_slice %arg4[%dma_start3A_100, %dma_start3A_101] : memref<20480x384xi32, #tpu.memory_space<hbm>> -> memref<20480x384xi32, #tpu.memory_space<hbm>>
      tpu.enqueue_indirect_dma source(%dma_start3A_102 : memref<20480x384xi32, #tpu.memory_space<hbm>>) target(%dma_start3A_99 : memref<16x384xi32, #tpu.memory_space<vmem>>) offsets(%get3A_86 : vector<16xi32>) semaphore(%arg13 : memref<!tpu.dma_semaphore, #tpu.memory_space<semaphore_mem>>)
      %mul3A_103 = arith.constant 16 : i32
      %mul3A_104 = arith.muli %add3A_76, %mul3A_103 : i32
      %add3A_105 = arith.addi %mul3A_4, %mul3A_104 : i32
      %dma_start3A_106 = arith.constant 1 : i32
      %dma_start3A_107 = arith.constant 0 : i32
      %dma_start3A_108 = arith.constant 0 : i32
      %dma_start3A_109 = tpu.memref_slice %arg11[%dma_start3A_106, %dma_start3A_107, %dma_start3A_108] : memref<2x16x384xi32, #tpu.memory_space<vmem>> -> memref<1x16x384xi32, #tpu.memory_space<vmem>>
      %dma_start3A_110 = tpu.memref_squeeze %dma_start3A_109 : memref<1x16x384xi32, #tpu.memory_space<vmem>> -> memref<16x384xi32, #tpu.memory_space<vmem>>
      %dma_start3A_111 = arith.constant 0 : i32
      %dma_start3A_112 = tpu.memref_slice %arg5[%add3A_105, %dma_start3A_111] : memref<8192x384xi32, #tpu.memory_space<hbm>> -> memref<16x384xi32, #tpu.memory_space<hbm>>
      %dma_start3A_113 = arith.constant 0 : i32
      %dma_start3A_114 = arith.constant 0 : i32
      %dma_start3A_115 = tpu.memref_slice %arg11[%dma_start3A_106, %dma_start3A_113, %dma_start3A_114] : memref<2x16x384xi32, #tpu.memory_space<vmem>> -> memref<1x16x384xi32, #tpu.memory_space<vmem>>
      %dma_start3A_116 = tpu.memref_squeeze %dma_start3A_115 : memref<1x16x384xi32, #tpu.memory_space<vmem>> -> memref<16x384xi32, #tpu.memory_space<vmem>>
      %dma_start3A_117 = arith.constant 0 : i32
      %dma_start3A_118 = tpu.memref_slice %arg5[%add3A_105, %dma_start3A_117] : memref<8192x384xi32, #tpu.memory_space<hbm>> -> memref<16x384xi32, #tpu.memory_space<hbm>>
      tpu.enqueue_dma source(%dma_start3A_118 : memref<16x384xi32, #tpu.memory_space<hbm>>) target(%dma_start3A_116 : memref<16x384xi32, #tpu.memory_space<vmem>>) target_semaphore(%arg13 : memref<!tpu.dma_semaphore, #tpu.memory_space<semaphore_mem>>)
      %dma_wait3A_119 = arith.constant 0 : i32
      %dma_wait3A_120 = arith.constant 0 : i32
      %dma_wait3A_121 = arith.constant 0 : i32
      %dma_wait3A_122 = tpu.memref_slice %arg9[%dma_wait3A_119, %dma_wait3A_120, %dma_wait3A_121] : memref<2x16x384xi32, #tpu.memory_space<vmem>> -> memref<1x16x384xi32, #tpu.memory_space<vmem>>
      %dma_wait3A_123 = tpu.memref_squeeze %dma_wait3A_122 : memref<1x16x384xi32, #tpu.memory_space<vmem>> -> memref<16x384xi32, #tpu.memory_space<vmem>>
      %dma_wait3A_124 = arith.constant 0 : i32
      %dma_wait3A_125 = arith.constant 0 : i32
      %dma_wait3A_126 = tpu.memref_slice %arg4[%dma_wait3A_124, %dma_wait3A_125] : memref<20480x384xi32, #tpu.memory_space<hbm>> -> memref<16x384xi32, #tpu.memory_space<hbm>>
      %dma_wait3A_127 = arith.constant 0 : i32
      %dma_wait3A_128 = arith.constant 0 : i32
      %dma_wait3A_129 = tpu.memref_slice %arg9[%dma_wait3A_119, %dma_wait3A_127, %dma_wait3A_128] : memref<2x16x384xi32, #tpu.memory_space<vmem>> -> memref<1x16x384xi32, #tpu.memory_space<vmem>>
      %dma_wait3A_130 = tpu.memref_squeeze %dma_wait3A_129 : memref<1x16x384xi32, #tpu.memory_space<vmem>> -> memref<16x384xi32, #tpu.memory_space<vmem>>
      %dma_wait3A_131 = arith.constant 0 : i32
      %dma_wait3A_132 = arith.constant 0 : i32
      %dma_wait3A_133 = tpu.memref_slice %arg4[%dma_wait3A_131, %dma_wait3A_132] : memref<20480x384xi32, #tpu.memory_space<hbm>> -> memref<16x384xi32, #tpu.memory_space<hbm>>
      tpu.wait_dma2 semaphore(%arg13 : memref<!tpu.dma_semaphore, #tpu.memory_space<semaphore_mem>>) src(%dma_wait3A_133 : memref<16x384xi32, #tpu.memory_space<hbm>>) dst(%dma_wait3A_130 : memref<16x384xi32, #tpu.memory_space<vmem>>)
      %dma_wait3A_134 = arith.constant 0 : i32
      %dma_wait3A_135 = arith.constant 0 : i32
      %dma_wait3A_136 = arith.constant 0 : i32
      %dma_wait3A_137 = tpu.memref_slice %arg10[%dma_wait3A_134, %dma_wait3A_135, %dma_wait3A_136] : memref<2x16x384xi32, #tpu.memory_space<vmem>> -> memref<1x16x384xi32, #tpu.memory_space<vmem>>
      %dma_wait3A_138 = tpu.memref_squeeze %dma_wait3A_137 : memref<1x16x384xi32, #tpu.memory_space<vmem>> -> memref<16x384xi32, #tpu.memory_space<vmem>>
      %dma_wait3A_139 = arith.constant 0 : i32
      %dma_wait3A_140 = arith.constant 0 : i32
      %dma_wait3A_141 = tpu.memref_slice %arg4[%dma_wait3A_139, %dma_wait3A_140] : memref<20480x384xi32, #tpu.memory_space<hbm>> -> memref<16x384xi32, #tpu.memory_space<hbm>>
      %dma_wait3A_142 = arith.constant 0 : i32
      %dma_wait3A_143 = arith.constant 0 : i32
      %dma_wait3A_144 = tpu.memref_slice %arg10[%dma_wait3A_134, %dma_wait3A_142, %dma_wait3A_143] : memref<2x16x384xi32, #tpu.memory_space<vmem>> -> memref<1x16x384xi32, #tpu.memory_space<vmem>>
      %dma_wait3A_145 = tpu.memref_squeeze %dma_wait3A_144 : memref<1x16x384xi32, #tpu.memory_space<vmem>> -> memref<16x384xi32, #tpu.memory_space<vmem>>
      %dma_wait3A_146 = arith.constant 0 : i32
      %dma_wait3A_147 = arith.constant 0 : i32
      %dma_wait3A_148 = tpu.memref_slice %arg4[%dma_wait3A_146, %dma_wait3A_147] : memref<20480x384xi32, #tpu.memory_space<hbm>> -> memref<16x384xi32, #tpu.memory_space<hbm>>
      tpu.wait_dma2 semaphore(%arg13 : memref<!tpu.dma_semaphore, #tpu.memory_space<semaphore_mem>>) src(%dma_wait3A_148 : memref<16x384xi32, #tpu.memory_space<hbm>>) dst(%dma_wait3A_145 : memref<16x384xi32, #tpu.memory_space<vmem>>)
      %dma_wait3A_149 = arith.constant 0 : i32
      %dma_wait3A_150 = arith.constant 0 : i32
      %dma_wait3A_151 = arith.constant 0 : i32
      %dma_wait3A_152 = tpu.memref_slice %arg11[%dma_wait3A_149, %dma_wait3A_150, %dma_wait3A_151] : memref<2x16x384xi32, #tpu.memory_space<vmem>> -> memref<1x16x384xi32, #tpu.memory_space<vmem>>
      %dma_wait3A_153 = tpu.memref_squeeze %dma_wait3A_152 : memref<1x16x384xi32, #tpu.memory_space<vmem>> -> memref<16x384xi32, #tpu.memory_space<vmem>>
      %dma_wait3A_154 = arith.constant 0 : i32
      %dma_wait3A_155 = arith.constant 0 : i32
      %dma_wait3A_156 = tpu.memref_slice %arg5[%dma_wait3A_154, %dma_wait3A_155] : memref<8192x384xi32, #tpu.memory_space<hbm>> -> memref<16x384xi32, #tpu.memory_space<hbm>>
      %dma_wait3A_157 = arith.constant 0 : i32
      %dma_wait3A_158 = arith.constant 0 : i32
      %dma_wait3A_159 = tpu.memref_slice %arg11[%dma_wait3A_149, %dma_wait3A_157, %dma_wait3A_158] : memref<2x16x384xi32, #tpu.memory_space<vmem>> -> memref<1x16x384xi32, #tpu.memory_space<vmem>>
      %dma_wait3A_160 = tpu.memref_squeeze %dma_wait3A_159 : memref<1x16x384xi32, #tpu.memory_space<vmem>> -> memref<16x384xi32, #tpu.memory_space<vmem>>
      %dma_wait3A_161 = arith.constant 0 : i32
      %dma_wait3A_162 = arith.constant 0 : i32
      %dma_wait3A_163 = tpu.memref_slice %arg5[%dma_wait3A_161, %dma_wait3A_162] : memref<8192x384xi32, #tpu.memory_space<hbm>> -> memref<16x384xi32, #tpu.memory_space<hbm>>
      tpu.wait_dma2 semaphore(%arg13 : memref<!tpu.dma_semaphore, #tpu.memory_space<semaphore_mem>>) src(%dma_wait3A_163 : memref<16x384xi32, #tpu.memory_space<hbm>>) dst(%dma_wait3A_160 : memref<16x384xi32, #tpu.memory_space<vmem>>)
      %gt3A = arith.constant 0 : i32
      %gt3A_164 = arith.cmpi sgt, %scan3A_72, %gt3A : i32
      %convert_element_type3A = arith.extui %gt3A_164 : i1 to i32
      %cond3A = arith.constant 0 : i32
      %cond3A_165 = arith.cmpi ne, %convert_element_type3A, %cond3A : i32
      scf.if %cond3A_165 {
        %dma_wait3A_268 = arith.constant 0 : i32
        %dma_wait3A_269 = arith.constant 0 : i32
        %dma_wait3A_270 = arith.constant 0 : i32
        %dma_wait3A_271 = tpu.memref_slice %arg12[%dma_wait3A_268, %dma_wait3A_269, %dma_wait3A_270] : memref<2x16x768xf32, #tpu.memory_space<vmem>> -> memref<1x16x768xf32, #tpu.memory_space<vmem>>
        %dma_wait3A_272 = tpu.memref_squeeze %dma_wait3A_271 : memref<1x16x768xf32, #tpu.memory_space<vmem>> -> memref<16x768xf32, #tpu.memory_space<vmem>>
        %dma_wait3A_273 = arith.constant 0 : i32
        %dma_wait3A_274 = arith.constant 0 : i32
        %dma_wait3A_275 = tpu.memref_slice %arg6[%dma_wait3A_273, %dma_wait3A_274] : memref<8192x768xf32, #tpu.memory_space<hbm>> -> memref<16x768xf32, #tpu.memory_space<hbm>>
        %dma_wait3A_276 = arith.constant 0 : i32
        %dma_wait3A_277 = arith.constant 0 : i32
        %dma_wait3A_278 = tpu.memref_slice %arg6[%dma_wait3A_276, %dma_wait3A_277] : memref<8192x768xf32, #tpu.memory_space<hbm>> -> memref<16x768xf32, #tpu.memory_space<hbm>>
        %dma_wait3A_279 = arith.constant 0 : i32
        %dma_wait3A_280 = arith.constant 0 : i32
        %dma_wait3A_281 = tpu.memref_slice %arg12[%dma_wait3A_268, %dma_wait3A_279, %dma_wait3A_280] : memref<2x16x768xf32, #tpu.memory_space<vmem>> -> memref<1x16x768xf32, #tpu.memory_space<vmem>>
        %dma_wait3A_282 = tpu.memref_squeeze %dma_wait3A_281 : memref<1x16x768xf32, #tpu.memory_space<vmem>> -> memref<16x768xf32, #tpu.memory_space<vmem>>
        tpu.wait_dma2 semaphore(%arg14 : memref<!tpu.dma_semaphore, #tpu.memory_space<semaphore_mem>>) src(%dma_wait3A_282 : memref<16x768xf32, #tpu.memory_space<vmem>>) dst(%dma_wait3A_278 : memref<16x768xf32, #tpu.memory_space<hbm>>)
      } else {
      }
      %scan3A_166 = arith.constant 0 : i32
      %scan3A_167 = arith.constant 0 : i32
      %scan3A_168 = arith.constant 16 : i32
      %scan3A_169 = arith.addi %scan3A_167, %scan3A_168 : i32
      %scan3A_170 = arith.constant 1 : i32
      scf.for %scan3A_268 = %scan3A_167 to %scan3A_169 step %scan3A_170  : i32 {
        %broadcast_in_dim3A = arith.constant 0.000000e+00 : f32
        %broadcast_in_dim3A_269 = vector.broadcast %broadcast_in_dim3A : f32 to vector<16xf32>
        %mul3A_270 = arith.constant 32 : i32
        %mul3A_271 = arith.muli %mul3A_74, %mul3A_270 : i32
        %add3A_272 = arith.addi %mul3A_271, %scan3A_268 : i32
        %get3A_273 = arith.index_cast %add3A_272 : i32 to index
        %get3A_274 = tpu.vector_load %arg8[%get3A_273] {strides = array<i32>} : memref<528xf32, #tpu.memory_space<vmem>>, vector<16xf32>,
        %slice3A = vector.extract_strided_slice %get3A_274 {offsets = [0], sizes = [1], strides = [1]} : vector<16xf32> to vector<1xf32>
        %squeeze3A = vector.extract %slice3A[0] : f32 from vector<1xf32>
        %add3A_275 = vector.broadcast %squeeze3A : f32 to vector<16xf32>
        %add3A_276 = arith.addf %broadcast_in_dim3A_269, %add3A_275 : vector<16xf32>
        %broadcast_in_dim3A_277 = arith.constant 0.000000e+00 : f32
        %broadcast_in_dim3A_278 = vector.broadcast %broadcast_in_dim3A_277 : f32 to vector<16xf32>
        %mul3A_279 = arith.constant 32 : i32
        %mul3A_280 = arith.muli %mul3A_74, %mul3A_279 : i32
        %add3A_281 = arith.constant 16 : i32
        %add3A_282 = arith.addi %mul3A_280, %add3A_281 : i32
        %add3A_283 = arith.addi %add3A_282, %scan3A_268 : i32
        %get3A_284 = arith.index_cast %add3A_283 : i32 to index
        %get3A_285 = tpu.vector_load %arg8[%get3A_284] {strides = array<i32>} : memref<528xf32, #tpu.memory_space<vmem>>, vector<16xf32>,
        %slice3A_286 = vector.extract_strided_slice %get3A_285 {offsets = [0], sizes = [1], strides = [1]} : vector<16xf32> to vector<1xf32>
        %squeeze3A_287 = vector.extract %slice3A_286[0] : f32 from vector<1xf32>
        %add3A_288 = vector.broadcast %squeeze3A_287 : f32 to vector<16xf32>
        %add3A_289 = arith.addf %broadcast_in_dim3A_278, %add3A_288 : vector<16xf32>
        %pack3A = tpu.pack_subelements %add3A_276, %add3A_276 {pack_format = #tpu.pack_format<interleaved>, positions = array<i32: 0, 1>} : vector<16xf32>, vector<16xf32> -> vector<32xbf16>
        %pack3A_290 = tpu.pack_subelements %add3A_289, %add3A_289 {pack_format = #tpu.pack_format<interleaved>, positions = array<i32: 0, 1>} : vector<16xf32>, vector<16xf32> -> vector<32xbf16>
        %get3A_291 = arith.constant 0 : i32
        %get3A_292 = arith.index_cast %get3A_291 : i32 to index
        %get3A_293 = arith.index_cast %scan3A_268 : i32 to index
        %get3A_294 = arith.constant 0 : index
        %get3A_295 = tpu.vector_load %arg9[%get3A_292, %get3A_293, %get3A_294] {strides = array<i32>} : memref<2x16x384xi32, #tpu.memory_space<vmem>>, vector<16xi32>,
        %bitcast3A = vector.bitcast %get3A_295 : vector<16xi32> to vector<32xbf16>
        %get3A_296 = arith.constant 0 : i32
        %get3A_297 = arith.index_cast %get3A_296 : i32 to index
        %get3A_298 = arith.index_cast %scan3A_268 : i32 to index
        %get3A_299 = arith.constant 0 : index
        %get3A_300 = tpu.vector_load %arg10[%get3A_297, %get3A_298, %get3A_299] {strides = array<i32>} : memref<2x16x384xi32, #tpu.memory_space<vmem>>, vector<16xi32>,
        %bitcast3A_301 = vector.bitcast %get3A_300 : vector<16xi32> to vector<32xbf16>
        %get3A_302 = arith.constant 0 : i32
        %get3A_303 = arith.index_cast %get3A_302 : i32 to index
        %get3A_304 = arith.index_cast %scan3A_268 : i32 to index
        %get3A_305 = arith.constant 0 : index
        %get3A_306 = tpu.vector_load %arg11[%get3A_303, %get3A_304, %get3A_305] {strides = array<i32>} : memref<2x16x384xi32, #tpu.memory_space<vmem>>, vector<16xi32>,
        %bitcast3A_307 = vector.bitcast %get3A_306 : vector<16xi32> to vector<32xbf16>
        %mul3A_308 = arith.mulf %pack3A, %bitcast3A : vector<32xbf16>
        %add3A_309 = arith.addf %bitcast3A_307, %mul3A_308 : vector<32xbf16>
        %mul3A_310 = arith.mulf %pack3A_290, %bitcast3A_301 : vector<32xbf16>
        %add3A_311 = arith.addf %add3A_309, %mul3A_310 : vector<32xbf16>
        %unpack3A = tpu.unpack_subelements %add3A_311, 0 {pack_format = #tpu.pack_format<interleaved>} : vector<32xbf16> -> vector<16xf32>
        %unpack3A_312 = tpu.unpack_subelements %add3A_311, 1 {pack_format = #tpu.pack_format<interleaved>} : vector<32xbf16> -> vector<16xf32>
        %swap3A = arith.constant 0 : i32
        %swap3A_313 = arith.index_cast %swap3A : i32 to index
        %swap3A_314 = arith.index_cast %scan3A_268 : i32 to index
        %swap3A_315 = arith.constant 0 : index
        %swap3A_316 = tpu.vector_load %arg12[%swap3A_313, %swap3A_314, %swap3A_315] {strides = array<i32>} : memref<2x16x768xf32, #tpu.memory_space<vmem>>, vector<16xf32>,
        tpu.vector_store %arg12[%swap3A_313, %swap3A_314, %swap3A_315], %unpack3A {strides = array<i32>} : memref<2x16x768xf32, #tpu.memory_space<vmem>>, vector<16xf32>,
        %swap3A_317 = arith.constant 0 : i32
        %swap3A_318 = arith.index_cast %swap3A_317 : i32 to index
        %swap3A_319 = arith.index_cast %scan3A_268 : i32 to index
        %swap3A_320 = arith.constant 384 : index
        %swap3A_321 = tpu.vector_load %arg12[%swap3A_318, %swap3A_319, %swap3A_320] {strides = array<i32>} : memref<2x16x768xf32, #tpu.memory_space<vmem>>, vector<16xf32>,
        tpu.vector_store %arg12[%swap3A_318, %swap3A_319, %swap3A_320], %unpack3A_312 {strides = array<i32>} : memref<2x16x768xf32, #tpu.memory_space<vmem>>, vector<16xf32>,
        %get3A_322 = arith.constant 0 : i32
        %get3A_323 = arith.index_cast %get3A_322 : i32 to index
        %get3A_324 = arith.index_cast %scan3A_268 : i32 to index
        %get3A_325 = arith.constant 16 : index
        %get3A_326 = tpu.vector_load %arg9[%get3A_323, %get3A_324, %get3A_325] {strides = array<i32>} : memref<2x16x384xi32, #tpu.memory_space<vmem>>, vector<16xi32>,
        %bitcast3A_327 = vector.bitcast %get3A_326 : vector<16xi32> to vector<32xbf16>
        %get3A_328 = arith.constant 0 : i32
        %get3A_329 = arith.index_cast %get3A_328 : i32 to index
        %get3A_330 = arith.index_cast %scan3A_268 : i32 to index
        %get3A_331 = arith.constant 16 : index
        %get3A_332 = tpu.vector_load %arg10[%get3A_329, %get3A_330, %get3A_331] {strides = array<i32>} : memref<2x16x384xi32, #tpu.memory_space<vmem>>, vector<16xi32>,
        %bitcast3A_333 = vector.bitcast %get3A_332 : vector<16xi32> to vector<32xbf16>
        %get3A_334 = arith.constant 0 : i32
        %get3A_335 = arith.index_cast %get3A_334 : i32 to index
        %get3A_336 = arith.index_cast %scan3A_268 : i32 to index
        %get3A_337 = arith.constant 16 : index
        %get3A_338 = tpu.vector_load %arg11[%get3A_335, %get3A_336, %get3A_337] {strides = array<i32>} : memref<2x16x384xi32, #tpu.memory_space<vmem>>, vector<16xi32>,
        %bitcast3A_339 = vector.bitcast %get3A_338 : vector<16xi32> to vector<32xbf16>
        %mul3A_340 = arith.mulf %pack3A, %bitcast3A_327 : vector<32xbf16>
        %add3A_341 = arith.addf %bitcast3A_339, %mul3A_340 : vector<32xbf16>
        %mul3A_342 = arith.mulf %pack3A_290, %bitcast3A_333 : vector<32xbf16>
        %add3A_343 = arith.addf %add3A_341, %mul3A_342 : vector<32xbf16>
        %unpack3A_344 = tpu.unpack_subelements %add3A_343, 0 {pack_format = #tpu.pack_format<interleaved>} : vector<32xbf16> -> vector<16xf32>
        %unpack3A_345 = tpu.unpack_subelements %add3A_343, 1 {pack_format = #tpu.pack_format<interleaved>} : vector<32xbf16> -> vector<16xf32>
        %swap3A_346 = arith.constant 0 : i32
        %swap3A_347 = arith.index_cast %swap3A_346 : i32 to index
        %swap3A_348 = arith.index_cast %scan3A_268 : i32 to index
        %swap3A_349 = arith.constant 16 : index
        %swap3A_350 = tpu.vector_load %arg12[%swap3A_347, %swap3A_348, %swap3A_349] {strides = array<i32>} : memref<2x16x768xf32, #tpu.memory_space<vmem>>, vector<16xf32>,
        tpu.vector_store %arg12[%swap3A_347, %swap3A_348, %swap3A_349], %unpack3A_344 {strides = array<i32>} : memref<2x16x768xf32, #tpu.memory_space<vmem>>, vector<16xf32>,
        %swap3A_351 = arith.constant 0 : i32
        %swap3A_352 = arith.index_cast %swap3A_351 : i32 to index
        %swap3A_353 = arith.index_cast %scan3A_268 : i32 to index
        %swap3A_354 = arith.constant 400 : index
        %swap3A_355 = tpu.vector_load %arg12[%swap3A_352, %swap3A_353, %swap3A_354] {strides = array<i32>} : memref<2x16x768xf32, #tpu.memory_space<vmem>>, vector<16xf32>,
        tpu.vector_store %arg12[%swap3A_352, %swap3A_353, %swap3A_354], %unpack3A_345 {strides = array<i32>} : memref<2x16x768xf32, #tpu.memory_space<vmem>>, vector<16xf32>,
        %get3A_356 = arith.constant 0 : i32
        %get3A_357 = arith.index_cast %get3A_356 : i32 to index
        %get3A_358 = arith.index_cast %scan3A_268 : i32 to index
        %get3A_359 = arith.constant 32 : index
        %get3A_360 = tpu.vector_load %arg9[%get3A_357, %get3A_358, %get3A_359] {strides = array<i32>} : memref<2x16x384xi32, #tpu.memory_space<vmem>>, vector<16xi32>,
        %bitcast3A_361 = vector.bitcast %get3A_360 : vector<16xi32> to vector<32xbf16>
        %get3A_362 = arith.constant 0 : i32
        %get3A_363 = arith.index_cast %get3A_362 : i32 to index
        %get3A_364 = arith.index_cast %scan3A_268 : i32 to index
        %get3A_365 = arith.constant 32 : index
        %get3A_366 = tpu.vector_load %arg10[%get3A_363, %get3A_364, %get3A_365] {strides = array<i32>} : memref<2x16x384xi32, #tpu.memory_space<vmem>>, vector<16xi32>,
        %bitcast3A_367 = vector.bitcast %get3A_366 : vector<16xi32> to vector<32xbf16>
        %get3A_368 = arith.constant 0 : i32
        %get3A_369 = arith.index_cast %get3A_368 : i32 to index
        %get3A_370 = arith.index_cast %scan3A_268 : i32 to index
        %get3A_371 = arith.constant 32 : index
        %get3A_372 = tpu.vector_load %arg11[%get3A_369, %get3A_370, %get3A_371] {strides = array<i32>} : memref<2x16x384xi32, #tpu.memory_space<vmem>>, vector<16xi32>,
        %bitcast3A_373 = vector.bitcast %get3A_372 : vector<16xi32> to vector<32xbf16>
        %mul3A_374 = arith.mulf %pack3A, %bitcast3A_361 : vector<32xbf16>
        %add3A_375 = arith.addf %bitcast3A_373, %mul3A_374 : vector<32xbf16>
        %mul3A_376 = arith.mulf %pack3A_290, %bitcast3A_367 : vector<32xbf16>
        %add3A_377 = arith.addf %add3A_375, %mul3A_376 : vector<32xbf16>
        %unpack3A_378 = tpu.unpack_subelements %add3A_377, 0 {pack_format = #tpu.pack_format<interleaved>} : vector<32xbf16> -> vector<16xf32>
        %unpack3A_379 = tpu.unpack_subelements %add3A_377, 1 {pack_format = #tpu.pack_format<interleaved>} : vector<32xbf16> -> vector<16xf32>
        %swap3A_380 = arith.constant 0 : i32
        %swap3A_381 = arith.index_cast %swap3A_380 : i32 to index
        %swap3A_382 = arith.index_cast %scan3A_268 : i32 to index
        %swap3A_383 = arith.constant 32 : index
        %swap3A_384 = tpu.vector_load %arg12[%swap3A_381, %swap3A_382, %swap3A_383] {strides = array<i32>} : memref<2x16x768xf32, #tpu.memory_space<vmem>>, vector<16xf32>,
        tpu.vector_store %arg12[%swap3A_381, %swap3A_382, %swap3A_383], %unpack3A_378 {strides = array<i32>} : memref<2x16x768xf32, #tpu.memory_space<vmem>>, vector<16xf32>,
        %swap3A_385 = arith.constant 0 : i32
        %swap3A_386 = arith.index_cast %swap3A_385 : i32 to index
        %swap3A_387 = arith.index_cast %scan3A_268 : i32 to index
        %swap3A_388 = arith.constant 416 : index
        %swap3A_389 = tpu.vector_load %arg12[%swap3A_386, %swap3A_387, %swap3A_388] {strides = array<i32>} : memref<2x16x768xf32, #tpu.memory_space<vmem>>, vector<16xf32>,
        tpu.vector_store %arg12[%swap3A_386, %swap3A_387, %swap3A_388], %unpack3A_379 {strides = array<i32>} : memref<2x16x768xf32, #tpu.memory_space<vmem>>, vector<16xf32>,
        %get3A_390 = arith.constant 0 : i32
        %get3A_391 = arith.index_cast %get3A_390 : i32 to index
        %get3A_392 = arith.index_cast %scan3A_268 : i32 to index
        %get3A_393 = arith.constant 48 : index
        %get3A_394 = tpu.vector_load %arg9[%get3A_391, %get3A_392, %get3A_393] {strides = array<i32>} : memref<2x16x384xi32, #tpu.memory_space<vmem>>, vector<16xi32>,
        %bitcast3A_395 = vector.bitcast %get3A_394 : vector<16xi32> to vector<32xbf16>
        %get3A_396 = arith.constant 0 : i32
        %get3A_397 = arith.index_cast %get3A_396 : i32 to index
        %get3A_398 = arith.index_cast %scan3A_268 : i32 to index
        %get3A_399 = arith.constant 48 : index
        %get3A_400 = tpu.vector_load %arg10[%get3A_397, %get3A_398, %get3A_399] {strides = array<i32>} : memref<2x16x384xi32, #tpu.memory_space<vmem>>, vector<16xi32>,
        %bitcast3A_401 = vector.bitcast %get3A_400 : vector<16xi32> to vector<32xbf16>
        %get3A_402 = arith.constant 0 : i32
        %get3A_403 = arith.index_cast %get3A_402 : i32 to index
        %get3A_404 = arith.index_cast %scan3A_268 : i32 to index
        %get3A_405 = arith.constant 48 : index
        %get3A_406 = tpu.vector_load %arg11[%get3A_403, %get3A_404, %get3A_405] {strides = array<i32>} : memref<2x16x384xi32, #tpu.memory_space<vmem>>, vector<16xi32>,
        %bitcast3A_407 = vector.bitcast %get3A_406 : vector<16xi32> to vector<32xbf16>
        %mul3A_408 = arith.mulf %pack3A, %bitcast3A_395 : vector<32xbf16>
        %add3A_409 = arith.addf %bitcast3A_407, %mul3A_408 : vector<32xbf16>
        %mul3A_410 = arith.mulf %pack3A_290, %bitcast3A_401 : vector<32xbf16>
        %add3A_411 = arith.addf %add3A_409, %mul3A_410 : vector<32xbf16>
        %unpack3A_412 = tpu.unpack_subelements %add3A_411, 0 {pack_format = #tpu.pack_format<interleaved>} : vector<32xbf16> -> vector<16xf32>
        %unpack3A_413 = tpu.unpack_subelements %add3A_411, 1 {pack_format = #tpu.pack_format<interleaved>} : vector<32xbf16> -> vector<16xf32>
        %swap3A_414 = arith.constant 0 : i32
        %swap3A_415 = arith.index_cast %swap3A_414 : i32 to index
        %swap3A_416 = arith.index_cast %scan3A_268 : i32 to index
        %swap3A_417 = arith.constant 48 : index
        %swap3A_418 = tpu.vector_load %arg12[%swap3A_415, %swap3A_416, %swap3A_417] {strides = array<i32>} : memref<2x16x768xf32, #tpu.memory_space<vmem>>, vector<16xf32>,
        tpu.vector_store %arg12[%swap3A_415, %swap3A_416, %swap3A_417], %unpack3A_412 {strides = array<i32>} : memref<2x16x768xf32, #tpu.memory_space<vmem>>, vector<16xf32>,
        %swap3A_419 = arith.constant 0 : i32
        %swap3A_420 = arith.index_cast %swap3A_419 : i32 to index
        %swap3A_421 = arith.index_cast %scan3A_268 : i32 to index
        %swap3A_422 = arith.constant 432 : index
        %swap3A_423 = tpu.vector_load %arg12[%swap3A_420, %swap3A_421, %swap3A_422] {strides = array<i32>} : memref<2x16x768xf32, #tpu.memory_space<vmem>>, vector<16xf32>,
        tpu.vector_store %arg12[%swap3A_420, %swap3A_421, %swap3A_422], %unpack3A_413 {strides = array<i32>} : memref<2x16x768xf32, #tpu.memory_space<vmem>>, vector<16xf32>,
        %get3A_424 = arith.constant 0 : i32
        %get3A_425 = arith.index_cast %get3A_424 : i32 to index
        %get3A_426 = arith.index_cast %scan3A_268 : i32 to index
        %get3A_427 = arith.constant 64 : index
        %get3A_428 = tpu.vector_load %arg9[%get3A_425, %get3A_426, %get3A_427] {strides = array<i32>} : memref<2x16x384xi32, #tpu.memory_space<vmem>>, vector<16xi32>,
        %bitcast3A_429 = vector.bitcast %get3A_428 : vector<16xi32> to vector<32xbf16>
        %get3A_430 = arith.constant 0 : i32
        %get3A_431 = arith.index_cast %get3A_430 : i32 to index
        %get3A_432 = arith.index_cast %scan3A_268 : i32 to index
        %get3A_433 = arith.constant 64 : index
        %get3A_434 = tpu.vector_load %arg10[%get3A_431, %get3A_432, %get3A_433] {strides = array<i32>} : memref<2x16x384xi32, #tpu.memory_space<vmem>>, vector<16xi32>,
        %bitcast3A_435 = vector.bitcast %get3A_434 : vector<16xi32> to vector<32xbf16>
        %get3A_436 = arith.constant 0 : i32
        %get3A_437 = arith.index_cast %get3A_436 : i32 to index
        %get3A_438 = arith.index_cast %scan3A_268 : i32 to index
        %get3A_439 = arith.constant 64 : index
        %get3A_440 = tpu.vector_load %arg11[%get3A_437, %get3A_438, %get3A_439] {strides = array<i32>} : memref<2x16x384xi32, #tpu.memory_space<vmem>>, vector<16xi32>,
        %bitcast3A_441 = vector.bitcast %get3A_440 : vector<16xi32> to vector<32xbf16>
        %mul3A_442 = arith.mulf %pack3A, %bitcast3A_429 : vector<32xbf16>
        %add3A_443 = arith.addf %bitcast3A_441, %mul3A_442 : vector<32xbf16>
        %mul3A_444 = arith.mulf %pack3A_290, %bitcast3A_435 : vector<32xbf16>
        %add3A_445 = arith.addf %add3A_443, %mul3A_444 : vector<32xbf16>
        %unpack3A_446 = tpu.unpack_subelements %add3A_445, 0 {pack_format = #tpu.pack_format<interleaved>} : vector<32xbf16> -> vector<16xf32>
        %unpack3A_447 = tpu.unpack_subelements %add3A_445, 1 {pack_format = #tpu.pack_format<interleaved>} : vector<32xbf16> -> vector<16xf32>
        %swap3A_448 = arith.constant 0 : i32
        %swap3A_449 = arith.index_cast %swap3A_448 : i32 to index
        %swap3A_450 = arith.index_cast %scan3A_268 : i32 to index
        %swap3A_451 = arith.constant 64 : index
        %swap3A_452 = tpu.vector_load %arg12[%swap3A_449, %swap3A_450, %swap3A_451] {strides = array<i32>} : memref<2x16x768xf32, #tpu.memory_space<vmem>>, vector<16xf32>,
        tpu.vector_store %arg12[%swap3A_449, %swap3A_450, %swap3A_451], %unpack3A_446 {strides = array<i32>} : memref<2x16x768xf32, #tpu.memory_space<vmem>>, vector<16xf32>,
        %swap3A_453 = arith.constant 0 : i32
        %swap3A_454 = arith.index_cast %swap3A_453 : i32 to index
        %swap3A_455 = arith.index_cast %scan3A_268 : i32 to index
        %swap3A_456 = arith.constant 448 : index
        %swap3A_457 = tpu.vector_load %arg12[%swap3A_454, %swap3A_455, %swap3A_456] {strides = array<i32>} : memref<2x16x768xf32, #tpu.memory_space<vmem>>, vector<16xf32>,
        tpu.vector_store %arg12[%swap3A_454, %swap3A_455, %swap3A_456], %unpack3A_447 {strides = array<i32>} : memref<2x16x768xf32, #tpu.memory_space<vmem>>, vector<16xf32>,
        %get3A_458 = arith.constant 0 : i32
        %get3A_459 = arith.index_cast %get3A_458 : i32 to index
        %get3A_460 = arith.index_cast %scan3A_268 : i32 to index
        %get3A_461 = arith.constant 80 : index
        %get3A_462 = tpu.vector_load %arg9[%get3A_459, %get3A_460, %get3A_461] {strides = array<i32>} : memref<2x16x384xi32, #tpu.memory_space<vmem>>, vector<16xi32>,
        %bitcast3A_463 = vector.bitcast %get3A_462 : vector<16xi32> to vector<32xbf16>
        %get3A_464 = arith.constant 0 : i32
        %get3A_465 = arith.index_cast %get3A_464 : i32 to index
        %get3A_466 = arith.index_cast %scan3A_268 : i32 to index
        %get3A_467 = arith.constant 80 : index
        %get3A_468 = tpu.vector_load %arg10[%get3A_465, %get3A_466, %get3A_467] {strides = array<i32>} : memref<2x16x384xi32, #tpu.memory_space<vmem>>, vector<16xi32>,
        %bitcast3A_469 = vector.bitcast %get3A_468 : vector<16xi32> to vector<32xbf16>
        %get3A_470 = arith.constant 0 : i32
        %get3A_471 = arith.index_cast %get3A_470 : i32 to index
        %get3A_472 = arith.index_cast %scan3A_268 : i32 to index
        %get3A_473 = arith.constant 80 : index
        %get3A_474 = tpu.vector_load %arg11[%get3A_471, %get3A_472, %get3A_473] {strides = array<i32>} : memref<2x16x384xi32, #tpu.memory_space<vmem>>, vector<16xi32>,
        %bitcast3A_475 = vector.bitcast %get3A_474 : vector<16xi32> to vector<32xbf16>
        %mul3A_476 = arith.mulf %pack3A, %bitcast3A_463 : vector<32xbf16>
        %add3A_477 = arith.addf %bitcast3A_475, %mul3A_476 : vector<32xbf16>
        %mul3A_478 = arith.mulf %pack3A_290, %bitcast3A_469 : vector<32xbf16>
        %add3A_479 = arith.addf %add3A_477, %mul3A_478 : vector<32xbf16>
        %unpack3A_480 = tpu.unpack_subelements %add3A_479, 0 {pack_format = #tpu.pack_format<interleaved>} : vector<32xbf16> -> vector<16xf32>
        %unpack3A_481 = tpu.unpack_subelements %add3A_479, 1 {pack_format = #tpu.pack_format<interleaved>} : vector<32xbf16> -> vector<16xf32>
        %swap3A_482 = arith.constant 0 : i32
        %swap3A_483 = arith.index_cast %swap3A_482 : i32 to index
        %swap3A_484 = arith.index_cast %scan3A_268 : i32 to index
        %swap3A_485 = arith.constant 80 : index
        %swap3A_486 = tpu.vector_load %arg12[%swap3A_483, %swap3A_484, %swap3A_485] {strides = array<i32>} : memref<2x16x768xf32, #tpu.memory_space<vmem>>, vector<16xf32>,
        tpu.vector_store %arg12[%swap3A_483, %swap3A_484, %swap3A_485], %unpack3A_480 {strides = array<i32>} : memref<2x16x768xf32, #tpu.memory_space<vmem>>, vector<16xf32>,
        %swap3A_487 = arith.constant 0 : i32
        %swap3A_488 = arith.index_cast %swap3A_487 : i32 to index
        %swap3A_489 = arith.index_cast %scan3A_268 : i32 to index
        %swap3A_490 = arith.constant 464 : index
        %swap3A_491 = tpu.vector_load %arg12[%swap3A_488, %swap3A_489, %swap3A_490] {strides = array<i32>} : memref<2x16x768xf32, #tpu.memory_space<vmem>>, vector<16xf32>,
        tpu.vector_store %arg12[%swap3A_488, %swap3A_489, %swap3A_490], %unpack3A_481 {strides = array<i32>} : memref<2x16x768xf32, #tpu.memory_space<vmem>>, vector<16xf32>,
        %get3A_492 = arith.constant 0 : i32
        %get3A_493 = arith.index_cast %get3A_492 : i32 to index
        %get3A_494 = arith.index_cast %scan3A_268 : i32 to index
        %get3A_495 = arith.constant 96 : index
        %get3A_496 = tpu.vector_load %arg9[%get3A_493, %get3A_494, %get3A_495] {strides = array<i32>} : memref<2x16x384xi32, #tpu.memory_space<vmem>>, vector<16xi32>,
        %bitcast3A_497 = vector.bitcast %get3A_496 : vector<16xi32> to vector<32xbf16>
        %get3A_498 = arith.constant 0 : i32
        %get3A_499 = arith.index_cast %get3A_498 : i32 to index
        %get3A_500 = arith.index_cast %scan3A_268 : i32 to index
        %get3A_501 = arith.constant 96 : index
        %get3A_502 = tpu.vector_load %arg10[%get3A_499, %get3A_500, %get3A_501] {strides = array<i32>} : memref<2x16x384xi32, #tpu.memory_space<vmem>>, vector<16xi32>,
        %bitcast3A_503 = vector.bitcast %get3A_502 : vector<16xi32> to vector<32xbf16>
        %get3A_504 = arith.constant 0 : i32
        %get3A_505 = arith.index_cast %get3A_504 : i32 to index
        %get3A_506 = arith.index_cast %scan3A_268 : i32 to index
        %get3A_507 = arith.constant 96 : index
        %get3A_508 = tpu.vector_load %arg11[%get3A_505, %get3A_506, %get3A_507] {strides = array<i32>} : memref<2x16x384xi32, #tpu.memory_space<vmem>>, vector<16xi32>,
        %bitcast3A_509 = vector.bitcast %get3A_508 : vector<16xi32> to vector<32xbf16>
        %mul3A_510 = arith.mulf %pack3A, %bitcast3A_497 : vector<32xbf16>
        %add3A_511 = arith.addf %bitcast3A_509, %mul3A_510 : vector<32xbf16>
        %mul3A_512 = arith.mulf %pack3A_290, %bitcast3A_503 : vector<32xbf16>
        %add3A_513 = arith.addf %add3A_511, %mul3A_512 : vector<32xbf16>
        %unpack3A_514 = tpu.unpack_subelements %add3A_513, 0 {pack_format = #tpu.pack_format<interleaved>} : vector<32xbf16> -> vector<16xf32>
        %unpack3A_515 = tpu.unpack_subelements %add3A_513, 1 {pack_format = #tpu.pack_format<interleaved>} : vector<32xbf16> -> vector<16xf32>
        %swap3A_516 = arith.constant 0 : i32
        %swap3A_517 = arith.index_cast %swap3A_516 : i32 to index
        %swap3A_518 = arith.index_cast %scan3A_268 : i32 to index
        %swap3A_519 = arith.constant 96 : index
        %swap3A_520 = tpu.vector_load %arg12[%swap3A_517, %swap3A_518, %swap3A_519] {strides = array<i32>} : memref<2x16x768xf32, #tpu.memory_space<vmem>>, vector<16xf32>,
        tpu.vector_store %arg12[%swap3A_517, %swap3A_518, %swap3A_519], %unpack3A_514 {strides = array<i32>} : memref<2x16x768xf32, #tpu.memory_space<vmem>>, vector<16xf32>,
        %swap3A_521 = arith.constant 0 : i32
        %swap3A_522 = arith.index_cast %swap3A_521 : i32 to index
        %swap3A_523 = arith.index_cast %scan3A_268 : i32 to index
        %swap3A_524 = arith.constant 480 : index
        %swap3A_525 = tpu.vector_load %arg12[%swap3A_522, %swap3A_523, %swap3A_524] {strides = array<i32>} : memref<2x16x768xf32, #tpu.memory_space<vmem>>, vector<16xf32>,
        tpu.vector_store %arg12[%swap3A_522, %swap3A_523, %swap3A_524], %unpack3A_515 {strides = array<i32>} : memref<2x16x768xf32, #tpu.memory_space<vmem>>, vector<16xf32>,
        %get3A_526 = arith.constant 0 : i32
        %get3A_527 = arith.index_cast %get3A_526 : i32 to index
        %get3A_528 = arith.index_cast %scan3A_268 : i32 to index
        %get3A_529 = arith.constant 112 : index
        %get3A_530 = tpu.vector_load %arg9[%get3A_527, %get3A_528, %get3A_529] {strides = array<i32>} : memref<2x16x384xi32, #tpu.memory_space<vmem>>, vector<16xi32>,
        %bitcast3A_531 = vector.bitcast %get3A_530 : vector<16xi32> to vector<32xbf16>
        %get3A_532 = arith.constant 0 : i32
        %get3A_533 = arith.index_cast %get3A_532 : i32 to index
        %get3A_534 = arith.index_cast %scan3A_268 : i32 to index
        %get3A_535 = arith.constant 112 : index
        %get3A_536 = tpu.vector_load %arg10[%get3A_533, %get3A_534, %get3A_535] {strides = array<i32>} : memref<2x16x384xi32, #tpu.memory_space<vmem>>, vector<16xi32>,
        %bitcast3A_537 = vector.bitcast %get3A_536 : vector<16xi32> to vector<32xbf16>
        %get3A_538 = arith.constant 0 : i32
        %get3A_539 = arith.index_cast %get3A_538 : i32 to index
        %get3A_540 = arith.index_cast %scan3A_268 : i32 to index
        %get3A_541 = arith.constant 112 : index
        %get3A_542 = tpu.vector_load %arg11[%get3A_539, %get3A_540, %get3A_541] {strides = array<i32>} : memref<2x16x384xi32, #tpu.memory_space<vmem>>, vector<16xi32>,
        %bitcast3A_543 = vector.bitcast %get3A_542 : vector<16xi32> to vector<32xbf16>
        %mul3A_544 = arith.mulf %pack3A, %bitcast3A_531 : vector<32xbf16>
        %add3A_545 = arith.addf %bitcast3A_543, %mul3A_544 : vector<32xbf16>
        %mul3A_546 = arith.mulf %pack3A_290, %bitcast3A_537 : vector<32xbf16>
        %add3A_547 = arith.addf %add3A_545, %mul3A_546 : vector<32xbf16>
        %unpack3A_548 = tpu.unpack_subelements %add3A_547, 0 {pack_format = #tpu.pack_format<interleaved>} : vector<32xbf16> -> vector<16xf32>
        %unpack3A_549 = tpu.unpack_subelements %add3A_547, 1 {pack_format = #tpu.pack_format<interleaved>} : vector<32xbf16> -> vector<16xf32>
        %swap3A_550 = arith.constant 0 : i32
        %swap3A_551 = arith.index_cast %swap3A_550 : i32 to index
        %swap3A_552 = arith.index_cast %scan3A_268 : i32 to index
        %swap3A_553 = arith.constant 112 : index
        %swap3A_554 = tpu.vector_load %arg12[%swap3A_551, %swap3A_552, %swap3A_553] {strides = array<i32>} : memref<2x16x768xf32, #tpu.memory_space<vmem>>, vector<16xf32>,
        tpu.vector_store %arg12[%swap3A_551, %swap3A_552, %swap3A_553], %unpack3A_548 {strides = array<i32>} : memref<2x16x768xf32, #tpu.memory_space<vmem>>, vector<16xf32>,
        %swap3A_555 = arith.constant 0 : i32
        %swap3A_556 = arith.index_cast %swap3A_555 : i32 to index
        %swap3A_557 = arith.index_cast %scan3A_268 : i32 to index
        %swap3A_558 = arith.constant 496 : index
        %swap3A_559 = tpu.vector_load %arg12[%swap3A_556, %swap3A_557, %swap3A_558] {strides = array<i32>} : memref<2x16x768xf32, #tpu.memory_space<vmem>>, vector<16xf32>,
        tpu.vector_store %arg12[%swap3A_556, %swap3A_557, %swap3A_558], %unpack3A_549 {strides = array<i32>} : memref<2x16x768xf32, #tpu.memory_space<vmem>>, vector<16xf32>,
        %get3A_560 = arith.constant 0 : i32
        %get3A_561 = arith.index_cast %get3A_560 : i32 to index
        %get3A_562 = arith.index_cast %scan3A_268 : i32 to index
        %get3A_563 = arith.constant 128 : index
        %get3A_564 = tpu.vector_load %arg9[%get3A_561, %get3A_562, %get3A_563] {strides = array<i32>} : memref<2x16x384xi32, #tpu.memory_space<vmem>>, vector<16xi32>,
        %bitcast3A_565 = vector.bitcast %get3A_564 : vector<16xi32> to vector<32xbf16>
        %get3A_566 = arith.constant 0 : i32
        %get3A_567 = arith.index_cast %get3A_566 : i32 to index
        %get3A_568 = arith.index_cast %scan3A_268 : i32 to index
        %get3A_569 = arith.constant 128 : index
        %get3A_570 = tpu.vector_load %arg10[%get3A_567, %get3A_568, %get3A_569] {strides = array<i32>} : memref<2x16x384xi32, #tpu.memory_space<vmem>>, vector<16xi32>,
        %bitcast3A_571 = vector.bitcast %get3A_570 : vector<16xi32> to vector<32xbf16>
        %get3A_572 = arith.constant 0 : i32
        %get3A_573 = arith.index_cast %get3A_572 : i32 to index
        %get3A_574 = arith.index_cast %scan3A_268 : i32 to index
        %get3A_575 = arith.constant 128 : index
        %get3A_576 = tpu.vector_load %arg11[%get3A_573, %get3A_574, %get3A_575] {strides = array<i32>} : memref<2x16x384xi32, #tpu.memory_space<vmem>>, vector<16xi32>,
        %bitcast3A_577 = vector.bitcast %get3A_576 : vector<16xi32> to vector<32xbf16>
        %mul3A_578 = arith.mulf %pack3A, %bitcast3A_565 : vector<32xbf16>
        %add3A_579 = arith.addf %bitcast3A_577, %mul3A_578 : vector<32xbf16>
        %mul3A_580 = arith.mulf %pack3A_290, %bitcast3A_571 : vector<32xbf16>
        %add3A_581 = arith.addf %add3A_579, %mul3A_580 : vector<32xbf16>
        %unpack3A_582 = tpu.unpack_subelements %add3A_581, 0 {pack_format = #tpu.pack_format<interleaved>} : vector<32xbf16> -> vector<16xf32>
        %unpack3A_583 = tpu.unpack_subelements %add3A_581, 1 {pack_format = #tpu.pack_format<interleaved>} : vector<32xbf16> -> vector<16xf32>
        %swap3A_584 = arith.constant 0 : i32
        %swap3A_585 = arith.index_cast %swap3A_584 : i32 to index
        %swap3A_586 = arith.index_cast %scan3A_268 : i32 to index
        %swap3A_587 = arith.constant 128 : index
        %swap3A_588 = tpu.vector_load %arg12[%swap3A_585, %swap3A_586, %swap3A_587] {strides = array<i32>} : memref<2x16x768xf32, #tpu.memory_space<vmem>>, vector<16xf32>,
        tpu.vector_store %arg12[%swap3A_585, %swap3A_586, %swap3A_587], %unpack3A_582 {strides = array<i32>} : memref<2x16x768xf32, #tpu.memory_space<vmem>>, vector<16xf32>,
        %swap3A_589 = arith.constant 0 : i32
        %swap3A_590 = arith.index_cast %swap3A_589 : i32 to index
        %swap3A_591 = arith.index_cast %scan3A_268 : i32 to index
        %swap3A_592 = arith.constant 512 : index
        %swap3A_593 = tpu.vector_load %arg12[%swap3A_590, %swap3A_591, %swap3A_592] {strides = array<i32>} : memref<2x16x768xf32, #tpu.memory_space<vmem>>, vector<16xf32>,
        tpu.vector_store %arg12[%swap3A_590, %swap3A_591, %swap3A_592], %unpack3A_583 {strides = array<i32>} : memref<2x16x768xf32, #tpu.memory_space<vmem>>, vector<16xf32>,
        %get3A_594 = arith.constant 0 : i32
        %get3A_595 = arith.index_cast %get3A_594 : i32 to index
        %get3A_596 = arith.index_cast %scan3A_268 : i32 to index
        %get3A_597 = arith.constant 144 : index
        %get3A_598 = tpu.vector_load %arg9[%get3A_595, %get3A_596, %get3A_597] {strides = array<i32>} : memref<2x16x384xi32, #tpu.memory_space<vmem>>, vector<16xi32>,
        %bitcast3A_599 = vector.bitcast %get3A_598 : vector<16xi32> to vector<32xbf16>
        %get3A_600 = arith.constant 0 : i32
        %get3A_601 = arith.index_cast %get3A_600 : i32 to index
        %get3A_602 = arith.index_cast %scan3A_268 : i32 to index
        %get3A_603 = arith.constant 144 : index
        %get3A_604 = tpu.vector_load %arg10[%get3A_601, %get3A_602, %get3A_603] {strides = array<i32>} : memref<2x16x384xi32, #tpu.memory_space<vmem>>, vector<16xi32>,
        %bitcast3A_605 = vector.bitcast %get3A_604 : vector<16xi32> to vector<32xbf16>
        %get3A_606 = arith.constant 0 : i32
        %get3A_607 = arith.index_cast %get3A_606 : i32 to index
        %get3A_608 = arith.index_cast %scan3A_268 : i32 to index
        %get3A_609 = arith.constant 144 : index
        %get3A_610 = tpu.vector_load %arg11[%get3A_607, %get3A_608, %get3A_609] {strides = array<i32>} : memref<2x16x384xi32, #tpu.memory_space<vmem>>, vector<16xi32>,
        %bitcast3A_611 = vector.bitcast %get3A_610 : vector<16xi32> to vector<32xbf16>
        %mul3A_612 = arith.mulf %pack3A, %bitcast3A_599 : vector<32xbf16>
        %add3A_613 = arith.addf %bitcast3A_611, %mul3A_612 : vector<32xbf16>
        %mul3A_614 = arith.mulf %pack3A_290, %bitcast3A_605 : vector<32xbf16>
        %add3A_615 = arith.addf %add3A_613, %mul3A_614 : vector<32xbf16>
        %unpack3A_616 = tpu.unpack_subelements %add3A_615, 0 {pack_format = #tpu.pack_format<interleaved>} : vector<32xbf16> -> vector<16xf32>
        %unpack3A_617 = tpu.unpack_subelements %add3A_615, 1 {pack_format = #tpu.pack_format<interleaved>} : vector<32xbf16> -> vector<16xf32>
        %swap3A_618 = arith.constant 0 : i32
        %swap3A_619 = arith.index_cast %swap3A_618 : i32 to index
        %swap3A_620 = arith.index_cast %scan3A_268 : i32 to index
        %swap3A_621 = arith.constant 144 : index
        %swap3A_622 = tpu.vector_load %arg12[%swap3A_619, %swap3A_620, %swap3A_621] {strides = array<i32>} : memref<2x16x768xf32, #tpu.memory_space<vmem>>, vector<16xf32>,
        tpu.vector_store %arg12[%swap3A_619, %swap3A_620, %swap3A_621], %unpack3A_616 {strides = array<i32>} : memref<2x16x768xf32, #tpu.memory_space<vmem>>, vector<16xf32>,
        %swap3A_623 = arith.constant 0 : i32
        %swap3A_624 = arith.index_cast %swap3A_623 : i32 to index
        %swap3A_625 = arith.index_cast %scan3A_268 : i32 to index
        %swap3A_626 = arith.constant 528 : index
        %swap3A_627 = tpu.vector_load %arg12[%swap3A_624, %swap3A_625, %swap3A_626] {strides = array<i32>} : memref<2x16x768xf32, #tpu.memory_space<vmem>>, vector<16xf32>,
        tpu.vector_store %arg12[%swap3A_624, %swap3A_625, %swap3A_626], %unpack3A_617 {strides = array<i32>} : memref<2x16x768xf32, #tpu.memory_space<vmem>>, vector<16xf32>,
        %get3A_628 = arith.constant 0 : i32
        %get3A_629 = arith.index_cast %get3A_628 : i32 to index
        %get3A_630 = arith.index_cast %scan3A_268 : i32 to index
        %get3A_631 = arith.constant 160 : index
        %get3A_632 = tpu.vector_load %arg9[%get3A_629, %get3A_630, %get3A_631] {strides = array<i32>} : memref<2x16x384xi32, #tpu.memory_space<vmem>>, vector<16xi32>,
        %bitcast3A_633 = vector.bitcast %get3A_632 : vector<16xi32> to vector<32xbf16>
        %get3A_634 = arith.constant 0 : i32
        %get3A_635 = arith.index_cast %get3A_634 : i32 to index
        %get3A_636 = arith.index_cast %scan3A_268 : i32 to index
        %get3A_637 = arith.constant 160 : index
        %get3A_638 = tpu.vector_load %arg10[%get3A_635, %get3A_636, %get3A_637] {strides = array<i32>} : memref<2x16x384xi32, #tpu.memory_space<vmem>>, vector<16xi32>,
        %bitcast3A_639 = vector.bitcast %get3A_638 : vector<16xi32> to vector<32xbf16>
        %get3A_640 = arith.constant 0 : i32
        %get3A_641 = arith.index_cast %get3A_640 : i32 to index
        %get3A_642 = arith.index_cast %scan3A_268 : i32 to index
        %get3A_643 = arith.constant 160 : index
        %get3A_644 = tpu.vector_load %arg11[%get3A_641, %get3A_642, %get3A_643] {strides = array<i32>} : memref<2x16x384xi32, #tpu.memory_space<vmem>>, vector<16xi32>,
        %bitcast3A_645 = vector.bitcast %get3A_644 : vector<16xi32> to vector<32xbf16>
        %mul3A_646 = arith.mulf %pack3A, %bitcast3A_633 : vector<32xbf16>
        %add3A_647 = arith.addf %bitcast3A_645, %mul3A_646 : vector<32xbf16>
        %mul3A_648 = arith.mulf %pack3A_290, %bitcast3A_639 : vector<32xbf16>
        %add3A_649 = arith.addf %add3A_647, %mul3A_648 : vector<32xbf16>
        %unpack3A_650 = tpu.unpack_subelements %add3A_649, 0 {pack_format = #tpu.pack_format<interleaved>} : vector<32xbf16> -> vector<16xf32>
        %unpack3A_651 = tpu.unpack_subelements %add3A_649, 1 {pack_format = #tpu.pack_format<interleaved>} : vector<32xbf16> -> vector<16xf32>
        %swap3A_652 = arith.constant 0 : i32
        %swap3A_653 = arith.index_cast %swap3A_652 : i32 to index
        %swap3A_654 = arith.index_cast %scan3A_268 : i32 to index
        %swap3A_655 = arith.constant 160 : index
        %swap3A_656 = tpu.vector_load %arg12[%swap3A_653, %swap3A_654, %swap3A_655] {strides = array<i32>} : memref<2x16x768xf32, #tpu.memory_space<vmem>>, vector<16xf32>,
        tpu.vector_store %arg12[%swap3A_653, %swap3A_654, %swap3A_655], %unpack3A_650 {strides = array<i32>} : memref<2x16x768xf32, #tpu.memory_space<vmem>>, vector<16xf32>,
        %swap3A_657 = arith.constant 0 : i32
        %swap3A_658 = arith.index_cast %swap3A_657 : i32 to index
        %swap3A_659 = arith.index_cast %scan3A_268 : i32 to index
        %swap3A_660 = arith.constant 544 : index
        %swap3A_661 = tpu.vector_load %arg12[%swap3A_658, %swap3A_659, %swap3A_660] {strides = array<i32>} : memref<2x16x768xf32, #tpu.memory_space<vmem>>, vector<16xf32>,
        tpu.vector_store %arg12[%swap3A_658, %swap3A_659, %swap3A_660], %unpack3A_651 {strides = array<i32>} : memref<2x16x768xf32, #tpu.memory_space<vmem>>, vector<16xf32>,
        %get3A_662 = arith.constant 0 : i32
        %get3A_663 = arith.index_cast %get3A_662 : i32 to index
        %get3A_664 = arith.index_cast %scan3A_268 : i32 to index
        %get3A_665 = arith.constant 176 : index
        %get3A_666 = tpu.vector_load %arg9[%get3A_663, %get3A_664, %get3A_665] {strides = array<i32>} : memref<2x16x384xi32, #tpu.memory_space<vmem>>, vector<16xi32>,
        %bitcast3A_667 = vector.bitcast %get3A_666 : vector<16xi32> to vector<32xbf16>
        %get3A_668 = arith.constant 0 : i32
        %get3A_669 = arith.index_cast %get3A_668 : i32 to index
        %get3A_670 = arith.index_cast %scan3A_268 : i32 to index
        %get3A_671 = arith.constant 176 : index
        %get3A_672 = tpu.vector_load %arg10[%get3A_669, %get3A_670, %get3A_671] {strides = array<i32>} : memref<2x16x384xi32, #tpu.memory_space<vmem>>, vector<16xi32>,
        %bitcast3A_673 = vector.bitcast %get3A_672 : vector<16xi32> to vector<32xbf16>
        %get3A_674 = arith.constant 0 : i32
        %get3A_675 = arith.index_cast %get3A_674 : i32 to index
        %get3A_676 = arith.index_cast %scan3A_268 : i32 to index
        %get3A_677 = arith.constant 176 : index
        %get3A_678 = tpu.vector_load %arg11[%get3A_675, %get3A_676, %get3A_677] {strides = array<i32>} : memref<2x16x384xi32, #tpu.memory_space<vmem>>, vector<16xi32>,
        %bitcast3A_679 = vector.bitcast %get3A_678 : vector<16xi32> to vector<32xbf16>
        %mul3A_680 = arith.mulf %pack3A, %bitcast3A_667 : vector<32xbf16>
        %add3A_681 = arith.addf %bitcast3A_679, %mul3A_680 : vector<32xbf16>
        %mul3A_682 = arith.mulf %pack3A_290, %bitcast3A_673 : vector<32xbf16>
        %add3A_683 = arith.addf %add3A_681, %mul3A_682 : vector<32xbf16>
        %unpack3A_684 = tpu.unpack_subelements %add3A_683, 0 {pack_format = #tpu.pack_format<interleaved>} : vector<32xbf16> -> vector<16xf32>
        %unpack3A_685 = tpu.unpack_subelements %add3A_683, 1 {pack_format = #tpu.pack_format<interleaved>} : vector<32xbf16> -> vector<16xf32>
        %swap3A_686 = arith.constant 0 : i32
        %swap3A_687 = arith.index_cast %swap3A_686 : i32 to index
        %swap3A_688 = arith.index_cast %scan3A_268 : i32 to index
        %swap3A_689 = arith.constant 176 : index
        %swap3A_690 = tpu.vector_load %arg12[%swap3A_687, %swap3A_688, %swap3A_689] {strides = array<i32>} : memref<2x16x768xf32, #tpu.memory_space<vmem>>, vector<16xf32>,
        tpu.vector_store %arg12[%swap3A_687, %swap3A_688, %swap3A_689], %unpack3A_684 {strides = array<i32>} : memref<2x16x768xf32, #tpu.memory_space<vmem>>, vector<16xf32>,
        %swap3A_691 = arith.constant 0 : i32
        %swap3A_692 = arith.index_cast %swap3A_691 : i32 to index
        %swap3A_693 = arith.index_cast %scan3A_268 : i32 to index
        %swap3A_694 = arith.constant 560 : index
        %swap3A_695 = tpu.vector_load %arg12[%swap3A_692, %swap3A_693, %swap3A_694] {strides = array<i32>} : memref<2x16x768xf32, #tpu.memory_space<vmem>>, vector<16xf32>,
        tpu.vector_store %arg12[%swap3A_692, %swap3A_693, %swap3A_694], %unpack3A_685 {strides = array<i32>} : memref<2x16x768xf32, #tpu.memory_space<vmem>>, vector<16xf32>,
        %get3A_696 = arith.constant 0 : i32
        %get3A_697 = arith.index_cast %get3A_696 : i32 to index
        %get3A_698 = arith.index_cast %scan3A_268 : i32 to index
        %get3A_699 = arith.constant 192 : index
        %get3A_700 = tpu.vector_load %arg9[%get3A_697, %get3A_698, %get3A_699] {strides = array<i32>} : memref<2x16x384xi32, #tpu.memory_space<vmem>>, vector<16xi32>,
        %bitcast3A_701 = vector.bitcast %get3A_700 : vector<16xi32> to vector<32xbf16>
        %get3A_702 = arith.constant 0 : i32
        %get3A_703 = arith.index_cast %get3A_702 : i32 to index
        %get3A_704 = arith.index_cast %scan3A_268 : i32 to index
        %get3A_705 = arith.constant 192 : index
        %get3A_706 = tpu.vector_load %arg10[%get3A_703, %get3A_704, %get3A_705] {strides = array<i32>} : memref<2x16x384xi32, #tpu.memory_space<vmem>>, vector<16xi32>,
        %bitcast3A_707 = vector.bitcast %get3A_706 : vector<16xi32> to vector<32xbf16>
        %get3A_708 = arith.constant 0 : i32
        %get3A_709 = arith.index_cast %get3A_708 : i32 to index
        %get3A_710 = arith.index_cast %scan3A_268 : i32 to index
        %get3A_711 = arith.constant 192 : index
        %get3A_712 = tpu.vector_load %arg11[%get3A_709, %get3A_710, %get3A_711] {strides = array<i32>} : memref<2x16x384xi32, #tpu.memory_space<vmem>>, vector<16xi32>,
        %bitcast3A_713 = vector.bitcast %get3A_712 : vector<16xi32> to vector<32xbf16>
        %mul3A_714 = arith.mulf %pack3A, %bitcast3A_701 : vector<32xbf16>
        %add3A_715 = arith.addf %bitcast3A_713, %mul3A_714 : vector<32xbf16>
        %mul3A_716 = arith.mulf %pack3A_290, %bitcast3A_707 : vector<32xbf16>
        %add3A_717 = arith.addf %add3A_715, %mul3A_716 : vector<32xbf16>
        %unpack3A_718 = tpu.unpack_subelements %add3A_717, 0 {pack_format = #tpu.pack_format<interleaved>} : vector<32xbf16> -> vector<16xf32>
        %unpack3A_719 = tpu.unpack_subelements %add3A_717, 1 {pack_format = #tpu.pack_format<interleaved>} : vector<32xbf16> -> vector<16xf32>
        %swap3A_720 = arith.constant 0 : i32
        %swap3A_721 = arith.index_cast %swap3A_720 : i32 to index
        %swap3A_722 = arith.index_cast %scan3A_268 : i32 to index
        %swap3A_723 = arith.constant 192 : index
        %swap3A_724 = tpu.vector_load %arg12[%swap3A_721, %swap3A_722, %swap3A_723] {strides = array<i32>} : memref<2x16x768xf32, #tpu.memory_space<vmem>>, vector<16xf32>,
        tpu.vector_store %arg12[%swap3A_721, %swap3A_722, %swap3A_723], %unpack3A_718 {strides = array<i32>} : memref<2x16x768xf32, #tpu.memory_space<vmem>>, vector<16xf32>,
        %swap3A_725 = arith.constant 0 : i32
        %swap3A_726 = arith.index_cast %swap3A_725 : i32 to index
        %swap3A_727 = arith.index_cast %scan3A_268 : i32 to index
        %swap3A_728 = arith.constant 576 : index
        %swap3A_729 = tpu.vector_load %arg12[%swap3A_726, %swap3A_727, %swap3A_728] {strides = array<i32>} : memref<2x16x768xf32, #tpu.memory_space<vmem>>, vector<16xf32>,
        tpu.vector_store %arg12[%swap3A_726, %swap3A_727, %swap3A_728], %unpack3A_719 {strides = array<i32>} : memref<2x16x768xf32, #tpu.memory_space<vmem>>, vector<16xf32>,
        %get3A_730 = arith.constant 0 : i32
        %get3A_731 = arith.index_cast %get3A_730 : i32 to index
        %get3A_732 = arith.index_cast %scan3A_268 : i32 to index
        %get3A_733 = arith.constant 208 : index
        %get3A_734 = tpu.vector_load %arg9[%get3A_731, %get3A_732, %get3A_733] {strides = array<i32>} : memref<2x16x384xi32, #tpu.memory_space<vmem>>, vector<16xi32>,
        %bitcast3A_735 = vector.bitcast %get3A_734 : vector<16xi32> to vector<32xbf16>
        %get3A_736 = arith.constant 0 : i32
        %get3A_737 = arith.index_cast %get3A_736 : i32 to index
        %get3A_738 = arith.index_cast %scan3A_268 : i32 to index
        %get3A_739 = arith.constant 208 : index
        %get3A_740 = tpu.vector_load %arg10[%get3A_737, %get3A_738, %get3A_739] {strides = array<i32>} : memref<2x16x384xi32, #tpu.memory_space<vmem>>, vector<16xi32>,
        %bitcast3A_741 = vector.bitcast %get3A_740 : vector<16xi32> to vector<32xbf16>
        %get3A_742 = arith.constant 0 : i32
        %get3A_743 = arith.index_cast %get3A_742 : i32 to index
        %get3A_744 = arith.index_cast %scan3A_268 : i32 to index
        %get3A_745 = arith.constant 208 : index
        %get3A_746 = tpu.vector_load %arg11[%get3A_743, %get3A_744, %get3A_745] {strides = array<i32>} : memref<2x16x384xi32, #tpu.memory_space<vmem>>, vector<16xi32>,
        %bitcast3A_747 = vector.bitcast %get3A_746 : vector<16xi32> to vector<32xbf16>
        %mul3A_748 = arith.mulf %pack3A, %bitcast3A_735 : vector<32xbf16>
        %add3A_749 = arith.addf %bitcast3A_747, %mul3A_748 : vector<32xbf16>
        %mul3A_750 = arith.mulf %pack3A_290, %bitcast3A_741 : vector<32xbf16>
        %add3A_751 = arith.addf %add3A_749, %mul3A_750 : vector<32xbf16>
        %unpack3A_752 = tpu.unpack_subelements %add3A_751, 0 {pack_format = #tpu.pack_format<interleaved>} : vector<32xbf16> -> vector<16xf32>
        %unpack3A_753 = tpu.unpack_subelements %add3A_751, 1 {pack_format = #tpu.pack_format<interleaved>} : vector<32xbf16> -> vector<16xf32>
        %swap3A_754 = arith.constant 0 : i32
        %swap3A_755 = arith.index_cast %swap3A_754 : i32 to index
        %swap3A_756 = arith.index_cast %scan3A_268 : i32 to index
        %swap3A_757 = arith.constant 208 : index
        %swap3A_758 = tpu.vector_load %arg12[%swap3A_755, %swap3A_756, %swap3A_757] {strides = array<i32>} : memref<2x16x768xf32, #tpu.memory_space<vmem>>, vector<16xf32>,
        tpu.vector_store %arg12[%swap3A_755, %swap3A_756, %swap3A_757], %unpack3A_752 {strides = array<i32>} : memref<2x16x768xf32, #tpu.memory_space<vmem>>, vector<16xf32>,
        %swap3A_759 = arith.constant 0 : i32
        %swap3A_760 = arith.index_cast %swap3A_759 : i32 to index
        %swap3A_761 = arith.index_cast %scan3A_268 : i32 to index
        %swap3A_762 = arith.constant 592 : index
        %swap3A_763 = tpu.vector_load %arg12[%swap3A_760, %swap3A_761, %swap3A_762] {strides = array<i32>} : memref<2x16x768xf32, #tpu.memory_space<vmem>>, vector<16xf32>,
        tpu.vector_store %arg12[%swap3A_760, %swap3A_761, %swap3A_762], %unpack3A_753 {strides = array<i32>} : memref<2x16x768xf32, #tpu.memory_space<vmem>>, vector<16xf32>,
        %get3A_764 = arith.constant 0 : i32
        %get3A_765 = arith.index_cast %get3A_764 : i32 to index
        %get3A_766 = arith.index_cast %scan3A_268 : i32 to index
        %get3A_767 = arith.constant 224 : index
        %get3A_768 = tpu.vector_load %arg9[%get3A_765, %get3A_766, %get3A_767] {strides = array<i32>} : memref<2x16x384xi32, #tpu.memory_space<vmem>>, vector<16xi32>,
        %bitcast3A_769 = vector.bitcast %get3A_768 : vector<16xi32> to vector<32xbf16>
        %get3A_770 = arith.constant 0 : i32
        %get3A_771 = arith.index_cast %get3A_770 : i32 to index
        %get3A_772 = arith.index_cast %scan3A_268 : i32 to index
        %get3A_773 = arith.constant 224 : index
        %get3A_774 = tpu.vector_load %arg10[%get3A_771, %get3A_772, %get3A_773] {strides = array<i32>} : memref<2x16x384xi32, #tpu.memory_space<vmem>>, vector<16xi32>,
        %bitcast3A_775 = vector.bitcast %get3A_774 : vector<16xi32> to vector<32xbf16>
        %get3A_776 = arith.constant 0 : i32
        %get3A_777 = arith.index_cast %get3A_776 : i32 to index
        %get3A_778 = arith.index_cast %scan3A_268 : i32 to index
        %get3A_779 = arith.constant 224 : index
        %get3A_780 = tpu.vector_load %arg11[%get3A_777, %get3A_778, %get3A_779] {strides = array<i32>} : memref<2x16x384xi32, #tpu.memory_space<vmem>>, vector<16xi32>,
        %bitcast3A_781 = vector.bitcast %get3A_780 : vector<16xi32> to vector<32xbf16>
        %mul3A_782 = arith.mulf %pack3A, %bitcast3A_769 : vector<32xbf16>
        %add3A_783 = arith.addf %bitcast3A_781, %mul3A_782 : vector<32xbf16>
        %mul3A_784 = arith.mulf %pack3A_290, %bitcast3A_775 : vector<32xbf16>
        %add3A_785 = arith.addf %add3A_783, %mul3A_784 : vector<32xbf16>
        %unpack3A_786 = tpu.unpack_subelements %add3A_785, 0 {pack_format = #tpu.pack_format<interleaved>} : vector<32xbf16> -> vector<16xf32>
        %unpack3A_787 = tpu.unpack_subelements %add3A_785, 1 {pack_format = #tpu.pack_format<interleaved>} : vector<32xbf16> -> vector<16xf32>
        %swap3A_788 = arith.constant 0 : i32
        %swap3A_789 = arith.index_cast %swap3A_788 : i32 to index
        %swap3A_790 = arith.index_cast %scan3A_268 : i32 to index
        %swap3A_791 = arith.constant 224 : index
        %swap3A_792 = tpu.vector_load %arg12[%swap3A_789, %swap3A_790, %swap3A_791] {strides = array<i32>} : memref<2x16x768xf32, #tpu.memory_space<vmem>>, vector<16xf32>,
        tpu.vector_store %arg12[%swap3A_789, %swap3A_790, %swap3A_791], %unpack3A_786 {strides = array<i32>} : memref<2x16x768xf32, #tpu.memory_space<vmem>>, vector<16xf32>,
        %swap3A_793 = arith.constant 0 : i32
        %swap3A_794 = arith.index_cast %swap3A_793 : i32 to index
        %swap3A_795 = arith.index_cast %scan3A_268 : i32 to index
        %swap3A_796 = arith.constant 608 : index
        %swap3A_797 = tpu.vector_load %arg12[%swap3A_794, %swap3A_795, %swap3A_796] {strides = array<i32>} : memref<2x16x768xf32, #tpu.memory_space<vmem>>, vector<16xf32>,
        tpu.vector_store %arg12[%swap3A_794, %swap3A_795, %swap3A_796], %unpack3A_787 {strides = array<i32>} : memref<2x16x768xf32, #tpu.memory_space<vmem>>, vector<16xf32>,
        %get3A_798 = arith.constant 0 : i32
        %get3A_799 = arith.index_cast %get3A_798 : i32 to index
        %get3A_800 = arith.index_cast %scan3A_268 : i32 to index
        %get3A_801 = arith.constant 240 : index
        %get3A_802 = tpu.vector_load %arg9[%get3A_799, %get3A_800, %get3A_801] {strides = array<i32>} : memref<2x16x384xi32, #tpu.memory_space<vmem>>, vector<16xi32>,
        %bitcast3A_803 = vector.bitcast %get3A_802 : vector<16xi32> to vector<32xbf16>
        %get3A_804 = arith.constant 0 : i32
        %get3A_805 = arith.index_cast %get3A_804 : i32 to index
        %get3A_806 = arith.index_cast %scan3A_268 : i32 to index
        %get3A_807 = arith.constant 240 : index
        %get3A_808 = tpu.vector_load %arg10[%get3A_805, %get3A_806, %get3A_807] {strides = array<i32>} : memref<2x16x384xi32, #tpu.memory_space<vmem>>, vector<16xi32>,
        %bitcast3A_809 = vector.bitcast %get3A_808 : vector<16xi32> to vector<32xbf16>
        %get3A_810 = arith.constant 0 : i32
        %get3A_811 = arith.index_cast %get3A_810 : i32 to index
        %get3A_812 = arith.index_cast %scan3A_268 : i32 to index
        %get3A_813 = arith.constant 240 : index
        %get3A_814 = tpu.vector_load %arg11[%get3A_811, %get3A_812, %get3A_813] {strides = array<i32>} : memref<2x16x384xi32, #tpu.memory_space<vmem>>, vector<16xi32>,
        %bitcast3A_815 = vector.bitcast %get3A_814 : vector<16xi32> to vector<32xbf16>
        %mul3A_816 = arith.mulf %pack3A, %bitcast3A_803 : vector<32xbf16>
        %add3A_817 = arith.addf %bitcast3A_815, %mul3A_816 : vector<32xbf16>
        %mul3A_818 = arith.mulf %pack3A_290, %bitcast3A_809 : vector<32xbf16>
        %add3A_819 = arith.addf %add3A_817, %mul3A_818 : vector<32xbf16>
        %unpack3A_820 = tpu.unpack_subelements %add3A_819, 0 {pack_format = #tpu.pack_format<interleaved>} : vector<32xbf16> -> vector<16xf32>
        %unpack3A_821 = tpu.unpack_subelements %add3A_819, 1 {pack_format = #tpu.pack_format<interleaved>} : vector<32xbf16> -> vector<16xf32>
        %swap3A_822 = arith.constant 0 : i32
        %swap3A_823 = arith.index_cast %swap3A_822 : i32 to index
        %swap3A_824 = arith.index_cast %scan3A_268 : i32 to index
        %swap3A_825 = arith.constant 240 : index
        %swap3A_826 = tpu.vector_load %arg12[%swap3A_823, %swap3A_824, %swap3A_825] {strides = array<i32>} : memref<2x16x768xf32, #tpu.memory_space<vmem>>, vector<16xf32>,
        tpu.vector_store %arg12[%swap3A_823, %swap3A_824, %swap3A_825], %unpack3A_820 {strides = array<i32>} : memref<2x16x768xf32, #tpu.memory_space<vmem>>, vector<16xf32>,
        %swap3A_827 = arith.constant 0 : i32
        %swap3A_828 = arith.index_cast %swap3A_827 : i32 to index
        %swap3A_829 = arith.index_cast %scan3A_268 : i32 to index
        %swap3A_830 = arith.constant 624 : index
        %swap3A_831 = tpu.vector_load %arg12[%swap3A_828, %swap3A_829, %swap3A_830] {strides = array<i32>} : memref<2x16x768xf32, #tpu.memory_space<vmem>>, vector<16xf32>,
        tpu.vector_store %arg12[%swap3A_828, %swap3A_829, %swap3A_830], %unpack3A_821 {strides = array<i32>} : memref<2x16x768xf32, #tpu.memory_space<vmem>>, vector<16xf32>,
        %get3A_832 = arith.constant 0 : i32
        %get3A_833 = arith.index_cast %get3A_832 : i32 to index
        %get3A_834 = arith.index_cast %scan3A_268 : i32 to index
        %get3A_835 = arith.constant 256 : index
        %get3A_836 = tpu.vector_load %arg9[%get3A_833, %get3A_834, %get3A_835] {strides = array<i32>} : memref<2x16x384xi32, #tpu.memory_space<vmem>>, vector<16xi32>,
        %bitcast3A_837 = vector.bitcast %get3A_836 : vector<16xi32> to vector<32xbf16>
        %get3A_838 = arith.constant 0 : i32
        %get3A_839 = arith.index_cast %get3A_838 : i32 to index
        %get3A_840 = arith.index_cast %scan3A_268 : i32 to index
        %get3A_841 = arith.constant 256 : index
        %get3A_842 = tpu.vector_load %arg10[%get3A_839, %get3A_840, %get3A_841] {strides = array<i32>} : memref<2x16x384xi32, #tpu.memory_space<vmem>>, vector<16xi32>,
        %bitcast3A_843 = vector.bitcast %get3A_842 : vector<16xi32> to vector<32xbf16>
        %get3A_844 = arith.constant 0 : i32
        %get3A_845 = arith.index_cast %get3A_844 : i32 to index
        %get3A_846 = arith.index_cast %scan3A_268 : i32 to index
        %get3A_847 = arith.constant 256 : index
        %get3A_848 = tpu.vector_load %arg11[%get3A_845, %get3A_846, %get3A_847] {strides = array<i32>} : memref<2x16x384xi32, #tpu.memory_space<vmem>>, vector<16xi32>,
        %bitcast3A_849 = vector.bitcast %get3A_848 : vector<16xi32> to vector<32xbf16>
        %mul3A_850 = arith.mulf %pack3A, %bitcast3A_837 : vector<32xbf16>
        %add3A_851 = arith.addf %bitcast3A_849, %mul3A_850 : vector<32xbf16>
        %mul3A_852 = arith.mulf %pack3A_290, %bitcast3A_843 : vector<32xbf16>
        %add3A_853 = arith.addf %add3A_851, %mul3A_852 : vector<32xbf16>
        %unpack3A_854 = tpu.unpack_subelements %add3A_853, 0 {pack_format = #tpu.pack_format<interleaved>} : vector<32xbf16> -> vector<16xf32>
        %unpack3A_855 = tpu.unpack_subelements %add3A_853, 1 {pack_format = #tpu.pack_format<interleaved>} : vector<32xbf16> -> vector<16xf32>
        %swap3A_856 = arith.constant 0 : i32
        %swap3A_857 = arith.index_cast %swap3A_856 : i32 to index
        %swap3A_858 = arith.index_cast %scan3A_268 : i32 to index
        %swap3A_859 = arith.constant 256 : index
        %swap3A_860 = tpu.vector_load %arg12[%swap3A_857, %swap3A_858, %swap3A_859] {strides = array<i32>} : memref<2x16x768xf32, #tpu.memory_space<vmem>>, vector<16xf32>,
        tpu.vector_store %arg12[%swap3A_857, %swap3A_858, %swap3A_859], %unpack3A_854 {strides = array<i32>} : memref<2x16x768xf32, #tpu.memory_space<vmem>>, vector<16xf32>,
        %swap3A_861 = arith.constant 0 : i32
        %swap3A_862 = arith.index_cast %swap3A_861 : i32 to index
        %swap3A_863 = arith.index_cast %scan3A_268 : i32 to index
        %swap3A_864 = arith.constant 640 : index
        %swap3A_865 = tpu.vector_load %arg12[%swap3A_862, %swap3A_863, %swap3A_864] {strides = array<i32>} : memref<2x16x768xf32, #tpu.memory_space<vmem>>, vector<16xf32>,
        tpu.vector_store %arg12[%swap3A_862, %swap3A_863, %swap3A_864], %unpack3A_855 {strides = array<i32>} : memref<2x16x768xf32, #tpu.memory_space<vmem>>, vector<16xf32>,
        %get3A_866 = arith.constant 0 : i32
        %get3A_867 = arith.index_cast %get3A_866 : i32 to index
        %get3A_868 = arith.index_cast %scan3A_268 : i32 to index
        %get3A_869 = arith.constant 272 : index
        %get3A_870 = tpu.vector_load %arg9[%get3A_867, %get3A_868, %get3A_869] {strides = array<i32>} : memref<2x16x384xi32, #tpu.memory_space<vmem>>, vector<16xi32>,
        %bitcast3A_871 = vector.bitcast %get3A_870 : vector<16xi32> to vector<32xbf16>
        %get3A_872 = arith.constant 0 : i32
        %get3A_873 = arith.index_cast %get3A_872 : i32 to index
        %get3A_874 = arith.index_cast %scan3A_268 : i32 to index
        %get3A_875 = arith.constant 272 : index
        %get3A_876 = tpu.vector_load %arg10[%get3A_873, %get3A_874, %get3A_875] {strides = array<i32>} : memref<2x16x384xi32, #tpu.memory_space<vmem>>, vector<16xi32>,
        %bitcast3A_877 = vector.bitcast %get3A_876 : vector<16xi32> to vector<32xbf16>
        %get3A_878 = arith.constant 0 : i32
        %get3A_879 = arith.index_cast %get3A_878 : i32 to index
        %get3A_880 = arith.index_cast %scan3A_268 : i32 to index
        %get3A_881 = arith.constant 272 : index
        %get3A_882 = tpu.vector_load %arg11[%get3A_879, %get3A_880, %get3A_881] {strides = array<i32>} : memref<2x16x384xi32, #tpu.memory_space<vmem>>, vector<16xi32>,
        %bitcast3A_883 = vector.bitcast %get3A_882 : vector<16xi32> to vector<32xbf16>
        %mul3A_884 = arith.mulf %pack3A, %bitcast3A_871 : vector<32xbf16>
        %add3A_885 = arith.addf %bitcast3A_883, %mul3A_884 : vector<32xbf16>
        %mul3A_886 = arith.mulf %pack3A_290, %bitcast3A_877 : vector<32xbf16>
        %add3A_887 = arith.addf %add3A_885, %mul3A_886 : vector<32xbf16>
        %unpack3A_888 = tpu.unpack_subelements %add3A_887, 0 {pack_format = #tpu.pack_format<interleaved>} : vector<32xbf16> -> vector<16xf32>
        %unpack3A_889 = tpu.unpack_subelements %add3A_887, 1 {pack_format = #tpu.pack_format<interleaved>} : vector<32xbf16> -> vector<16xf32>
        %swap3A_890 = arith.constant 0 : i32
        %swap3A_891 = arith.index_cast %swap3A_890 : i32 to index
        %swap3A_892 = arith.index_cast %scan3A_268 : i32 to index
        %swap3A_893 = arith.constant 272 : index
        %swap3A_894 = tpu.vector_load %arg12[%swap3A_891, %swap3A_892, %swap3A_893] {strides = array<i32>} : memref<2x16x768xf32, #tpu.memory_space<vmem>>, vector<16xf32>,
        tpu.vector_store %arg12[%swap3A_891, %swap3A_892, %swap3A_893], %unpack3A_888 {strides = array<i32>} : memref<2x16x768xf32, #tpu.memory_space<vmem>>, vector<16xf32>,
        %swap3A_895 = arith.constant 0 : i32
        %swap3A_896 = arith.index_cast %swap3A_895 : i32 to index
        %swap3A_897 = arith.index_cast %scan3A_268 : i32 to index
        %swap3A_898 = arith.constant 656 : index
        %swap3A_899 = tpu.vector_load %arg12[%swap3A_896, %swap3A_897, %swap3A_898] {strides = array<i32>} : memref<2x16x768xf32, #tpu.memory_space<vmem>>, vector<16xf32>,
        tpu.vector_store %arg12[%swap3A_896, %swap3A_897, %swap3A_898], %unpack3A_889 {strides = array<i32>} : memref<2x16x768xf32, #tpu.memory_space<vmem>>, vector<16xf32>,
        %get3A_900 = arith.constant 0 : i32
        %get3A_901 = arith.index_cast %get3A_900 : i32 to index
        %get3A_902 = arith.index_cast %scan3A_268 : i32 to index
        %get3A_903 = arith.constant 288 : index
        %get3A_904 = tpu.vector_load %arg9[%get3A_901, %get3A_902, %get3A_903] {strides = array<i32>} : memref<2x16x384xi32, #tpu.memory_space<vmem>>, vector<16xi32>,
        %bitcast3A_905 = vector.bitcast %get3A_904 : vector<16xi32> to vector<32xbf16>
        %get3A_906 = arith.constant 0 : i32
        %get3A_907 = arith.index_cast %get3A_906 : i32 to index
        %get3A_908 = arith.index_cast %scan3A_268 : i32 to index
        %get3A_909 = arith.constant 288 : index
        %get3A_910 = tpu.vector_load %arg10[%get3A_907, %get3A_908, %get3A_909] {strides = array<i32>} : memref<2x16x384xi32, #tpu.memory_space<vmem>>, vector<16xi32>,
        %bitcast3A_911 = vector.bitcast %get3A_910 : vector<16xi32> to vector<32xbf16>
        %get3A_912 = arith.constant 0 : i32
        %get3A_913 = arith.index_cast %get3A_912 : i32 to index
        %get3A_914 = arith.index_cast %scan3A_268 : i32 to index
        %get3A_915 = arith.constant 288 : index
        %get3A_916 = tpu.vector_load %arg11[%get3A_913, %get3A_914, %get3A_915] {strides = array<i32>} : memref<2x16x384xi32, #tpu.memory_space<vmem>>, vector<16xi32>,
        %bitcast3A_917 = vector.bitcast %get3A_916 : vector<16xi32> to vector<32xbf16>
        %mul3A_918 = arith.mulf %pack3A, %bitcast3A_905 : vector<32xbf16>
        %add3A_919 = arith.addf %bitcast3A_917, %mul3A_918 : vector<32xbf16>
        %mul3A_920 = arith.mulf %pack3A_290, %bitcast3A_911 : vector<32xbf16>
        %add3A_921 = arith.addf %add3A_919, %mul3A_920 : vector<32xbf16>
        %unpack3A_922 = tpu.unpack_subelements %add3A_921, 0 {pack_format = #tpu.pack_format<interleaved>} : vector<32xbf16> -> vector<16xf32>
        %unpack3A_923 = tpu.unpack_subelements %add3A_921, 1 {pack_format = #tpu.pack_format<interleaved>} : vector<32xbf16> -> vector<16xf32>
        %swap3A_924 = arith.constant 0 : i32
        %swap3A_925 = arith.index_cast %swap3A_924 : i32 to index
        %swap3A_926 = arith.index_cast %scan3A_268 : i32 to index
        %swap3A_927 = arith.constant 288 : index
        %swap3A_928 = tpu.vector_load %arg12[%swap3A_925, %swap3A_926, %swap3A_927] {strides = array<i32>} : memref<2x16x768xf32, #tpu.memory_space<vmem>>, vector<16xf32>,
        tpu.vector_store %arg12[%swap3A_925, %swap3A_926, %swap3A_927], %unpack3A_922 {strides = array<i32>} : memref<2x16x768xf32, #tpu.memory_space<vmem>>, vector<16xf32>,
        %swap3A_929 = arith.constant 0 : i32
        %swap3A_930 = arith.index_cast %swap3A_929 : i32 to index
        %swap3A_931 = arith.index_cast %scan3A_268 : i32 to index
        %swap3A_932 = arith.constant 672 : index
        %swap3A_933 = tpu.vector_load %arg12[%swap3A_930, %swap3A_931, %swap3A_932] {strides = array<i32>} : memref<2x16x768xf32, #tpu.memory_space<vmem>>, vector<16xf32>,
        tpu.vector_store %arg12[%swap3A_930, %swap3A_931, %swap3A_932], %unpack3A_923 {strides = array<i32>} : memref<2x16x768xf32, #tpu.memory_space<vmem>>, vector<16xf32>,
        %get3A_934 = arith.constant 0 : i32
        %get3A_935 = arith.index_cast %get3A_934 : i32 to index
        %get3A_936 = arith.index_cast %scan3A_268 : i32 to index
        %get3A_937 = arith.constant 304 : index
        %get3A_938 = tpu.vector_load %arg9[%get3A_935, %get3A_936, %get3A_937] {strides = array<i32>} : memref<2x16x384xi32, #tpu.memory_space<vmem>>, vector<16xi32>,
        %bitcast3A_939 = vector.bitcast %get3A_938 : vector<16xi32> to vector<32xbf16>
        %get3A_940 = arith.constant 0 : i32
        %get3A_941 = arith.index_cast %get3A_940 : i32 to index
        %get3A_942 = arith.index_cast %scan3A_268 : i32 to index
        %get3A_943 = arith.constant 304 : index
        %get3A_944 = tpu.vector_load %arg10[%get3A_941, %get3A_942, %get3A_943] {strides = array<i32>} : memref<2x16x384xi32, #tpu.memory_space<vmem>>, vector<16xi32>,
        %bitcast3A_945 = vector.bitcast %get3A_944 : vector<16xi32> to vector<32xbf16>
        %get3A_946 = arith.constant 0 : i32
        %get3A_947 = arith.index_cast %get3A_946 : i32 to index
        %get3A_948 = arith.index_cast %scan3A_268 : i32 to index
        %get3A_949 = arith.constant 304 : index
        %get3A_950 = tpu.vector_load %arg11[%get3A_947, %get3A_948, %get3A_949] {strides = array<i32>} : memref<2x16x384xi32, #tpu.memory_space<vmem>>, vector<16xi32>,
        %bitcast3A_951 = vector.bitcast %get3A_950 : vector<16xi32> to vector<32xbf16>
        %mul3A_952 = arith.mulf %pack3A, %bitcast3A_939 : vector<32xbf16>
        %add3A_953 = arith.addf %bitcast3A_951, %mul3A_952 : vector<32xbf16>
        %mul3A_954 = arith.mulf %pack3A_290, %bitcast3A_945 : vector<32xbf16>
        %add3A_955 = arith.addf %add3A_953, %mul3A_954 : vector<32xbf16>
        %unpack3A_956 = tpu.unpack_subelements %add3A_955, 0 {pack_format = #tpu.pack_format<interleaved>} : vector<32xbf16> -> vector<16xf32>
        %unpack3A_957 = tpu.unpack_subelements %add3A_955, 1 {pack_format = #tpu.pack_format<interleaved>} : vector<32xbf16> -> vector<16xf32>
        %swap3A_958 = arith.constant 0 : i32
        %swap3A_959 = arith.index_cast %swap3A_958 : i32 to index
        %swap3A_960 = arith.index_cast %scan3A_268 : i32 to index
        %swap3A_961 = arith.constant 304 : index
        %swap3A_962 = tpu.vector_load %arg12[%swap3A_959, %swap3A_960, %swap3A_961] {strides = array<i32>} : memref<2x16x768xf32, #tpu.memory_space<vmem>>, vector<16xf32>,
        tpu.vector_store %arg12[%swap3A_959, %swap3A_960, %swap3A_961], %unpack3A_956 {strides = array<i32>} : memref<2x16x768xf32, #tpu.memory_space<vmem>>, vector<16xf32>,
        %swap3A_963 = arith.constant 0 : i32
        %swap3A_964 = arith.index_cast %swap3A_963 : i32 to index
        %swap3A_965 = arith.index_cast %scan3A_268 : i32 to index
        %swap3A_966 = arith.constant 688 : index
        %swap3A_967 = tpu.vector_load %arg12[%swap3A_964, %swap3A_965, %swap3A_966] {strides = array<i32>} : memref<2x16x768xf32, #tpu.memory_space<vmem>>, vector<16xf32>,
        tpu.vector_store %arg12[%swap3A_964, %swap3A_965, %swap3A_966], %unpack3A_957 {strides = array<i32>} : memref<2x16x768xf32, #tpu.memory_space<vmem>>, vector<16xf32>,
        %get3A_968 = arith.constant 0 : i32
        %get3A_969 = arith.index_cast %get3A_968 : i32 to index
        %get3A_970 = arith.index_cast %scan3A_268 : i32 to index
        %get3A_971 = arith.constant 320 : index
        %get3A_972 = tpu.vector_load %arg9[%get3A_969, %get3A_970, %get3A_971] {strides = array<i32>} : memref<2x16x384xi32, #tpu.memory_space<vmem>>, vector<16xi32>,
        %bitcast3A_973 = vector.bitcast %get3A_972 : vector<16xi32> to vector<32xbf16>
        %get3A_974 = arith.constant 0 : i32
        %get3A_975 = arith.index_cast %get3A_974 : i32 to index
        %get3A_976 = arith.index_cast %scan3A_268 : i32 to index
        %get3A_977 = arith.constant 320 : index
        %get3A_978 = tpu.vector_load %arg10[%get3A_975, %get3A_976, %get3A_977] {strides = array<i32>} : memref<2x16x384xi32, #tpu.memory_space<vmem>>, vector<16xi32>,
        %bitcast3A_979 = vector.bitcast %get3A_978 : vector<16xi32> to vector<32xbf16>
        %get3A_980 = arith.constant 0 : i32
        %get3A_981 = arith.index_cast %get3A_980 : i32 to index
        %get3A_982 = arith.index_cast %scan3A_268 : i32 to index
        %get3A_983 = arith.constant 320 : index
        %get3A_984 = tpu.vector_load %arg11[%get3A_981, %get3A_982, %get3A_983] {strides = array<i32>} : memref<2x16x384xi32, #tpu.memory_space<vmem>>, vector<16xi32>,
        %bitcast3A_985 = vector.bitcast %get3A_984 : vector<16xi32> to vector<32xbf16>
        %mul3A_986 = arith.mulf %pack3A, %bitcast3A_973 : vector<32xbf16>
        %add3A_987 = arith.addf %bitcast3A_985, %mul3A_986 : vector<32xbf16>
        %mul3A_988 = arith.mulf %pack3A_290, %bitcast3A_979 : vector<32xbf16>
        %add3A_989 = arith.addf %add3A_987, %mul3A_988 : vector<32xbf16>
        %unpack3A_990 = tpu.unpack_subelements %add3A_989, 0 {pack_format = #tpu.pack_format<interleaved>} : vector<32xbf16> -> vector<16xf32>
        %unpack3A_991 = tpu.unpack_subelements %add3A_989, 1 {pack_format = #tpu.pack_format<interleaved>} : vector<32xbf16> -> vector<16xf32>
        %swap3A_992 = arith.constant 0 : i32
        %swap3A_993 = arith.index_cast %swap3A_992 : i32 to index
        %swap3A_994 = arith.index_cast %scan3A_268 : i32 to index
        %swap3A_995 = arith.constant 320 : index
        %swap3A_996 = tpu.vector_load %arg12[%swap3A_993, %swap3A_994, %swap3A_995] {strides = array<i32>} : memref<2x16x768xf32, #tpu.memory_space<vmem>>, vector<16xf32>,
        tpu.vector_store %arg12[%swap3A_993, %swap3A_994, %swap3A_995], %unpack3A_990 {strides = array<i32>} : memref<2x16x768xf32, #tpu.memory_space<vmem>>, vector<16xf32>,
        %swap3A_997 = arith.constant 0 : i32
        %swap3A_998 = arith.index_cast %swap3A_997 : i32 to index
        %swap3A_999 = arith.index_cast %scan3A_268 : i32 to index
        %swap3A_1000 = arith.constant 704 : index
        %swap3A_1001 = tpu.vector_load %arg12[%swap3A_998, %swap3A_999, %swap3A_1000] {strides = array<i32>} : memref<2x16x768xf32, #tpu.memory_space<vmem>>, vector<16xf32>,
        tpu.vector_store %arg12[%swap3A_998, %swap3A_999, %swap3A_1000], %unpack3A_991 {strides = array<i32>} : memref<2x16x768xf32, #tpu.memory_space<vmem>>, vector<16xf32>,
        %get3A_1002 = arith.constant 0 : i32
        %get3A_1003 = arith.index_cast %get3A_1002 : i32 to index
        %get3A_1004 = arith.index_cast %scan3A_268 : i32 to index
        %get3A_1005 = arith.constant 336 : index
        %get3A_1006 = tpu.vector_load %arg9[%get3A_1003, %get3A_1004, %get3A_1005] {strides = array<i32>} : memref<2x16x384xi32, #tpu.memory_space<vmem>>, vector<16xi32>,
        %bitcast3A_1007 = vector.bitcast %get3A_1006 : vector<16xi32> to vector<32xbf16>
        %get3A_1008 = arith.constant 0 : i32
        %get3A_1009 = arith.index_cast %get3A_1008 : i32 to index
        %get3A_1010 = arith.index_cast %scan3A_268 : i32 to index
        %get3A_1011 = arith.constant 336 : index
        %get3A_1012 = tpu.vector_load %arg10[%get3A_1009, %get3A_1010, %get3A_1011] {strides = array<i32>} : memref<2x16x384xi32, #tpu.memory_space<vmem>>, vector<16xi32>,
        %bitcast3A_1013 = vector.bitcast %get3A_1012 : vector<16xi32> to vector<32xbf16>
        %get3A_1014 = arith.constant 0 : i32
        %get3A_1015 = arith.index_cast %get3A_1014 : i32 to index
        %get3A_1016 = arith.index_cast %scan3A_268 : i32 to index
        %get3A_1017 = arith.constant 336 : index
        %get3A_1018 = tpu.vector_load %arg11[%get3A_1015, %get3A_1016, %get3A_1017] {strides = array<i32>} : memref<2x16x384xi32, #tpu.memory_space<vmem>>, vector<16xi32>,
        %bitcast3A_1019 = vector.bitcast %get3A_1018 : vector<16xi32> to vector<32xbf16>
        %mul3A_1020 = arith.mulf %pack3A, %bitcast3A_1007 : vector<32xbf16>
        %add3A_1021 = arith.addf %bitcast3A_1019, %mul3A_1020 : vector<32xbf16>
        %mul3A_1022 = arith.mulf %pack3A_290, %bitcast3A_1013 : vector<32xbf16>
        %add3A_1023 = arith.addf %add3A_1021, %mul3A_1022 : vector<32xbf16>
        %unpack3A_1024 = tpu.unpack_subelements %add3A_1023, 0 {pack_format = #tpu.pack_format<interleaved>} : vector<32xbf16> -> vector<16xf32>
        %unpack3A_1025 = tpu.unpack_subelements %add3A_1023, 1 {pack_format = #tpu.pack_format<interleaved>} : vector<32xbf16> -> vector<16xf32>
        %swap3A_1026 = arith.constant 0 : i32
        %swap3A_1027 = arith.index_cast %swap3A_1026 : i32 to index
        %swap3A_1028 = arith.index_cast %scan3A_268 : i32 to index
        %swap3A_1029 = arith.constant 336 : index
        %swap3A_1030 = tpu.vector_load %arg12[%swap3A_1027, %swap3A_1028, %swap3A_1029] {strides = array<i32>} : memref<2x16x768xf32, #tpu.memory_space<vmem>>, vector<16xf32>,
        tpu.vector_store %arg12[%swap3A_1027, %swap3A_1028, %swap3A_1029], %unpack3A_1024 {strides = array<i32>} : memref<2x16x768xf32, #tpu.memory_space<vmem>>, vector<16xf32>,
        %swap3A_1031 = arith.constant 0 : i32
        %swap3A_1032 = arith.index_cast %swap3A_1031 : i32 to index
        %swap3A_1033 = arith.index_cast %scan3A_268 : i32 to index
        %swap3A_1034 = arith.constant 720 : index
        %swap3A_1035 = tpu.vector_load %arg12[%swap3A_1032, %swap3A_1033, %swap3A_1034] {strides = array<i32>} : memref<2x16x768xf32, #tpu.memory_space<vmem>>, vector<16xf32>,
        tpu.vector_store %arg12[%swap3A_1032, %swap3A_1033, %swap3A_1034], %unpack3A_1025 {strides = array<i32>} : memref<2x16x768xf32, #tpu.memory_space<vmem>>, vector<16xf32>,
        %get3A_1036 = arith.constant 0 : i32
        %get3A_1037 = arith.index_cast %get3A_1036 : i32 to index
        %get3A_1038 = arith.index_cast %scan3A_268 : i32 to index
        %get3A_1039 = arith.constant 352 : index
        %get3A_1040 = tpu.vector_load %arg9[%get3A_1037, %get3A_1038, %get3A_1039] {strides = array<i32>} : memref<2x16x384xi32, #tpu.memory_space<vmem>>, vector<16xi32>,
        %bitcast3A_1041 = vector.bitcast %get3A_1040 : vector<16xi32> to vector<32xbf16>
        %get3A_1042 = arith.constant 0 : i32
        %get3A_1043 = arith.index_cast %get3A_1042 : i32 to index
        %get3A_1044 = arith.index_cast %scan3A_268 : i32 to index
        %get3A_1045 = arith.constant 352 : index
        %get3A_1046 = tpu.vector_load %arg10[%get3A_1043, %get3A_1044, %get3A_1045] {strides = array<i32>} : memref<2x16x384xi32, #tpu.memory_space<vmem>>, vector<16xi32>,
        %bitcast3A_1047 = vector.bitcast %get3A_1046 : vector<16xi32> to vector<32xbf16>
        %get3A_1048 = arith.constant 0 : i32
        %get3A_1049 = arith.index_cast %get3A_1048 : i32 to index
        %get3A_1050 = arith.index_cast %scan3A_268 : i32 to index
        %get3A_1051 = arith.constant 352 : index
        %get3A_1052 = tpu.vector_load %arg11[%get3A_1049, %get3A_1050, %get3A_1051] {strides = array<i32>} : memref<2x16x384xi32, #tpu.memory_space<vmem>>, vector<16xi32>,
        %bitcast3A_1053 = vector.bitcast %get3A_1052 : vector<16xi32> to vector<32xbf16>
        %mul3A_1054 = arith.mulf %pack3A, %bitcast3A_1041 : vector<32xbf16>
        %add3A_1055 = arith.addf %bitcast3A_1053, %mul3A_1054 : vector<32xbf16>
        %mul3A_1056 = arith.mulf %pack3A_290, %bitcast3A_1047 : vector<32xbf16>
        %add3A_1057 = arith.addf %add3A_1055, %mul3A_1056 : vector<32xbf16>
        %unpack3A_1058 = tpu.unpack_subelements %add3A_1057, 0 {pack_format = #tpu.pack_format<interleaved>} : vector<32xbf16> -> vector<16xf32>
        %unpack3A_1059 = tpu.unpack_subelements %add3A_1057, 1 {pack_format = #tpu.pack_format<interleaved>} : vector<32xbf16> -> vector<16xf32>
        %swap3A_1060 = arith.constant 0 : i32
        %swap3A_1061 = arith.index_cast %swap3A_1060 : i32 to index
        %swap3A_1062 = arith.index_cast %scan3A_268 : i32 to index
        %swap3A_1063 = arith.constant 352 : index
        %swap3A_1064 = tpu.vector_load %arg12[%swap3A_1061, %swap3A_1062, %swap3A_1063] {strides = array<i32>} : memref<2x16x768xf32, #tpu.memory_space<vmem>>, vector<16xf32>,
        tpu.vector_store %arg12[%swap3A_1061, %swap3A_1062, %swap3A_1063], %unpack3A_1058 {strides = array<i32>} : memref<2x16x768xf32, #tpu.memory_space<vmem>>, vector<16xf32>,
        %swap3A_1065 = arith.constant 0 : i32
        %swap3A_1066 = arith.index_cast %swap3A_1065 : i32 to index
        %swap3A_1067 = arith.index_cast %scan3A_268 : i32 to index
        %swap3A_1068 = arith.constant 736 : index
        %swap3A_1069 = tpu.vector_load %arg12[%swap3A_1066, %swap3A_1067, %swap3A_1068] {strides = array<i32>} : memref<2x16x768xf32, #tpu.memory_space<vmem>>, vector<16xf32>,
        tpu.vector_store %arg12[%swap3A_1066, %swap3A_1067, %swap3A_1068], %unpack3A_1059 {strides = array<i32>} : memref<2x16x768xf32, #tpu.memory_space<vmem>>, vector<16xf32>,
        %get3A_1070 = arith.constant 0 : i32
        %get3A_1071 = arith.index_cast %get3A_1070 : i32 to index
        %get3A_1072 = arith.index_cast %scan3A_268 : i32 to index
        %get3A_1073 = arith.constant 368 : index
        %get3A_1074 = tpu.vector_load %arg9[%get3A_1071, %get3A_1072, %get3A_1073] {strides = array<i32>} : memref<2x16x384xi32, #tpu.memory_space<vmem>>, vector<16xi32>,
        %bitcast3A_1075 = vector.bitcast %get3A_1074 : vector<16xi32> to vector<32xbf16>
        %get3A_1076 = arith.constant 0 : i32
        %get3A_1077 = arith.index_cast %get3A_1076 : i32 to index
        %get3A_1078 = arith.index_cast %scan3A_268 : i32 to index
        %get3A_1079 = arith.constant 368 : index
        %get3A_1080 = tpu.vector_load %arg10[%get3A_1077, %get3A_1078, %get3A_1079] {strides = array<i32>} : memref<2x16x384xi32, #tpu.memory_space<vmem>>, vector<16xi32>,
        %bitcast3A_1081 = vector.bitcast %get3A_1080 : vector<16xi32> to vector<32xbf16>
        %get3A_1082 = arith.constant 0 : i32
        %get3A_1083 = arith.index_cast %get3A_1082 : i32 to index
        %get3A_1084 = arith.index_cast %scan3A_268 : i32 to index
        %get3A_1085 = arith.constant 368 : index
        %get3A_1086 = tpu.vector_load %arg11[%get3A_1083, %get3A_1084, %get3A_1085] {strides = array<i32>} : memref<2x16x384xi32, #tpu.memory_space<vmem>>, vector<16xi32>,
        %bitcast3A_1087 = vector.bitcast %get3A_1086 : vector<16xi32> to vector<32xbf16>
        %mul3A_1088 = arith.mulf %pack3A, %bitcast3A_1075 : vector<32xbf16>
        %add3A_1089 = arith.addf %bitcast3A_1087, %mul3A_1088 : vector<32xbf16>
        %mul3A_1090 = arith.mulf %pack3A_290, %bitcast3A_1081 : vector<32xbf16>
        %add3A_1091 = arith.addf %add3A_1089, %mul3A_1090 : vector<32xbf16>
        %unpack3A_1092 = tpu.unpack_subelements %add3A_1091, 0 {pack_format = #tpu.pack_format<interleaved>} : vector<32xbf16> -> vector<16xf32>
        %unpack3A_1093 = tpu.unpack_subelements %add3A_1091, 1 {pack_format = #tpu.pack_format<interleaved>} : vector<32xbf16> -> vector<16xf32>
        %swap3A_1094 = arith.constant 0 : i32
        %swap3A_1095 = arith.index_cast %swap3A_1094 : i32 to index
        %swap3A_1096 = arith.index_cast %scan3A_268 : i32 to index
        %swap3A_1097 = arith.constant 368 : index
        %swap3A_1098 = tpu.vector_load %arg12[%swap3A_1095, %swap3A_1096, %swap3A_1097] {strides = array<i32>} : memref<2x16x768xf32, #tpu.memory_space<vmem>>, vector<16xf32>,
        tpu.vector_store %arg12[%swap3A_1095, %swap3A_1096, %swap3A_1097], %unpack3A_1092 {strides = array<i32>} : memref<2x16x768xf32, #tpu.memory_space<vmem>>, vector<16xf32>,
        %swap3A_1099 = arith.constant 0 : i32
        %swap3A_1100 = arith.index_cast %swap3A_1099 : i32 to index
        %swap3A_1101 = arith.index_cast %scan3A_268 : i32 to index
        %swap3A_1102 = arith.constant 752 : index
        %swap3A_1103 = tpu.vector_load %arg12[%swap3A_1100, %swap3A_1101, %swap3A_1102] {strides = array<i32>} : memref<2x16x768xf32, #tpu.memory_space<vmem>>, vector<16xf32>,
        tpu.vector_store %arg12[%swap3A_1100, %swap3A_1101, %swap3A_1102], %unpack3A_1093 {strides = array<i32>} : memref<2x16x768xf32, #tpu.memory_space<vmem>>, vector<16xf32>,
      }
      %scan3A_171 = arith.constant 16 : i32
      %mul3A_172 = arith.constant 16 : i32
      %mul3A_173 = arith.muli %mul3A_74, %mul3A_172 : i32
      %add3A_174 = arith.addi %mul3A_4, %mul3A_173 : i32
      %dma_start3A_175 = arith.constant 0 : i32
      %dma_start3A_176 = arith.constant 0 : i32
      %dma_start3A_177 = arith.constant 0 : i32
      %dma_start3A_178 = tpu.memref_slice %arg12[%dma_start3A_175, %dma_start3A_176, %dma_start3A_177] : memref<2x16x768xf32, #tpu.memory_space<vmem>> -> memref<1x16x768xf32, #tpu.memory_space<vmem>>
      %dma_start3A_179 = tpu.memref_squeeze %dma_start3A_178 : memref<1x16x768xf32, #tpu.memory_space<vmem>> -> memref<16x768xf32, #tpu.memory_space<vmem>>
      %dma_start3A_180 = arith.constant 0 : i32
      %dma_start3A_181 = tpu.memref_slice %arg6[%add3A_174, %dma_start3A_180] : memref<8192x768xf32, #tpu.memory_space<hbm>> -> memref<16x768xf32, #tpu.memory_space<hbm>>
      %dma_start3A_182 = arith.constant 0 : i32
      %dma_start3A_183 = tpu.memref_slice %arg6[%add3A_174, %dma_start3A_182] : memref<8192x768xf32, #tpu.memory_space<hbm>> -> memref<16x768xf32, #tpu.memory_space<hbm>>
      %dma_start3A_184 = arith.constant 0 : i32
      %dma_start3A_185 = arith.constant 0 : i32
      %dma_start3A_186 = tpu.memref_slice %arg12[%dma_start3A_175, %dma_start3A_184, %dma_start3A_185] : memref<2x16x768xf32, #tpu.memory_space<vmem>> -> memref<1x16x768xf32, #tpu.memory_space<vmem>>
      %dma_start3A_187 = tpu.memref_squeeze %dma_start3A_186 : memref<1x16x768xf32, #tpu.memory_space<vmem>> -> memref<16x768xf32, #tpu.memory_space<vmem>>
      tpu.enqueue_dma source(%dma_start3A_187 : memref<16x768xf32, #tpu.memory_space<vmem>>) target(%dma_start3A_183 : memref<16x768xf32, #tpu.memory_space<hbm>>) target_semaphore(%arg14 : memref<!tpu.dma_semaphore, #tpu.memory_space<semaphore_mem>>)
      %lt3A = arith.constant 7 : i32
      %lt3A_188 = arith.cmpi slt, %scan3A_72, %lt3A : i32
      %convert_element_type3A_189 = arith.extui %lt3A_188 : i1 to i32
      %cond3A_190 = arith.constant 0 : i32
      %cond3A_191 = arith.cmpi ne, %convert_element_type3A_189, %cond3A_190 : i32
      scf.if %cond3A_191 {
        %add3A_268 = arith.constant 2 : i32
        %add3A_269 = arith.addi %mul3A_74, %add3A_268 : i32
        %mul3A_270 = arith.constant 32 : i32
        %mul3A_271 = arith.muli %add3A_269, %mul3A_270 : i32
        %get3A_272 = arith.index_cast %mul3A_271 : i32 to index
        %get3A_273 = tpu.vector_load %arg7[%get3A_272] {strides = array<i32>} : memref<512xi32, #tpu.memory_space<vmem>>, vector<16xi32>,
        %mul3A_274 = arith.constant 32 : i32
        %mul3A_275 = arith.muli %add3A_269, %mul3A_274 : i32
        %add3A_276 = arith.constant 16 : i32
        %add3A_277 = arith.addi %mul3A_275, %add3A_276 : i32
        %get3A_278 = arith.index_cast %add3A_277 : i32 to index
        %get3A_279 = tpu.vector_load %arg7[%get3A_278] {strides = array<i32>} : memref<512xi32, #tpu.memory_space<vmem>>, vector<16xi32>,
        %dma_start3A_280 = arith.constant 0 : i32
        %dma_start3A_281 = arith.constant 0 : i32
        %dma_start3A_282 = arith.constant 0 : i32
        %dma_start3A_283 = tpu.memref_slice %arg9[%dma_start3A_280, %dma_start3A_281, %dma_start3A_282] : memref<2x16x384xi32, #tpu.memory_space<vmem>> -> memref<1x16x384xi32, #tpu.memory_space<vmem>>
        %dma_start3A_284 = tpu.memref_squeeze %dma_start3A_283 : memref<1x16x384xi32, #tpu.memory_space<vmem>> -> memref<16x384xi32, #tpu.memory_space<vmem>>
        %dma_start3A_285 = arith.constant 0 : i32
        %dma_start3A_286 = arith.constant 0 : i32
        %dma_start3A_287 = tpu.memref_slice %arg4[%dma_start3A_285, %dma_start3A_286] : memref<20480x384xi32, #tpu.memory_space<hbm>> -> memref<20480x384xi32, #tpu.memory_space<hbm>>
        tpu.enqueue_indirect_dma source(%dma_start3A_287 : memref<20480x384xi32, #tpu.memory_space<hbm>>) target(%dma_start3A_284 : memref<16x384xi32, #tpu.memory_space<vmem>>) offsets(%get3A_273 : vector<16xi32>) semaphore(%arg13 : memref<!tpu.dma_semaphore, #tpu.memory_space<semaphore_mem>>)
        %dma_start3A_288 = arith.constant 0 : i32
        %dma_start3A_289 = arith.constant 0 : i32
        %dma_start3A_290 = arith.constant 0 : i32
        %dma_start3A_291 = tpu.memref_slice %arg10[%dma_start3A_288, %dma_start3A_289, %dma_start3A_290] : memref<2x16x384xi32, #tpu.memory_space<vmem>> -> memref<1x16x384xi32, #tpu.memory_space<vmem>>
        %dma_start3A_292 = tpu.memref_squeeze %dma_start3A_291 : memref<1x16x384xi32, #tpu.memory_space<vmem>> -> memref<16x384xi32, #tpu.memory_space<vmem>>
        %dma_start3A_293 = arith.constant 0 : i32
        %dma_start3A_294 = arith.constant 0 : i32
        %dma_start3A_295 = tpu.memref_slice %arg4[%dma_start3A_293, %dma_start3A_294] : memref<20480x384xi32, #tpu.memory_space<hbm>> -> memref<20480x384xi32, #tpu.memory_space<hbm>>
        tpu.enqueue_indirect_dma source(%dma_start3A_295 : memref<20480x384xi32, #tpu.memory_space<hbm>>) target(%dma_start3A_292 : memref<16x384xi32, #tpu.memory_space<vmem>>) offsets(%get3A_279 : vector<16xi32>) semaphore(%arg13 : memref<!tpu.dma_semaphore, #tpu.memory_space<semaphore_mem>>)
        %mul3A_296 = arith.constant 16 : i32
        %mul3A_297 = arith.muli %add3A_269, %mul3A_296 : i32
        %add3A_298 = arith.addi %mul3A_4, %mul3A_297 : i32
        %dma_start3A_299 = arith.constant 0 : i32
        %dma_start3A_300 = arith.constant 0 : i32
        %dma_start3A_301 = arith.constant 0 : i32
        %dma_start3A_302 = tpu.memref_slice %arg11[%dma_start3A_299, %dma_start3A_300, %dma_start3A_301] : memref<2x16x384xi32, #tpu.memory_space<vmem>> -> memref<1x16x384xi32, #tpu.memory_space<vmem>>
        %dma_start3A_303 = tpu.memref_squeeze %dma_start3A_302 : memref<1x16x384xi32, #tpu.memory_space<vmem>> -> memref<16x384xi32, #tpu.memory_space<vmem>>
        %dma_start3A_304 = arith.constant 0 : i32
        %dma_start3A_305 = tpu.memref_slice %arg5[%add3A_298, %dma_start3A_304] : memref<8192x384xi32, #tpu.memory_space<hbm>> -> memref<16x384xi32, #tpu.memory_space<hbm>>
        %dma_start3A_306 = arith.constant 0 : i32
        %dma_start3A_307 = arith.constant 0 : i32
        %dma_start3A_308 = tpu.memref_slice %arg11[%dma_start3A_299, %dma_start3A_306, %dma_start3A_307] : memref<2x16x384xi32, #tpu.memory_space<vmem>> -> memref<1x16x384xi32, #tpu.memory_space<vmem>>
        %dma_start3A_309 = tpu.memref_squeeze %dma_start3A_308 : memref<1x16x384xi32, #tpu.memory_space<vmem>> -> memref<16x384xi32, #tpu.memory_space<vmem>>
        %dma_start3A_310 = arith.constant 0 : i32
        %dma_start3A_311 = tpu.memref_slice %arg5[%add3A_298, %dma_start3A_310] : memref<8192x384xi32, #tpu.memory_space<hbm>> -> memref<16x384xi32, #tpu.memory_space<hbm>>
        tpu.enqueue_dma source(%dma_start3A_311 : memref<16x384xi32, #tpu.memory_space<hbm>>) target(%dma_start3A_309 : memref<16x384xi32, #tpu.memory_space<vmem>>) target_semaphore(%arg13 : memref<!tpu.dma_semaphore, #tpu.memory_space<semaphore_mem>>)
      } else {
      }
      %dma_wait3A_192 = arith.constant 1 : i32
      %dma_wait3A_193 = arith.constant 0 : i32
      %dma_wait3A_194 = arith.constant 0 : i32
      %dma_wait3A_195 = tpu.memref_slice %arg9[%dma_wait3A_192, %dma_wait3A_193, %dma_wait3A_194] : memref<2x16x384xi32, #tpu.memory_space<vmem>> -> memref<1x16x384xi32, #tpu.memory_space<vmem>>
      %dma_wait3A_196 = tpu.memref_squeeze %dma_wait3A_195 : memref<1x16x384xi32, #tpu.memory_space<vmem>> -> memref<16x384xi32, #tpu.memory_space<vmem>>
      %dma_wait3A_197 = arith.constant 0 : i32
      %dma_wait3A_198 = arith.constant 0 : i32
      %dma_wait3A_199 = tpu.memref_slice %arg4[%dma_wait3A_197, %dma_wait3A_198] : memref<20480x384xi32, #tpu.memory_space<hbm>> -> memref<16x384xi32, #tpu.memory_space<hbm>>
      %dma_wait3A_200 = arith.constant 0 : i32
      %dma_wait3A_201 = arith.constant 0 : i32
      %dma_wait3A_202 = tpu.memref_slice %arg9[%dma_wait3A_192, %dma_wait3A_200, %dma_wait3A_201] : memref<2x16x384xi32, #tpu.memory_space<vmem>> -> memref<1x16x384xi32, #tpu.memory_space<vmem>>
      %dma_wait3A_203 = tpu.memref_squeeze %dma_wait3A_202 : memref<1x16x384xi32, #tpu.memory_space<vmem>> -> memref<16x384xi32, #tpu.memory_space<vmem>>
      %dma_wait3A_204 = arith.constant 0 : i32
      %dma_wait3A_205 = arith.constant 0 : i32
      %dma_wait3A_206 = tpu.memref_slice %arg4[%dma_wait3A_204, %dma_wait3A_205] : memref<20480x384xi32, #tpu.memory_space<hbm>> -> memref<16x384xi32, #tpu.memory_space<hbm>>
      tpu.wait_dma2 semaphore(%arg13 : memref<!tpu.dma_semaphore, #tpu.memory_space<semaphore_mem>>) src(%dma_wait3A_206 : memref<16x384xi32, #tpu.memory_space<hbm>>) dst(%dma_wait3A_203 : memref<16x384xi32, #tpu.memory_space<vmem>>)
      %dma_wait3A_207 = arith.constant 1 : i32
      %dma_wait3A_208 = arith.constant 0 : i32
      %dma_wait3A_209 = arith.constant 0 : i32
      %dma_wait3A_210 = tpu.memref_slice %arg10[%dma_wait3A_207, %dma_wait3A_208, %dma_wait3A_209] : memref<2x16x384xi32, #tpu.memory_space<vmem>> -> memref<1x16x384xi32, #tpu.memory_space<vmem>>
      %dma_wait3A_211 = tpu.memref_squeeze %dma_wait3A_210 : memref<1x16x384xi32, #tpu.memory_space<vmem>> -> memref<16x384xi32, #tpu.memory_space<vmem>>
      %dma_wait3A_212 = arith.constant 0 : i32
      %dma_wait3A_213 = arith.constant 0 : i32
      %dma_wait3A_214 = tpu.memref_slice %arg4[%dma_wait3A_212, %dma_wait3A_213] : memref<20480x384xi32, #tpu.memory_space<hbm>> -> memref<16x384xi32, #tpu.memory_space<hbm>>
      %dma_wait3A_215 = arith.constant 0 : i32
      %dma_wait3A_216 = arith.constant 0 : i32
      %dma_wait3A_217 = tpu.memref_slice %arg10[%dma_wait3A_207, %dma_wait3A_215, %dma_wait3A_216] : memref<2x16x384xi32, #tpu.memory_space<vmem>> -> memref<1x16x384xi32, #tpu.memory_space<vmem>>
      %dma_wait3A_218 = tpu.memref_squeeze %dma_wait3A_217 : memref<1x16x384xi32, #tpu.memory_space<vmem>> -> memref<16x384xi32, #tpu.memory_space<vmem>>
      %dma_wait3A_219 = arith.constant 0 : i32
      %dma_wait3A_220 = arith.constant 0 : i32
      %dma_wait3A_221 = tpu.memref_slice %arg4[%dma_wait3A_219, %dma_wait3A_220] : memref<20480x384xi32, #tpu.memory_space<hbm>> -> memref<16x384xi32, #tpu.memory_space<hbm>>
      tpu.wait_dma2 semaphore(%arg13 : memref<!tpu.dma_semaphore, #tpu.memory_space<semaphore_mem>>) src(%dma_wait3A_221 : memref<16x384xi32, #tpu.memory_space<hbm>>) dst(%dma_wait3A_218 : memref<16x384xi32, #tpu.memory_space<vmem>>)
      %dma_wait3A_222 = arith.constant 1 : i32
      %dma_wait3A_223 = arith.constant 0 : i32
      %dma_wait3A_224 = arith.constant 0 : i32
      %dma_wait3A_225 = tpu.memref_slice %arg11[%dma_wait3A_222, %dma_wait3A_223, %dma_wait3A_224] : memref<2x16x384xi32, #tpu.memory_space<vmem>> -> memref<1x16x384xi32, #tpu.memory_space<vmem>>
      %dma_wait3A_226 = tpu.memref_squeeze %dma_wait3A_225 : memref<1x16x384xi32, #tpu.memory_space<vmem>> -> memref<16x384xi32, #tpu.memory_space<vmem>>
      %dma_wait3A_227 = arith.constant 0 : i32
      %dma_wait3A_228 = arith.constant 0 : i32
      %dma_wait3A_229 = tpu.memref_slice %arg5[%dma_wait3A_227, %dma_wait3A_228] : memref<8192x384xi32, #tpu.memory_space<hbm>> -> memref<16x384xi32, #tpu.memory_space<hbm>>
      %dma_wait3A_230 = arith.constant 0 : i32
      %dma_wait3A_231 = arith.constant 0 : i32
      %dma_wait3A_232 = tpu.memref_slice %arg11[%dma_wait3A_222, %dma_wait3A_230, %dma_wait3A_231] : memref<2x16x384xi32, #tpu.memory_space<vmem>> -> memref<1x16x384xi32, #tpu.memory_space<vmem>>
      %dma_wait3A_233 = tpu.memref_squeeze %dma_wait3A_232 : memref<1x16x384xi32, #tpu.memory_space<vmem>> -> memref<16x384xi32, #tpu.memory_space<vmem>>
      %dma_wait3A_234 = arith.constant 0 : i32
      %dma_wait3A_235 = arith.constant 0 : i32
      %dma_wait3A_236 = tpu.memref_slice %arg5[%dma_wait3A_234, %dma_wait3A_235] : memref<8192x384xi32, #tpu.memory_space<hbm>> -> memref<16x384xi32, #tpu.memory_space<hbm>>
      tpu.wait_dma2 semaphore(%arg13 : memref<!tpu.dma_semaphore, #tpu.memory_space<semaphore_mem>>) src(%dma_wait3A_236 : memref<16x384xi32, #tpu.memory_space<hbm>>) dst(%dma_wait3A_233 : memref<16x384xi32, #tpu.memory_space<vmem>>)
      %gt3A_237 = arith.constant 0 : i32
      %gt3A_238 = arith.cmpi sgt, %scan3A_72, %gt3A_237 : i32
      %convert_element_type3A_239 = arith.extui %gt3A_238 : i1 to i32
      %cond3A_240 = arith.constant 0 : i32
      %cond3A_241 = arith.cmpi ne, %convert_element_type3A_239, %cond3A_240 : i32
      scf.if %cond3A_241 {
        %dma_wait3A_268 = arith.constant 1 : i32
        %dma_wait3A_269 = arith.constant 0 : i32
        %dma_wait3A_270 = arith.constant 0 : i32
        %dma_wait3A_271 = tpu.memref_slice %arg12[%dma_wait3A_268, %dma_wait3A_269, %dma_wait3A_270] : memref<2x16x768xf32, #tpu.memory_space<vmem>> -> memref<1x16x768xf32, #tpu.memory_space<vmem>>
        %dma_wait3A_272 = tpu.memref_squeeze %dma_wait3A_271 : memref<1x16x768xf32, #tpu.memory_space<vmem>> -> memref<16x768xf32, #tpu.memory_space<vmem>>
        %dma_wait3A_273 = arith.constant 0 : i32
        %dma_wait3A_274 = arith.constant 0 : i32
        %dma_wait3A_275 = tpu.memref_slice %arg6[%dma_wait3A_273, %dma_wait3A_274] : memref<8192x768xf32, #tpu.memory_space<hbm>> -> memref<16x768xf32, #tpu.memory_space<hbm>>
        %dma_wait3A_276 = arith.constant 0 : i32
        %dma_wait3A_277 = arith.constant 0 : i32
        %dma_wait3A_278 = tpu.memref_slice %arg6[%dma_wait3A_276, %dma_wait3A_277] : memref<8192x768xf32, #tpu.memory_space<hbm>> -> memref<16x768xf32, #tpu.memory_space<hbm>>
        %dma_wait3A_279 = arith.constant 0 : i32
        %dma_wait3A_280 = arith.constant 0 : i32
        %dma_wait3A_281 = tpu.memref_slice %arg12[%dma_wait3A_268, %dma_wait3A_279, %dma_wait3A_280] : memref<2x16x768xf32, #tpu.memory_space<vmem>> -> memref<1x16x768xf32, #tpu.memory_space<vmem>>
        %dma_wait3A_282 = tpu.memref_squeeze %dma_wait3A_281 : memref<1x16x768xf32, #tpu.memory_space<vmem>> -> memref<16x768xf32, #tpu.memory_space<vmem>>
        tpu.wait_dma2 semaphore(%arg14 : memref<!tpu.dma_semaphore, #tpu.memory_space<semaphore_mem>>) src(%dma_wait3A_282 : memref<16x768xf32, #tpu.memory_space<vmem>>) dst(%dma_wait3A_278 : memref<16x768xf32, #tpu.memory_space<hbm>>)
      } else {
      }
      %add3A_242 = arith.constant 1 : i32
      %add3A_243 = arith.addi %mul3A_74, %add3A_242 : i32
      %scan3A_244 = arith.constant 0 : i32
      %scan3A_245 = arith.constant 0 : i32
      %scan3A_246 = arith.constant 16 : i32
      %scan3A_247 = arith.addi %scan3A_245, %scan3A_246 : i32
      %scan3A_248 = arith.constant 1 : i32
      scf.for %scan3A_268 = %scan3A_245 to %scan3A_247 step %scan3A_248  : i32 {
        %broadcast_in_dim3A = arith.constant 0.000000e+00 : f32
        %broadcast_in_dim3A_269 = vector.broadcast %broadcast_in_dim3A : f32 to vector<16xf32>
        %mul3A_270 = arith.constant 32 : i32
        %mul3A_271 = arith.muli %add3A_243, %mul3A_270 : i32
        %add3A_272 = arith.addi %mul3A_271, %scan3A_268 : i32
        %get3A_273 = arith.index_cast %add3A_272 : i32 to index
        %get3A_274 = tpu.vector_load %arg8[%get3A_273] {strides = array<i32>} : memref<528xf32, #tpu.memory_space<vmem>>, vector<16xf32>,
        %slice3A = vector.extract_strided_slice %get3A_274 {offsets = [0], sizes = [1], strides = [1]} : vector<16xf32> to vector<1xf32>
        %squeeze3A = vector.extract %slice3A[0] : f32 from vector<1xf32>
        %add3A_275 = vector.broadcast %squeeze3A : f32 to vector<16xf32>
        %add3A_276 = arith.addf %broadcast_in_dim3A_269, %add3A_275 : vector<16xf32>
        %broadcast_in_dim3A_277 = arith.constant 0.000000e+00 : f32
        %broadcast_in_dim3A_278 = vector.broadcast %broadcast_in_dim3A_277 : f32 to vector<16xf32>
        %mul3A_279 = arith.constant 32 : i32
        %mul3A_280 = arith.muli %add3A_243, %mul3A_279 : i32
        %add3A_281 = arith.constant 16 : i32
        %add3A_282 = arith.addi %mul3A_280, %add3A_281 : i32
        %add3A_283 = arith.addi %add3A_282, %scan3A_268 : i32
        %get3A_284 = arith.index_cast %add3A_283 : i32 to index
        %get3A_285 = tpu.vector_load %arg8[%get3A_284] {strides = array<i32>} : memref<528xf32, #tpu.memory_space<vmem>>, vector<16xf32>,
        %slice3A_286 = vector.extract_strided_slice %get3A_285 {offsets = [0], sizes = [1], strides = [1]} : vector<16xf32> to vector<1xf32>
        %squeeze3A_287 = vector.extract %slice3A_286[0] : f32 from vector<1xf32>
        %add3A_288 = vector.broadcast %squeeze3A_287 : f32 to vector<16xf32>
        %add3A_289 = arith.addf %broadcast_in_dim3A_278, %add3A_288 : vector<16xf32>
        %pack3A = tpu.pack_subelements %add3A_276, %add3A_276 {pack_format = #tpu.pack_format<interleaved>, positions = array<i32: 0, 1>} : vector<16xf32>, vector<16xf32> -> vector<32xbf16>
        %pack3A_290 = tpu.pack_subelements %add3A_289, %add3A_289 {pack_format = #tpu.pack_format<interleaved>, positions = array<i32: 0, 1>} : vector<16xf32>, vector<16xf32> -> vector<32xbf16>
        %get3A_291 = arith.constant 1 : i32
        %get3A_292 = arith.index_cast %get3A_291 : i32 to index
        %get3A_293 = arith.index_cast %scan3A_268 : i32 to index
        %get3A_294 = arith.constant 0 : index
        %get3A_295 = tpu.vector_load %arg9[%get3A_292, %get3A_293, %get3A_294] {strides = array<i32>} : memref<2x16x384xi32, #tpu.memory_space<vmem>>, vector<16xi32>,
        %bitcast3A = vector.bitcast %get3A_295 : vector<16xi32> to vector<32xbf16>
        %get3A_296 = arith.constant 1 : i32
        %get3A_297 = arith.index_cast %get3A_296 : i32 to index
        %get3A_298 = arith.index_cast %scan3A_268 : i32 to index
        %get3A_299 = arith.constant 0 : index
        %get3A_300 = tpu.vector_load %arg10[%get3A_297, %get3A_298, %get3A_299] {strides = array<i32>} : memref<2x16x384xi32, #tpu.memory_space<vmem>>, vector<16xi32>,
        %bitcast3A_301 = vector.bitcast %get3A_300 : vector<16xi32> to vector<32xbf16>
        %get3A_302 = arith.constant 1 : i32
        %get3A_303 = arith.index_cast %get3A_302 : i32 to index
        %get3A_304 = arith.index_cast %scan3A_268 : i32 to index
        %get3A_305 = arith.constant 0 : index
        %get3A_306 = tpu.vector_load %arg11[%get3A_303, %get3A_304, %get3A_305] {strides = array<i32>} : memref<2x16x384xi32, #tpu.memory_space<vmem>>, vector<16xi32>,
        %bitcast3A_307 = vector.bitcast %get3A_306 : vector<16xi32> to vector<32xbf16>
        %mul3A_308 = arith.mulf %pack3A, %bitcast3A : vector<32xbf16>
        %add3A_309 = arith.addf %bitcast3A_307, %mul3A_308 : vector<32xbf16>
        %mul3A_310 = arith.mulf %pack3A_290, %bitcast3A_301 : vector<32xbf16>
        %add3A_311 = arith.addf %add3A_309, %mul3A_310 : vector<32xbf16>
        %unpack3A = tpu.unpack_subelements %add3A_311, 0 {pack_format = #tpu.pack_format<interleaved>} : vector<32xbf16> -> vector<16xf32>
        %unpack3A_312 = tpu.unpack_subelements %add3A_311, 1 {pack_format = #tpu.pack_format<interleaved>} : vector<32xbf16> -> vector<16xf32>
        %swap3A = arith.constant 1 : i32
        %swap3A_313 = arith.index_cast %swap3A : i32 to index
        %swap3A_314 = arith.index_cast %scan3A_268 : i32 to index
        %swap3A_315 = arith.constant 0 : index
        %swap3A_316 = tpu.vector_load %arg12[%swap3A_313, %swap3A_314, %swap3A_315] {strides = array<i32>} : memref<2x16x768xf32, #tpu.memory_space<vmem>>, vector<16xf32>,
        tpu.vector_store %arg12[%swap3A_313, %swap3A_314, %swap3A_315], %unpack3A {strides = array<i32>} : memref<2x16x768xf32, #tpu.memory_space<vmem>>, vector<16xf32>,
        %swap3A_317 = arith.constant 1 : i32
        %swap3A_318 = arith.index_cast %swap3A_317 : i32 to index
        %swap3A_319 = arith.index_cast %scan3A_268 : i32 to index
        %swap3A_320 = arith.constant 384 : index
        %swap3A_321 = tpu.vector_load %arg12[%swap3A_318, %swap3A_319, %swap3A_320] {strides = array<i32>} : memref<2x16x768xf32, #tpu.memory_space<vmem>>, vector<16xf32>,
        tpu.vector_store %arg12[%swap3A_318, %swap3A_319, %swap3A_320], %unpack3A_312 {strides = array<i32>} : memref<2x16x768xf32, #tpu.memory_space<vmem>>, vector<16xf32>,
        %get3A_322 = arith.constant 1 : i32
        %get3A_323 = arith.index_cast %get3A_322 : i32 to index
        %get3A_324 = arith.index_cast %scan3A_268 : i32 to index
        %get3A_325 = arith.constant 16 : index
        %get3A_326 = tpu.vector_load %arg9[%get3A_323, %get3A_324, %get3A_325] {strides = array<i32>} : memref<2x16x384xi32, #tpu.memory_space<vmem>>, vector<16xi32>,
        %bitcast3A_327 = vector.bitcast %get3A_326 : vector<16xi32> to vector<32xbf16>
        %get3A_328 = arith.constant 1 : i32
        %get3A_329 = arith.index_cast %get3A_328 : i32 to index
        %get3A_330 = arith.index_cast %scan3A_268 : i32 to index
        %get3A_331 = arith.constant 16 : index
        %get3A_332 = tpu.vector_load %arg10[%get3A_329, %get3A_330, %get3A_331] {strides = array<i32>} : memref<2x16x384xi32, #tpu.memory_space<vmem>>, vector<16xi32>,
        %bitcast3A_333 = vector.bitcast %get3A_332 : vector<16xi32> to vector<32xbf16>
        %get3A_334 = arith.constant 1 : i32
        %get3A_335 = arith.index_cast %get3A_334 : i32 to index
        %get3A_336 = arith.index_cast %scan3A_268 : i32 to index
        %get3A_337 = arith.constant 16 : index
        %get3A_338 = tpu.vector_load %arg11[%get3A_335, %get3A_336, %get3A_337] {strides = array<i32>} : memref<2x16x384xi32, #tpu.memory_space<vmem>>, vector<16xi32>,
        %bitcast3A_339 = vector.bitcast %get3A_338 : vector<16xi32> to vector<32xbf16>
        %mul3A_340 = arith.mulf %pack3A, %bitcast3A_327 : vector<32xbf16>
        %add3A_341 = arith.addf %bitcast3A_339, %mul3A_340 : vector<32xbf16>
        %mul3A_342 = arith.mulf %pack3A_290, %bitcast3A_333 : vector<32xbf16>
        %add3A_343 = arith.addf %add3A_341, %mul3A_342 : vector<32xbf16>
        %unpack3A_344 = tpu.unpack_subelements %add3A_343, 0 {pack_format = #tpu.pack_format<interleaved>} : vector<32xbf16> -> vector<16xf32>
        %unpack3A_345 = tpu.unpack_subelements %add3A_343, 1 {pack_format = #tpu.pack_format<interleaved>} : vector<32xbf16> -> vector<16xf32>
        %swap3A_346 = arith.constant 1 : i32
        %swap3A_347 = arith.index_cast %swap3A_346 : i32 to index
        %swap3A_348 = arith.index_cast %scan3A_268 : i32 to index
        %swap3A_349 = arith.constant 16 : index
        %swap3A_350 = tpu.vector_load %arg12[%swap3A_347, %swap3A_348, %swap3A_349] {strides = array<i32>} : memref<2x16x768xf32, #tpu.memory_space<vmem>>, vector<16xf32>,
        tpu.vector_store %arg12[%swap3A_347, %swap3A_348, %swap3A_349], %unpack3A_344 {strides = array<i32>} : memref<2x16x768xf32, #tpu.memory_space<vmem>>, vector<16xf32>,
        %swap3A_351 = arith.constant 1 : i32
        %swap3A_352 = arith.index_cast %swap3A_351 : i32 to index
        %swap3A_353 = arith.index_cast %scan3A_268 : i32 to index
        %swap3A_354 = arith.constant 400 : index
        %swap3A_355 = tpu.vector_load %arg12[%swap3A_352, %swap3A_353, %swap3A_354] {strides = array<i32>} : memref<2x16x768xf32, #tpu.memory_space<vmem>>, vector<16xf32>,
        tpu.vector_store %arg12[%swap3A_352, %swap3A_353, %swap3A_354], %unpack3A_345 {strides = array<i32>} : memref<2x16x768xf32, #tpu.memory_space<vmem>>, vector<16xf32>,
        %get3A_356 = arith.constant 1 : i32
        %get3A_357 = arith.index_cast %get3A_356 : i32 to index
        %get3A_358 = arith.index_cast %scan3A_268 : i32 to index
        %get3A_359 = arith.constant 32 : index
        %get3A_360 = tpu.vector_load %arg9[%get3A_357, %get3A_358, %get3A_359] {strides = array<i32>} : memref<2x16x384xi32, #tpu.memory_space<vmem>>, vector<16xi32>,
        %bitcast3A_361 = vector.bitcast %get3A_360 : vector<16xi32> to vector<32xbf16>
        %get3A_362 = arith.constant 1 : i32
        %get3A_363 = arith.index_cast %get3A_362 : i32 to index
        %get3A_364 = arith.index_cast %scan3A_268 : i32 to index
        %get3A_365 = arith.constant 32 : index
        %get3A_366 = tpu.vector_load %arg10[%get3A_363, %get3A_364, %get3A_365] {strides = array<i32>} : memref<2x16x384xi32, #tpu.memory_space<vmem>>, vector<16xi32>,
        %bitcast3A_367 = vector.bitcast %get3A_366 : vector<16xi32> to vector<32xbf16>
        %get3A_368 = arith.constant 1 : i32
        %get3A_369 = arith.index_cast %get3A_368 : i32 to index
        %get3A_370 = arith.index_cast %scan3A_268 : i32 to index
        %get3A_371 = arith.constant 32 : index
        %get3A_372 = tpu.vector_load %arg11[%get3A_369, %get3A_370, %get3A_371] {strides = array<i32>} : memref<2x16x384xi32, #tpu.memory_space<vmem>>, vector<16xi32>,
        %bitcast3A_373 = vector.bitcast %get3A_372 : vector<16xi32> to vector<32xbf16>
        %mul3A_374 = arith.mulf %pack3A, %bitcast3A_361 : vector<32xbf16>
        %add3A_375 = arith.addf %bitcast3A_373, %mul3A_374 : vector<32xbf16>
        %mul3A_376 = arith.mulf %pack3A_290, %bitcast3A_367 : vector<32xbf16>
        %add3A_377 = arith.addf %add3A_375, %mul3A_376 : vector<32xbf16>
        %unpack3A_378 = tpu.unpack_subelements %add3A_377, 0 {pack_format = #tpu.pack_format<interleaved>} : vector<32xbf16> -> vector<16xf32>
        %unpack3A_379 = tpu.unpack_subelements %add3A_377, 1 {pack_format = #tpu.pack_format<interleaved>} : vector<32xbf16> -> vector<16xf32>
        %swap3A_380 = arith.constant 1 : i32
        %swap3A_381 = arith.index_cast %swap3A_380 : i32 to index
        %swap3A_382 = arith.index_cast %scan3A_268 : i32 to index
        %swap3A_383 = arith.constant 32 : index
        %swap3A_384 = tpu.vector_load %arg12[%swap3A_381, %swap3A_382, %swap3A_383] {strides = array<i32>} : memref<2x16x768xf32, #tpu.memory_space<vmem>>, vector<16xf32>,
        tpu.vector_store %arg12[%swap3A_381, %swap3A_382, %swap3A_383], %unpack3A_378 {strides = array<i32>} : memref<2x16x768xf32, #tpu.memory_space<vmem>>, vector<16xf32>,
        %swap3A_385 = arith.constant 1 : i32
        %swap3A_386 = arith.index_cast %swap3A_385 : i32 to index
        %swap3A_387 = arith.index_cast %scan3A_268 : i32 to index
        %swap3A_388 = arith.constant 416 : index
        %swap3A_389 = tpu.vector_load %arg12[%swap3A_386, %swap3A_387, %swap3A_388] {strides = array<i32>} : memref<2x16x768xf32, #tpu.memory_space<vmem>>, vector<16xf32>,
        tpu.vector_store %arg12[%swap3A_386, %swap3A_387, %swap3A_388], %unpack3A_379 {strides = array<i32>} : memref<2x16x768xf32, #tpu.memory_space<vmem>>, vector<16xf32>,
        %get3A_390 = arith.constant 1 : i32
        %get3A_391 = arith.index_cast %get3A_390 : i32 to index
        %get3A_392 = arith.index_cast %scan3A_268 : i32 to index
        %get3A_393 = arith.constant 48 : index
        %get3A_394 = tpu.vector_load %arg9[%get3A_391, %get3A_392, %get3A_393] {strides = array<i32>} : memref<2x16x384xi32, #tpu.memory_space<vmem>>, vector<16xi32>,
        %bitcast3A_395 = vector.bitcast %get3A_394 : vector<16xi32> to vector<32xbf16>
        %get3A_396 = arith.constant 1 : i32
        %get3A_397 = arith.index_cast %get3A_396 : i32 to index
        %get3A_398 = arith.index_cast %scan3A_268 : i32 to index
        %get3A_399 = arith.constant 48 : index
        %get3A_400 = tpu.vector_load %arg10[%get3A_397, %get3A_398, %get3A_399] {strides = array<i32>} : memref<2x16x384xi32, #tpu.memory_space<vmem>>, vector<16xi32>,
        %bitcast3A_401 = vector.bitcast %get3A_400 : vector<16xi32> to vector<32xbf16>
        %get3A_402 = arith.constant 1 : i32
        %get3A_403 = arith.index_cast %get3A_402 : i32 to index
        %get3A_404 = arith.index_cast %scan3A_268 : i32 to index
        %get3A_405 = arith.constant 48 : index
        %get3A_406 = tpu.vector_load %arg11[%get3A_403, %get3A_404, %get3A_405] {strides = array<i32>} : memref<2x16x384xi32, #tpu.memory_space<vmem>>, vector<16xi32>,
        %bitcast3A_407 = vector.bitcast %get3A_406 : vector<16xi32> to vector<32xbf16>
        %mul3A_408 = arith.mulf %pack3A, %bitcast3A_395 : vector<32xbf16>
        %add3A_409 = arith.addf %bitcast3A_407, %mul3A_408 : vector<32xbf16>
        %mul3A_410 = arith.mulf %pack3A_290, %bitcast3A_401 : vector<32xbf16>
        %add3A_411 = arith.addf %add3A_409, %mul3A_410 : vector<32xbf16>
        %unpack3A_412 = tpu.unpack_subelements %add3A_411, 0 {pack_format = #tpu.pack_format<interleaved>} : vector<32xbf16> -> vector<16xf32>
        %unpack3A_413 = tpu.unpack_subelements %add3A_411, 1 {pack_format = #tpu.pack_format<interleaved>} : vector<32xbf16> -> vector<16xf32>
        %swap3A_414 = arith.constant 1 : i32
        %swap3A_415 = arith.index_cast %swap3A_414 : i32 to index
        %swap3A_416 = arith.index_cast %scan3A_268 : i32 to index
        %swap3A_417 = arith.constant 48 : index
        %swap3A_418 = tpu.vector_load %arg12[%swap3A_415, %swap3A_416, %swap3A_417] {strides = array<i32>} : memref<2x16x768xf32, #tpu.memory_space<vmem>>, vector<16xf32>,
        tpu.vector_store %arg12[%swap3A_415, %swap3A_416, %swap3A_417], %unpack3A_412 {strides = array<i32>} : memref<2x16x768xf32, #tpu.memory_space<vmem>>, vector<16xf32>,
        %swap3A_419 = arith.constant 1 : i32
        %swap3A_420 = arith.index_cast %swap3A_419 : i32 to index
        %swap3A_421 = arith.index_cast %scan3A_268 : i32 to index
        %swap3A_422 = arith.constant 432 : index
        %swap3A_423 = tpu.vector_load %arg12[%swap3A_420, %swap3A_421, %swap3A_422] {strides = array<i32>} : memref<2x16x768xf32, #tpu.memory_space<vmem>>, vector<16xf32>,
        tpu.vector_store %arg12[%swap3A_420, %swap3A_421, %swap3A_422], %unpack3A_413 {strides = array<i32>} : memref<2x16x768xf32, #tpu.memory_space<vmem>>, vector<16xf32>,
        %get3A_424 = arith.constant 1 : i32
        %get3A_425 = arith.index_cast %get3A_424 : i32 to index
        %get3A_426 = arith.index_cast %scan3A_268 : i32 to index
        %get3A_427 = arith.constant 64 : index
        %get3A_428 = tpu.vector_load %arg9[%get3A_425, %get3A_426, %get3A_427] {strides = array<i32>} : memref<2x16x384xi32, #tpu.memory_space<vmem>>, vector<16xi32>,
        %bitcast3A_429 = vector.bitcast %get3A_428 : vector<16xi32> to vector<32xbf16>
        %get3A_430 = arith.constant 1 : i32
        %get3A_431 = arith.index_cast %get3A_430 : i32 to index
        %get3A_432 = arith.index_cast %scan3A_268 : i32 to index
        %get3A_433 = arith.constant 64 : index
        %get3A_434 = tpu.vector_load %arg10[%get3A_431, %get3A_432, %get3A_433] {strides = array<i32>} : memref<2x16x384xi32, #tpu.memory_space<vmem>>, vector<16xi32>,
        %bitcast3A_435 = vector.bitcast %get3A_434 : vector<16xi32> to vector<32xbf16>
        %get3A_436 = arith.constant 1 : i32
        %get3A_437 = arith.index_cast %get3A_436 : i32 to index
        %get3A_438 = arith.index_cast %scan3A_268 : i32 to index
        %get3A_439 = arith.constant 64 : index
        %get3A_440 = tpu.vector_load %arg11[%get3A_437, %get3A_438, %get3A_439] {strides = array<i32>} : memref<2x16x384xi32, #tpu.memory_space<vmem>>, vector<16xi32>,
        %bitcast3A_441 = vector.bitcast %get3A_440 : vector<16xi32> to vector<32xbf16>
        %mul3A_442 = arith.mulf %pack3A, %bitcast3A_429 : vector<32xbf16>
        %add3A_443 = arith.addf %bitcast3A_441, %mul3A_442 : vector<32xbf16>
        %mul3A_444 = arith.mulf %pack3A_290, %bitcast3A_435 : vector<32xbf16>
        %add3A_445 = arith.addf %add3A_443, %mul3A_444 : vector<32xbf16>
        %unpack3A_446 = tpu.unpack_subelements %add3A_445, 0 {pack_format = #tpu.pack_format<interleaved>} : vector<32xbf16> -> vector<16xf32>
        %unpack3A_447 = tpu.unpack_subelements %add3A_445, 1 {pack_format = #tpu.pack_format<interleaved>} : vector<32xbf16> -> vector<16xf32>
        %swap3A_448 = arith.constant 1 : i32
        %swap3A_449 = arith.index_cast %swap3A_448 : i32 to index
        %swap3A_450 = arith.index_cast %scan3A_268 : i32 to index
        %swap3A_451 = arith.constant 64 : index
        %swap3A_452 = tpu.vector_load %arg12[%swap3A_449, %swap3A_450, %swap3A_451] {strides = array<i32>} : memref<2x16x768xf32, #tpu.memory_space<vmem>>, vector<16xf32>,
        tpu.vector_store %arg12[%swap3A_449, %swap3A_450, %swap3A_451], %unpack3A_446 {strides = array<i32>} : memref<2x16x768xf32, #tpu.memory_space<vmem>>, vector<16xf32>,
        %swap3A_453 = arith.constant 1 : i32
        %swap3A_454 = arith.index_cast %swap3A_453 : i32 to index
        %swap3A_455 = arith.index_cast %scan3A_268 : i32 to index
        %swap3A_456 = arith.constant 448 : index
        %swap3A_457 = tpu.vector_load %arg12[%swap3A_454, %swap3A_455, %swap3A_456] {strides = array<i32>} : memref<2x16x768xf32, #tpu.memory_space<vmem>>, vector<16xf32>,
        tpu.vector_store %arg12[%swap3A_454, %swap3A_455, %swap3A_456], %unpack3A_447 {strides = array<i32>} : memref<2x16x768xf32, #tpu.memory_space<vmem>>, vector<16xf32>,
        %get3A_458 = arith.constant 1 : i32
        %get3A_459 = arith.index_cast %get3A_458 : i32 to index
        %get3A_460 = arith.index_cast %scan3A_268 : i32 to index
        %get3A_461 = arith.constant 80 : index
        %get3A_462 = tpu.vector_load %arg9[%get3A_459, %get3A_460, %get3A_461] {strides = array<i32>} : memref<2x16x384xi32, #tpu.memory_space<vmem>>, vector<16xi32>,
        %bitcast3A_463 = vector.bitcast %get3A_462 : vector<16xi32> to vector<32xbf16>
        %get3A_464 = arith.constant 1 : i32
        %get3A_465 = arith.index_cast %get3A_464 : i32 to index
        %get3A_466 = arith.index_cast %scan3A_268 : i32 to index
        %get3A_467 = arith.constant 80 : index
        %get3A_468 = tpu.vector_load %arg10[%get3A_465, %get3A_466, %get3A_467] {strides = array<i32>} : memref<2x16x384xi32, #tpu.memory_space<vmem>>, vector<16xi32>,
        %bitcast3A_469 = vector.bitcast %get3A_468 : vector<16xi32> to vector<32xbf16>
        %get3A_470 = arith.constant 1 : i32
        %get3A_471 = arith.index_cast %get3A_470 : i32 to index
        %get3A_472 = arith.index_cast %scan3A_268 : i32 to index
        %get3A_473 = arith.constant 80 : index
        %get3A_474 = tpu.vector_load %arg11[%get3A_471, %get3A_472, %get3A_473] {strides = array<i32>} : memref<2x16x384xi32, #tpu.memory_space<vmem>>, vector<16xi32>,
        %bitcast3A_475 = vector.bitcast %get3A_474 : vector<16xi32> to vector<32xbf16>
        %mul3A_476 = arith.mulf %pack3A, %bitcast3A_463 : vector<32xbf16>
        %add3A_477 = arith.addf %bitcast3A_475, %mul3A_476 : vector<32xbf16>
        %mul3A_478 = arith.mulf %pack3A_290, %bitcast3A_469 : vector<32xbf16>
        %add3A_479 = arith.addf %add3A_477, %mul3A_478 : vector<32xbf16>
        %unpack3A_480 = tpu.unpack_subelements %add3A_479, 0 {pack_format = #tpu.pack_format<interleaved>} : vector<32xbf16> -> vector<16xf32>
        %unpack3A_481 = tpu.unpack_subelements %add3A_479, 1 {pack_format = #tpu.pack_format<interleaved>} : vector<32xbf16> -> vector<16xf32>
        %swap3A_482 = arith.constant 1 : i32
        %swap3A_483 = arith.index_cast %swap3A_482 : i32 to index
        %swap3A_484 = arith.index_cast %scan3A_268 : i32 to index
        %swap3A_485 = arith.constant 80 : index
        %swap3A_486 = tpu.vector_load %arg12[%swap3A_483, %swap3A_484, %swap3A_485] {strides = array<i32>} : memref<2x16x768xf32, #tpu.memory_space<vmem>>, vector<16xf32>,
        tpu.vector_store %arg12[%swap3A_483, %swap3A_484, %swap3A_485], %unpack3A_480 {strides = array<i32>} : memref<2x16x768xf32, #tpu.memory_space<vmem>>, vector<16xf32>,
        %swap3A_487 = arith.constant 1 : i32
        %swap3A_488 = arith.index_cast %swap3A_487 : i32 to index
        %swap3A_489 = arith.index_cast %scan3A_268 : i32 to index
        %swap3A_490 = arith.constant 464 : index
        %swap3A_491 = tpu.vector_load %arg12[%swap3A_488, %swap3A_489, %swap3A_490] {strides = array<i32>} : memref<2x16x768xf32, #tpu.memory_space<vmem>>, vector<16xf32>,
        tpu.vector_store %arg12[%swap3A_488, %swap3A_489, %swap3A_490], %unpack3A_481 {strides = array<i32>} : memref<2x16x768xf32, #tpu.memory_space<vmem>>, vector<16xf32>,
        %get3A_492 = arith.constant 1 : i32
        %get3A_493 = arith.index_cast %get3A_492 : i32 to index
        %get3A_494 = arith.index_cast %scan3A_268 : i32 to index
        %get3A_495 = arith.constant 96 : index
        %get3A_496 = tpu.vector_load %arg9[%get3A_493, %get3A_494, %get3A_495] {strides = array<i32>} : memref<2x16x384xi32, #tpu.memory_space<vmem>>, vector<16xi32>,
        %bitcast3A_497 = vector.bitcast %get3A_496 : vector<16xi32> to vector<32xbf16>
        %get3A_498 = arith.constant 1 : i32
        %get3A_499 = arith.index_cast %get3A_498 : i32 to index
        %get3A_500 = arith.index_cast %scan3A_268 : i32 to index
        %get3A_501 = arith.constant 96 : index
        %get3A_502 = tpu.vector_load %arg10[%get3A_499, %get3A_500, %get3A_501] {strides = array<i32>} : memref<2x16x384xi32, #tpu.memory_space<vmem>>, vector<16xi32>,
        %bitcast3A_503 = vector.bitcast %get3A_502 : vector<16xi32> to vector<32xbf16>
        %get3A_504 = arith.constant 1 : i32
        %get3A_505 = arith.index_cast %get3A_504 : i32 to index
        %get3A_506 = arith.index_cast %scan3A_268 : i32 to index
        %get3A_507 = arith.constant 96 : index
        %get3A_508 = tpu.vector_load %arg11[%get3A_505, %get3A_506, %get3A_507] {strides = array<i32>} : memref<2x16x384xi32, #tpu.memory_space<vmem>>, vector<16xi32>,
        %bitcast3A_509 = vector.bitcast %get3A_508 : vector<16xi32> to vector<32xbf16>
        %mul3A_510 = arith.mulf %pack3A, %bitcast3A_497 : vector<32xbf16>
        %add3A_511 = arith.addf %bitcast3A_509, %mul3A_510 : vector<32xbf16>
        %mul3A_512 = arith.mulf %pack3A_290, %bitcast3A_503 : vector<32xbf16>
        %add3A_513 = arith.addf %add3A_511, %mul3A_512 : vector<32xbf16>
        %unpack3A_514 = tpu.unpack_subelements %add3A_513, 0 {pack_format = #tpu.pack_format<interleaved>} : vector<32xbf16> -> vector<16xf32>
        %unpack3A_515 = tpu.unpack_subelements %add3A_513, 1 {pack_format = #tpu.pack_format<interleaved>} : vector<32xbf16> -> vector<16xf32>
        %swap3A_516 = arith.constant 1 : i32
        %swap3A_517 = arith.index_cast %swap3A_516 : i32 to index
        %swap3A_518 = arith.index_cast %scan3A_268 : i32 to index
        %swap3A_519 = arith.constant 96 : index
        %swap3A_520 = tpu.vector_load %arg12[%swap3A_517, %swap3A_518, %swap3A_519] {strides = array<i32>} : memref<2x16x768xf32, #tpu.memory_space<vmem>>, vector<16xf32>,
        tpu.vector_store %arg12[%swap3A_517, %swap3A_518, %swap3A_519], %unpack3A_514 {strides = array<i32>} : memref<2x16x768xf32, #tpu.memory_space<vmem>>, vector<16xf32>,
        %swap3A_521 = arith.constant 1 : i32
        %swap3A_522 = arith.index_cast %swap3A_521 : i32 to index
        %swap3A_523 = arith.index_cast %scan3A_268 : i32 to index
        %swap3A_524 = arith.constant 480 : index
        %swap3A_525 = tpu.vector_load %arg12[%swap3A_522, %swap3A_523, %swap3A_524] {strides = array<i32>} : memref<2x16x768xf32, #tpu.memory_space<vmem>>, vector<16xf32>,
        tpu.vector_store %arg12[%swap3A_522, %swap3A_523, %swap3A_524], %unpack3A_515 {strides = array<i32>} : memref<2x16x768xf32, #tpu.memory_space<vmem>>, vector<16xf32>,
        %get3A_526 = arith.constant 1 : i32
        %get3A_527 = arith.index_cast %get3A_526 : i32 to index
        %get3A_528 = arith.index_cast %scan3A_268 : i32 to index
        %get3A_529 = arith.constant 112 : index
        %get3A_530 = tpu.vector_load %arg9[%get3A_527, %get3A_528, %get3A_529] {strides = array<i32>} : memref<2x16x384xi32, #tpu.memory_space<vmem>>, vector<16xi32>,
        %bitcast3A_531 = vector.bitcast %get3A_530 : vector<16xi32> to vector<32xbf16>
        %get3A_532 = arith.constant 1 : i32
        %get3A_533 = arith.index_cast %get3A_532 : i32 to index
        %get3A_534 = arith.index_cast %scan3A_268 : i32 to index
        %get3A_535 = arith.constant 112 : index
        %get3A_536 = tpu.vector_load %arg10[%get3A_533, %get3A_534, %get3A_535] {strides = array<i32>} : memref<2x16x384xi32, #tpu.memory_space<vmem>>, vector<16xi32>,
        %bitcast3A_537 = vector.bitcast %get3A_536 : vector<16xi32> to vector<32xbf16>
        %get3A_538 = arith.constant 1 : i32
        %get3A_539 = arith.index_cast %get3A_538 : i32 to index
        %get3A_540 = arith.index_cast %scan3A_268 : i32 to index
        %get3A_541 = arith.constant 112 : index
        %get3A_542 = tpu.vector_load %arg11[%get3A_539, %get3A_540, %get3A_541] {strides = array<i32>} : memref<2x16x384xi32, #tpu.memory_space<vmem>>, vector<16xi32>,
        %bitcast3A_543 = vector.bitcast %get3A_542 : vector<16xi32> to vector<32xbf16>
        %mul3A_544 = arith.mulf %pack3A, %bitcast3A_531 : vector<32xbf16>
        %add3A_545 = arith.addf %bitcast3A_543, %mul3A_544 : vector<32xbf16>
        %mul3A_546 = arith.mulf %pack3A_290, %bitcast3A_537 : vector<32xbf16>
        %add3A_547 = arith.addf %add3A_545, %mul3A_546 : vector<32xbf16>
        %unpack3A_548 = tpu.unpack_subelements %add3A_547, 0 {pack_format = #tpu.pack_format<interleaved>} : vector<32xbf16> -> vector<16xf32>
        %unpack3A_549 = tpu.unpack_subelements %add3A_547, 1 {pack_format = #tpu.pack_format<interleaved>} : vector<32xbf16> -> vector<16xf32>
        %swap3A_550 = arith.constant 1 : i32
        %swap3A_551 = arith.index_cast %swap3A_550 : i32 to index
        %swap3A_552 = arith.index_cast %scan3A_268 : i32 to index
        %swap3A_553 = arith.constant 112 : index
        %swap3A_554 = tpu.vector_load %arg12[%swap3A_551, %swap3A_552, %swap3A_553] {strides = array<i32>} : memref<2x16x768xf32, #tpu.memory_space<vmem>>, vector<16xf32>,
        tpu.vector_store %arg12[%swap3A_551, %swap3A_552, %swap3A_553], %unpack3A_548 {strides = array<i32>} : memref<2x16x768xf32, #tpu.memory_space<vmem>>, vector<16xf32>,
        %swap3A_555 = arith.constant 1 : i32
        %swap3A_556 = arith.index_cast %swap3A_555 : i32 to index
        %swap3A_557 = arith.index_cast %scan3A_268 : i32 to index
        %swap3A_558 = arith.constant 496 : index
        %swap3A_559 = tpu.vector_load %arg12[%swap3A_556, %swap3A_557, %swap3A_558] {strides = array<i32>} : memref<2x16x768xf32, #tpu.memory_space<vmem>>, vector<16xf32>,
        tpu.vector_store %arg12[%swap3A_556, %swap3A_557, %swap3A_558], %unpack3A_549 {strides = array<i32>} : memref<2x16x768xf32, #tpu.memory_space<vmem>>, vector<16xf32>,
        %get3A_560 = arith.constant 1 : i32
        %get3A_561 = arith.index_cast %get3A_560 : i32 to index
        %get3A_562 = arith.index_cast %scan3A_268 : i32 to index
        %get3A_563 = arith.constant 128 : index
        %get3A_564 = tpu.vector_load %arg9[%get3A_561, %get3A_562, %get3A_563] {strides = array<i32>} : memref<2x16x384xi32, #tpu.memory_space<vmem>>, vector<16xi32>,
        %bitcast3A_565 = vector.bitcast %get3A_564 : vector<16xi32> to vector<32xbf16>
        %get3A_566 = arith.constant 1 : i32
        %get3A_567 = arith.index_cast %get3A_566 : i32 to index
        %get3A_568 = arith.index_cast %scan3A_268 : i32 to index
        %get3A_569 = arith.constant 128 : index
        %get3A_570 = tpu.vector_load %arg10[%get3A_567, %get3A_568, %get3A_569] {strides = array<i32>} : memref<2x16x384xi32, #tpu.memory_space<vmem>>, vector<16xi32>,
        %bitcast3A_571 = vector.bitcast %get3A_570 : vector<16xi32> to vector<32xbf16>
        %get3A_572 = arith.constant 1 : i32
        %get3A_573 = arith.index_cast %get3A_572 : i32 to index
        %get3A_574 = arith.index_cast %scan3A_268 : i32 to index
        %get3A_575 = arith.constant 128 : index
        %get3A_576 = tpu.vector_load %arg11[%get3A_573, %get3A_574, %get3A_575] {strides = array<i32>} : memref<2x16x384xi32, #tpu.memory_space<vmem>>, vector<16xi32>,
        %bitcast3A_577 = vector.bitcast %get3A_576 : vector<16xi32> to vector<32xbf16>
        %mul3A_578 = arith.mulf %pack3A, %bitcast3A_565 : vector<32xbf16>
        %add3A_579 = arith.addf %bitcast3A_577, %mul3A_578 : vector<32xbf16>
        %mul3A_580 = arith.mulf %pack3A_290, %bitcast3A_571 : vector<32xbf16>
        %add3A_581 = arith.addf %add3A_579, %mul3A_580 : vector<32xbf16>
        %unpack3A_582 = tpu.unpack_subelements %add3A_581, 0 {pack_format = #tpu.pack_format<interleaved>} : vector<32xbf16> -> vector<16xf32>
        %unpack3A_583 = tpu.unpack_subelements %add3A_581, 1 {pack_format = #tpu.pack_format<interleaved>} : vector<32xbf16> -> vector<16xf32>
        %swap3A_584 = arith.constant 1 : i32
        %swap3A_585 = arith.index_cast %swap3A_584 : i32 to index
        %swap3A_586 = arith.index_cast %scan3A_268 : i32 to index
        %swap3A_587 = arith.constant 128 : index
        %swap3A_588 = tpu.vector_load %arg12[%swap3A_585, %swap3A_586, %swap3A_587] {strides = array<i32>} : memref<2x16x768xf32, #tpu.memory_space<vmem>>, vector<16xf32>,
        tpu.vector_store %arg12[%swap3A_585, %swap3A_586, %swap3A_587], %unpack3A_582 {strides = array<i32>} : memref<2x16x768xf32, #tpu.memory_space<vmem>>, vector<16xf32>,
        %swap3A_589 = arith.constant 1 : i32
        %swap3A_590 = arith.index_cast %swap3A_589 : i32 to index
        %swap3A_591 = arith.index_cast %scan3A_268 : i32 to index
        %swap3A_592 = arith.constant 512 : index
        %swap3A_593 = tpu.vector_load %arg12[%swap3A_590, %swap3A_591, %swap3A_592] {strides = array<i32>} : memref<2x16x768xf32, #tpu.memory_space<vmem>>, vector<16xf32>,
        tpu.vector_store %arg12[%swap3A_590, %swap3A_591, %swap3A_592], %unpack3A_583 {strides = array<i32>} : memref<2x16x768xf32, #tpu.memory_space<vmem>>, vector<16xf32>,
        %get3A_594 = arith.constant 1 : i32
        %get3A_595 = arith.index_cast %get3A_594 : i32 to index
        %get3A_596 = arith.index_cast %scan3A_268 : i32 to index
        %get3A_597 = arith.constant 144 : index
        %get3A_598 = tpu.vector_load %arg9[%get3A_595, %get3A_596, %get3A_597] {strides = array<i32>} : memref<2x16x384xi32, #tpu.memory_space<vmem>>, vector<16xi32>,
        %bitcast3A_599 = vector.bitcast %get3A_598 : vector<16xi32> to vector<32xbf16>
        %get3A_600 = arith.constant 1 : i32
        %get3A_601 = arith.index_cast %get3A_600 : i32 to index
        %get3A_602 = arith.index_cast %scan3A_268 : i32 to index
        %get3A_603 = arith.constant 144 : index
        %get3A_604 = tpu.vector_load %arg10[%get3A_601, %get3A_602, %get3A_603] {strides = array<i32>} : memref<2x16x384xi32, #tpu.memory_space<vmem>>, vector<16xi32>,
        %bitcast3A_605 = vector.bitcast %get3A_604 : vector<16xi32> to vector<32xbf16>
        %get3A_606 = arith.constant 1 : i32
        %get3A_607 = arith.index_cast %get3A_606 : i32 to index
        %get3A_608 = arith.index_cast %scan3A_268 : i32 to index
        %get3A_609 = arith.constant 144 : index
        %get3A_610 = tpu.vector_load %arg11[%get3A_607, %get3A_608, %get3A_609] {strides = array<i32>} : memref<2x16x384xi32, #tpu.memory_space<vmem>>, vector<16xi32>,
        %bitcast3A_611 = vector.bitcast %get3A_610 : vector<16xi32> to vector<32xbf16>
        %mul3A_612 = arith.mulf %pack3A, %bitcast3A_599 : vector<32xbf16>
        %add3A_613 = arith.addf %bitcast3A_611, %mul3A_612 : vector<32xbf16>
        %mul3A_614 = arith.mulf %pack3A_290, %bitcast3A_605 : vector<32xbf16>
        %add3A_615 = arith.addf %add3A_613, %mul3A_614 : vector<32xbf16>
        %unpack3A_616 = tpu.unpack_subelements %add3A_615, 0 {pack_format = #tpu.pack_format<interleaved>} : vector<32xbf16> -> vector<16xf32>
        %unpack3A_617 = tpu.unpack_subelements %add3A_615, 1 {pack_format = #tpu.pack_format<interleaved>} : vector<32xbf16> -> vector<16xf32>
        %swap3A_618 = arith.constant 1 : i32
        %swap3A_619 = arith.index_cast %swap3A_618 : i32 to index
        %swap3A_620 = arith.index_cast %scan3A_268 : i32 to index
        %swap3A_621 = arith.constant 144 : index
        %swap3A_622 = tpu.vector_load %arg12[%swap3A_619, %swap3A_620, %swap3A_621] {strides = array<i32>} : memref<2x16x768xf32, #tpu.memory_space<vmem>>, vector<16xf32>,
        tpu.vector_store %arg12[%swap3A_619, %swap3A_620, %swap3A_621], %unpack3A_616 {strides = array<i32>} : memref<2x16x768xf32, #tpu.memory_space<vmem>>, vector<16xf32>,
        %swap3A_623 = arith.constant 1 : i32
        %swap3A_624 = arith.index_cast %swap3A_623 : i32 to index
        %swap3A_625 = arith.index_cast %scan3A_268 : i32 to index
        %swap3A_626 = arith.constant 528 : index
        %swap3A_627 = tpu.vector_load %arg12[%swap3A_624, %swap3A_625, %swap3A_626] {strides = array<i32>} : memref<2x16x768xf32, #tpu.memory_space<vmem>>, vector<16xf32>,
        tpu.vector_store %arg12[%swap3A_624, %swap3A_625, %swap3A_626], %unpack3A_617 {strides = array<i32>} : memref<2x16x768xf32, #tpu.memory_space<vmem>>, vector<16xf32>,
        %get3A_628 = arith.constant 1 : i32
        %get3A_629 = arith.index_cast %get3A_628 : i32 to index
        %get3A_630 = arith.index_cast %scan3A_268 : i32 to index
        %get3A_631 = arith.constant 160 : index
        %get3A_632 = tpu.vector_load %arg9[%get3A_629, %get3A_630, %get3A_631] {strides = array<i32>} : memref<2x16x384xi32, #tpu.memory_space<vmem>>, vector<16xi32>,
        %bitcast3A_633 = vector.bitcast %get3A_632 : vector<16xi32> to vector<32xbf16>
        %get3A_634 = arith.constant 1 : i32
        %get3A_635 = arith.index_cast %get3A_634 : i32 to index
        %get3A_636 = arith.index_cast %scan3A_268 : i32 to index
        %get3A_637 = arith.constant 160 : index
        %get3A_638 = tpu.vector_load %arg10[%get3A_635, %get3A_636, %get3A_637] {strides = array<i32>} : memref<2x16x384xi32, #tpu.memory_space<vmem>>, vector<16xi32>,
        %bitcast3A_639 = vector.bitcast %get3A_638 : vector<16xi32> to vector<32xbf16>
        %get3A_640 = arith.constant 1 : i32
        %get3A_641 = arith.index_cast %get3A_640 : i32 to index
        %get3A_642 = arith.index_cast %scan3A_268 : i32 to index
        %get3A_643 = arith.constant 160 : index
        %get3A_644 = tpu.vector_load %arg11[%get3A_641, %get3A_642, %get3A_643] {strides = array<i32>} : memref<2x16x384xi32, #tpu.memory_space<vmem>>, vector<16xi32>,
        %bitcast3A_645 = vector.bitcast %get3A_644 : vector<16xi32> to vector<32xbf16>
        %mul3A_646 = arith.mulf %pack3A, %bitcast3A_633 : vector<32xbf16>
        %add3A_647 = arith.addf %bitcast3A_645, %mul3A_646 : vector<32xbf16>
        %mul3A_648 = arith.mulf %pack3A_290, %bitcast3A_639 : vector<32xbf16>
        %add3A_649 = arith.addf %add3A_647, %mul3A_648 : vector<32xbf16>
        %unpack3A_650 = tpu.unpack_subelements %add3A_649, 0 {pack_format = #tpu.pack_format<interleaved>} : vector<32xbf16> -> vector<16xf32>
        %unpack3A_651 = tpu.unpack_subelements %add3A_649, 1 {pack_format = #tpu.pack_format<interleaved>} : vector<32xbf16> -> vector<16xf32>
        %swap3A_652 = arith.constant 1 : i32
        %swap3A_653 = arith.index_cast %swap3A_652 : i32 to index
        %swap3A_654 = arith.index_cast %scan3A_268 : i32 to index
        %swap3A_655 = arith.constant 160 : index
        %swap3A_656 = tpu.vector_load %arg12[%swap3A_653, %swap3A_654, %swap3A_655] {strides = array<i32>} : memref<2x16x768xf32, #tpu.memory_space<vmem>>, vector<16xf32>,
        tpu.vector_store %arg12[%swap3A_653, %swap3A_654, %swap3A_655], %unpack3A_650 {strides = array<i32>} : memref<2x16x768xf32, #tpu.memory_space<vmem>>, vector<16xf32>,
        %swap3A_657 = arith.constant 1 : i32
        %swap3A_658 = arith.index_cast %swap3A_657 : i32 to index
        %swap3A_659 = arith.index_cast %scan3A_268 : i32 to index
        %swap3A_660 = arith.constant 544 : index
        %swap3A_661 = tpu.vector_load %arg12[%swap3A_658, %swap3A_659, %swap3A_660] {strides = array<i32>} : memref<2x16x768xf32, #tpu.memory_space<vmem>>, vector<16xf32>,
        tpu.vector_store %arg12[%swap3A_658, %swap3A_659, %swap3A_660], %unpack3A_651 {strides = array<i32>} : memref<2x16x768xf32, #tpu.memory_space<vmem>>, vector<16xf32>,
        %get3A_662 = arith.constant 1 : i32
        %get3A_663 = arith.index_cast %get3A_662 : i32 to index
        %get3A_664 = arith.index_cast %scan3A_268 : i32 to index
        %get3A_665 = arith.constant 176 : index
        %get3A_666 = tpu.vector_load %arg9[%get3A_663, %get3A_664, %get3A_665] {strides = array<i32>} : memref<2x16x384xi32, #tpu.memory_space<vmem>>, vector<16xi32>,
        %bitcast3A_667 = vector.bitcast %get3A_666 : vector<16xi32> to vector<32xbf16>
        %get3A_668 = arith.constant 1 : i32
        %get3A_669 = arith.index_cast %get3A_668 : i32 to index
        %get3A_670 = arith.index_cast %scan3A_268 : i32 to index
        %get3A_671 = arith.constant 176 : index
        %get3A_672 = tpu.vector_load %arg10[%get3A_669, %get3A_670, %get3A_671] {strides = array<i32>} : memref<2x16x384xi32, #tpu.memory_space<vmem>>, vector<16xi32>,
        %bitcast3A_673 = vector.bitcast %get3A_672 : vector<16xi32> to vector<32xbf16>
        %get3A_674 = arith.constant 1 : i32
        %get3A_675 = arith.index_cast %get3A_674 : i32 to index
        %get3A_676 = arith.index_cast %scan3A_268 : i32 to index
        %get3A_677 = arith.constant 176 : index
        %get3A_678 = tpu.vector_load %arg11[%get3A_675, %get3A_676, %get3A_677] {strides = array<i32>} : memref<2x16x384xi32, #tpu.memory_space<vmem>>, vector<16xi32>,
        %bitcast3A_679 = vector.bitcast %get3A_678 : vector<16xi32> to vector<32xbf16>
        %mul3A_680 = arith.mulf %pack3A, %bitcast3A_667 : vector<32xbf16>
        %add3A_681 = arith.addf %bitcast3A_679, %mul3A_680 : vector<32xbf16>
        %mul3A_682 = arith.mulf %pack3A_290, %bitcast3A_673 : vector<32xbf16>
        %add3A_683 = arith.addf %add3A_681, %mul3A_682 : vector<32xbf16>
        %unpack3A_684 = tpu.unpack_subelements %add3A_683, 0 {pack_format = #tpu.pack_format<interleaved>} : vector<32xbf16> -> vector<16xf32>
        %unpack3A_685 = tpu.unpack_subelements %add3A_683, 1 {pack_format = #tpu.pack_format<interleaved>} : vector<32xbf16> -> vector<16xf32>
        %swap3A_686 = arith.constant 1 : i32
        %swap3A_687 = arith.index_cast %swap3A_686 : i32 to index
        %swap3A_688 = arith.index_cast %scan3A_268 : i32 to index
        %swap3A_689 = arith.constant 176 : index
        %swap3A_690 = tpu.vector_load %arg12[%swap3A_687, %swap3A_688, %swap3A_689] {strides = array<i32>} : memref<2x16x768xf32, #tpu.memory_space<vmem>>, vector<16xf32>,
        tpu.vector_store %arg12[%swap3A_687, %swap3A_688, %swap3A_689], %unpack3A_684 {strides = array<i32>} : memref<2x16x768xf32, #tpu.memory_space<vmem>>, vector<16xf32>,
        %swap3A_691 = arith.constant 1 : i32
        %swap3A_692 = arith.index_cast %swap3A_691 : i32 to index
        %swap3A_693 = arith.index_cast %scan3A_268 : i32 to index
        %swap3A_694 = arith.constant 560 : index
        %swap3A_695 = tpu.vector_load %arg12[%swap3A_692, %swap3A_693, %swap3A_694] {strides = array<i32>} : memref<2x16x768xf32, #tpu.memory_space<vmem>>, vector<16xf32>,
        tpu.vector_store %arg12[%swap3A_692, %swap3A_693, %swap3A_694], %unpack3A_685 {strides = array<i32>} : memref<2x16x768xf32, #tpu.memory_space<vmem>>, vector<16xf32>,
        %get3A_696 = arith.constant 1 : i32
        %get3A_697 = arith.index_cast %get3A_696 : i32 to index
        %get3A_698 = arith.index_cast %scan3A_268 : i32 to index
        %get3A_699 = arith.constant 192 : index
        %get3A_700 = tpu.vector_load %arg9[%get3A_697, %get3A_698, %get3A_699] {strides = array<i32>} : memref<2x16x384xi32, #tpu.memory_space<vmem>>, vector<16xi32>,
        %bitcast3A_701 = vector.bitcast %get3A_700 : vector<16xi32> to vector<32xbf16>
        %get3A_702 = arith.constant 1 : i32
        %get3A_703 = arith.index_cast %get3A_702 : i32 to index
        %get3A_704 = arith.index_cast %scan3A_268 : i32 to index
        %get3A_705 = arith.constant 192 : index
        %get3A_706 = tpu.vector_load %arg10[%get3A_703, %get3A_704, %get3A_705] {strides = array<i32>} : memref<2x16x384xi32, #tpu.memory_space<vmem>>, vector<16xi32>,
        %bitcast3A_707 = vector.bitcast %get3A_706 : vector<16xi32> to vector<32xbf16>
        %get3A_708 = arith.constant 1 : i32
        %get3A_709 = arith.index_cast %get3A_708 : i32 to index
        %get3A_710 = arith.index_cast %scan3A_268 : i32 to index
        %get3A_711 = arith.constant 192 : index
        %get3A_712 = tpu.vector_load %arg11[%get3A_709, %get3A_710, %get3A_711] {strides = array<i32>} : memref<2x16x384xi32, #tpu.memory_space<vmem>>, vector<16xi32>,
        %bitcast3A_713 = vector.bitcast %get3A_712 : vector<16xi32> to vector<32xbf16>
        %mul3A_714 = arith.mulf %pack3A, %bitcast3A_701 : vector<32xbf16>
        %add3A_715 = arith.addf %bitcast3A_713, %mul3A_714 : vector<32xbf16>
        %mul3A_716 = arith.mulf %pack3A_290, %bitcast3A_707 : vector<32xbf16>
        %add3A_717 = arith.addf %add3A_715, %mul3A_716 : vector<32xbf16>
        %unpack3A_718 = tpu.unpack_subelements %add3A_717, 0 {pack_format = #tpu.pack_format<interleaved>} : vector<32xbf16> -> vector<16xf32>
        %unpack3A_719 = tpu.unpack_subelements %add3A_717, 1 {pack_format = #tpu.pack_format<interleaved>} : vector<32xbf16> -> vector<16xf32>
        %swap3A_720 = arith.constant 1 : i32
        %swap3A_721 = arith.index_cast %swap3A_720 : i32 to index
        %swap3A_722 = arith.index_cast %scan3A_268 : i32 to index
        %swap3A_723 = arith.constant 192 : index
        %swap3A_724 = tpu.vector_load %arg12[%swap3A_721, %swap3A_722, %swap3A_723] {strides = array<i32>} : memref<2x16x768xf32, #tpu.memory_space<vmem>>, vector<16xf32>,
        tpu.vector_store %arg12[%swap3A_721, %swap3A_722, %swap3A_723], %unpack3A_718 {strides = array<i32>} : memref<2x16x768xf32, #tpu.memory_space<vmem>>, vector<16xf32>,
        %swap3A_725 = arith.constant 1 : i32
        %swap3A_726 = arith.index_cast %swap3A_725 : i32 to index
        %swap3A_727 = arith.index_cast %scan3A_268 : i32 to index
        %swap3A_728 = arith.constant 576 : index
        %swap3A_729 = tpu.vector_load %arg12[%swap3A_726, %swap3A_727, %swap3A_728] {strides = array<i32>} : memref<2x16x768xf32, #tpu.memory_space<vmem>>, vector<16xf32>,
        tpu.vector_store %arg12[%swap3A_726, %swap3A_727, %swap3A_728], %unpack3A_719 {strides = array<i32>} : memref<2x16x768xf32, #tpu.memory_space<vmem>>, vector<16xf32>,
        %get3A_730 = arith.constant 1 : i32
        %get3A_731 = arith.index_cast %get3A_730 : i32 to index
        %get3A_732 = arith.index_cast %scan3A_268 : i32 to index
        %get3A_733 = arith.constant 208 : index
        %get3A_734 = tpu.vector_load %arg9[%get3A_731, %get3A_732, %get3A_733] {strides = array<i32>} : memref<2x16x384xi32, #tpu.memory_space<vmem>>, vector<16xi32>,
        %bitcast3A_735 = vector.bitcast %get3A_734 : vector<16xi32> to vector<32xbf16>
        %get3A_736 = arith.constant 1 : i32
        %get3A_737 = arith.index_cast %get3A_736 : i32 to index
        %get3A_738 = arith.index_cast %scan3A_268 : i32 to index
        %get3A_739 = arith.constant 208 : index
        %get3A_740 = tpu.vector_load %arg10[%get3A_737, %get3A_738, %get3A_739] {strides = array<i32>} : memref<2x16x384xi32, #tpu.memory_space<vmem>>, vector<16xi32>,
        %bitcast3A_741 = vector.bitcast %get3A_740 : vector<16xi32> to vector<32xbf16>
        %get3A_742 = arith.constant 1 : i32
        %get3A_743 = arith.index_cast %get3A_742 : i32 to index
        %get3A_744 = arith.index_cast %scan3A_268 : i32 to index
        %get3A_745 = arith.constant 208 : index
        %get3A_746 = tpu.vector_load %arg11[%get3A_743, %get3A_744, %get3A_745] {strides = array<i32>} : memref<2x16x384xi32, #tpu.memory_space<vmem>>, vector<16xi32>,
        %bitcast3A_747 = vector.bitcast %get3A_746 : vector<16xi32> to vector<32xbf16>
        %mul3A_748 = arith.mulf %pack3A, %bitcast3A_735 : vector<32xbf16>
        %add3A_749 = arith.addf %bitcast3A_747, %mul3A_748 : vector<32xbf16>
        %mul3A_750 = arith.mulf %pack3A_290, %bitcast3A_741 : vector<32xbf16>
        %add3A_751 = arith.addf %add3A_749, %mul3A_750 : vector<32xbf16>
        %unpack3A_752 = tpu.unpack_subelements %add3A_751, 0 {pack_format = #tpu.pack_format<interleaved>} : vector<32xbf16> -> vector<16xf32>
        %unpack3A_753 = tpu.unpack_subelements %add3A_751, 1 {pack_format = #tpu.pack_format<interleaved>} : vector<32xbf16> -> vector<16xf32>
        %swap3A_754 = arith.constant 1 : i32
        %swap3A_755 = arith.index_cast %swap3A_754 : i32 to index
        %swap3A_756 = arith.index_cast %scan3A_268 : i32 to index
        %swap3A_757 = arith.constant 208 : index
        %swap3A_758 = tpu.vector_load %arg12[%swap3A_755, %swap3A_756, %swap3A_757] {strides = array<i32>} : memref<2x16x768xf32, #tpu.memory_space<vmem>>, vector<16xf32>,
        tpu.vector_store %arg12[%swap3A_755, %swap3A_756, %swap3A_757], %unpack3A_752 {strides = array<i32>} : memref<2x16x768xf32, #tpu.memory_space<vmem>>, vector<16xf32>,
        %swap3A_759 = arith.constant 1 : i32
        %swap3A_760 = arith.index_cast %swap3A_759 : i32 to index
        %swap3A_761 = arith.index_cast %scan3A_268 : i32 to index
        %swap3A_762 = arith.constant 592 : index
        %swap3A_763 = tpu.vector_load %arg12[%swap3A_760, %swap3A_761, %swap3A_762] {strides = array<i32>} : memref<2x16x768xf32, #tpu.memory_space<vmem>>, vector<16xf32>,
        tpu.vector_store %arg12[%swap3A_760, %swap3A_761, %swap3A_762], %unpack3A_753 {strides = array<i32>} : memref<2x16x768xf32, #tpu.memory_space<vmem>>, vector<16xf32>,
        %get3A_764 = arith.constant 1 : i32
        %get3A_765 = arith.index_cast %get3A_764 : i32 to index
        %get3A_766 = arith.index_cast %scan3A_268 : i32 to index
        %get3A_767 = arith.constant 224 : index
        %get3A_768 = tpu.vector_load %arg9[%get3A_765, %get3A_766, %get3A_767] {strides = array<i32>} : memref<2x16x384xi32, #tpu.memory_space<vmem>>, vector<16xi32>,
        %bitcast3A_769 = vector.bitcast %get3A_768 : vector<16xi32> to vector<32xbf16>
        %get3A_770 = arith.constant 1 : i32
        %get3A_771 = arith.index_cast %get3A_770 : i32 to index
        %get3A_772 = arith.index_cast %scan3A_268 : i32 to index
        %get3A_773 = arith.constant 224 : index
        %get3A_774 = tpu.vector_load %arg10[%get3A_771, %get3A_772, %get3A_773] {strides = array<i32>} : memref<2x16x384xi32, #tpu.memory_space<vmem>>, vector<16xi32>,
        %bitcast3A_775 = vector.bitcast %get3A_774 : vector<16xi32> to vector<32xbf16>
        %get3A_776 = arith.constant 1 : i32
        %get3A_777 = arith.index_cast %get3A_776 : i32 to index
        %get3A_778 = arith.index_cast %scan3A_268 : i32 to index
        %get3A_779 = arith.constant 224 : index
        %get3A_780 = tpu.vector_load %arg11[%get3A_777, %get3A_778, %get3A_779] {strides = array<i32>} : memref<2x16x384xi32, #tpu.memory_space<vmem>>, vector<16xi32>,
        %bitcast3A_781 = vector.bitcast %get3A_780 : vector<16xi32> to vector<32xbf16>
        %mul3A_782 = arith.mulf %pack3A, %bitcast3A_769 : vector<32xbf16>
        %add3A_783 = arith.addf %bitcast3A_781, %mul3A_782 : vector<32xbf16>
        %mul3A_784 = arith.mulf %pack3A_290, %bitcast3A_775 : vector<32xbf16>
        %add3A_785 = arith.addf %add3A_783, %mul3A_784 : vector<32xbf16>
        %unpack3A_786 = tpu.unpack_subelements %add3A_785, 0 {pack_format = #tpu.pack_format<interleaved>} : vector<32xbf16> -> vector<16xf32>
        %unpack3A_787 = tpu.unpack_subelements %add3A_785, 1 {pack_format = #tpu.pack_format<interleaved>} : vector<32xbf16> -> vector<16xf32>
        %swap3A_788 = arith.constant 1 : i32
        %swap3A_789 = arith.index_cast %swap3A_788 : i32 to index
        %swap3A_790 = arith.index_cast %scan3A_268 : i32 to index
        %swap3A_791 = arith.constant 224 : index
        %swap3A_792 = tpu.vector_load %arg12[%swap3A_789, %swap3A_790, %swap3A_791] {strides = array<i32>} : memref<2x16x768xf32, #tpu.memory_space<vmem>>, vector<16xf32>,
        tpu.vector_store %arg12[%swap3A_789, %swap3A_790, %swap3A_791], %unpack3A_786 {strides = array<i32>} : memref<2x16x768xf32, #tpu.memory_space<vmem>>, vector<16xf32>,
        %swap3A_793 = arith.constant 1 : i32
        %swap3A_794 = arith.index_cast %swap3A_793 : i32 to index
        %swap3A_795 = arith.index_cast %scan3A_268 : i32 to index
        %swap3A_796 = arith.constant 608 : index
        %swap3A_797 = tpu.vector_load %arg12[%swap3A_794, %swap3A_795, %swap3A_796] {strides = array<i32>} : memref<2x16x768xf32, #tpu.memory_space<vmem>>, vector<16xf32>,
        tpu.vector_store %arg12[%swap3A_794, %swap3A_795, %swap3A_796], %unpack3A_787 {strides = array<i32>} : memref<2x16x768xf32, #tpu.memory_space<vmem>>, vector<16xf32>,
        %get3A_798 = arith.constant 1 : i32
        %get3A_799 = arith.index_cast %get3A_798 : i32 to index
        %get3A_800 = arith.index_cast %scan3A_268 : i32 to index
        %get3A_801 = arith.constant 240 : index
        %get3A_802 = tpu.vector_load %arg9[%get3A_799, %get3A_800, %get3A_801] {strides = array<i32>} : memref<2x16x384xi32, #tpu.memory_space<vmem>>, vector<16xi32>,
        %bitcast3A_803 = vector.bitcast %get3A_802 : vector<16xi32> to vector<32xbf16>
        %get3A_804 = arith.constant 1 : i32
        %get3A_805 = arith.index_cast %get3A_804 : i32 to index
        %get3A_806 = arith.index_cast %scan3A_268 : i32 to index
        %get3A_807 = arith.constant 240 : index
        %get3A_808 = tpu.vector_load %arg10[%get3A_805, %get3A_806, %get3A_807] {strides = array<i32>} : memref<2x16x384xi32, #tpu.memory_space<vmem>>, vector<16xi32>,
        %bitcast3A_809 = vector.bitcast %get3A_808 : vector<16xi32> to vector<32xbf16>
        %get3A_810 = arith.constant 1 : i32
        %get3A_811 = arith.index_cast %get3A_810 : i32 to index
        %get3A_812 = arith.index_cast %scan3A_268 : i32 to index
        %get3A_813 = arith.constant 240 : index
        %get3A_814 = tpu.vector_load %arg11[%get3A_811, %get3A_812, %get3A_813] {strides = array<i32>} : memref<2x16x384xi32, #tpu.memory_space<vmem>>, vector<16xi32>,
        %bitcast3A_815 = vector.bitcast %get3A_814 : vector<16xi32> to vector<32xbf16>
        %mul3A_816 = arith.mulf %pack3A, %bitcast3A_803 : vector<32xbf16>
        %add3A_817 = arith.addf %bitcast3A_815, %mul3A_816 : vector<32xbf16>
        %mul3A_818 = arith.mulf %pack3A_290, %bitcast3A_809 : vector<32xbf16>
        %add3A_819 = arith.addf %add3A_817, %mul3A_818 : vector<32xbf16>
        %unpack3A_820 = tpu.unpack_subelements %add3A_819, 0 {pack_format = #tpu.pack_format<interleaved>} : vector<32xbf16> -> vector<16xf32>
        %unpack3A_821 = tpu.unpack_subelements %add3A_819, 1 {pack_format = #tpu.pack_format<interleaved>} : vector<32xbf16> -> vector<16xf32>
        %swap3A_822 = arith.constant 1 : i32
        %swap3A_823 = arith.index_cast %swap3A_822 : i32 to index
        %swap3A_824 = arith.index_cast %scan3A_268 : i32 to index
        %swap3A_825 = arith.constant 240 : index
        %swap3A_826 = tpu.vector_load %arg12[%swap3A_823, %swap3A_824, %swap3A_825] {strides = array<i32>} : memref<2x16x768xf32, #tpu.memory_space<vmem>>, vector<16xf32>,
        tpu.vector_store %arg12[%swap3A_823, %swap3A_824, %swap3A_825], %unpack3A_820 {strides = array<i32>} : memref<2x16x768xf32, #tpu.memory_space<vmem>>, vector<16xf32>,
        %swap3A_827 = arith.constant 1 : i32
        %swap3A_828 = arith.index_cast %swap3A_827 : i32 to index
        %swap3A_829 = arith.index_cast %scan3A_268 : i32 to index
        %swap3A_830 = arith.constant 624 : index
        %swap3A_831 = tpu.vector_load %arg12[%swap3A_828, %swap3A_829, %swap3A_830] {strides = array<i32>} : memref<2x16x768xf32, #tpu.memory_space<vmem>>, vector<16xf32>,
        tpu.vector_store %arg12[%swap3A_828, %swap3A_829, %swap3A_830], %unpack3A_821 {strides = array<i32>} : memref<2x16x768xf32, #tpu.memory_space<vmem>>, vector<16xf32>,
        %get3A_832 = arith.constant 1 : i32
        %get3A_833 = arith.index_cast %get3A_832 : i32 to index
        %get3A_834 = arith.index_cast %scan3A_268 : i32 to index
        %get3A_835 = arith.constant 256 : index
        %get3A_836 = tpu.vector_load %arg9[%get3A_833, %get3A_834, %get3A_835] {strides = array<i32>} : memref<2x16x384xi32, #tpu.memory_space<vmem>>, vector<16xi32>,
        %bitcast3A_837 = vector.bitcast %get3A_836 : vector<16xi32> to vector<32xbf16>
        %get3A_838 = arith.constant 1 : i32
        %get3A_839 = arith.index_cast %get3A_838 : i32 to index
        %get3A_840 = arith.index_cast %scan3A_268 : i32 to index
        %get3A_841 = arith.constant 256 : index
        %get3A_842 = tpu.vector_load %arg10[%get3A_839, %get3A_840, %get3A_841] {strides = array<i32>} : memref<2x16x384xi32, #tpu.memory_space<vmem>>, vector<16xi32>,
        %bitcast3A_843 = vector.bitcast %get3A_842 : vector<16xi32> to vector<32xbf16>
        %get3A_844 = arith.constant 1 : i32
        %get3A_845 = arith.index_cast %get3A_844 : i32 to index
        %get3A_846 = arith.index_cast %scan3A_268 : i32 to index
        %get3A_847 = arith.constant 256 : index
        %get3A_848 = tpu.vector_load %arg11[%get3A_845, %get3A_846, %get3A_847] {strides = array<i32>} : memref<2x16x384xi32, #tpu.memory_space<vmem>>, vector<16xi32>,
        %bitcast3A_849 = vector.bitcast %get3A_848 : vector<16xi32> to vector<32xbf16>
        %mul3A_850 = arith.mulf %pack3A, %bitcast3A_837 : vector<32xbf16>
        %add3A_851 = arith.addf %bitcast3A_849, %mul3A_850 : vector<32xbf16>
        %mul3A_852 = arith.mulf %pack3A_290, %bitcast3A_843 : vector<32xbf16>
        %add3A_853 = arith.addf %add3A_851, %mul3A_852 : vector<32xbf16>
        %unpack3A_854 = tpu.unpack_subelements %add3A_853, 0 {pack_format = #tpu.pack_format<interleaved>} : vector<32xbf16> -> vector<16xf32>
        %unpack3A_855 = tpu.unpack_subelements %add3A_853, 1 {pack_format = #tpu.pack_format<interleaved>} : vector<32xbf16> -> vector<16xf32>
        %swap3A_856 = arith.constant 1 : i32
        %swap3A_857 = arith.index_cast %swap3A_856 : i32 to index
        %swap3A_858 = arith.index_cast %scan3A_268 : i32 to index
        %swap3A_859 = arith.constant 256 : index
        %swap3A_860 = tpu.vector_load %arg12[%swap3A_857, %swap3A_858, %swap3A_859] {strides = array<i32>} : memref<2x16x768xf32, #tpu.memory_space<vmem>>, vector<16xf32>,
        tpu.vector_store %arg12[%swap3A_857, %swap3A_858, %swap3A_859], %unpack3A_854 {strides = array<i32>} : memref<2x16x768xf32, #tpu.memory_space<vmem>>, vector<16xf32>,
        %swap3A_861 = arith.constant 1 : i32
        %swap3A_862 = arith.index_cast %swap3A_861 : i32 to index
        %swap3A_863 = arith.index_cast %scan3A_268 : i32 to index
        %swap3A_864 = arith.constant 640 : index
        %swap3A_865 = tpu.vector_load %arg12[%swap3A_862, %swap3A_863, %swap3A_864] {strides = array<i32>} : memref<2x16x768xf32, #tpu.memory_space<vmem>>, vector<16xf32>,
        tpu.vector_store %arg12[%swap3A_862, %swap3A_863, %swap3A_864], %unpack3A_855 {strides = array<i32>} : memref<2x16x768xf32, #tpu.memory_space<vmem>>, vector<16xf32>,
        %get3A_866 = arith.constant 1 : i32
        %get3A_867 = arith.index_cast %get3A_866 : i32 to index
        %get3A_868 = arith.index_cast %scan3A_268 : i32 to index
        %get3A_869 = arith.constant 272 : index
        %get3A_870 = tpu.vector_load %arg9[%get3A_867, %get3A_868, %get3A_869] {strides = array<i32>} : memref<2x16x384xi32, #tpu.memory_space<vmem>>, vector<16xi32>,
        %bitcast3A_871 = vector.bitcast %get3A_870 : vector<16xi32> to vector<32xbf16>
        %get3A_872 = arith.constant 1 : i32
        %get3A_873 = arith.index_cast %get3A_872 : i32 to index
        %get3A_874 = arith.index_cast %scan3A_268 : i32 to index
        %get3A_875 = arith.constant 272 : index
        %get3A_876 = tpu.vector_load %arg10[%get3A_873, %get3A_874, %get3A_875] {strides = array<i32>} : memref<2x16x384xi32, #tpu.memory_space<vmem>>, vector<16xi32>,
        %bitcast3A_877 = vector.bitcast %get3A_876 : vector<16xi32> to vector<32xbf16>
        %get3A_878 = arith.constant 1 : i32
        %get3A_879 = arith.index_cast %get3A_878 : i32 to index
        %get3A_880 = arith.index_cast %scan3A_268 : i32 to index
        %get3A_881 = arith.constant 272 : index
        %get3A_882 = tpu.vector_load %arg11[%get3A_879, %get3A_880, %get3A_881] {strides = array<i32>} : memref<2x16x384xi32, #tpu.memory_space<vmem>>, vector<16xi32>,
        %bitcast3A_883 = vector.bitcast %get3A_882 : vector<16xi32> to vector<32xbf16>
        %mul3A_884 = arith.mulf %pack3A, %bitcast3A_871 : vector<32xbf16>
        %add3A_885 = arith.addf %bitcast3A_883, %mul3A_884 : vector<32xbf16>
        %mul3A_886 = arith.mulf %pack3A_290, %bitcast3A_877 : vector<32xbf16>
        %add3A_887 = arith.addf %add3A_885, %mul3A_886 : vector<32xbf16>
        %unpack3A_888 = tpu.unpack_subelements %add3A_887, 0 {pack_format = #tpu.pack_format<interleaved>} : vector<32xbf16> -> vector<16xf32>
        %unpack3A_889 = tpu.unpack_subelements %add3A_887, 1 {pack_format = #tpu.pack_format<interleaved>} : vector<32xbf16> -> vector<16xf32>
        %swap3A_890 = arith.constant 1 : i32
        %swap3A_891 = arith.index_cast %swap3A_890 : i32 to index
        %swap3A_892 = arith.index_cast %scan3A_268 : i32 to index
        %swap3A_893 = arith.constant 272 : index
        %swap3A_894 = tpu.vector_load %arg12[%swap3A_891, %swap3A_892, %swap3A_893] {strides = array<i32>} : memref<2x16x768xf32, #tpu.memory_space<vmem>>, vector<16xf32>,
        tpu.vector_store %arg12[%swap3A_891, %swap3A_892, %swap3A_893], %unpack3A_888 {strides = array<i32>} : memref<2x16x768xf32, #tpu.memory_space<vmem>>, vector<16xf32>,
        %swap3A_895 = arith.constant 1 : i32
        %swap3A_896 = arith.index_cast %swap3A_895 : i32 to index
        %swap3A_897 = arith.index_cast %scan3A_268 : i32 to index
        %swap3A_898 = arith.constant 656 : index
        %swap3A_899 = tpu.vector_load %arg12[%swap3A_896, %swap3A_897, %swap3A_898] {strides = array<i32>} : memref<2x16x768xf32, #tpu.memory_space<vmem>>, vector<16xf32>,
        tpu.vector_store %arg12[%swap3A_896, %swap3A_897, %swap3A_898], %unpack3A_889 {strides = array<i32>} : memref<2x16x768xf32, #tpu.memory_space<vmem>>, vector<16xf32>,
        %get3A_900 = arith.constant 1 : i32
        %get3A_901 = arith.index_cast %get3A_900 : i32 to index
        %get3A_902 = arith.index_cast %scan3A_268 : i32 to index
        %get3A_903 = arith.constant 288 : index
        %get3A_904 = tpu.vector_load %arg9[%get3A_901, %get3A_902, %get3A_903] {strides = array<i32>} : memref<2x16x384xi32, #tpu.memory_space<vmem>>, vector<16xi32>,
        %bitcast3A_905 = vector.bitcast %get3A_904 : vector<16xi32> to vector<32xbf16>
        %get3A_906 = arith.constant 1 : i32
        %get3A_907 = arith.index_cast %get3A_906 : i32 to index
        %get3A_908 = arith.index_cast %scan3A_268 : i32 to index
        %get3A_909 = arith.constant 288 : index
        %get3A_910 = tpu.vector_load %arg10[%get3A_907, %get3A_908, %get3A_909] {strides = array<i32>} : memref<2x16x384xi32, #tpu.memory_space<vmem>>, vector<16xi32>,
        %bitcast3A_911 = vector.bitcast %get3A_910 : vector<16xi32> to vector<32xbf16>
        %get3A_912 = arith.constant 1 : i32
        %get3A_913 = arith.index_cast %get3A_912 : i32 to index
        %get3A_914 = arith.index_cast %scan3A_268 : i32 to index
        %get3A_915 = arith.constant 288 : index
        %get3A_916 = tpu.vector_load %arg11[%get3A_913, %get3A_914, %get3A_915] {strides = array<i32>} : memref<2x16x384xi32, #tpu.memory_space<vmem>>, vector<16xi32>,
        %bitcast3A_917 = vector.bitcast %get3A_916 : vector<16xi32> to vector<32xbf16>
        %mul3A_918 = arith.mulf %pack3A, %bitcast3A_905 : vector<32xbf16>
        %add3A_919 = arith.addf %bitcast3A_917, %mul3A_918 : vector<32xbf16>
        %mul3A_920 = arith.mulf %pack3A_290, %bitcast3A_911 : vector<32xbf16>
        %add3A_921 = arith.addf %add3A_919, %mul3A_920 : vector<32xbf16>
        %unpack3A_922 = tpu.unpack_subelements %add3A_921, 0 {pack_format = #tpu.pack_format<interleaved>} : vector<32xbf16> -> vector<16xf32>
        %unpack3A_923 = tpu.unpack_subelements %add3A_921, 1 {pack_format = #tpu.pack_format<interleaved>} : vector<32xbf16> -> vector<16xf32>
        %swap3A_924 = arith.constant 1 : i32
        %swap3A_925 = arith.index_cast %swap3A_924 : i32 to index
        %swap3A_926 = arith.index_cast %scan3A_268 : i32 to index
        %swap3A_927 = arith.constant 288 : index
        %swap3A_928 = tpu.vector_load %arg12[%swap3A_925, %swap3A_926, %swap3A_927] {strides = array<i32>} : memref<2x16x768xf32, #tpu.memory_space<vmem>>, vector<16xf32>,
        tpu.vector_store %arg12[%swap3A_925, %swap3A_926, %swap3A_927], %unpack3A_922 {strides = array<i32>} : memref<2x16x768xf32, #tpu.memory_space<vmem>>, vector<16xf32>,
        %swap3A_929 = arith.constant 1 : i32
        %swap3A_930 = arith.index_cast %swap3A_929 : i32 to index
        %swap3A_931 = arith.index_cast %scan3A_268 : i32 to index
        %swap3A_932 = arith.constant 672 : index
        %swap3A_933 = tpu.vector_load %arg12[%swap3A_930, %swap3A_931, %swap3A_932] {strides = array<i32>} : memref<2x16x768xf32, #tpu.memory_space<vmem>>, vector<16xf32>,
        tpu.vector_store %arg12[%swap3A_930, %swap3A_931, %swap3A_932], %unpack3A_923 {strides = array<i32>} : memref<2x16x768xf32, #tpu.memory_space<vmem>>, vector<16xf32>,
        %get3A_934 = arith.constant 1 : i32
        %get3A_935 = arith.index_cast %get3A_934 : i32 to index
        %get3A_936 = arith.index_cast %scan3A_268 : i32 to index
        %get3A_937 = arith.constant 304 : index
        %get3A_938 = tpu.vector_load %arg9[%get3A_935, %get3A_936, %get3A_937] {strides = array<i32>} : memref<2x16x384xi32, #tpu.memory_space<vmem>>, vector<16xi32>,
        %bitcast3A_939 = vector.bitcast %get3A_938 : vector<16xi32> to vector<32xbf16>
        %get3A_940 = arith.constant 1 : i32
        %get3A_941 = arith.index_cast %get3A_940 : i32 to index
        %get3A_942 = arith.index_cast %scan3A_268 : i32 to index
        %get3A_943 = arith.constant 304 : index
        %get3A_944 = tpu.vector_load %arg10[%get3A_941, %get3A_942, %get3A_943] {strides = array<i32>} : memref<2x16x384xi32, #tpu.memory_space<vmem>>, vector<16xi32>,
        %bitcast3A_945 = vector.bitcast %get3A_944 : vector<16xi32> to vector<32xbf16>
        %get3A_946 = arith.constant 1 : i32
        %get3A_947 = arith.index_cast %get3A_946 : i32 to index
        %get3A_948 = arith.index_cast %scan3A_268 : i32 to index
        %get3A_949 = arith.constant 304 : index
        %get3A_950 = tpu.vector_load %arg11[%get3A_947, %get3A_948, %get3A_949] {strides = array<i32>} : memref<2x16x384xi32, #tpu.memory_space<vmem>>, vector<16xi32>,
        %bitcast3A_951 = vector.bitcast %get3A_950 : vector<16xi32> to vector<32xbf16>
        %mul3A_952 = arith.mulf %pack3A, %bitcast3A_939 : vector<32xbf16>
        %add3A_953 = arith.addf %bitcast3A_951, %mul3A_952 : vector<32xbf16>
        %mul3A_954 = arith.mulf %pack3A_290, %bitcast3A_945 : vector<32xbf16>
        %add3A_955 = arith.addf %add3A_953, %mul3A_954 : vector<32xbf16>
        %unpack3A_956 = tpu.unpack_subelements %add3A_955, 0 {pack_format = #tpu.pack_format<interleaved>} : vector<32xbf16> -> vector<16xf32>
        %unpack3A_957 = tpu.unpack_subelements %add3A_955, 1 {pack_format = #tpu.pack_format<interleaved>} : vector<32xbf16> -> vector<16xf32>
        %swap3A_958 = arith.constant 1 : i32
        %swap3A_959 = arith.index_cast %swap3A_958 : i32 to index
        %swap3A_960 = arith.index_cast %scan3A_268 : i32 to index
        %swap3A_961 = arith.constant 304 : index
        %swap3A_962 = tpu.vector_load %arg12[%swap3A_959, %swap3A_960, %swap3A_961] {strides = array<i32>} : memref<2x16x768xf32, #tpu.memory_space<vmem>>, vector<16xf32>,
        tpu.vector_store %arg12[%swap3A_959, %swap3A_960, %swap3A_961], %unpack3A_956 {strides = array<i32>} : memref<2x16x768xf32, #tpu.memory_space<vmem>>, vector<16xf32>,
        %swap3A_963 = arith.constant 1 : i32
        %swap3A_964 = arith.index_cast %swap3A_963 : i32 to index
        %swap3A_965 = arith.index_cast %scan3A_268 : i32 to index
        %swap3A_966 = arith.constant 688 : index
        %swap3A_967 = tpu.vector_load %arg12[%swap3A_964, %swap3A_965, %swap3A_966] {strides = array<i32>} : memref<2x16x768xf32, #tpu.memory_space<vmem>>, vector<16xf32>,
        tpu.vector_store %arg12[%swap3A_964, %swap3A_965, %swap3A_966], %unpack3A_957 {strides = array<i32>} : memref<2x16x768xf32, #tpu.memory_space<vmem>>, vector<16xf32>,
        %get3A_968 = arith.constant 1 : i32
        %get3A_969 = arith.index_cast %get3A_968 : i32 to index
        %get3A_970 = arith.index_cast %scan3A_268 : i32 to index
        %get3A_971 = arith.constant 320 : index
        %get3A_972 = tpu.vector_load %arg9[%get3A_969, %get3A_970, %get3A_971] {strides = array<i32>} : memref<2x16x384xi32, #tpu.memory_space<vmem>>, vector<16xi32>,
        %bitcast3A_973 = vector.bitcast %get3A_972 : vector<16xi32> to vector<32xbf16>
        %get3A_974 = arith.constant 1 : i32
        %get3A_975 = arith.index_cast %get3A_974 : i32 to index
        %get3A_976 = arith.index_cast %scan3A_268 : i32 to index
        %get3A_977 = arith.constant 320 : index
        %get3A_978 = tpu.vector_load %arg10[%get3A_975, %get3A_976, %get3A_977] {strides = array<i32>} : memref<2x16x384xi32, #tpu.memory_space<vmem>>, vector<16xi32>,
        %bitcast3A_979 = vector.bitcast %get3A_978 : vector<16xi32> to vector<32xbf16>
        %get3A_980 = arith.constant 1 : i32
        %get3A_981 = arith.index_cast %get3A_980 : i32 to index
        %get3A_982 = arith.index_cast %scan3A_268 : i32 to index
        %get3A_983 = arith.constant 320 : index
        %get3A_984 = tpu.vector_load %arg11[%get3A_981, %get3A_982, %get3A_983] {strides = array<i32>} : memref<2x16x384xi32, #tpu.memory_space<vmem>>, vector<16xi32>,
        %bitcast3A_985 = vector.bitcast %get3A_984 : vector<16xi32> to vector<32xbf16>
        %mul3A_986 = arith.mulf %pack3A, %bitcast3A_973 : vector<32xbf16>
        %add3A_987 = arith.addf %bitcast3A_985, %mul3A_986 : vector<32xbf16>
        %mul3A_988 = arith.mulf %pack3A_290, %bitcast3A_979 : vector<32xbf16>
        %add3A_989 = arith.addf %add3A_987, %mul3A_988 : vector<32xbf16>
        %unpack3A_990 = tpu.unpack_subelements %add3A_989, 0 {pack_format = #tpu.pack_format<interleaved>} : vector<32xbf16> -> vector<16xf32>
        %unpack3A_991 = tpu.unpack_subelements %add3A_989, 1 {pack_format = #tpu.pack_format<interleaved>} : vector<32xbf16> -> vector<16xf32>
        %swap3A_992 = arith.constant 1 : i32
        %swap3A_993 = arith.index_cast %swap3A_992 : i32 to index
        %swap3A_994 = arith.index_cast %scan3A_268 : i32 to index
        %swap3A_995 = arith.constant 320 : index
        %swap3A_996 = tpu.vector_load %arg12[%swap3A_993, %swap3A_994, %swap3A_995] {strides = array<i32>} : memref<2x16x768xf32, #tpu.memory_space<vmem>>, vector<16xf32>,
        tpu.vector_store %arg12[%swap3A_993, %swap3A_994, %swap3A_995], %unpack3A_990 {strides = array<i32>} : memref<2x16x768xf32, #tpu.memory_space<vmem>>, vector<16xf32>,
        %swap3A_997 = arith.constant 1 : i32
        %swap3A_998 = arith.index_cast %swap3A_997 : i32 to index
        %swap3A_999 = arith.index_cast %scan3A_268 : i32 to index
        %swap3A_1000 = arith.constant 704 : index
        %swap3A_1001 = tpu.vector_load %arg12[%swap3A_998, %swap3A_999, %swap3A_1000] {strides = array<i32>} : memref<2x16x768xf32, #tpu.memory_space<vmem>>, vector<16xf32>,
        tpu.vector_store %arg12[%swap3A_998, %swap3A_999, %swap3A_1000], %unpack3A_991 {strides = array<i32>} : memref<2x16x768xf32, #tpu.memory_space<vmem>>, vector<16xf32>,
        %get3A_1002 = arith.constant 1 : i32
        %get3A_1003 = arith.index_cast %get3A_1002 : i32 to index
        %get3A_1004 = arith.index_cast %scan3A_268 : i32 to index
        %get3A_1005 = arith.constant 336 : index
        %get3A_1006 = tpu.vector_load %arg9[%get3A_1003, %get3A_1004, %get3A_1005] {strides = array<i32>} : memref<2x16x384xi32, #tpu.memory_space<vmem>>, vector<16xi32>,
        %bitcast3A_1007 = vector.bitcast %get3A_1006 : vector<16xi32> to vector<32xbf16>
        %get3A_1008 = arith.constant 1 : i32
        %get3A_1009 = arith.index_cast %get3A_1008 : i32 to index
        %get3A_1010 = arith.index_cast %scan3A_268 : i32 to index
        %get3A_1011 = arith.constant 336 : index
        %get3A_1012 = tpu.vector_load %arg10[%get3A_1009, %get3A_1010, %get3A_1011] {strides = array<i32>} : memref<2x16x384xi32, #tpu.memory_space<vmem>>, vector<16xi32>,
        %bitcast3A_1013 = vector.bitcast %get3A_1012 : vector<16xi32> to vector<32xbf16>
        %get3A_1014 = arith.constant 1 : i32
        %get3A_1015 = arith.index_cast %get3A_1014 : i32 to index
        %get3A_1016 = arith.index_cast %scan3A_268 : i32 to index
        %get3A_1017 = arith.constant 336 : index
        %get3A_1018 = tpu.vector_load %arg11[%get3A_1015, %get3A_1016, %get3A_1017] {strides = array<i32>} : memref<2x16x384xi32, #tpu.memory_space<vmem>>, vector<16xi32>,
        %bitcast3A_1019 = vector.bitcast %get3A_1018 : vector<16xi32> to vector<32xbf16>
        %mul3A_1020 = arith.mulf %pack3A, %bitcast3A_1007 : vector<32xbf16>
        %add3A_1021 = arith.addf %bitcast3A_1019, %mul3A_1020 : vector<32xbf16>
        %mul3A_1022 = arith.mulf %pack3A_290, %bitcast3A_1013 : vector<32xbf16>
        %add3A_1023 = arith.addf %add3A_1021, %mul3A_1022 : vector<32xbf16>
        %unpack3A_1024 = tpu.unpack_subelements %add3A_1023, 0 {pack_format = #tpu.pack_format<interleaved>} : vector<32xbf16> -> vector<16xf32>
        %unpack3A_1025 = tpu.unpack_subelements %add3A_1023, 1 {pack_format = #tpu.pack_format<interleaved>} : vector<32xbf16> -> vector<16xf32>
        %swap3A_1026 = arith.constant 1 : i32
        %swap3A_1027 = arith.index_cast %swap3A_1026 : i32 to index
        %swap3A_1028 = arith.index_cast %scan3A_268 : i32 to index
        %swap3A_1029 = arith.constant 336 : index
        %swap3A_1030 = tpu.vector_load %arg12[%swap3A_1027, %swap3A_1028, %swap3A_1029] {strides = array<i32>} : memref<2x16x768xf32, #tpu.memory_space<vmem>>, vector<16xf32>,
        tpu.vector_store %arg12[%swap3A_1027, %swap3A_1028, %swap3A_1029], %unpack3A_1024 {strides = array<i32>} : memref<2x16x768xf32, #tpu.memory_space<vmem>>, vector<16xf32>,
        %swap3A_1031 = arith.constant 1 : i32
        %swap3A_1032 = arith.index_cast %swap3A_1031 : i32 to index
        %swap3A_1033 = arith.index_cast %scan3A_268 : i32 to index
        %swap3A_1034 = arith.constant 720 : index
        %swap3A_1035 = tpu.vector_load %arg12[%swap3A_1032, %swap3A_1033, %swap3A_1034] {strides = array<i32>} : memref<2x16x768xf32, #tpu.memory_space<vmem>>, vector<16xf32>,
        tpu.vector_store %arg12[%swap3A_1032, %swap3A_1033, %swap3A_1034], %unpack3A_1025 {strides = array<i32>} : memref<2x16x768xf32, #tpu.memory_space<vmem>>, vector<16xf32>,
        %get3A_1036 = arith.constant 1 : i32
        %get3A_1037 = arith.index_cast %get3A_1036 : i32 to index
        %get3A_1038 = arith.index_cast %scan3A_268 : i32 to index
        %get3A_1039 = arith.constant 352 : index
        %get3A_1040 = tpu.vector_load %arg9[%get3A_1037, %get3A_1038, %get3A_1039] {strides = array<i32>} : memref<2x16x384xi32, #tpu.memory_space<vmem>>, vector<16xi32>,
        %bitcast3A_1041 = vector.bitcast %get3A_1040 : vector<16xi32> to vector<32xbf16>
        %get3A_1042 = arith.constant 1 : i32
        %get3A_1043 = arith.index_cast %get3A_1042 : i32 to index
        %get3A_1044 = arith.index_cast %scan3A_268 : i32 to index
        %get3A_1045 = arith.constant 352 : index
        %get3A_1046 = tpu.vector_load %arg10[%get3A_1043, %get3A_1044, %get3A_1045] {strides = array<i32>} : memref<2x16x384xi32, #tpu.memory_space<vmem>>, vector<16xi32>,
        %bitcast3A_1047 = vector.bitcast %get3A_1046 : vector<16xi32> to vector<32xbf16>
        %get3A_1048 = arith.constant 1 : i32
        %get3A_1049 = arith.index_cast %get3A_1048 : i32 to index
        %get3A_1050 = arith.index_cast %scan3A_268 : i32 to index
        %get3A_1051 = arith.constant 352 : index
        %get3A_1052 = tpu.vector_load %arg11[%get3A_1049, %get3A_1050, %get3A_1051] {strides = array<i32>} : memref<2x16x384xi32, #tpu.memory_space<vmem>>, vector<16xi32>,
        %bitcast3A_1053 = vector.bitcast %get3A_1052 : vector<16xi32> to vector<32xbf16>
        %mul3A_1054 = arith.mulf %pack3A, %bitcast3A_1041 : vector<32xbf16>
        %add3A_1055 = arith.addf %bitcast3A_1053, %mul3A_1054 : vector<32xbf16>
        %mul3A_1056 = arith.mulf %pack3A_290, %bitcast3A_1047 : vector<32xbf16>
        %add3A_1057 = arith.addf %add3A_1055, %mul3A_1056 : vector<32xbf16>
        %unpack3A_1058 = tpu.unpack_subelements %add3A_1057, 0 {pack_format = #tpu.pack_format<interleaved>} : vector<32xbf16> -> vector<16xf32>
        %unpack3A_1059 = tpu.unpack_subelements %add3A_1057, 1 {pack_format = #tpu.pack_format<interleaved>} : vector<32xbf16> -> vector<16xf32>
        %swap3A_1060 = arith.constant 1 : i32
        %swap3A_1061 = arith.index_cast %swap3A_1060 : i32 to index
        %swap3A_1062 = arith.index_cast %scan3A_268 : i32 to index
        %swap3A_1063 = arith.constant 352 : index
        %swap3A_1064 = tpu.vector_load %arg12[%swap3A_1061, %swap3A_1062, %swap3A_1063] {strides = array<i32>} : memref<2x16x768xf32, #tpu.memory_space<vmem>>, vector<16xf32>,
        tpu.vector_store %arg12[%swap3A_1061, %swap3A_1062, %swap3A_1063], %unpack3A_1058 {strides = array<i32>} : memref<2x16x768xf32, #tpu.memory_space<vmem>>, vector<16xf32>,
        %swap3A_1065 = arith.constant 1 : i32
        %swap3A_1066 = arith.index_cast %swap3A_1065 : i32 to index
        %swap3A_1067 = arith.index_cast %scan3A_268 : i32 to index
        %swap3A_1068 = arith.constant 736 : index
        %swap3A_1069 = tpu.vector_load %arg12[%swap3A_1066, %swap3A_1067, %swap3A_1068] {strides = array<i32>} : memref<2x16x768xf32, #tpu.memory_space<vmem>>, vector<16xf32>,
        tpu.vector_store %arg12[%swap3A_1066, %swap3A_1067, %swap3A_1068], %unpack3A_1059 {strides = array<i32>} : memref<2x16x768xf32, #tpu.memory_space<vmem>>, vector<16xf32>,
        %get3A_1070 = arith.constant 1 : i32
        %get3A_1071 = arith.index_cast %get3A_1070 : i32 to index
        %get3A_1072 = arith.index_cast %scan3A_268 : i32 to index
        %get3A_1073 = arith.constant 368 : index
        %get3A_1074 = tpu.vector_load %arg9[%get3A_1071, %get3A_1072, %get3A_1073] {strides = array<i32>} : memref<2x16x384xi32, #tpu.memory_space<vmem>>, vector<16xi32>,
        %bitcast3A_1075 = vector.bitcast %get3A_1074 : vector<16xi32> to vector<32xbf16>
        %get3A_1076 = arith.constant 1 : i32
        %get3A_1077 = arith.index_cast %get3A_1076 : i32 to index
        %get3A_1078 = arith.index_cast %scan3A_268 : i32 to index
        %get3A_1079 = arith.constant 368 : index
        %get3A_1080 = tpu.vector_load %arg10[%get3A_1077, %get3A_1078, %get3A_1079] {strides = array<i32>} : memref<2x16x384xi32, #tpu.memory_space<vmem>>, vector<16xi32>,
        %bitcast3A_1081 = vector.bitcast %get3A_1080 : vector<16xi32> to vector<32xbf16>
        %get3A_1082 = arith.constant 1 : i32
        %get3A_1083 = arith.index_cast %get3A_1082 : i32 to index
        %get3A_1084 = arith.index_cast %scan3A_268 : i32 to index
        %get3A_1085 = arith.constant 368 : index
        %get3A_1086 = tpu.vector_load %arg11[%get3A_1083, %get3A_1084, %get3A_1085] {strides = array<i32>} : memref<2x16x384xi32, #tpu.memory_space<vmem>>, vector<16xi32>,
        %bitcast3A_1087 = vector.bitcast %get3A_1086 : vector<16xi32> to vector<32xbf16>
        %mul3A_1088 = arith.mulf %pack3A, %bitcast3A_1075 : vector<32xbf16>
        %add3A_1089 = arith.addf %bitcast3A_1087, %mul3A_1088 : vector<32xbf16>
        %mul3A_1090 = arith.mulf %pack3A_290, %bitcast3A_1081 : vector<32xbf16>
        %add3A_1091 = arith.addf %add3A_1089, %mul3A_1090 : vector<32xbf16>
        %unpack3A_1092 = tpu.unpack_subelements %add3A_1091, 0 {pack_format = #tpu.pack_format<interleaved>} : vector<32xbf16> -> vector<16xf32>
        %unpack3A_1093 = tpu.unpack_subelements %add3A_1091, 1 {pack_format = #tpu.pack_format<interleaved>} : vector<32xbf16> -> vector<16xf32>
        %swap3A_1094 = arith.constant 1 : i32
        %swap3A_1095 = arith.index_cast %swap3A_1094 : i32 to index
        %swap3A_1096 = arith.index_cast %scan3A_268 : i32 to index
        %swap3A_1097 = arith.constant 368 : index
        %swap3A_1098 = tpu.vector_load %arg12[%swap3A_1095, %swap3A_1096, %swap3A_1097] {strides = array<i32>} : memref<2x16x768xf32, #tpu.memory_space<vmem>>, vector<16xf32>,
        tpu.vector_store %arg12[%swap3A_1095, %swap3A_1096, %swap3A_1097], %unpack3A_1092 {strides = array<i32>} : memref<2x16x768xf32, #tpu.memory_space<vmem>>, vector<16xf32>,
        %swap3A_1099 = arith.constant 1 : i32
        %swap3A_1100 = arith.index_cast %swap3A_1099 : i32 to index
        %swap3A_1101 = arith.index_cast %scan3A_268 : i32 to index
        %swap3A_1102 = arith.constant 752 : index
        %swap3A_1103 = tpu.vector_load %arg12[%swap3A_1100, %swap3A_1101, %swap3A_1102] {strides = array<i32>} : memref<2x16x768xf32, #tpu.memory_space<vmem>>, vector<16xf32>,
        tpu.vector_store %arg12[%swap3A_1100, %swap3A_1101, %swap3A_1102], %unpack3A_1093 {strides = array<i32>} : memref<2x16x768xf32, #tpu.memory_space<vmem>>, vector<16xf32>,
      }
      %scan3A_249 = arith.constant 16 : i32
      %add3A_250 = arith.constant 1 : i32
      %add3A_251 = arith.addi %mul3A_74, %add3A_250 : i32
      %mul3A_252 = arith.constant 16 : i32
      %mul3A_253 = arith.muli %add3A_251, %mul3A_252 : i32
      %add3A_254 = arith.addi %mul3A_4, %mul3A_253 : i32
      %dma_start3A_255 = arith.constant 1 : i32
      %dma_start3A_256 = arith.constant 0 : i32
      %dma_start3A_257 = arith.constant 0 : i32
      %dma_start3A_258 = tpu.memref_slice %arg12[%dma_start3A_255, %dma_start3A_256, %dma_start3A_257] : memref<2x16x768xf32, #tpu.memory_space<vmem>> -> memref<1x16x768xf32, #tpu.memory_space<vmem>>
      %dma_start3A_259 = tpu.memref_squeeze %dma_start3A_258 : memref<1x16x768xf32, #tpu.memory_space<vmem>> -> memref<16x768xf32, #tpu.memory_space<vmem>>
      %dma_start3A_260 = arith.constant 0 : i32
      %dma_start3A_261 = tpu.memref_slice %arg6[%add3A_254, %dma_start3A_260] : memref<8192x768xf32, #tpu.memory_space<hbm>> -> memref<16x768xf32, #tpu.memory_space<hbm>>
      %dma_start3A_262 = arith.constant 0 : i32
      %dma_start3A_263 = tpu.memref_slice %arg6[%add3A_254, %dma_start3A_262] : memref<8192x768xf32, #tpu.memory_space<hbm>> -> memref<16x768xf32, #tpu.memory_space<hbm>>
      %dma_start3A_264 = arith.constant 0 : i32
      %dma_start3A_265 = arith.constant 0 : i32
      %dma_start3A_266 = tpu.memref_slice %arg12[%dma_start3A_255, %dma_start3A_264, %dma_start3A_265] : memref<2x16x768xf32, #tpu.memory_space<vmem>> -> memref<1x16x768xf32, #tpu.memory_space<vmem>>
      %dma_start3A_267 = tpu.memref_squeeze %dma_start3A_266 : memref<1x16x768xf32, #tpu.memory_space<vmem>> -> memref<16x768xf32, #tpu.memory_space<vmem>>
      tpu.enqueue_dma source(%dma_start3A_267 : memref<16x768xf32, #tpu.memory_space<vmem>>) target(%dma_start3A_263 : memref<16x768xf32, #tpu.memory_space<hbm>>) target_semaphore(%arg14 : memref<!tpu.dma_semaphore, #tpu.memory_space<semaphore_mem>>)
    }
    %scan3A_42 = arith.constant 8 : i32
    %dma_wait3A = arith.constant 0 : i32
    %dma_wait3A_43 = arith.constant 0 : i32
    %dma_wait3A_44 = arith.constant 0 : i32
    %dma_wait3A_45 = tpu.memref_slice %arg12[%dma_wait3A, %dma_wait3A_43, %dma_wait3A_44] : memref<2x16x768xf32, #tpu.memory_space<vmem>> -> memref<1x16x768xf32, #tpu.memory_space<vmem>>
    %dma_wait3A_46 = tpu.memref_squeeze %dma_wait3A_45 : memref<1x16x768xf32, #tpu.memory_space<vmem>> -> memref<16x768xf32, #tpu.memory_space<vmem>>
    %dma_wait3A_47 = arith.constant 0 : i32
    %dma_wait3A_48 = arith.constant 0 : i32
    %dma_wait3A_49 = tpu.memref_slice %arg6[%dma_wait3A_47, %dma_wait3A_48] : memref<8192x768xf32, #tpu.memory_space<hbm>> -> memref<16x768xf32, #tpu.memory_space<hbm>>
    %dma_wait3A_50 = arith.constant 0 : i32
    %dma_wait3A_51 = arith.constant 0 : i32
    %dma_wait3A_52 = tpu.memref_slice %arg6[%dma_wait3A_50, %dma_wait3A_51] : memref<8192x768xf32, #tpu.memory_space<hbm>> -> memref<16x768xf32, #tpu.memory_space<hbm>>
    %dma_wait3A_53 = arith.constant 0 : i32
    %dma_wait3A_54 = arith.constant 0 : i32
    %dma_wait3A_55 = tpu.memref_slice %arg12[%dma_wait3A, %dma_wait3A_53, %dma_wait3A_54] : memref<2x16x768xf32, #tpu.memory_space<vmem>> -> memref<1x16x768xf32, #tpu.memory_space<vmem>>
    %dma_wait3A_56 = tpu.memref_squeeze %dma_wait3A_55 : memref<1x16x768xf32, #tpu.memory_space<vmem>> -> memref<16x768xf32, #tpu.memory_space<vmem>>
    tpu.wait_dma2 semaphore(%arg14 : memref<!tpu.dma_semaphore, #tpu.memory_space<semaphore_mem>>) src(%dma_wait3A_56 : memref<16x768xf32, #tpu.memory_space<vmem>>) dst(%dma_wait3A_52 : memref<16x768xf32, #tpu.memory_space<hbm>>)
    %dma_wait3A_57 = arith.constant 1 : i32
    %dma_wait3A_58 = arith.constant 0 : i32
    %dma_wait3A_59 = arith.constant 0 : i32
    %dma_wait3A_60 = tpu.memref_slice %arg12[%dma_wait3A_57, %dma_wait3A_58, %dma_wait3A_59] : memref<2x16x768xf32, #tpu.memory_space<vmem>> -> memref<1x16x768xf32, #tpu.memory_space<vmem>>
    %dma_wait3A_61 = tpu.memref_squeeze %dma_wait3A_60 : memref<1x16x768xf32, #tpu.memory_space<vmem>> -> memref<16x768xf32, #tpu.memory_space<vmem>>
    %dma_wait3A_62 = arith.constant 0 : i32
    %dma_wait3A_63 = arith.constant 0 : i32
    %dma_wait3A_64 = tpu.memref_slice %arg6[%dma_wait3A_62, %dma_wait3A_63] : memref<8192x768xf32, #tpu.memory_space<hbm>> -> memref<16x768xf32, #tpu.memory_space<hbm>>
    %dma_wait3A_65 = arith.constant 0 : i32
    %dma_wait3A_66 = arith.constant 0 : i32
    %dma_wait3A_67 = tpu.memref_slice %arg6[%dma_wait3A_65, %dma_wait3A_66] : memref<8192x768xf32, #tpu.memory_space<hbm>> -> memref<16x768xf32, #tpu.memory_space<hbm>>
    %dma_wait3A_68 = arith.constant 0 : i32
    %dma_wait3A_69 = arith.constant 0 : i32
    %dma_wait3A_70 = tpu.memref_slice %arg12[%dma_wait3A_57, %dma_wait3A_68, %dma_wait3A_69] : memref<2x16x768xf32, #tpu.memory_space<vmem>> -> memref<1x16x768xf32, #tpu.memory_space<vmem>>
    %dma_wait3A_71 = tpu.memref_squeeze %dma_wait3A_70 : memref<1x16x768xf32, #tpu.memory_space<vmem>> -> memref<16x768xf32, #tpu.memory_space<vmem>>
    tpu.wait_dma2 semaphore(%arg14 : memref<!tpu.dma_semaphore, #tpu.memory_space<semaphore_mem>>) src(%dma_wait3A_71 : memref<16x768xf32, #tpu.memory_space<vmem>>) dst(%dma_wait3A_67 : memref<16x768xf32, #tpu.memory_space<hbm>>)
    return
  }
}

#map = affine_map<(d0, d1) -> (0)>
#map1 = affine_map<(d0, d1) -> (0, 0)>
module attributes {stable_mosaic.version = 14 : i64} {
  func.func @_dispatch_body(%arg0: i32, %arg1: i32, %arg2: memref<16384xi32, #tpu.memory_space<hbm>>, %arg3: memref<512xf32, #tpu.memory_space<hbm>>, %arg4: memref<8192x384xi32, #tpu.memory_space<hbm>>, %arg5: memref<20800x384xi32, #tpu.memory_space<hbm>>, %arg6: memref<16384xi32, #tpu.memory_space<hbm>>, %arg7: memref<16384xf32, #tpu.memory_space<hbm>>, %arg8: memref<512xi32, #tpu.memory_space<vmem>>, %arg9: memref<512xf32, #tpu.memory_space<vmem>>, %arg10: memref<64xi32, #tpu.memory_space<vmem>>, %arg11: memref<512xi32, #tpu.memory_space<vmem>>, %arg12: memref<512xi32, #tpu.memory_space<vmem>>, %arg13: memref<512xf32, #tpu.memory_space<vmem>>, %arg14: memref<2x64x384xi32, #tpu.memory_space<vmem>>, %arg15: memref<!tpu.dma_semaphore, #tpu.memory_space<semaphore_mem>>, %arg16: memref<!tpu.dma_semaphore, #tpu.memory_space<semaphore_mem>>, %arg17: memref<!tpu.dma_semaphore, #tpu.memory_space<semaphore_mem>>) attributes {dimension_semantics = [#tpu.dimension_semantics<core_parallel>, #tpu.dimension_semantics<subcore_parallel>], iteration_bounds = array<i64: 2, 16>, scalar_prefetch = 0 : i64, scratch_operands = 10 : i64, tpu.core_type = #tpu.core_type<sc_vector_subcore>, window_params = [{transform_indices = #map}, {transform_indices = #map}, {transform_indices = #map1}, {transform_indices = #map1}, {transform_indices = #map}, {transform_indices = #map}]} {
    %mul3A = arith.constant 2 : i32
    %mul3A_0 = arith.muli %arg1, %mul3A : i32
    %add3A = arith.addi %mul3A_0, %arg0 : i32
    %mul3A_1 = arith.constant 512 : i32
    %mul3A_2 = arith.muli %add3A, %mul3A_1 : i32
    %mul3A_3 = arith.constant 256 : i32
    %mul3A_4 = arith.muli %add3A, %mul3A_3 : i32
    %jit3A = arith.constant 4 : i32
    %div3A = arith.divsi %add3A, %jit3A : i32
    %sign3A = arith.constant 0 : i32
    %sign3A_5 = arith.cmpi sgt, %add3A, %sign3A : i32
    %sign3A_6 = arith.extui %sign3A_5 : i1 to i32
    %sign3A_7 = arith.constant 0 : i32
    %sign3A_8 = arith.cmpi slt, %add3A, %sign3A_7 : i32
    %sign3A_9 = arith.extui %sign3A_8 : i1 to i32
    %sign3A_10 = arith.subi %sign3A_6, %sign3A_9 : i32
    %sign3A_11 = arith.constant 0 : i32
    %sign3A_12 = arith.cmpi sgt, %jit3A, %sign3A_11 : i32
    %sign3A_13 = arith.extui %sign3A_12 : i1 to i32
    %sign3A_14 = arith.constant 0 : i32
    %sign3A_15 = arith.cmpi slt, %jit3A, %sign3A_14 : i32
    %sign3A_16 = arith.extui %sign3A_15 : i1 to i32
    %sign3A_17 = arith.subi %sign3A_13, %sign3A_16 : i32
    %ne3A = arith.cmpi ne, %sign3A_10, %sign3A_17 : i32
    %rem3A = arith.remsi %add3A, %jit3A : i32
    %ne3A_18 = arith.constant 0 : i32
    %ne3A_19 = arith.cmpi ne, %rem3A, %ne3A_18 : i32
    %and3A = arith.andi %ne3A, %ne3A_19 : i1
    %sub3A = arith.constant 1 : i32
    %sub3A_20 = arith.subi %div3A, %sub3A : i32
    %select_n3A = arith.select %and3A, %sub3A_20, %div3A : i32
    %dma_start3A = tpu.memref_slice %arg2[%mul3A_2] : memref<16384xi32, #tpu.memory_space<hbm>> -> memref<512xi32, #tpu.memory_space<hbm>>
    %dma_start3A_21 = tpu.memref_slice %arg2[%mul3A_2] : memref<16384xi32, #tpu.memory_space<hbm>> -> memref<512xi32, #tpu.memory_space<hbm>>
    tpu.enqueue_dma source(%dma_start3A_21 : memref<512xi32, #tpu.memory_space<hbm>>) target(%arg8 : memref<512xi32, #tpu.memory_space<vmem>>) target_semaphore(%arg15 : memref<!tpu.dma_semaphore, #tpu.memory_space<semaphore_mem>>)
    tpu.enqueue_dma source(%arg3 : memref<512xf32, #tpu.memory_space<hbm>>) target(%arg9 : memref<512xf32, #tpu.memory_space<vmem>>) target_semaphore(%arg15 : memref<!tpu.dma_semaphore, #tpu.memory_space<semaphore_mem>>)
    %dma_start3A_22 = arith.constant 0 : i32
    %dma_start3A_23 = arith.constant 0 : i32
    %dma_start3A_24 = arith.constant 0 : i32
    %dma_start3A_25 = tpu.memref_slice %arg14[%dma_start3A_22, %dma_start3A_23, %dma_start3A_24] : memref<2x64x384xi32, #tpu.memory_space<vmem>> -> memref<1x64x384xi32, #tpu.memory_space<vmem>>
    %dma_start3A_26 = tpu.memref_squeeze %dma_start3A_25 : memref<1x64x384xi32, #tpu.memory_space<vmem>> -> memref<64x384xi32, #tpu.memory_space<vmem>>
    %dma_start3A_27 = arith.constant 0 : i32
    %dma_start3A_28 = tpu.memref_slice %arg4[%mul3A_4, %dma_start3A_27] : memref<8192x384xi32, #tpu.memory_space<hbm>> -> memref<64x384xi32, #tpu.memory_space<hbm>>
    %dma_start3A_29 = arith.constant 0 : i32
    %dma_start3A_30 = arith.constant 0 : i32
    %dma_start3A_31 = tpu.memref_slice %arg14[%dma_start3A_22, %dma_start3A_29, %dma_start3A_30] : memref<2x64x384xi32, #tpu.memory_space<vmem>> -> memref<1x64x384xi32, #tpu.memory_space<vmem>>
    %dma_start3A_32 = tpu.memref_squeeze %dma_start3A_31 : memref<1x64x384xi32, #tpu.memory_space<vmem>> -> memref<64x384xi32, #tpu.memory_space<vmem>>
    %dma_start3A_33 = arith.constant 0 : i32
    %dma_start3A_34 = tpu.memref_slice %arg4[%mul3A_4, %dma_start3A_33] : memref<8192x384xi32, #tpu.memory_space<hbm>> -> memref<64x384xi32, #tpu.memory_space<hbm>>
    tpu.enqueue_dma source(%dma_start3A_34 : memref<64x384xi32, #tpu.memory_space<hbm>>) target(%dma_start3A_32 : memref<64x384xi32, #tpu.memory_space<vmem>>) target_semaphore(%arg16 : memref<!tpu.dma_semaphore, #tpu.memory_space<semaphore_mem>>)
    %add3A_35 = arith.constant 64 : i32
    %add3A_36 = arith.addi %mul3A_4, %add3A_35 : i32
    %dma_start3A_37 = arith.constant 1 : i32
    %dma_start3A_38 = arith.constant 0 : i32
    %dma_start3A_39 = arith.constant 0 : i32
    %dma_start3A_40 = tpu.memref_slice %arg14[%dma_start3A_37, %dma_start3A_38, %dma_start3A_39] : memref<2x64x384xi32, #tpu.memory_space<vmem>> -> memref<1x64x384xi32, #tpu.memory_space<vmem>>
    %dma_start3A_41 = tpu.memref_squeeze %dma_start3A_40 : memref<1x64x384xi32, #tpu.memory_space<vmem>> -> memref<64x384xi32, #tpu.memory_space<vmem>>
    %dma_start3A_42 = arith.constant 0 : i32
    %dma_start3A_43 = tpu.memref_slice %arg4[%add3A_36, %dma_start3A_42] : memref<8192x384xi32, #tpu.memory_space<hbm>> -> memref<64x384xi32, #tpu.memory_space<hbm>>
    %dma_start3A_44 = arith.constant 0 : i32
    %dma_start3A_45 = arith.constant 0 : i32
    %dma_start3A_46 = tpu.memref_slice %arg14[%dma_start3A_37, %dma_start3A_44, %dma_start3A_45] : memref<2x64x384xi32, #tpu.memory_space<vmem>> -> memref<1x64x384xi32, #tpu.memory_space<vmem>>
    %dma_start3A_47 = tpu.memref_squeeze %dma_start3A_46 : memref<1x64x384xi32, #tpu.memory_space<vmem>> -> memref<64x384xi32, #tpu.memory_space<vmem>>
    %dma_start3A_48 = arith.constant 0 : i32
    %dma_start3A_49 = tpu.memref_slice %arg4[%add3A_36, %dma_start3A_48] : memref<8192x384xi32, #tpu.memory_space<hbm>> -> memref<64x384xi32, #tpu.memory_space<hbm>>
    tpu.enqueue_dma source(%dma_start3A_49 : memref<64x384xi32, #tpu.memory_space<hbm>>) target(%dma_start3A_47 : memref<64x384xi32, #tpu.memory_space<vmem>>) target_semaphore(%arg16 : memref<!tpu.dma_semaphore, #tpu.memory_space<semaphore_mem>>)
    %dma_wait3A = arith.constant 0 : i32
    %dma_wait3A_50 = tpu.memref_slice %arg2[%dma_wait3A] : memref<16384xi32, #tpu.memory_space<hbm>> -> memref<512xi32, #tpu.memory_space<hbm>>
    %dma_wait3A_51 = arith.constant 0 : i32
    %dma_wait3A_52 = tpu.memref_slice %arg2[%dma_wait3A_51] : memref<16384xi32, #tpu.memory_space<hbm>> -> memref<512xi32, #tpu.memory_space<hbm>>
    tpu.wait_dma2 semaphore(%arg15 : memref<!tpu.dma_semaphore, #tpu.memory_space<semaphore_mem>>) src(%dma_wait3A_52 : memref<512xi32, #tpu.memory_space<hbm>>) dst(%arg8 : memref<512xi32, #tpu.memory_space<vmem>>)
    tpu.wait_dma2 semaphore(%arg15 : memref<!tpu.dma_semaphore, #tpu.memory_space<semaphore_mem>>) src(%arg3 : memref<512xf32, #tpu.memory_space<hbm>>) dst(%arg9 : memref<512xf32, #tpu.memory_space<vmem>>)
    %iota3A = tpu.iota {dimensions = array<i32: 0>} : vector<16xi32>
    %broadcast_in_dim3A = arith.constant 0.000000e+00 : f32
    %broadcast_in_dim3A_53 = vector.broadcast %broadcast_in_dim3A : f32 to vector<16xf32>
    %gt3A = arith.constant 0 : i32
    %gt3A_54 = arith.cmpi sgt, %select_n3A, %gt3A : i32
    %jit3A_55 = arith.constant 1.000000e+00 : f32
    %jit3A_56 = arith.constant 0.000000e+00 : f32
    %select_n3A_57 = arith.select %gt3A_54, %jit3A_55, %jit3A_56 : f32
    %get3A = arith.constant 0 : index
    %get3A_58 = tpu.vector_load %arg9[%get3A] {strides = array<i32>} : memref<512xf32, #tpu.memory_space<vmem>>, vector<16xf32>,
    %mul3A_59 = vector.broadcast %select_n3A_57 : f32 to vector<16xf32>
    %mul3A_60 = arith.mulf %get3A_58, %mul3A_59 : vector<16xf32>
    %add3A_61 = arith.addf %broadcast_in_dim3A_53, %mul3A_60 : vector<16xf32>
    %gt3A_62 = arith.constant 1 : i32
    %gt3A_63 = arith.cmpi sgt, %select_n3A, %gt3A_62 : i32
    %jit3A_64 = arith.constant 1.000000e+00 : f32
    %jit3A_65 = arith.constant 0.000000e+00 : f32
    %select_n3A_66 = arith.select %gt3A_63, %jit3A_64, %jit3A_65 : f32
    %get3A_67 = arith.constant 64 : index
    %get3A_68 = tpu.vector_load %arg9[%get3A_67] {strides = array<i32>} : memref<512xf32, #tpu.memory_space<vmem>>, vector<16xf32>,
    %mul3A_69 = vector.broadcast %select_n3A_66 : f32 to vector<16xf32>
    %mul3A_70 = arith.mulf %get3A_68, %mul3A_69 : vector<16xf32>
    %add3A_71 = arith.addf %add3A_61, %mul3A_70 : vector<16xf32>
    %gt3A_72 = arith.constant 2 : i32
    %gt3A_73 = arith.cmpi sgt, %select_n3A, %gt3A_72 : i32
    %jit3A_74 = arith.constant 1.000000e+00 : f32
    %jit3A_75 = arith.constant 0.000000e+00 : f32
    %select_n3A_76 = arith.select %gt3A_73, %jit3A_74, %jit3A_75 : f32
    %get3A_77 = arith.constant 128 : index
    %get3A_78 = tpu.vector_load %arg9[%get3A_77] {strides = array<i32>} : memref<512xf32, #tpu.memory_space<vmem>>, vector<16xf32>,
    %mul3A_79 = vector.broadcast %select_n3A_76 : f32 to vector<16xf32>
    %mul3A_80 = arith.mulf %get3A_78, %mul3A_79 : vector<16xf32>
    %add3A_81 = arith.addf %add3A_71, %mul3A_80 : vector<16xf32>
    %gt3A_82 = arith.constant 3 : i32
    %gt3A_83 = arith.cmpi sgt, %select_n3A, %gt3A_82 : i32
    %jit3A_84 = arith.constant 1.000000e+00 : f32
    %jit3A_85 = arith.constant 0.000000e+00 : f32
    %select_n3A_86 = arith.select %gt3A_83, %jit3A_84, %jit3A_85 : f32
    %get3A_87 = arith.constant 192 : index
    %get3A_88 = tpu.vector_load %arg9[%get3A_87] {strides = array<i32>} : memref<512xf32, #tpu.memory_space<vmem>>, vector<16xf32>,
    %mul3A_89 = vector.broadcast %select_n3A_86 : f32 to vector<16xf32>
    %mul3A_90 = arith.mulf %get3A_88, %mul3A_89 : vector<16xf32>
    %add3A_91 = arith.addf %add3A_81, %mul3A_90 : vector<16xf32>
    %gt3A_92 = arith.constant 4 : i32
    %gt3A_93 = arith.cmpi sgt, %select_n3A, %gt3A_92 : i32
    %jit3A_94 = arith.constant 1.000000e+00 : f32
    %jit3A_95 = arith.constant 0.000000e+00 : f32
    %select_n3A_96 = arith.select %gt3A_93, %jit3A_94, %jit3A_95 : f32
    %get3A_97 = arith.constant 256 : index
    %get3A_98 = tpu.vector_load %arg9[%get3A_97] {strides = array<i32>} : memref<512xf32, #tpu.memory_space<vmem>>, vector<16xf32>,
    %mul3A_99 = vector.broadcast %select_n3A_96 : f32 to vector<16xf32>
    %mul3A_100 = arith.mulf %get3A_98, %mul3A_99 : vector<16xf32>
    %add3A_101 = arith.addf %add3A_91, %mul3A_100 : vector<16xf32>
    %gt3A_102 = arith.constant 5 : i32
    %gt3A_103 = arith.cmpi sgt, %select_n3A, %gt3A_102 : i32
    %jit3A_104 = arith.constant 1.000000e+00 : f32
    %jit3A_105 = arith.constant 0.000000e+00 : f32
    %select_n3A_106 = arith.select %gt3A_103, %jit3A_104, %jit3A_105 : f32
    %get3A_107 = arith.constant 320 : index
    %get3A_108 = tpu.vector_load %arg9[%get3A_107] {strides = array<i32>} : memref<512xf32, #tpu.memory_space<vmem>>, vector<16xf32>,
    %mul3A_109 = vector.broadcast %select_n3A_106 : f32 to vector<16xf32>
    %mul3A_110 = arith.mulf %get3A_108, %mul3A_109 : vector<16xf32>
    %add3A_111 = arith.addf %add3A_101, %mul3A_110 : vector<16xf32>
    %gt3A_112 = arith.constant 6 : i32
    %gt3A_113 = arith.cmpi sgt, %select_n3A, %gt3A_112 : i32
    %jit3A_114 = arith.constant 1.000000e+00 : f32
    %jit3A_115 = arith.constant 0.000000e+00 : f32
    %select_n3A_116 = arith.select %gt3A_113, %jit3A_114, %jit3A_115 : f32
    %get3A_117 = arith.constant 384 : index
    %get3A_118 = tpu.vector_load %arg9[%get3A_117] {strides = array<i32>} : memref<512xf32, #tpu.memory_space<vmem>>, vector<16xf32>,
    %mul3A_119 = vector.broadcast %select_n3A_116 : f32 to vector<16xf32>
    %mul3A_120 = arith.mulf %get3A_118, %mul3A_119 : vector<16xf32>
    %add3A_121 = arith.addf %add3A_111, %mul3A_120 : vector<16xf32>
    %gt3A_122 = arith.constant 7 : i32
    %gt3A_123 = arith.cmpi sgt, %select_n3A, %gt3A_122 : i32
    %jit3A_124 = arith.constant 1.000000e+00 : f32
    %jit3A_125 = arith.constant 0.000000e+00 : f32
    %select_n3A_126 = arith.select %gt3A_123, %jit3A_124, %jit3A_125 : f32
    %get3A_127 = arith.constant 448 : index
    %get3A_128 = tpu.vector_load %arg9[%get3A_127] {strides = array<i32>} : memref<512xf32, #tpu.memory_space<vmem>>, vector<16xf32>,
    %mul3A_129 = vector.broadcast %select_n3A_126 : f32 to vector<16xf32>
    %mul3A_130 = arith.mulf %get3A_128, %mul3A_129 : vector<16xf32>
    %add3A_131 = arith.addf %add3A_121, %mul3A_130 : vector<16xf32>
    %convert_element_type3A = arith.fptosi %add3A_131 : vector<16xf32> to vector<16xi32>
    %swap3A = arith.constant 0 : index
    %swap3A_132 = tpu.vector_load %arg10[%swap3A] {strides = array<i32>} : memref<64xi32, #tpu.memory_space<vmem>>, vector<16xi32>,
    tpu.vector_store %arg10[%swap3A], %convert_element_type3A {strides = array<i32>} : memref<64xi32, #tpu.memory_space<vmem>>, vector<16xi32>,
    %broadcast_in_dim3A_133 = arith.constant 0.000000e+00 : f32
    %broadcast_in_dim3A_134 = vector.broadcast %broadcast_in_dim3A_133 : f32 to vector<16xf32>
    %gt3A_135 = arith.constant 0 : i32
    %gt3A_136 = arith.cmpi sgt, %select_n3A, %gt3A_135 : i32
    %jit3A_137 = arith.constant 1.000000e+00 : f32
    %jit3A_138 = arith.constant 0.000000e+00 : f32
    %select_n3A_139 = arith.select %gt3A_136, %jit3A_137, %jit3A_138 : f32
    %get3A_140 = arith.constant 16 : index
    %get3A_141 = tpu.vector_load %arg9[%get3A_140] {strides = array<i32>} : memref<512xf32, #tpu.memory_space<vmem>>, vector<16xf32>,
    %mul3A_142 = vector.broadcast %select_n3A_139 : f32 to vector<16xf32>
    %mul3A_143 = arith.mulf %get3A_141, %mul3A_142 : vector<16xf32>
    %add3A_144 = arith.addf %broadcast_in_dim3A_134, %mul3A_143 : vector<16xf32>
    %gt3A_145 = arith.constant 1 : i32
    %gt3A_146 = arith.cmpi sgt, %select_n3A, %gt3A_145 : i32
    %jit3A_147 = arith.constant 1.000000e+00 : f32
    %jit3A_148 = arith.constant 0.000000e+00 : f32
    %select_n3A_149 = arith.select %gt3A_146, %jit3A_147, %jit3A_148 : f32
    %get3A_150 = arith.constant 80 : index
    %get3A_151 = tpu.vector_load %arg9[%get3A_150] {strides = array<i32>} : memref<512xf32, #tpu.memory_space<vmem>>, vector<16xf32>,
    %mul3A_152 = vector.broadcast %select_n3A_149 : f32 to vector<16xf32>
    %mul3A_153 = arith.mulf %get3A_151, %mul3A_152 : vector<16xf32>
    %add3A_154 = arith.addf %add3A_144, %mul3A_153 : vector<16xf32>
    %gt3A_155 = arith.constant 2 : i32
    %gt3A_156 = arith.cmpi sgt, %select_n3A, %gt3A_155 : i32
    %jit3A_157 = arith.constant 1.000000e+00 : f32
    %jit3A_158 = arith.constant 0.000000e+00 : f32
    %select_n3A_159 = arith.select %gt3A_156, %jit3A_157, %jit3A_158 : f32
    %get3A_160 = arith.constant 144 : index
    %get3A_161 = tpu.vector_load %arg9[%get3A_160] {strides = array<i32>} : memref<512xf32, #tpu.memory_space<vmem>>, vector<16xf32>,
    %mul3A_162 = vector.broadcast %select_n3A_159 : f32 to vector<16xf32>
    %mul3A_163 = arith.mulf %get3A_161, %mul3A_162 : vector<16xf32>
    %add3A_164 = arith.addf %add3A_154, %mul3A_163 : vector<16xf32>
    %gt3A_165 = arith.constant 3 : i32
    %gt3A_166 = arith.cmpi sgt, %select_n3A, %gt3A_165 : i32
    %jit3A_167 = arith.constant 1.000000e+00 : f32
    %jit3A_168 = arith.constant 0.000000e+00 : f32
    %select_n3A_169 = arith.select %gt3A_166, %jit3A_167, %jit3A_168 : f32
    %get3A_170 = arith.constant 208 : index
    %get3A_171 = tpu.vector_load %arg9[%get3A_170] {strides = array<i32>} : memref<512xf32, #tpu.memory_space<vmem>>, vector<16xf32>,
    %mul3A_172 = vector.broadcast %select_n3A_169 : f32 to vector<16xf32>
    %mul3A_173 = arith.mulf %get3A_171, %mul3A_172 : vector<16xf32>
    %add3A_174 = arith.addf %add3A_164, %mul3A_173 : vector<16xf32>
    %gt3A_175 = arith.constant 4 : i32
    %gt3A_176 = arith.cmpi sgt, %select_n3A, %gt3A_175 : i32
    %jit3A_177 = arith.constant 1.000000e+00 : f32
    %jit3A_178 = arith.constant 0.000000e+00 : f32
    %select_n3A_179 = arith.select %gt3A_176, %jit3A_177, %jit3A_178 : f32
    %get3A_180 = arith.constant 272 : index
    %get3A_181 = tpu.vector_load %arg9[%get3A_180] {strides = array<i32>} : memref<512xf32, #tpu.memory_space<vmem>>, vector<16xf32>,
    %mul3A_182 = vector.broadcast %select_n3A_179 : f32 to vector<16xf32>
    %mul3A_183 = arith.mulf %get3A_181, %mul3A_182 : vector<16xf32>
    %add3A_184 = arith.addf %add3A_174, %mul3A_183 : vector<16xf32>
    %gt3A_185 = arith.constant 5 : i32
    %gt3A_186 = arith.cmpi sgt, %select_n3A, %gt3A_185 : i32
    %jit3A_187 = arith.constant 1.000000e+00 : f32
    %jit3A_188 = arith.constant 0.000000e+00 : f32
    %select_n3A_189 = arith.select %gt3A_186, %jit3A_187, %jit3A_188 : f32
    %get3A_190 = arith.constant 336 : index
    %get3A_191 = tpu.vector_load %arg9[%get3A_190] {strides = array<i32>} : memref<512xf32, #tpu.memory_space<vmem>>, vector<16xf32>,
    %mul3A_192 = vector.broadcast %select_n3A_189 : f32 to vector<16xf32>
    %mul3A_193 = arith.mulf %get3A_191, %mul3A_192 : vector<16xf32>
    %add3A_194 = arith.addf %add3A_184, %mul3A_193 : vector<16xf32>
    %gt3A_195 = arith.constant 6 : i32
    %gt3A_196 = arith.cmpi sgt, %select_n3A, %gt3A_195 : i32
    %jit3A_197 = arith.constant 1.000000e+00 : f32
    %jit3A_198 = arith.constant 0.000000e+00 : f32
    %select_n3A_199 = arith.select %gt3A_196, %jit3A_197, %jit3A_198 : f32
    %get3A_200 = arith.constant 400 : index
    %get3A_201 = tpu.vector_load %arg9[%get3A_200] {strides = array<i32>} : memref<512xf32, #tpu.memory_space<vmem>>, vector<16xf32>,
    %mul3A_202 = vector.broadcast %select_n3A_199 : f32 to vector<16xf32>
    %mul3A_203 = arith.mulf %get3A_201, %mul3A_202 : vector<16xf32>
    %add3A_204 = arith.addf %add3A_194, %mul3A_203 : vector<16xf32>
    %gt3A_205 = arith.constant 7 : i32
    %gt3A_206 = arith.cmpi sgt, %select_n3A, %gt3A_205 : i32
    %jit3A_207 = arith.constant 1.000000e+00 : f32
    %jit3A_208 = arith.constant 0.000000e+00 : f32
    %select_n3A_209 = arith.select %gt3A_206, %jit3A_207, %jit3A_208 : f32
    %get3A_210 = arith.constant 464 : index
    %get3A_211 = tpu.vector_load %arg9[%get3A_210] {strides = array<i32>} : memref<512xf32, #tpu.memory_space<vmem>>, vector<16xf32>,
    %mul3A_212 = vector.broadcast %select_n3A_209 : f32 to vector<16xf32>
    %mul3A_213 = arith.mulf %get3A_211, %mul3A_212 : vector<16xf32>
    %add3A_214 = arith.addf %add3A_204, %mul3A_213 : vector<16xf32>
    %convert_element_type3A_215 = arith.fptosi %add3A_214 : vector<16xf32> to vector<16xi32>
    %swap3A_216 = arith.constant 16 : index
    %swap3A_217 = tpu.vector_load %arg10[%swap3A_216] {strides = array<i32>} : memref<64xi32, #tpu.memory_space<vmem>>, vector<16xi32>,
    tpu.vector_store %arg10[%swap3A_216], %convert_element_type3A_215 {strides = array<i32>} : memref<64xi32, #tpu.memory_space<vmem>>, vector<16xi32>,
    %broadcast_in_dim3A_218 = arith.constant 0.000000e+00 : f32
    %broadcast_in_dim3A_219 = vector.broadcast %broadcast_in_dim3A_218 : f32 to vector<16xf32>
    %gt3A_220 = arith.constant 0 : i32
    %gt3A_221 = arith.cmpi sgt, %select_n3A, %gt3A_220 : i32
    %jit3A_222 = arith.constant 1.000000e+00 : f32
    %jit3A_223 = arith.constant 0.000000e+00 : f32
    %select_n3A_224 = arith.select %gt3A_221, %jit3A_222, %jit3A_223 : f32
    %get3A_225 = arith.constant 32 : index
    %get3A_226 = tpu.vector_load %arg9[%get3A_225] {strides = array<i32>} : memref<512xf32, #tpu.memory_space<vmem>>, vector<16xf32>,
    %mul3A_227 = vector.broadcast %select_n3A_224 : f32 to vector<16xf32>
    %mul3A_228 = arith.mulf %get3A_226, %mul3A_227 : vector<16xf32>
    %add3A_229 = arith.addf %broadcast_in_dim3A_219, %mul3A_228 : vector<16xf32>
    %gt3A_230 = arith.constant 1 : i32
    %gt3A_231 = arith.cmpi sgt, %select_n3A, %gt3A_230 : i32
    %jit3A_232 = arith.constant 1.000000e+00 : f32
    %jit3A_233 = arith.constant 0.000000e+00 : f32
    %select_n3A_234 = arith.select %gt3A_231, %jit3A_232, %jit3A_233 : f32
    %get3A_235 = arith.constant 96 : index
    %get3A_236 = tpu.vector_load %arg9[%get3A_235] {strides = array<i32>} : memref<512xf32, #tpu.memory_space<vmem>>, vector<16xf32>,
    %mul3A_237 = vector.broadcast %select_n3A_234 : f32 to vector<16xf32>
    %mul3A_238 = arith.mulf %get3A_236, %mul3A_237 : vector<16xf32>
    %add3A_239 = arith.addf %add3A_229, %mul3A_238 : vector<16xf32>
    %gt3A_240 = arith.constant 2 : i32
    %gt3A_241 = arith.cmpi sgt, %select_n3A, %gt3A_240 : i32
    %jit3A_242 = arith.constant 1.000000e+00 : f32
    %jit3A_243 = arith.constant 0.000000e+00 : f32
    %select_n3A_244 = arith.select %gt3A_241, %jit3A_242, %jit3A_243 : f32
    %get3A_245 = arith.constant 160 : index
    %get3A_246 = tpu.vector_load %arg9[%get3A_245] {strides = array<i32>} : memref<512xf32, #tpu.memory_space<vmem>>, vector<16xf32>,
    %mul3A_247 = vector.broadcast %select_n3A_244 : f32 to vector<16xf32>
    %mul3A_248 = arith.mulf %get3A_246, %mul3A_247 : vector<16xf32>
    %add3A_249 = arith.addf %add3A_239, %mul3A_248 : vector<16xf32>
    %gt3A_250 = arith.constant 3 : i32
    %gt3A_251 = arith.cmpi sgt, %select_n3A, %gt3A_250 : i32
    %jit3A_252 = arith.constant 1.000000e+00 : f32
    %jit3A_253 = arith.constant 0.000000e+00 : f32
    %select_n3A_254 = arith.select %gt3A_251, %jit3A_252, %jit3A_253 : f32
    %get3A_255 = arith.constant 224 : index
    %get3A_256 = tpu.vector_load %arg9[%get3A_255] {strides = array<i32>} : memref<512xf32, #tpu.memory_space<vmem>>, vector<16xf32>,
    %mul3A_257 = vector.broadcast %select_n3A_254 : f32 to vector<16xf32>
    %mul3A_258 = arith.mulf %get3A_256, %mul3A_257 : vector<16xf32>
    %add3A_259 = arith.addf %add3A_249, %mul3A_258 : vector<16xf32>
    %gt3A_260 = arith.constant 4 : i32
    %gt3A_261 = arith.cmpi sgt, %select_n3A, %gt3A_260 : i32
    %jit3A_262 = arith.constant 1.000000e+00 : f32
    %jit3A_263 = arith.constant 0.000000e+00 : f32
    %select_n3A_264 = arith.select %gt3A_261, %jit3A_262, %jit3A_263 : f32
    %get3A_265 = arith.constant 288 : index
    %get3A_266 = tpu.vector_load %arg9[%get3A_265] {strides = array<i32>} : memref<512xf32, #tpu.memory_space<vmem>>, vector<16xf32>,
    %mul3A_267 = vector.broadcast %select_n3A_264 : f32 to vector<16xf32>
    %mul3A_268 = arith.mulf %get3A_266, %mul3A_267 : vector<16xf32>
    %add3A_269 = arith.addf %add3A_259, %mul3A_268 : vector<16xf32>
    %gt3A_270 = arith.constant 5 : i32
    %gt3A_271 = arith.cmpi sgt, %select_n3A, %gt3A_270 : i32
    %jit3A_272 = arith.constant 1.000000e+00 : f32
    %jit3A_273 = arith.constant 0.000000e+00 : f32
    %select_n3A_274 = arith.select %gt3A_271, %jit3A_272, %jit3A_273 : f32
    %get3A_275 = arith.constant 352 : index
    %get3A_276 = tpu.vector_load %arg9[%get3A_275] {strides = array<i32>} : memref<512xf32, #tpu.memory_space<vmem>>, vector<16xf32>,
    %mul3A_277 = vector.broadcast %select_n3A_274 : f32 to vector<16xf32>
    %mul3A_278 = arith.mulf %get3A_276, %mul3A_277 : vector<16xf32>
    %add3A_279 = arith.addf %add3A_269, %mul3A_278 : vector<16xf32>
    %gt3A_280 = arith.constant 6 : i32
    %gt3A_281 = arith.cmpi sgt, %select_n3A, %gt3A_280 : i32
    %jit3A_282 = arith.constant 1.000000e+00 : f32
    %jit3A_283 = arith.constant 0.000000e+00 : f32
    %select_n3A_284 = arith.select %gt3A_281, %jit3A_282, %jit3A_283 : f32
    %get3A_285 = arith.constant 416 : index
    %get3A_286 = tpu.vector_load %arg9[%get3A_285] {strides = array<i32>} : memref<512xf32, #tpu.memory_space<vmem>>, vector<16xf32>,
    %mul3A_287 = vector.broadcast %select_n3A_284 : f32 to vector<16xf32>
    %mul3A_288 = arith.mulf %get3A_286, %mul3A_287 : vector<16xf32>
    %add3A_289 = arith.addf %add3A_279, %mul3A_288 : vector<16xf32>
    %gt3A_290 = arith.constant 7 : i32
    %gt3A_291 = arith.cmpi sgt, %select_n3A, %gt3A_290 : i32
    %jit3A_292 = arith.constant 1.000000e+00 : f32
    %jit3A_293 = arith.constant 0.000000e+00 : f32
    %select_n3A_294 = arith.select %gt3A_291, %jit3A_292, %jit3A_293 : f32
    %get3A_295 = arith.constant 480 : index
    %get3A_296 = tpu.vector_load %arg9[%get3A_295] {strides = array<i32>} : memref<512xf32, #tpu.memory_space<vmem>>, vector<16xf32>,
    %mul3A_297 = vector.broadcast %select_n3A_294 : f32 to vector<16xf32>
    %mul3A_298 = arith.mulf %get3A_296, %mul3A_297 : vector<16xf32>
    %add3A_299 = arith.addf %add3A_289, %mul3A_298 : vector<16xf32>
    %convert_element_type3A_300 = arith.fptosi %add3A_299 : vector<16xf32> to vector<16xi32>
    %swap3A_301 = arith.constant 32 : index
    %swap3A_302 = tpu.vector_load %arg10[%swap3A_301] {strides = array<i32>} : memref<64xi32, #tpu.memory_space<vmem>>, vector<16xi32>,
    tpu.vector_store %arg10[%swap3A_301], %convert_element_type3A_300 {strides = array<i32>} : memref<64xi32, #tpu.memory_space<vmem>>, vector<16xi32>,
    %broadcast_in_dim3A_303 = arith.constant 0.000000e+00 : f32
    %broadcast_in_dim3A_304 = vector.broadcast %broadcast_in_dim3A_303 : f32 to vector<16xf32>
    %gt3A_305 = arith.constant 0 : i32
    %gt3A_306 = arith.cmpi sgt, %select_n3A, %gt3A_305 : i32
    %jit3A_307 = arith.constant 1.000000e+00 : f32
    %jit3A_308 = arith.constant 0.000000e+00 : f32
    %select_n3A_309 = arith.select %gt3A_306, %jit3A_307, %jit3A_308 : f32
    %get3A_310 = arith.constant 48 : index
    %get3A_311 = tpu.vector_load %arg9[%get3A_310] {strides = array<i32>} : memref<512xf32, #tpu.memory_space<vmem>>, vector<16xf32>,
    %mul3A_312 = vector.broadcast %select_n3A_309 : f32 to vector<16xf32>
    %mul3A_313 = arith.mulf %get3A_311, %mul3A_312 : vector<16xf32>
    %add3A_314 = arith.addf %broadcast_in_dim3A_304, %mul3A_313 : vector<16xf32>
    %gt3A_315 = arith.constant 1 : i32
    %gt3A_316 = arith.cmpi sgt, %select_n3A, %gt3A_315 : i32
    %jit3A_317 = arith.constant 1.000000e+00 : f32
    %jit3A_318 = arith.constant 0.000000e+00 : f32
    %select_n3A_319 = arith.select %gt3A_316, %jit3A_317, %jit3A_318 : f32
    %get3A_320 = arith.constant 112 : index
    %get3A_321 = tpu.vector_load %arg9[%get3A_320] {strides = array<i32>} : memref<512xf32, #tpu.memory_space<vmem>>, vector<16xf32>,
    %mul3A_322 = vector.broadcast %select_n3A_319 : f32 to vector<16xf32>
    %mul3A_323 = arith.mulf %get3A_321, %mul3A_322 : vector<16xf32>
    %add3A_324 = arith.addf %add3A_314, %mul3A_323 : vector<16xf32>
    %gt3A_325 = arith.constant 2 : i32
    %gt3A_326 = arith.cmpi sgt, %select_n3A, %gt3A_325 : i32
    %jit3A_327 = arith.constant 1.000000e+00 : f32
    %jit3A_328 = arith.constant 0.000000e+00 : f32
    %select_n3A_329 = arith.select %gt3A_326, %jit3A_327, %jit3A_328 : f32
    %get3A_330 = arith.constant 176 : index
    %get3A_331 = tpu.vector_load %arg9[%get3A_330] {strides = array<i32>} : memref<512xf32, #tpu.memory_space<vmem>>, vector<16xf32>,
    %mul3A_332 = vector.broadcast %select_n3A_329 : f32 to vector<16xf32>
    %mul3A_333 = arith.mulf %get3A_331, %mul3A_332 : vector<16xf32>
    %add3A_334 = arith.addf %add3A_324, %mul3A_333 : vector<16xf32>
    %gt3A_335 = arith.constant 3 : i32
    %gt3A_336 = arith.cmpi sgt, %select_n3A, %gt3A_335 : i32
    %jit3A_337 = arith.constant 1.000000e+00 : f32
    %jit3A_338 = arith.constant 0.000000e+00 : f32
    %select_n3A_339 = arith.select %gt3A_336, %jit3A_337, %jit3A_338 : f32
    %get3A_340 = arith.constant 240 : index
    %get3A_341 = tpu.vector_load %arg9[%get3A_340] {strides = array<i32>} : memref<512xf32, #tpu.memory_space<vmem>>, vector<16xf32>,
    %mul3A_342 = vector.broadcast %select_n3A_339 : f32 to vector<16xf32>
    %mul3A_343 = arith.mulf %get3A_341, %mul3A_342 : vector<16xf32>
    %add3A_344 = arith.addf %add3A_334, %mul3A_343 : vector<16xf32>
    %gt3A_345 = arith.constant 4 : i32
    %gt3A_346 = arith.cmpi sgt, %select_n3A, %gt3A_345 : i32
    %jit3A_347 = arith.constant 1.000000e+00 : f32
    %jit3A_348 = arith.constant 0.000000e+00 : f32
    %select_n3A_349 = arith.select %gt3A_346, %jit3A_347, %jit3A_348 : f32
    %get3A_350 = arith.constant 304 : index
    %get3A_351 = tpu.vector_load %arg9[%get3A_350] {strides = array<i32>} : memref<512xf32, #tpu.memory_space<vmem>>, vector<16xf32>,
    %mul3A_352 = vector.broadcast %select_n3A_349 : f32 to vector<16xf32>
    %mul3A_353 = arith.mulf %get3A_351, %mul3A_352 : vector<16xf32>
    %add3A_354 = arith.addf %add3A_344, %mul3A_353 : vector<16xf32>
    %gt3A_355 = arith.constant 5 : i32
    %gt3A_356 = arith.cmpi sgt, %select_n3A, %gt3A_355 : i32
    %jit3A_357 = arith.constant 1.000000e+00 : f32
    %jit3A_358 = arith.constant 0.000000e+00 : f32
    %select_n3A_359 = arith.select %gt3A_356, %jit3A_357, %jit3A_358 : f32
    %get3A_360 = arith.constant 368 : index
    %get3A_361 = tpu.vector_load %arg9[%get3A_360] {strides = array<i32>} : memref<512xf32, #tpu.memory_space<vmem>>, vector<16xf32>,
    %mul3A_362 = vector.broadcast %select_n3A_359 : f32 to vector<16xf32>
    %mul3A_363 = arith.mulf %get3A_361, %mul3A_362 : vector<16xf32>
    %add3A_364 = arith.addf %add3A_354, %mul3A_363 : vector<16xf32>
    %gt3A_365 = arith.constant 6 : i32
    %gt3A_366 = arith.cmpi sgt, %select_n3A, %gt3A_365 : i32
    %jit3A_367 = arith.constant 1.000000e+00 : f32
    %jit3A_368 = arith.constant 0.000000e+00 : f32
    %select_n3A_369 = arith.select %gt3A_366, %jit3A_367, %jit3A_368 : f32
    %get3A_370 = arith.constant 432 : index
    %get3A_371 = tpu.vector_load %arg9[%get3A_370] {strides = array<i32>} : memref<512xf32, #tpu.memory_space<vmem>>, vector<16xf32>,
    %mul3A_372 = vector.broadcast %select_n3A_369 : f32 to vector<16xf32>
    %mul3A_373 = arith.mulf %get3A_371, %mul3A_372 : vector<16xf32>
    %add3A_374 = arith.addf %add3A_364, %mul3A_373 : vector<16xf32>
    %gt3A_375 = arith.constant 7 : i32
    %gt3A_376 = arith.cmpi sgt, %select_n3A, %gt3A_375 : i32
    %jit3A_377 = arith.constant 1.000000e+00 : f32
    %jit3A_378 = arith.constant 0.000000e+00 : f32
    %select_n3A_379 = arith.select %gt3A_376, %jit3A_377, %jit3A_378 : f32
    %get3A_380 = arith.constant 496 : index
    %get3A_381 = tpu.vector_load %arg9[%get3A_380] {strides = array<i32>} : memref<512xf32, #tpu.memory_space<vmem>>, vector<16xf32>,
    %mul3A_382 = vector.broadcast %select_n3A_379 : f32 to vector<16xf32>
    %mul3A_383 = arith.mulf %get3A_381, %mul3A_382 : vector<16xf32>
    %add3A_384 = arith.addf %add3A_374, %mul3A_383 : vector<16xf32>
    %convert_element_type3A_385 = arith.fptosi %add3A_384 : vector<16xf32> to vector<16xi32>
    %swap3A_386 = arith.constant 48 : index
    %swap3A_387 = tpu.vector_load %arg10[%swap3A_386] {strides = array<i32>} : memref<64xi32, #tpu.memory_space<vmem>>, vector<16xi32>,
    tpu.vector_store %arg10[%swap3A_386], %convert_element_type3A_385 {strides = array<i32>} : memref<64xi32, #tpu.memory_space<vmem>>, vector<16xi32>,
    %scan3A = arith.constant 0 : i32
    %scan3A_388 = arith.constant 0 : i32
    %scan3A_389 = arith.constant 32 : i32
    %scan3A_390 = arith.addi %scan3A_388, %scan3A_389 : i32
    %scan3A_391 = arith.constant 1 : i32
    scf.for %scan3A_1295 = %scan3A_388 to %scan3A_390 step %scan3A_391  : i32 {
      %mul3A_1296 = arith.constant 16 : i32
      %mul3A_1297 = arith.muli %scan3A_1295, %mul3A_1296 : i32
      %get3A_1298 = arith.index_cast %mul3A_1297 : i32 to index
      %get3A_1299 = tpu.vector_load %arg8[%get3A_1298] {strides = array<i32>} : memref<512xi32, #tpu.memory_space<vmem>>, vector<16xi32>,
      %and3A_1300 = arith.constant 63 : i32
      %and3A_1301 = vector.broadcast %and3A_1300 : i32 to vector<16xi32>
      %and3A_1302 = arith.andi %get3A_1299, %and3A_1301 : vector<16xi32>
      %shift_right_arithmetic3A = arith.constant 6 : i32
      %shift_right_arithmetic3A_1303 = vector.broadcast %shift_right_arithmetic3A : i32 to vector<16xi32>
      %shift_right_arithmetic3A_1304 = arith.shrsi %get3A_1299, %shift_right_arithmetic3A_1303 : vector<16xi32>
      %and3A_1305 = arith.constant 2047 : i32
      %and3A_1306 = vector.broadcast %and3A_1305 : i32 to vector<16xi32>
      %and3A_1307 = arith.andi %shift_right_arithmetic3A_1304, %and3A_1306 : vector<16xi32>
      %gather3A = tpu.vector_load_idx %arg10[%and3A_1302] : memref<64xi32, #tpu.memory_space<vmem>>[vector<16xi32>], vector<16xi32>,
      %add3A_1308 = arith.addi %and3A_1307, %gather3A : vector<16xi32>
      %lt3A = arith.constant 320 : i32
      %lt3A_1309 = vector.broadcast %lt3A : i32 to vector<16xi32>
      %lt3A_1310 = arith.cmpi slt, %add3A_1308, %lt3A_1309 : vector<16xi32>
      %mul3A_1311 = arith.constant 320 : i32
      %mul3A_1312 = vector.broadcast %mul3A_1311 : i32 to vector<16xi32>
      %mul3A_1313 = arith.muli %and3A_1302, %mul3A_1312 : vector<16xi32>
      %add3A_1314 = arith.addi %mul3A_1313, %add3A_1308 : vector<16xi32>
      %mul3A_1315 = arith.constant 320 : i32
      %mul3A_1316 = vector.broadcast %mul3A_1315 : i32 to vector<16xi32>
      %mul3A_1317 = arith.muli %and3A_1302, %mul3A_1316 : vector<16xi32>
      %select_n3A_1318 = arith.select %lt3A_1310, %add3A_1314, %mul3A_1317 : vector<16xi1>, vector<16xi32>
      %jit3A_1319 = arith.constant 20480 : i32
      %broadcast_in_dim3A_1320 = vector.broadcast %jit3A_1319 : i32 to vector<16xi32>
      %select_n3A_1321 = arith.select %lt3A_1310, %add3A_1314, %broadcast_in_dim3A_1320 : vector<16xi1>, vector<16xi32>
      %shift_right_arithmetic3A_1322 = arith.constant 17 : i32
      %shift_right_arithmetic3A_1323 = vector.broadcast %shift_right_arithmetic3A_1322 : i32 to vector<16xi32>
      %shift_right_arithmetic3A_1324 = arith.shrsi %get3A_1299, %shift_right_arithmetic3A_1323 : vector<16xi32>
      %and3A_1325 = arith.constant 32767 : i32
      %and3A_1326 = vector.broadcast %and3A_1325 : i32 to vector<16xi32>
      %and3A_1327 = arith.andi %shift_right_arithmetic3A_1324, %and3A_1326 : vector<16xi32>
      %shift_left3A = arith.constant 16 : i32
      %shift_left3A_1328 = vector.broadcast %shift_left3A : i32 to vector<16xi32>
      %shift_left3A_1329 = arith.shli %and3A_1327, %shift_left3A_1328 : vector<16xi32>
      %bitcast3A = vector.bitcast %shift_left3A_1329 : vector<16xi32> to vector<16xf32>
      %jit3A_1330 = arith.constant 0.000000e+00 : f32
      %broadcast_in_dim3A_1331 = vector.broadcast %jit3A_1330 : f32 to vector<16xf32>
      %select_n3A_1332 = arith.select %lt3A_1310, %bitcast3A, %broadcast_in_dim3A_1331 : vector<16xi1>, vector<16xf32>
      %add3A_1333 = vector.broadcast %mul3A_1297 : i32 to vector<16xi32>
      %add3A_1334 = arith.addi %add3A_1333, %iota3A : vector<16xi32>
      %jit3A_1335 = arith.constant 32 : i32
      %div3A_1336 = vector.broadcast %jit3A_1335 : i32 to vector<16xi32>
      %div3A_1337 = arith.divsi %add3A_1334, %div3A_1336 : vector<16xi32>
      %sign3A_1338 = arith.constant 0 : i32
      %sign3A_1339 = vector.broadcast %sign3A_1338 : i32 to vector<16xi32>
      %sign3A_1340 = arith.cmpi sgt, %add3A_1334, %sign3A_1339 : vector<16xi32>
      %sign3A_1341 = arith.extui %sign3A_1340 : vector<16xi1> to vector<16xi32>
      %sign3A_1342 = arith.constant 0 : i32
      %sign3A_1343 = vector.broadcast %sign3A_1342 : i32 to vector<16xi32>
      %sign3A_1344 = arith.cmpi slt, %add3A_1334, %sign3A_1343 : vector<16xi32>
      %sign3A_1345 = arith.extui %sign3A_1344 : vector<16xi1> to vector<16xi32>
      %sign3A_1346 = arith.subi %sign3A_1341, %sign3A_1345 : vector<16xi32>
      %sign3A_1347 = arith.constant 0 : i32
      %sign3A_1348 = arith.cmpi sgt, %jit3A_1335, %sign3A_1347 : i32
      %sign3A_1349 = arith.extui %sign3A_1348 : i1 to i32
      %sign3A_1350 = arith.constant 0 : i32
      %sign3A_1351 = arith.cmpi slt, %jit3A_1335, %sign3A_1350 : i32
      %sign3A_1352 = arith.extui %sign3A_1351 : i1 to i32
      %sign3A_1353 = arith.subi %sign3A_1349, %sign3A_1352 : i32
      %ne3A_1354 = vector.broadcast %sign3A_1353 : i32 to vector<16xi32>
      %ne3A_1355 = arith.cmpi ne, %sign3A_1346, %ne3A_1354 : vector<16xi32>
      %rem3A_1356 = vector.broadcast %jit3A_1335 : i32 to vector<16xi32>
      %rem3A_1357 = arith.remsi %add3A_1334, %rem3A_1356 : vector<16xi32>
      %ne3A_1358 = arith.constant 0 : i32
      %ne3A_1359 = vector.broadcast %ne3A_1358 : i32 to vector<16xi32>
      %ne3A_1360 = arith.cmpi ne, %rem3A_1357, %ne3A_1359 : vector<16xi32>
      %and3A_1361 = arith.andi %ne3A_1355, %ne3A_1360 : vector<16xi1>
      %sub3A_1362 = arith.constant 1 : i32
      %sub3A_1363 = vector.broadcast %sub3A_1362 : i32 to vector<16xi32>
      %sub3A_1364 = arith.subi %div3A_1337, %sub3A_1363 : vector<16xi32>
      %select_n3A_1365 = arith.select %and3A_1361, %sub3A_1364, %div3A_1337 : vector<16xi1>, vector<16xi32>
      %mul3A_1366 = arith.constant 32 : i32
      %mul3A_1367 = vector.broadcast %mul3A_1366 : i32 to vector<16xi32>
      %mul3A_1368 = arith.muli %select_n3A_1365, %mul3A_1367 : vector<16xi32>
      %jit3A_1369 = arith.constant 2 : i32
      %eq3A = arith.constant 0 : i32
      %eq3A_1370 = arith.cmpi eq, %jit3A_1369, %eq3A : i32
      %jit3A_1371 = arith.constant 1 : i32
      %select_n3A_1372 = arith.select %eq3A_1370, %jit3A_1371, %jit3A_1369 : i32
      %rem3A_1373 = vector.broadcast %select_n3A_1372 : i32 to vector<16xi32>
      %rem3A_1374 = arith.remsi %add3A_1334, %rem3A_1373 : vector<16xi32>
      %ne3A_1375 = arith.constant 0 : i32
      %ne3A_1376 = vector.broadcast %ne3A_1375 : i32 to vector<16xi32>
      %ne3A_1377 = arith.cmpi ne, %rem3A_1374, %ne3A_1376 : vector<16xi32>
      %lt3A_1378 = arith.constant 0 : i32
      %lt3A_1379 = vector.broadcast %lt3A_1378 : i32 to vector<16xi32>
      %lt3A_1380 = arith.cmpi slt, %rem3A_1374, %lt3A_1379 : vector<16xi32>
      %lt3A_1381 = arith.constant 0 : i32
      %lt3A_1382 = arith.cmpi slt, %select_n3A_1372, %lt3A_1381 : i32
      %ne3A_1383 = vector.broadcast %lt3A_1382 : i1 to vector<16xi1>
      %ne3A_1384 = vector.broadcast %ne3A_1383 : vector<16xi1> to vector<16xi1>
      %ne3A_1385 = arith.xori %lt3A_1380, %ne3A_1384 : vector<16xi1>
      %and3A_1386 = arith.andi %ne3A_1385, %ne3A_1377 : vector<16xi1>
      %add3A_1387 = vector.broadcast %select_n3A_1372 : i32 to vector<16xi32>
      %add3A_1388 = arith.addi %rem3A_1374, %add3A_1387 : vector<16xi32>
      %select_n3A_1389 = arith.select %and3A_1386, %add3A_1388, %rem3A_1374 : vector<16xi1>, vector<16xi32>
      %mul3A_1390 = arith.constant 16 : i32
      %mul3A_1391 = vector.broadcast %mul3A_1390 : i32 to vector<16xi32>
      %mul3A_1392 = arith.muli %select_n3A_1389, %mul3A_1391 : vector<16xi32>
      %add3A_1393 = arith.addi %mul3A_1368, %mul3A_1392 : vector<16xi32>
      %jit3A_1394 = arith.constant 32 : i32
      %eq3A_1395 = arith.constant 0 : i32
      %eq3A_1396 = arith.cmpi eq, %jit3A_1394, %eq3A_1395 : i32
      %jit3A_1397 = arith.constant 1 : i32
      %select_n3A_1398 = arith.select %eq3A_1396, %jit3A_1397, %jit3A_1394 : i32
      %rem3A_1399 = vector.broadcast %select_n3A_1398 : i32 to vector<16xi32>
      %rem3A_1400 = arith.remsi %add3A_1334, %rem3A_1399 : vector<16xi32>
      %ne3A_1401 = arith.constant 0 : i32
      %ne3A_1402 = vector.broadcast %ne3A_1401 : i32 to vector<16xi32>
      %ne3A_1403 = arith.cmpi ne, %rem3A_1400, %ne3A_1402 : vector<16xi32>
      %lt3A_1404 = arith.constant 0 : i32
      %lt3A_1405 = vector.broadcast %lt3A_1404 : i32 to vector<16xi32>
      %lt3A_1406 = arith.cmpi slt, %rem3A_1400, %lt3A_1405 : vector<16xi32>
      %lt3A_1407 = arith.constant 0 : i32
      %lt3A_1408 = arith.cmpi slt, %select_n3A_1398, %lt3A_1407 : i32
      %ne3A_1409 = vector.broadcast %lt3A_1408 : i1 to vector<16xi1>
      %ne3A_1410 = vector.broadcast %ne3A_1409 : vector<16xi1> to vector<16xi1>
      %ne3A_1411 = arith.xori %lt3A_1406, %ne3A_1410 : vector<16xi1>
      %and3A_1412 = arith.andi %ne3A_1411, %ne3A_1403 : vector<16xi1>
      %add3A_1413 = vector.broadcast %select_n3A_1398 : i32 to vector<16xi32>
      %add3A_1414 = arith.addi %rem3A_1400, %add3A_1413 : vector<16xi32>
      %select_n3A_1415 = arith.select %and3A_1412, %add3A_1414, %rem3A_1400 : vector<16xi1>, vector<16xi32>
      %jit3A_1416 = arith.constant 2 : i32
      %div3A_1417 = vector.broadcast %jit3A_1416 : i32 to vector<16xi32>
      %div3A_1418 = arith.divsi %select_n3A_1415, %div3A_1417 : vector<16xi32>
      %sign3A_1419 = arith.constant 0 : i32
      %sign3A_1420 = vector.broadcast %sign3A_1419 : i32 to vector<16xi32>
      %sign3A_1421 = arith.cmpi sgt, %select_n3A_1415, %sign3A_1420 : vector<16xi32>
      %sign3A_1422 = arith.extui %sign3A_1421 : vector<16xi1> to vector<16xi32>
      %sign3A_1423 = arith.constant 0 : i32
      %sign3A_1424 = vector.broadcast %sign3A_1423 : i32 to vector<16xi32>
      %sign3A_1425 = arith.cmpi slt, %select_n3A_1415, %sign3A_1424 : vector<16xi32>
      %sign3A_1426 = arith.extui %sign3A_1425 : vector<16xi1> to vector<16xi32>
      %sign3A_1427 = arith.subi %sign3A_1422, %sign3A_1426 : vector<16xi32>
      %sign3A_1428 = arith.constant 0 : i32
      %sign3A_1429 = arith.cmpi sgt, %jit3A_1416, %sign3A_1428 : i32
      %sign3A_1430 = arith.extui %sign3A_1429 : i1 to i32
      %sign3A_1431 = arith.constant 0 : i32
      %sign3A_1432 = arith.cmpi slt, %jit3A_1416, %sign3A_1431 : i32
      %sign3A_1433 = arith.extui %sign3A_1432 : i1 to i32
      %sign3A_1434 = arith.subi %sign3A_1430, %sign3A_1433 : i32
      %ne3A_1435 = vector.broadcast %sign3A_1434 : i32 to vector<16xi32>
      %ne3A_1436 = arith.cmpi ne, %sign3A_1427, %ne3A_1435 : vector<16xi32>
      %rem3A_1437 = vector.broadcast %jit3A_1416 : i32 to vector<16xi32>
      %rem3A_1438 = arith.remsi %select_n3A_1415, %rem3A_1437 : vector<16xi32>
      %ne3A_1439 = arith.constant 0 : i32
      %ne3A_1440 = vector.broadcast %ne3A_1439 : i32 to vector<16xi32>
      %ne3A_1441 = arith.cmpi ne, %rem3A_1438, %ne3A_1440 : vector<16xi32>
      %and3A_1442 = arith.andi %ne3A_1436, %ne3A_1441 : vector<16xi1>
      %sub3A_1443 = arith.constant 1 : i32
      %sub3A_1444 = vector.broadcast %sub3A_1443 : i32 to vector<16xi32>
      %sub3A_1445 = arith.subi %div3A_1418, %sub3A_1444 : vector<16xi32>
      %select_n3A_1446 = arith.select %and3A_1442, %sub3A_1445, %div3A_1418 : vector<16xi1>, vector<16xi32>
      %add3A_1447 = arith.addi %add3A_1393, %select_n3A_1446 : vector<16xi32>
      tpu.vector_store_idx %arg11[%add3A_1447], %select_n3A_1321 : memref<512xi32, #tpu.memory_space<vmem>>[vector<16xi32>], vector<16xi32>,
      tpu.vector_store_idx %arg12[%add3A_1447], %select_n3A_1318 : memref<512xi32, #tpu.memory_space<vmem>>[vector<16xi32>], vector<16xi32>,
      tpu.vector_store_idx %arg13[%add3A_1447], %select_n3A_1332 : memref<512xf32, #tpu.memory_space<vmem>>[vector<16xi32>], vector<16xf32>,
    }
    %scan3A_392 = arith.constant 32 : i32
    %dma_start3A_393 = tpu.memref_slice %arg6[%mul3A_2] : memref<16384xi32, #tpu.memory_space<hbm>> -> memref<512xi32, #tpu.memory_space<hbm>>
    %dma_start3A_394 = tpu.memref_slice %arg6[%mul3A_2] : memref<16384xi32, #tpu.memory_space<hbm>> -> memref<512xi32, #tpu.memory_space<hbm>>
    tpu.enqueue_dma source(%arg12 : memref<512xi32, #tpu.memory_space<vmem>>) target(%dma_start3A_394 : memref<512xi32, #tpu.memory_space<hbm>>) target_semaphore(%arg15 : memref<!tpu.dma_semaphore, #tpu.memory_space<semaphore_mem>>)
    %dma_start3A_395 = tpu.memref_slice %arg7[%mul3A_2] : memref<16384xf32, #tpu.memory_space<hbm>> -> memref<512xf32, #tpu.memory_space<hbm>>
    %dma_start3A_396 = tpu.memref_slice %arg7[%mul3A_2] : memref<16384xf32, #tpu.memory_space<hbm>> -> memref<512xf32, #tpu.memory_space<hbm>>
    tpu.enqueue_dma source(%arg13 : memref<512xf32, #tpu.memory_space<vmem>>) target(%dma_start3A_396 : memref<512xf32, #tpu.memory_space<hbm>>) target_semaphore(%arg15 : memref<!tpu.dma_semaphore, #tpu.memory_space<semaphore_mem>>)
    %dma_wait3A_397 = arith.constant 0 : i32
    %dma_wait3A_398 = arith.constant 0 : i32
    %dma_wait3A_399 = arith.constant 0 : i32
    %dma_wait3A_400 = tpu.memref_slice %arg14[%dma_wait3A_397, %dma_wait3A_398, %dma_wait3A_399] : memref<2x64x384xi32, #tpu.memory_space<vmem>> -> memref<1x64x384xi32, #tpu.memory_space<vmem>>
    %dma_wait3A_401 = tpu.memref_squeeze %dma_wait3A_400 : memref<1x64x384xi32, #tpu.memory_space<vmem>> -> memref<64x384xi32, #tpu.memory_space<vmem>>
    %dma_wait3A_402 = arith.constant 0 : i32
    %dma_wait3A_403 = arith.constant 0 : i32
    %dma_wait3A_404 = tpu.memref_slice %arg4[%dma_wait3A_402, %dma_wait3A_403] : memref<8192x384xi32, #tpu.memory_space<hbm>> -> memref<64x384xi32, #tpu.memory_space<hbm>>
    %dma_wait3A_405 = arith.constant 0 : i32
    %dma_wait3A_406 = arith.constant 0 : i32
    %dma_wait3A_407 = tpu.memref_slice %arg14[%dma_wait3A_397, %dma_wait3A_405, %dma_wait3A_406] : memref<2x64x384xi32, #tpu.memory_space<vmem>> -> memref<1x64x384xi32, #tpu.memory_space<vmem>>
    %dma_wait3A_408 = tpu.memref_squeeze %dma_wait3A_407 : memref<1x64x384xi32, #tpu.memory_space<vmem>> -> memref<64x384xi32, #tpu.memory_space<vmem>>
    %dma_wait3A_409 = arith.constant 0 : i32
    %dma_wait3A_410 = arith.constant 0 : i32
    %dma_wait3A_411 = tpu.memref_slice %arg4[%dma_wait3A_409, %dma_wait3A_410] : memref<8192x384xi32, #tpu.memory_space<hbm>> -> memref<64x384xi32, #tpu.memory_space<hbm>>
    tpu.wait_dma2 semaphore(%arg16 : memref<!tpu.dma_semaphore, #tpu.memory_space<semaphore_mem>>) src(%dma_wait3A_411 : memref<64x384xi32, #tpu.memory_space<hbm>>) dst(%dma_wait3A_408 : memref<64x384xi32, #tpu.memory_space<vmem>>)
    %get3A_412 = arith.constant 0 : index
    %get3A_413 = tpu.vector_load %arg11[%get3A_412] {strides = array<i32>} : memref<512xi32, #tpu.memory_space<vmem>>, vector<16xi32>,
    %get3A_414 = arith.constant 16 : index
    %get3A_415 = tpu.vector_load %arg11[%get3A_414] {strides = array<i32>} : memref<512xi32, #tpu.memory_space<vmem>>, vector<16xi32>,
    %dma_start3A_416 = arith.constant 0 : i32
    %dma_start3A_417 = arith.constant 0 : i32
    %dma_start3A_418 = arith.constant 0 : i32
    %dma_start3A_419 = tpu.memref_slice %arg14[%dma_start3A_416, %dma_start3A_417, %dma_start3A_418] : memref<2x64x384xi32, #tpu.memory_space<vmem>> -> memref<1x16x384xi32, #tpu.memory_space<vmem>>
    %dma_start3A_420 = tpu.memref_squeeze %dma_start3A_419 : memref<1x16x384xi32, #tpu.memory_space<vmem>> -> memref<16x384xi32, #tpu.memory_space<vmem>>
    %dma_start3A_421 = arith.constant 0 : i32
    %dma_start3A_422 = arith.constant 0 : i32
    %dma_start3A_423 = tpu.memref_slice %arg5[%dma_start3A_421, %dma_start3A_422] : memref<20800x384xi32, #tpu.memory_space<hbm>> -> memref<20800x384xi32, #tpu.memory_space<hbm>>
    tpu.enqueue_indirect_dma source(%dma_start3A_420 : memref<16x384xi32, #tpu.memory_space<vmem>>) target(%dma_start3A_423 : memref<20800x384xi32, #tpu.memory_space<hbm>>) offsets(%get3A_413 : vector<16xi32>) semaphore(%arg17 : memref<!tpu.dma_semaphore, #tpu.memory_space<semaphore_mem>>)
    %dma_start3A_424 = arith.constant 0 : i32
    %dma_start3A_425 = arith.constant 0 : i32
    %dma_start3A_426 = arith.constant 0 : i32
    %dma_start3A_427 = tpu.memref_slice %arg14[%dma_start3A_424, %dma_start3A_425, %dma_start3A_426] : memref<2x64x384xi32, #tpu.memory_space<vmem>> -> memref<1x16x384xi32, #tpu.memory_space<vmem>>
    %dma_start3A_428 = tpu.memref_squeeze %dma_start3A_427 : memref<1x16x384xi32, #tpu.memory_space<vmem>> -> memref<16x384xi32, #tpu.memory_space<vmem>>
    %dma_start3A_429 = arith.constant 0 : i32
    %dma_start3A_430 = arith.constant 0 : i32
    %dma_start3A_431 = tpu.memref_slice %arg5[%dma_start3A_429, %dma_start3A_430] : memref<20800x384xi32, #tpu.memory_space<hbm>> -> memref<20800x384xi32, #tpu.memory_space<hbm>>
    tpu.enqueue_indirect_dma source(%dma_start3A_428 : memref<16x384xi32, #tpu.memory_space<vmem>>) target(%dma_start3A_431 : memref<20800x384xi32, #tpu.memory_space<hbm>>) offsets(%get3A_415 : vector<16xi32>) semaphore(%arg17 : memref<!tpu.dma_semaphore, #tpu.memory_space<semaphore_mem>>)
    %get3A_432 = arith.constant 32 : index
    %get3A_433 = tpu.vector_load %arg11[%get3A_432] {strides = array<i32>} : memref<512xi32, #tpu.memory_space<vmem>>, vector<16xi32>,
    %get3A_434 = arith.constant 48 : index
    %get3A_435 = tpu.vector_load %arg11[%get3A_434] {strides = array<i32>} : memref<512xi32, #tpu.memory_space<vmem>>, vector<16xi32>,
    %dma_start3A_436 = arith.constant 0 : i32
    %dma_start3A_437 = arith.constant 16 : i32
    %dma_start3A_438 = arith.constant 0 : i32
    %dma_start3A_439 = tpu.memref_slice %arg14[%dma_start3A_436, %dma_start3A_437, %dma_start3A_438] : memref<2x64x384xi32, #tpu.memory_space<vmem>> -> memref<1x16x384xi32, #tpu.memory_space<vmem>>
    %dma_start3A_440 = tpu.memref_squeeze %dma_start3A_439 : memref<1x16x384xi32, #tpu.memory_space<vmem>> -> memref<16x384xi32, #tpu.memory_space<vmem>>
    %dma_start3A_441 = arith.constant 0 : i32
    %dma_start3A_442 = arith.constant 0 : i32
    %dma_start3A_443 = tpu.memref_slice %arg5[%dma_start3A_441, %dma_start3A_442] : memref<20800x384xi32, #tpu.memory_space<hbm>> -> memref<20800x384xi32, #tpu.memory_space<hbm>>
    tpu.enqueue_indirect_dma source(%dma_start3A_440 : memref<16x384xi32, #tpu.memory_space<vmem>>) target(%dma_start3A_443 : memref<20800x384xi32, #tpu.memory_space<hbm>>) offsets(%get3A_433 : vector<16xi32>) semaphore(%arg17 : memref<!tpu.dma_semaphore, #tpu.memory_space<semaphore_mem>>)
    %dma_start3A_444 = arith.constant 0 : i32
    %dma_start3A_445 = arith.constant 16 : i32
    %dma_start3A_446 = arith.constant 0 : i32
    %dma_start3A_447 = tpu.memref_slice %arg14[%dma_start3A_444, %dma_start3A_445, %dma_start3A_446] : memref<2x64x384xi32, #tpu.memory_space<vmem>> -> memref<1x16x384xi32, #tpu.memory_space<vmem>>
    %dma_start3A_448 = tpu.memref_squeeze %dma_start3A_447 : memref<1x16x384xi32, #tpu.memory_space<vmem>> -> memref<16x384xi32, #tpu.memory_space<vmem>>
    %dma_start3A_449 = arith.constant 0 : i32
    %dma_start3A_450 = arith.constant 0 : i32
    %dma_start3A_451 = tpu.memref_slice %arg5[%dma_start3A_449, %dma_start3A_450] : memref<20800x384xi32, #tpu.memory_space<hbm>> -> memref<20800x384xi32, #tpu.memory_space<hbm>>
    tpu.enqueue_indirect_dma source(%dma_start3A_448 : memref<16x384xi32, #tpu.memory_space<vmem>>) target(%dma_start3A_451 : memref<20800x384xi32, #tpu.memory_space<hbm>>) offsets(%get3A_435 : vector<16xi32>) semaphore(%arg17 : memref<!tpu.dma_semaphore, #tpu.memory_space<semaphore_mem>>)
    %get3A_452 = arith.constant 64 : index
    %get3A_453 = tpu.vector_load %arg11[%get3A_452] {strides = array<i32>} : memref<512xi32, #tpu.memory_space<vmem>>, vector<16xi32>,
    %get3A_454 = arith.constant 80 : index
    %get3A_455 = tpu.vector_load %arg11[%get3A_454] {strides = array<i32>} : memref<512xi32, #tpu.memory_space<vmem>>, vector<16xi32>,
    %dma_start3A_456 = arith.constant 0 : i32
    %dma_start3A_457 = arith.constant 32 : i32
    %dma_start3A_458 = arith.constant 0 : i32
    %dma_start3A_459 = tpu.memref_slice %arg14[%dma_start3A_456, %dma_start3A_457, %dma_start3A_458] : memref<2x64x384xi32, #tpu.memory_space<vmem>> -> memref<1x16x384xi32, #tpu.memory_space<vmem>>
    %dma_start3A_460 = tpu.memref_squeeze %dma_start3A_459 : memref<1x16x384xi32, #tpu.memory_space<vmem>> -> memref<16x384xi32, #tpu.memory_space<vmem>>
    %dma_start3A_461 = arith.constant 0 : i32
    %dma_start3A_462 = arith.constant 0 : i32
    %dma_start3A_463 = tpu.memref_slice %arg5[%dma_start3A_461, %dma_start3A_462] : memref<20800x384xi32, #tpu.memory_space<hbm>> -> memref<20800x384xi32, #tpu.memory_space<hbm>>
    tpu.enqueue_indirect_dma source(%dma_start3A_460 : memref<16x384xi32, #tpu.memory_space<vmem>>) target(%dma_start3A_463 : memref<20800x384xi32, #tpu.memory_space<hbm>>) offsets(%get3A_453 : vector<16xi32>) semaphore(%arg17 : memref<!tpu.dma_semaphore, #tpu.memory_space<semaphore_mem>>)
    %dma_start3A_464 = arith.constant 0 : i32
    %dma_start3A_465 = arith.constant 32 : i32
    %dma_start3A_466 = arith.constant 0 : i32
    %dma_start3A_467 = tpu.memref_slice %arg14[%dma_start3A_464, %dma_start3A_465, %dma_start3A_466] : memref<2x64x384xi32, #tpu.memory_space<vmem>> -> memref<1x16x384xi32, #tpu.memory_space<vmem>>
    %dma_start3A_468 = tpu.memref_squeeze %dma_start3A_467 : memref<1x16x384xi32, #tpu.memory_space<vmem>> -> memref<16x384xi32, #tpu.memory_space<vmem>>
    %dma_start3A_469 = arith.constant 0 : i32
    %dma_start3A_470 = arith.constant 0 : i32
    %dma_start3A_471 = tpu.memref_slice %arg5[%dma_start3A_469, %dma_start3A_470] : memref<20800x384xi32, #tpu.memory_space<hbm>> -> memref<20800x384xi32, #tpu.memory_space<hbm>>
    tpu.enqueue_indirect_dma source(%dma_start3A_468 : memref<16x384xi32, #tpu.memory_space<vmem>>) target(%dma_start3A_471 : memref<20800x384xi32, #tpu.memory_space<hbm>>) offsets(%get3A_455 : vector<16xi32>) semaphore(%arg17 : memref<!tpu.dma_semaphore, #tpu.memory_space<semaphore_mem>>)
    %get3A_472 = arith.constant 96 : index
    %get3A_473 = tpu.vector_load %arg11[%get3A_472] {strides = array<i32>} : memref<512xi32, #tpu.memory_space<vmem>>, vector<16xi32>,
    %get3A_474 = arith.constant 112 : index
    %get3A_475 = tpu.vector_load %arg11[%get3A_474] {strides = array<i32>} : memref<512xi32, #tpu.memory_space<vmem>>, vector<16xi32>,
    %dma_start3A_476 = arith.constant 0 : i32
    %dma_start3A_477 = arith.constant 48 : i32
    %dma_start3A_478 = arith.constant 0 : i32
    %dma_start3A_479 = tpu.memref_slice %arg14[%dma_start3A_476, %dma_start3A_477, %dma_start3A_478] : memref<2x64x384xi32, #tpu.memory_space<vmem>> -> memref<1x16x384xi32, #tpu.memory_space<vmem>>
    %dma_start3A_480 = tpu.memref_squeeze %dma_start3A_479 : memref<1x16x384xi32, #tpu.memory_space<vmem>> -> memref<16x384xi32, #tpu.memory_space<vmem>>
    %dma_start3A_481 = arith.constant 0 : i32
    %dma_start3A_482 = arith.constant 0 : i32
    %dma_start3A_483 = tpu.memref_slice %arg5[%dma_start3A_481, %dma_start3A_482] : memref<20800x384xi32, #tpu.memory_space<hbm>> -> memref<20800x384xi32, #tpu.memory_space<hbm>>
    tpu.enqueue_indirect_dma source(%dma_start3A_480 : memref<16x384xi32, #tpu.memory_space<vmem>>) target(%dma_start3A_483 : memref<20800x384xi32, #tpu.memory_space<hbm>>) offsets(%get3A_473 : vector<16xi32>) semaphore(%arg17 : memref<!tpu.dma_semaphore, #tpu.memory_space<semaphore_mem>>)
    %dma_start3A_484 = arith.constant 0 : i32
    %dma_start3A_485 = arith.constant 48 : i32
    %dma_start3A_486 = arith.constant 0 : i32
    %dma_start3A_487 = tpu.memref_slice %arg14[%dma_start3A_484, %dma_start3A_485, %dma_start3A_486] : memref<2x64x384xi32, #tpu.memory_space<vmem>> -> memref<1x16x384xi32, #tpu.memory_space<vmem>>
    %dma_start3A_488 = tpu.memref_squeeze %dma_start3A_487 : memref<1x16x384xi32, #tpu.memory_space<vmem>> -> memref<16x384xi32, #tpu.memory_space<vmem>>
    %dma_start3A_489 = arith.constant 0 : i32
    %dma_start3A_490 = arith.constant 0 : i32
    %dma_start3A_491 = tpu.memref_slice %arg5[%dma_start3A_489, %dma_start3A_490] : memref<20800x384xi32, #tpu.memory_space<hbm>> -> memref<20800x384xi32, #tpu.memory_space<hbm>>
    tpu.enqueue_indirect_dma source(%dma_start3A_488 : memref<16x384xi32, #tpu.memory_space<vmem>>) target(%dma_start3A_491 : memref<20800x384xi32, #tpu.memory_space<hbm>>) offsets(%get3A_475 : vector<16xi32>) semaphore(%arg17 : memref<!tpu.dma_semaphore, #tpu.memory_space<semaphore_mem>>)
    %dma_wait3A_492 = arith.constant 0 : i32
    %dma_wait3A_493 = arith.constant 0 : i32
    %dma_wait3A_494 = arith.constant 0 : i32
    %dma_wait3A_495 = tpu.memref_slice %arg14[%dma_wait3A_492, %dma_wait3A_493, %dma_wait3A_494] : memref<2x64x384xi32, #tpu.memory_space<vmem>> -> memref<1x16x384xi32, #tpu.memory_space<vmem>>
    %dma_wait3A_496 = tpu.memref_squeeze %dma_wait3A_495 : memref<1x16x384xi32, #tpu.memory_space<vmem>> -> memref<16x384xi32, #tpu.memory_space<vmem>>
    %dma_wait3A_497 = arith.constant 0 : i32
    %dma_wait3A_498 = arith.constant 0 : i32
    %dma_wait3A_499 = tpu.memref_slice %arg5[%dma_wait3A_497, %dma_wait3A_498] : memref<20800x384xi32, #tpu.memory_space<hbm>> -> memref<16x384xi32, #tpu.memory_space<hbm>>
    %dma_wait3A_500 = arith.constant 0 : i32
    %dma_wait3A_501 = arith.constant 0 : i32
    %dma_wait3A_502 = tpu.memref_slice %arg5[%dma_wait3A_500, %dma_wait3A_501] : memref<20800x384xi32, #tpu.memory_space<hbm>> -> memref<16x384xi32, #tpu.memory_space<hbm>>
    %dma_wait3A_503 = arith.constant 0 : i32
    %dma_wait3A_504 = arith.constant 0 : i32
    %dma_wait3A_505 = tpu.memref_slice %arg14[%dma_wait3A_492, %dma_wait3A_503, %dma_wait3A_504] : memref<2x64x384xi32, #tpu.memory_space<vmem>> -> memref<1x16x384xi32, #tpu.memory_space<vmem>>
    %dma_wait3A_506 = tpu.memref_squeeze %dma_wait3A_505 : memref<1x16x384xi32, #tpu.memory_space<vmem>> -> memref<16x384xi32, #tpu.memory_space<vmem>>
    tpu.wait_dma2 semaphore(%arg17 : memref<!tpu.dma_semaphore, #tpu.memory_space<semaphore_mem>>) src(%dma_wait3A_506 : memref<16x384xi32, #tpu.memory_space<vmem>>) dst(%dma_wait3A_502 : memref<16x384xi32, #tpu.memory_space<hbm>>)
    %dma_wait3A_507 = arith.constant 0 : i32
    %dma_wait3A_508 = arith.constant 0 : i32
    %dma_wait3A_509 = arith.constant 0 : i32
    %dma_wait3A_510 = tpu.memref_slice %arg14[%dma_wait3A_507, %dma_wait3A_508, %dma_wait3A_509] : memref<2x64x384xi32, #tpu.memory_space<vmem>> -> memref<1x16x384xi32, #tpu.memory_space<vmem>>
    %dma_wait3A_511 = tpu.memref_squeeze %dma_wait3A_510 : memref<1x16x384xi32, #tpu.memory_space<vmem>> -> memref<16x384xi32, #tpu.memory_space<vmem>>
    %dma_wait3A_512 = arith.constant 0 : i32
    %dma_wait3A_513 = arith.constant 0 : i32
    %dma_wait3A_514 = tpu.memref_slice %arg5[%dma_wait3A_512, %dma_wait3A_513] : memref<20800x384xi32, #tpu.memory_space<hbm>> -> memref<16x384xi32, #tpu.memory_space<hbm>>
    %dma_wait3A_515 = arith.constant 0 : i32
    %dma_wait3A_516 = arith.constant 0 : i32
    %dma_wait3A_517 = tpu.memref_slice %arg5[%dma_wait3A_515, %dma_wait3A_516] : memref<20800x384xi32, #tpu.memory_space<hbm>> -> memref<16x384xi32, #tpu.memory_space<hbm>>
    %dma_wait3A_518 = arith.constant 0 : i32
    %dma_wait3A_519 = arith.constant 0 : i32
    %dma_wait3A_520 = tpu.memref_slice %arg14[%dma_wait3A_507, %dma_wait3A_518, %dma_wait3A_519] : memref<2x64x384xi32, #tpu.memory_space<vmem>> -> memref<1x16x384xi32, #tpu.memory_space<vmem>>
    %dma_wait3A_521 = tpu.memref_squeeze %dma_wait3A_520 : memref<1x16x384xi32, #tpu.memory_space<vmem>> -> memref<16x384xi32, #tpu.memory_space<vmem>>
    tpu.wait_dma2 semaphore(%arg17 : memref<!tpu.dma_semaphore, #tpu.memory_space<semaphore_mem>>) src(%dma_wait3A_521 : memref<16x384xi32, #tpu.memory_space<vmem>>) dst(%dma_wait3A_517 : memref<16x384xi32, #tpu.memory_space<hbm>>)
    %dma_wait3A_522 = arith.constant 0 : i32
    %dma_wait3A_523 = arith.constant 0 : i32
    %dma_wait3A_524 = arith.constant 0 : i32
    %dma_wait3A_525 = tpu.memref_slice %arg14[%dma_wait3A_522, %dma_wait3A_523, %dma_wait3A_524] : memref<2x64x384xi32, #tpu.memory_space<vmem>> -> memref<1x16x384xi32, #tpu.memory_space<vmem>>
    %dma_wait3A_526 = tpu.memref_squeeze %dma_wait3A_525 : memref<1x16x384xi32, #tpu.memory_space<vmem>> -> memref<16x384xi32, #tpu.memory_space<vmem>>
    %dma_wait3A_527 = arith.constant 0 : i32
    %dma_wait3A_528 = arith.constant 0 : i32
    %dma_wait3A_529 = tpu.memref_slice %arg5[%dma_wait3A_527, %dma_wait3A_528] : memref<20800x384xi32, #tpu.memory_space<hbm>> -> memref<16x384xi32, #tpu.memory_space<hbm>>
    %dma_wait3A_530 = arith.constant 0 : i32
    %dma_wait3A_531 = arith.constant 0 : i32
    %dma_wait3A_532 = tpu.memref_slice %arg5[%dma_wait3A_530, %dma_wait3A_531] : memref<20800x384xi32, #tpu.memory_space<hbm>> -> memref<16x384xi32, #tpu.memory_space<hbm>>
    %dma_wait3A_533 = arith.constant 0 : i32
    %dma_wait3A_534 = arith.constant 0 : i32
    %dma_wait3A_535 = tpu.memref_slice %arg14[%dma_wait3A_522, %dma_wait3A_533, %dma_wait3A_534] : memref<2x64x384xi32, #tpu.memory_space<vmem>> -> memref<1x16x384xi32, #tpu.memory_space<vmem>>
    %dma_wait3A_536 = tpu.memref_squeeze %dma_wait3A_535 : memref<1x16x384xi32, #tpu.memory_space<vmem>> -> memref<16x384xi32, #tpu.memory_space<vmem>>
    tpu.wait_dma2 semaphore(%arg17 : memref<!tpu.dma_semaphore, #tpu.memory_space<semaphore_mem>>) src(%dma_wait3A_536 : memref<16x384xi32, #tpu.memory_space<vmem>>) dst(%dma_wait3A_532 : memref<16x384xi32, #tpu.memory_space<hbm>>)
    %dma_wait3A_537 = arith.constant 0 : i32
    %dma_wait3A_538 = arith.constant 0 : i32
    %dma_wait3A_539 = arith.constant 0 : i32
    %dma_wait3A_540 = tpu.memref_slice %arg14[%dma_wait3A_537, %dma_wait3A_538, %dma_wait3A_539] : memref<2x64x384xi32, #tpu.memory_space<vmem>> -> memref<1x16x384xi32, #tpu.memory_space<vmem>>
    %dma_wait3A_541 = tpu.memref_squeeze %dma_wait3A_540 : memref<1x16x384xi32, #tpu.memory_space<vmem>> -> memref<16x384xi32, #tpu.memory_space<vmem>>
    %dma_wait3A_542 = arith.constant 0 : i32
    %dma_wait3A_543 = arith.constant 0 : i32
    %dma_wait3A_544 = tpu.memref_slice %arg5[%dma_wait3A_542, %dma_wait3A_543] : memref<20800x384xi32, #tpu.memory_space<hbm>> -> memref<16x384xi32, #tpu.memory_space<hbm>>
    %dma_wait3A_545 = arith.constant 0 : i32
    %dma_wait3A_546 = arith.constant 0 : i32
    %dma_wait3A_547 = tpu.memref_slice %arg5[%dma_wait3A_545, %dma_wait3A_546] : memref<20800x384xi32, #tpu.memory_space<hbm>> -> memref<16x384xi32, #tpu.memory_space<hbm>>
    %dma_wait3A_548 = arith.constant 0 : i32
    %dma_wait3A_549 = arith.constant 0 : i32
    %dma_wait3A_550 = tpu.memref_slice %arg14[%dma_wait3A_537, %dma_wait3A_548, %dma_wait3A_549] : memref<2x64x384xi32, #tpu.memory_space<vmem>> -> memref<1x16x384xi32, #tpu.memory_space<vmem>>
    %dma_wait3A_551 = tpu.memref_squeeze %dma_wait3A_550 : memref<1x16x384xi32, #tpu.memory_space<vmem>> -> memref<16x384xi32, #tpu.memory_space<vmem>>
    tpu.wait_dma2 semaphore(%arg17 : memref<!tpu.dma_semaphore, #tpu.memory_space<semaphore_mem>>) src(%dma_wait3A_551 : memref<16x384xi32, #tpu.memory_space<vmem>>) dst(%dma_wait3A_547 : memref<16x384xi32, #tpu.memory_space<hbm>>)
    %dma_wait3A_552 = arith.constant 0 : i32
    %dma_wait3A_553 = arith.constant 0 : i32
    %dma_wait3A_554 = arith.constant 0 : i32
    %dma_wait3A_555 = tpu.memref_slice %arg14[%dma_wait3A_552, %dma_wait3A_553, %dma_wait3A_554] : memref<2x64x384xi32, #tpu.memory_space<vmem>> -> memref<1x16x384xi32, #tpu.memory_space<vmem>>
    %dma_wait3A_556 = tpu.memref_squeeze %dma_wait3A_555 : memref<1x16x384xi32, #tpu.memory_space<vmem>> -> memref<16x384xi32, #tpu.memory_space<vmem>>
    %dma_wait3A_557 = arith.constant 0 : i32
    %dma_wait3A_558 = arith.constant 0 : i32
    %dma_wait3A_559 = tpu.memref_slice %arg5[%dma_wait3A_557, %dma_wait3A_558] : memref<20800x384xi32, #tpu.memory_space<hbm>> -> memref<16x384xi32, #tpu.memory_space<hbm>>
    %dma_wait3A_560 = arith.constant 0 : i32
    %dma_wait3A_561 = arith.constant 0 : i32
    %dma_wait3A_562 = tpu.memref_slice %arg5[%dma_wait3A_560, %dma_wait3A_561] : memref<20800x384xi32, #tpu.memory_space<hbm>> -> memref<16x384xi32, #tpu.memory_space<hbm>>
    %dma_wait3A_563 = arith.constant 0 : i32
    %dma_wait3A_564 = arith.constant 0 : i32
    %dma_wait3A_565 = tpu.memref_slice %arg14[%dma_wait3A_552, %dma_wait3A_563, %dma_wait3A_564] : memref<2x64x384xi32, #tpu.memory_space<vmem>> -> memref<1x16x384xi32, #tpu.memory_space<vmem>>
    %dma_wait3A_566 = tpu.memref_squeeze %dma_wait3A_565 : memref<1x16x384xi32, #tpu.memory_space<vmem>> -> memref<16x384xi32, #tpu.memory_space<vmem>>
    tpu.wait_dma2 semaphore(%arg17 : memref<!tpu.dma_semaphore, #tpu.memory_space<semaphore_mem>>) src(%dma_wait3A_566 : memref<16x384xi32, #tpu.memory_space<vmem>>) dst(%dma_wait3A_562 : memref<16x384xi32, #tpu.memory_space<hbm>>)
    %dma_wait3A_567 = arith.constant 0 : i32
    %dma_wait3A_568 = arith.constant 0 : i32
    %dma_wait3A_569 = arith.constant 0 : i32
    %dma_wait3A_570 = tpu.memref_slice %arg14[%dma_wait3A_567, %dma_wait3A_568, %dma_wait3A_569] : memref<2x64x384xi32, #tpu.memory_space<vmem>> -> memref<1x16x384xi32, #tpu.memory_space<vmem>>
    %dma_wait3A_571 = tpu.memref_squeeze %dma_wait3A_570 : memref<1x16x384xi32, #tpu.memory_space<vmem>> -> memref<16x384xi32, #tpu.memory_space<vmem>>
    %dma_wait3A_572 = arith.constant 0 : i32
    %dma_wait3A_573 = arith.constant 0 : i32
    %dma_wait3A_574 = tpu.memref_slice %arg5[%dma_wait3A_572, %dma_wait3A_573] : memref<20800x384xi32, #tpu.memory_space<hbm>> -> memref<16x384xi32, #tpu.memory_space<hbm>>
    %dma_wait3A_575 = arith.constant 0 : i32
    %dma_wait3A_576 = arith.constant 0 : i32
    %dma_wait3A_577 = tpu.memref_slice %arg5[%dma_wait3A_575, %dma_wait3A_576] : memref<20800x384xi32, #tpu.memory_space<hbm>> -> memref<16x384xi32, #tpu.memory_space<hbm>>
    %dma_wait3A_578 = arith.constant 0 : i32
    %dma_wait3A_579 = arith.constant 0 : i32
    %dma_wait3A_580 = tpu.memref_slice %arg14[%dma_wait3A_567, %dma_wait3A_578, %dma_wait3A_579] : memref<2x64x384xi32, #tpu.memory_space<vmem>> -> memref<1x16x384xi32, #tpu.memory_space<vmem>>
    %dma_wait3A_581 = tpu.memref_squeeze %dma_wait3A_580 : memref<1x16x384xi32, #tpu.memory_space<vmem>> -> memref<16x384xi32, #tpu.memory_space<vmem>>
    tpu.wait_dma2 semaphore(%arg17 : memref<!tpu.dma_semaphore, #tpu.memory_space<semaphore_mem>>) src(%dma_wait3A_581 : memref<16x384xi32, #tpu.memory_space<vmem>>) dst(%dma_wait3A_577 : memref<16x384xi32, #tpu.memory_space<hbm>>)
    %dma_wait3A_582 = arith.constant 0 : i32
    %dma_wait3A_583 = arith.constant 0 : i32
    %dma_wait3A_584 = arith.constant 0 : i32
    %dma_wait3A_585 = tpu.memref_slice %arg14[%dma_wait3A_582, %dma_wait3A_583, %dma_wait3A_584] : memref<2x64x384xi32, #tpu.memory_space<vmem>> -> memref<1x16x384xi32, #tpu.memory_space<vmem>>
    %dma_wait3A_586 = tpu.memref_squeeze %dma_wait3A_585 : memref<1x16x384xi32, #tpu.memory_space<vmem>> -> memref<16x384xi32, #tpu.memory_space<vmem>>
    %dma_wait3A_587 = arith.constant 0 : i32
    %dma_wait3A_588 = arith.constant 0 : i32
    %dma_wait3A_589 = tpu.memref_slice %arg5[%dma_wait3A_587, %dma_wait3A_588] : memref<20800x384xi32, #tpu.memory_space<hbm>> -> memref<16x384xi32, #tpu.memory_space<hbm>>
    %dma_wait3A_590 = arith.constant 0 : i32
    %dma_wait3A_591 = arith.constant 0 : i32
    %dma_wait3A_592 = tpu.memref_slice %arg5[%dma_wait3A_590, %dma_wait3A_591] : memref<20800x384xi32, #tpu.memory_space<hbm>> -> memref<16x384xi32, #tpu.memory_space<hbm>>
    %dma_wait3A_593 = arith.constant 0 : i32
    %dma_wait3A_594 = arith.constant 0 : i32
    %dma_wait3A_595 = tpu.memref_slice %arg14[%dma_wait3A_582, %dma_wait3A_593, %dma_wait3A_594] : memref<2x64x384xi32, #tpu.memory_space<vmem>> -> memref<1x16x384xi32, #tpu.memory_space<vmem>>
    %dma_wait3A_596 = tpu.memref_squeeze %dma_wait3A_595 : memref<1x16x384xi32, #tpu.memory_space<vmem>> -> memref<16x384xi32, #tpu.memory_space<vmem>>
    tpu.wait_dma2 semaphore(%arg17 : memref<!tpu.dma_semaphore, #tpu.memory_space<semaphore_mem>>) src(%dma_wait3A_596 : memref<16x384xi32, #tpu.memory_space<vmem>>) dst(%dma_wait3A_592 : memref<16x384xi32, #tpu.memory_space<hbm>>)
    %dma_wait3A_597 = arith.constant 0 : i32
    %dma_wait3A_598 = arith.constant 0 : i32
    %dma_wait3A_599 = arith.constant 0 : i32
    %dma_wait3A_600 = tpu.memref_slice %arg14[%dma_wait3A_597, %dma_wait3A_598, %dma_wait3A_599] : memref<2x64x384xi32, #tpu.memory_space<vmem>> -> memref<1x16x384xi32, #tpu.memory_space<vmem>>
    %dma_wait3A_601 = tpu.memref_squeeze %dma_wait3A_600 : memref<1x16x384xi32, #tpu.memory_space<vmem>> -> memref<16x384xi32, #tpu.memory_space<vmem>>
    %dma_wait3A_602 = arith.constant 0 : i32
    %dma_wait3A_603 = arith.constant 0 : i32
    %dma_wait3A_604 = tpu.memref_slice %arg5[%dma_wait3A_602, %dma_wait3A_603] : memref<20800x384xi32, #tpu.memory_space<hbm>> -> memref<16x384xi32, #tpu.memory_space<hbm>>
    %dma_wait3A_605 = arith.constant 0 : i32
    %dma_wait3A_606 = arith.constant 0 : i32
    %dma_wait3A_607 = tpu.memref_slice %arg5[%dma_wait3A_605, %dma_wait3A_606] : memref<20800x384xi32, #tpu.memory_space<hbm>> -> memref<16x384xi32, #tpu.memory_space<hbm>>
    %dma_wait3A_608 = arith.constant 0 : i32
    %dma_wait3A_609 = arith.constant 0 : i32
    %dma_wait3A_610 = tpu.memref_slice %arg14[%dma_wait3A_597, %dma_wait3A_608, %dma_wait3A_609] : memref<2x64x384xi32, #tpu.memory_space<vmem>> -> memref<1x16x384xi32, #tpu.memory_space<vmem>>
    %dma_wait3A_611 = tpu.memref_squeeze %dma_wait3A_610 : memref<1x16x384xi32, #tpu.memory_space<vmem>> -> memref<16x384xi32, #tpu.memory_space<vmem>>
    tpu.wait_dma2 semaphore(%arg17 : memref<!tpu.dma_semaphore, #tpu.memory_space<semaphore_mem>>) src(%dma_wait3A_611 : memref<16x384xi32, #tpu.memory_space<vmem>>) dst(%dma_wait3A_607 : memref<16x384xi32, #tpu.memory_space<hbm>>)
    %add3A_612 = arith.constant 128 : i32
    %add3A_613 = arith.addi %mul3A_4, %add3A_612 : i32
    %dma_start3A_614 = arith.constant 0 : i32
    %dma_start3A_615 = arith.constant 0 : i32
    %dma_start3A_616 = arith.constant 0 : i32
    %dma_start3A_617 = tpu.memref_slice %arg14[%dma_start3A_614, %dma_start3A_615, %dma_start3A_616] : memref<2x64x384xi32, #tpu.memory_space<vmem>> -> memref<1x64x384xi32, #tpu.memory_space<vmem>>
    %dma_start3A_618 = tpu.memref_squeeze %dma_start3A_617 : memref<1x64x384xi32, #tpu.memory_space<vmem>> -> memref<64x384xi32, #tpu.memory_space<vmem>>
    %dma_start3A_619 = arith.constant 0 : i32
    %dma_start3A_620 = tpu.memref_slice %arg4[%add3A_613, %dma_start3A_619] : memref<8192x384xi32, #tpu.memory_space<hbm>> -> memref<64x384xi32, #tpu.memory_space<hbm>>
    %dma_start3A_621 = arith.constant 0 : i32
    %dma_start3A_622 = arith.constant 0 : i32
    %dma_start3A_623 = tpu.memref_slice %arg14[%dma_start3A_614, %dma_start3A_621, %dma_start3A_622] : memref<2x64x384xi32, #tpu.memory_space<vmem>> -> memref<1x64x384xi32, #tpu.memory_space<vmem>>
    %dma_start3A_624 = tpu.memref_squeeze %dma_start3A_623 : memref<1x64x384xi32, #tpu.memory_space<vmem>> -> memref<64x384xi32, #tpu.memory_space<vmem>>
    %dma_start3A_625 = arith.constant 0 : i32
    %dma_start3A_626 = tpu.memref_slice %arg4[%add3A_613, %dma_start3A_625] : memref<8192x384xi32, #tpu.memory_space<hbm>> -> memref<64x384xi32, #tpu.memory_space<hbm>>
    tpu.enqueue_dma source(%dma_start3A_626 : memref<64x384xi32, #tpu.memory_space<hbm>>) target(%dma_start3A_624 : memref<64x384xi32, #tpu.memory_space<vmem>>) target_semaphore(%arg16 : memref<!tpu.dma_semaphore, #tpu.memory_space<semaphore_mem>>)
    %dma_wait3A_627 = arith.constant 1 : i32
    %dma_wait3A_628 = arith.constant 0 : i32
    %dma_wait3A_629 = arith.constant 0 : i32
    %dma_wait3A_630 = tpu.memref_slice %arg14[%dma_wait3A_627, %dma_wait3A_628, %dma_wait3A_629] : memref<2x64x384xi32, #tpu.memory_space<vmem>> -> memref<1x64x384xi32, #tpu.memory_space<vmem>>
    %dma_wait3A_631 = tpu.memref_squeeze %dma_wait3A_630 : memref<1x64x384xi32, #tpu.memory_space<vmem>> -> memref<64x384xi32, #tpu.memory_space<vmem>>
    %dma_wait3A_632 = arith.constant 0 : i32
    %dma_wait3A_633 = arith.constant 0 : i32
    %dma_wait3A_634 = tpu.memref_slice %arg4[%dma_wait3A_632, %dma_wait3A_633] : memref<8192x384xi32, #tpu.memory_space<hbm>> -> memref<64x384xi32, #tpu.memory_space<hbm>>
    %dma_wait3A_635 = arith.constant 0 : i32
    %dma_wait3A_636 = arith.constant 0 : i32
    %dma_wait3A_637 = tpu.memref_slice %arg14[%dma_wait3A_627, %dma_wait3A_635, %dma_wait3A_636] : memref<2x64x384xi32, #tpu.memory_space<vmem>> -> memref<1x64x384xi32, #tpu.memory_space<vmem>>
    %dma_wait3A_638 = tpu.memref_squeeze %dma_wait3A_637 : memref<1x64x384xi32, #tpu.memory_space<vmem>> -> memref<64x384xi32, #tpu.memory_space<vmem>>
    %dma_wait3A_639 = arith.constant 0 : i32
    %dma_wait3A_640 = arith.constant 0 : i32
    %dma_wait3A_641 = tpu.memref_slice %arg4[%dma_wait3A_639, %dma_wait3A_640] : memref<8192x384xi32, #tpu.memory_space<hbm>> -> memref<64x384xi32, #tpu.memory_space<hbm>>
    tpu.wait_dma2 semaphore(%arg16 : memref<!tpu.dma_semaphore, #tpu.memory_space<semaphore_mem>>) src(%dma_wait3A_641 : memref<64x384xi32, #tpu.memory_space<hbm>>) dst(%dma_wait3A_638 : memref<64x384xi32, #tpu.memory_space<vmem>>)
    %get3A_642 = arith.constant 128 : index
    %get3A_643 = tpu.vector_load %arg11[%get3A_642] {strides = array<i32>} : memref<512xi32, #tpu.memory_space<vmem>>, vector<16xi32>,
    %get3A_644 = arith.constant 144 : index
    %get3A_645 = tpu.vector_load %arg11[%get3A_644] {strides = array<i32>} : memref<512xi32, #tpu.memory_space<vmem>>, vector<16xi32>,
    %dma_start3A_646 = arith.constant 1 : i32
    %dma_start3A_647 = arith.constant 0 : i32
    %dma_start3A_648 = arith.constant 0 : i32
    %dma_start3A_649 = tpu.memref_slice %arg14[%dma_start3A_646, %dma_start3A_647, %dma_start3A_648] : memref<2x64x384xi32, #tpu.memory_space<vmem>> -> memref<1x16x384xi32, #tpu.memory_space<vmem>>
    %dma_start3A_650 = tpu.memref_squeeze %dma_start3A_649 : memref<1x16x384xi32, #tpu.memory_space<vmem>> -> memref<16x384xi32, #tpu.memory_space<vmem>>
    %dma_start3A_651 = arith.constant 0 : i32
    %dma_start3A_652 = arith.constant 0 : i32
    %dma_start3A_653 = tpu.memref_slice %arg5[%dma_start3A_651, %dma_start3A_652] : memref<20800x384xi32, #tpu.memory_space<hbm>> -> memref<20800x384xi32, #tpu.memory_space<hbm>>
    tpu.enqueue_indirect_dma source(%dma_start3A_650 : memref<16x384xi32, #tpu.memory_space<vmem>>) target(%dma_start3A_653 : memref<20800x384xi32, #tpu.memory_space<hbm>>) offsets(%get3A_643 : vector<16xi32>) semaphore(%arg17 : memref<!tpu.dma_semaphore, #tpu.memory_space<semaphore_mem>>)
    %dma_start3A_654 = arith.constant 1 : i32
    %dma_start3A_655 = arith.constant 0 : i32
    %dma_start3A_656 = arith.constant 0 : i32
    %dma_start3A_657 = tpu.memref_slice %arg14[%dma_start3A_654, %dma_start3A_655, %dma_start3A_656] : memref<2x64x384xi32, #tpu.memory_space<vmem>> -> memref<1x16x384xi32, #tpu.memory_space<vmem>>
    %dma_start3A_658 = tpu.memref_squeeze %dma_start3A_657 : memref<1x16x384xi32, #tpu.memory_space<vmem>> -> memref<16x384xi32, #tpu.memory_space<vmem>>
    %dma_start3A_659 = arith.constant 0 : i32
    %dma_start3A_660 = arith.constant 0 : i32
    %dma_start3A_661 = tpu.memref_slice %arg5[%dma_start3A_659, %dma_start3A_660] : memref<20800x384xi32, #tpu.memory_space<hbm>> -> memref<20800x384xi32, #tpu.memory_space<hbm>>
    tpu.enqueue_indirect_dma source(%dma_start3A_658 : memref<16x384xi32, #tpu.memory_space<vmem>>) target(%dma_start3A_661 : memref<20800x384xi32, #tpu.memory_space<hbm>>) offsets(%get3A_645 : vector<16xi32>) semaphore(%arg17 : memref<!tpu.dma_semaphore, #tpu.memory_space<semaphore_mem>>)
    %get3A_662 = arith.constant 160 : index
    %get3A_663 = tpu.vector_load %arg11[%get3A_662] {strides = array<i32>} : memref<512xi32, #tpu.memory_space<vmem>>, vector<16xi32>,
    %get3A_664 = arith.constant 176 : index
    %get3A_665 = tpu.vector_load %arg11[%get3A_664] {strides = array<i32>} : memref<512xi32, #tpu.memory_space<vmem>>, vector<16xi32>,
    %dma_start3A_666 = arith.constant 1 : i32
    %dma_start3A_667 = arith.constant 16 : i32
    %dma_start3A_668 = arith.constant 0 : i32
    %dma_start3A_669 = tpu.memref_slice %arg14[%dma_start3A_666, %dma_start3A_667, %dma_start3A_668] : memref<2x64x384xi32, #tpu.memory_space<vmem>> -> memref<1x16x384xi32, #tpu.memory_space<vmem>>
    %dma_start3A_670 = tpu.memref_squeeze %dma_start3A_669 : memref<1x16x384xi32, #tpu.memory_space<vmem>> -> memref<16x384xi32, #tpu.memory_space<vmem>>
    %dma_start3A_671 = arith.constant 0 : i32
    %dma_start3A_672 = arith.constant 0 : i32
    %dma_start3A_673 = tpu.memref_slice %arg5[%dma_start3A_671, %dma_start3A_672] : memref<20800x384xi32, #tpu.memory_space<hbm>> -> memref<20800x384xi32, #tpu.memory_space<hbm>>
    tpu.enqueue_indirect_dma source(%dma_start3A_670 : memref<16x384xi32, #tpu.memory_space<vmem>>) target(%dma_start3A_673 : memref<20800x384xi32, #tpu.memory_space<hbm>>) offsets(%get3A_663 : vector<16xi32>) semaphore(%arg17 : memref<!tpu.dma_semaphore, #tpu.memory_space<semaphore_mem>>)
    %dma_start3A_674 = arith.constant 1 : i32
    %dma_start3A_675 = arith.constant 16 : i32
    %dma_start3A_676 = arith.constant 0 : i32
    %dma_start3A_677 = tpu.memref_slice %arg14[%dma_start3A_674, %dma_start3A_675, %dma_start3A_676] : memref<2x64x384xi32, #tpu.memory_space<vmem>> -> memref<1x16x384xi32, #tpu.memory_space<vmem>>
    %dma_start3A_678 = tpu.memref_squeeze %dma_start3A_677 : memref<1x16x384xi32, #tpu.memory_space<vmem>> -> memref<16x384xi32, #tpu.memory_space<vmem>>
    %dma_start3A_679 = arith.constant 0 : i32
    %dma_start3A_680 = arith.constant 0 : i32
    %dma_start3A_681 = tpu.memref_slice %arg5[%dma_start3A_679, %dma_start3A_680] : memref<20800x384xi32, #tpu.memory_space<hbm>> -> memref<20800x384xi32, #tpu.memory_space<hbm>>
    tpu.enqueue_indirect_dma source(%dma_start3A_678 : memref<16x384xi32, #tpu.memory_space<vmem>>) target(%dma_start3A_681 : memref<20800x384xi32, #tpu.memory_space<hbm>>) offsets(%get3A_665 : vector<16xi32>) semaphore(%arg17 : memref<!tpu.dma_semaphore, #tpu.memory_space<semaphore_mem>>)
    %get3A_682 = arith.constant 192 : index
    %get3A_683 = tpu.vector_load %arg11[%get3A_682] {strides = array<i32>} : memref<512xi32, #tpu.memory_space<vmem>>, vector<16xi32>,
    %get3A_684 = arith.constant 208 : index
    %get3A_685 = tpu.vector_load %arg11[%get3A_684] {strides = array<i32>} : memref<512xi32, #tpu.memory_space<vmem>>, vector<16xi32>,
    %dma_start3A_686 = arith.constant 1 : i32
    %dma_start3A_687 = arith.constant 32 : i32
    %dma_start3A_688 = arith.constant 0 : i32
    %dma_start3A_689 = tpu.memref_slice %arg14[%dma_start3A_686, %dma_start3A_687, %dma_start3A_688] : memref<2x64x384xi32, #tpu.memory_space<vmem>> -> memref<1x16x384xi32, #tpu.memory_space<vmem>>
    %dma_start3A_690 = tpu.memref_squeeze %dma_start3A_689 : memref<1x16x384xi32, #tpu.memory_space<vmem>> -> memref<16x384xi32, #tpu.memory_space<vmem>>
    %dma_start3A_691 = arith.constant 0 : i32
    %dma_start3A_692 = arith.constant 0 : i32
    %dma_start3A_693 = tpu.memref_slice %arg5[%dma_start3A_691, %dma_start3A_692] : memref<20800x384xi32, #tpu.memory_space<hbm>> -> memref<20800x384xi32, #tpu.memory_space<hbm>>
    tpu.enqueue_indirect_dma source(%dma_start3A_690 : memref<16x384xi32, #tpu.memory_space<vmem>>) target(%dma_start3A_693 : memref<20800x384xi32, #tpu.memory_space<hbm>>) offsets(%get3A_683 : vector<16xi32>) semaphore(%arg17 : memref<!tpu.dma_semaphore, #tpu.memory_space<semaphore_mem>>)
    %dma_start3A_694 = arith.constant 1 : i32
    %dma_start3A_695 = arith.constant 32 : i32
    %dma_start3A_696 = arith.constant 0 : i32
    %dma_start3A_697 = tpu.memref_slice %arg14[%dma_start3A_694, %dma_start3A_695, %dma_start3A_696] : memref<2x64x384xi32, #tpu.memory_space<vmem>> -> memref<1x16x384xi32, #tpu.memory_space<vmem>>
    %dma_start3A_698 = tpu.memref_squeeze %dma_start3A_697 : memref<1x16x384xi32, #tpu.memory_space<vmem>> -> memref<16x384xi32, #tpu.memory_space<vmem>>
    %dma_start3A_699 = arith.constant 0 : i32
    %dma_start3A_700 = arith.constant 0 : i32
    %dma_start3A_701 = tpu.memref_slice %arg5[%dma_start3A_699, %dma_start3A_700] : memref<20800x384xi32, #tpu.memory_space<hbm>> -> memref<20800x384xi32, #tpu.memory_space<hbm>>
    tpu.enqueue_indirect_dma source(%dma_start3A_698 : memref<16x384xi32, #tpu.memory_space<vmem>>) target(%dma_start3A_701 : memref<20800x384xi32, #tpu.memory_space<hbm>>) offsets(%get3A_685 : vector<16xi32>) semaphore(%arg17 : memref<!tpu.dma_semaphore, #tpu.memory_space<semaphore_mem>>)
    %get3A_702 = arith.constant 224 : index
    %get3A_703 = tpu.vector_load %arg11[%get3A_702] {strides = array<i32>} : memref<512xi32, #tpu.memory_space<vmem>>, vector<16xi32>,
    %get3A_704 = arith.constant 240 : index
    %get3A_705 = tpu.vector_load %arg11[%get3A_704] {strides = array<i32>} : memref<512xi32, #tpu.memory_space<vmem>>, vector<16xi32>,
    %dma_start3A_706 = arith.constant 1 : i32
    %dma_start3A_707 = arith.constant 48 : i32
    %dma_start3A_708 = arith.constant 0 : i32
    %dma_start3A_709 = tpu.memref_slice %arg14[%dma_start3A_706, %dma_start3A_707, %dma_start3A_708] : memref<2x64x384xi32, #tpu.memory_space<vmem>> -> memref<1x16x384xi32, #tpu.memory_space<vmem>>
    %dma_start3A_710 = tpu.memref_squeeze %dma_start3A_709 : memref<1x16x384xi32, #tpu.memory_space<vmem>> -> memref<16x384xi32, #tpu.memory_space<vmem>>
    %dma_start3A_711 = arith.constant 0 : i32
    %dma_start3A_712 = arith.constant 0 : i32
    %dma_start3A_713 = tpu.memref_slice %arg5[%dma_start3A_711, %dma_start3A_712] : memref<20800x384xi32, #tpu.memory_space<hbm>> -> memref<20800x384xi32, #tpu.memory_space<hbm>>
    tpu.enqueue_indirect_dma source(%dma_start3A_710 : memref<16x384xi32, #tpu.memory_space<vmem>>) target(%dma_start3A_713 : memref<20800x384xi32, #tpu.memory_space<hbm>>) offsets(%get3A_703 : vector<16xi32>) semaphore(%arg17 : memref<!tpu.dma_semaphore, #tpu.memory_space<semaphore_mem>>)
    %dma_start3A_714 = arith.constant 1 : i32
    %dma_start3A_715 = arith.constant 48 : i32
    %dma_start3A_716 = arith.constant 0 : i32
    %dma_start3A_717 = tpu.memref_slice %arg14[%dma_start3A_714, %dma_start3A_715, %dma_start3A_716] : memref<2x64x384xi32, #tpu.memory_space<vmem>> -> memref<1x16x384xi32, #tpu.memory_space<vmem>>
    %dma_start3A_718 = tpu.memref_squeeze %dma_start3A_717 : memref<1x16x384xi32, #tpu.memory_space<vmem>> -> memref<16x384xi32, #tpu.memory_space<vmem>>
    %dma_start3A_719 = arith.constant 0 : i32
    %dma_start3A_720 = arith.constant 0 : i32
    %dma_start3A_721 = tpu.memref_slice %arg5[%dma_start3A_719, %dma_start3A_720] : memref<20800x384xi32, #tpu.memory_space<hbm>> -> memref<20800x384xi32, #tpu.memory_space<hbm>>
    tpu.enqueue_indirect_dma source(%dma_start3A_718 : memref<16x384xi32, #tpu.memory_space<vmem>>) target(%dma_start3A_721 : memref<20800x384xi32, #tpu.memory_space<hbm>>) offsets(%get3A_705 : vector<16xi32>) semaphore(%arg17 : memref<!tpu.dma_semaphore, #tpu.memory_space<semaphore_mem>>)
    %dma_wait3A_722 = arith.constant 0 : i32
    %dma_wait3A_723 = arith.constant 0 : i32
    %dma_wait3A_724 = arith.constant 0 : i32
    %dma_wait3A_725 = tpu.memref_slice %arg14[%dma_wait3A_722, %dma_wait3A_723, %dma_wait3A_724] : memref<2x64x384xi32, #tpu.memory_space<vmem>> -> memref<1x16x384xi32, #tpu.memory_space<vmem>>
    %dma_wait3A_726 = tpu.memref_squeeze %dma_wait3A_725 : memref<1x16x384xi32, #tpu.memory_space<vmem>> -> memref<16x384xi32, #tpu.memory_space<vmem>>
    %dma_wait3A_727 = arith.constant 0 : i32
    %dma_wait3A_728 = arith.constant 0 : i32
    %dma_wait3A_729 = tpu.memref_slice %arg5[%dma_wait3A_727, %dma_wait3A_728] : memref<20800x384xi32, #tpu.memory_space<hbm>> -> memref<16x384xi32, #tpu.memory_space<hbm>>
    %dma_wait3A_730 = arith.constant 0 : i32
    %dma_wait3A_731 = arith.constant 0 : i32
    %dma_wait3A_732 = tpu.memref_slice %arg5[%dma_wait3A_730, %dma_wait3A_731] : memref<20800x384xi32, #tpu.memory_space<hbm>> -> memref<16x384xi32, #tpu.memory_space<hbm>>
    %dma_wait3A_733 = arith.constant 0 : i32
    %dma_wait3A_734 = arith.constant 0 : i32
    %dma_wait3A_735 = tpu.memref_slice %arg14[%dma_wait3A_722, %dma_wait3A_733, %dma_wait3A_734] : memref<2x64x384xi32, #tpu.memory_space<vmem>> -> memref<1x16x384xi32, #tpu.memory_space<vmem>>
    %dma_wait3A_736 = tpu.memref_squeeze %dma_wait3A_735 : memref<1x16x384xi32, #tpu.memory_space<vmem>> -> memref<16x384xi32, #tpu.memory_space<vmem>>
    tpu.wait_dma2 semaphore(%arg17 : memref<!tpu.dma_semaphore, #tpu.memory_space<semaphore_mem>>) src(%dma_wait3A_736 : memref<16x384xi32, #tpu.memory_space<vmem>>) dst(%dma_wait3A_732 : memref<16x384xi32, #tpu.memory_space<hbm>>)
    %dma_wait3A_737 = arith.constant 0 : i32
    %dma_wait3A_738 = arith.constant 0 : i32
    %dma_wait3A_739 = arith.constant 0 : i32
    %dma_wait3A_740 = tpu.memref_slice %arg14[%dma_wait3A_737, %dma_wait3A_738, %dma_wait3A_739] : memref<2x64x384xi32, #tpu.memory_space<vmem>> -> memref<1x16x384xi32, #tpu.memory_space<vmem>>
    %dma_wait3A_741 = tpu.memref_squeeze %dma_wait3A_740 : memref<1x16x384xi32, #tpu.memory_space<vmem>> -> memref<16x384xi32, #tpu.memory_space<vmem>>
    %dma_wait3A_742 = arith.constant 0 : i32
    %dma_wait3A_743 = arith.constant 0 : i32
    %dma_wait3A_744 = tpu.memref_slice %arg5[%dma_wait3A_742, %dma_wait3A_743] : memref<20800x384xi32, #tpu.memory_space<hbm>> -> memref<16x384xi32, #tpu.memory_space<hbm>>
    %dma_wait3A_745 = arith.constant 0 : i32
    %dma_wait3A_746 = arith.constant 0 : i32
    %dma_wait3A_747 = tpu.memref_slice %arg5[%dma_wait3A_745, %dma_wait3A_746] : memref<20800x384xi32, #tpu.memory_space<hbm>> -> memref<16x384xi32, #tpu.memory_space<hbm>>
    %dma_wait3A_748 = arith.constant 0 : i32
    %dma_wait3A_749 = arith.constant 0 : i32
    %dma_wait3A_750 = tpu.memref_slice %arg14[%dma_wait3A_737, %dma_wait3A_748, %dma_wait3A_749] : memref<2x64x384xi32, #tpu.memory_space<vmem>> -> memref<1x16x384xi32, #tpu.memory_space<vmem>>
    %dma_wait3A_751 = tpu.memref_squeeze %dma_wait3A_750 : memref<1x16x384xi32, #tpu.memory_space<vmem>> -> memref<16x384xi32, #tpu.memory_space<vmem>>
    tpu.wait_dma2 semaphore(%arg17 : memref<!tpu.dma_semaphore, #tpu.memory_space<semaphore_mem>>) src(%dma_wait3A_751 : memref<16x384xi32, #tpu.memory_space<vmem>>) dst(%dma_wait3A_747 : memref<16x384xi32, #tpu.memory_space<hbm>>)
    %dma_wait3A_752 = arith.constant 0 : i32
    %dma_wait3A_753 = arith.constant 0 : i32
    %dma_wait3A_754 = arith.constant 0 : i32
    %dma_wait3A_755 = tpu.memref_slice %arg14[%dma_wait3A_752, %dma_wait3A_753, %dma_wait3A_754] : memref<2x64x384xi32, #tpu.memory_space<vmem>> -> memref<1x16x384xi32, #tpu.memory_space<vmem>>
    %dma_wait3A_756 = tpu.memref_squeeze %dma_wait3A_755 : memref<1x16x384xi32, #tpu.memory_space<vmem>> -> memref<16x384xi32, #tpu.memory_space<vmem>>
    %dma_wait3A_757 = arith.constant 0 : i32
    %dma_wait3A_758 = arith.constant 0 : i32
    %dma_wait3A_759 = tpu.memref_slice %arg5[%dma_wait3A_757, %dma_wait3A_758] : memref<20800x384xi32, #tpu.memory_space<hbm>> -> memref<16x384xi32, #tpu.memory_space<hbm>>
    %dma_wait3A_760 = arith.constant 0 : i32
    %dma_wait3A_761 = arith.constant 0 : i32
    %dma_wait3A_762 = tpu.memref_slice %arg5[%dma_wait3A_760, %dma_wait3A_761] : memref<20800x384xi32, #tpu.memory_space<hbm>> -> memref<16x384xi32, #tpu.memory_space<hbm>>
    %dma_wait3A_763 = arith.constant 0 : i32
    %dma_wait3A_764 = arith.constant 0 : i32
    %dma_wait3A_765 = tpu.memref_slice %arg14[%dma_wait3A_752, %dma_wait3A_763, %dma_wait3A_764] : memref<2x64x384xi32, #tpu.memory_space<vmem>> -> memref<1x16x384xi32, #tpu.memory_space<vmem>>
    %dma_wait3A_766 = tpu.memref_squeeze %dma_wait3A_765 : memref<1x16x384xi32, #tpu.memory_space<vmem>> -> memref<16x384xi32, #tpu.memory_space<vmem>>
    tpu.wait_dma2 semaphore(%arg17 : memref<!tpu.dma_semaphore, #tpu.memory_space<semaphore_mem>>) src(%dma_wait3A_766 : memref<16x384xi32, #tpu.memory_space<vmem>>) dst(%dma_wait3A_762 : memref<16x384xi32, #tpu.memory_space<hbm>>)
    %dma_wait3A_767 = arith.constant 0 : i32
    %dma_wait3A_768 = arith.constant 0 : i32
    %dma_wait3A_769 = arith.constant 0 : i32
    %dma_wait3A_770 = tpu.memref_slice %arg14[%dma_wait3A_767, %dma_wait3A_768, %dma_wait3A_769] : memref<2x64x384xi32, #tpu.memory_space<vmem>> -> memref<1x16x384xi32, #tpu.memory_space<vmem>>
    %dma_wait3A_771 = tpu.memref_squeeze %dma_wait3A_770 : memref<1x16x384xi32, #tpu.memory_space<vmem>> -> memref<16x384xi32, #tpu.memory_space<vmem>>
    %dma_wait3A_772 = arith.constant 0 : i32
    %dma_wait3A_773 = arith.constant 0 : i32
    %dma_wait3A_774 = tpu.memref_slice %arg5[%dma_wait3A_772, %dma_wait3A_773] : memref<20800x384xi32, #tpu.memory_space<hbm>> -> memref<16x384xi32, #tpu.memory_space<hbm>>
    %dma_wait3A_775 = arith.constant 0 : i32
    %dma_wait3A_776 = arith.constant 0 : i32
    %dma_wait3A_777 = tpu.memref_slice %arg5[%dma_wait3A_775, %dma_wait3A_776] : memref<20800x384xi32, #tpu.memory_space<hbm>> -> memref<16x384xi32, #tpu.memory_space<hbm>>
    %dma_wait3A_778 = arith.constant 0 : i32
    %dma_wait3A_779 = arith.constant 0 : i32
    %dma_wait3A_780 = tpu.memref_slice %arg14[%dma_wait3A_767, %dma_wait3A_778, %dma_wait3A_779] : memref<2x64x384xi32, #tpu.memory_space<vmem>> -> memref<1x16x384xi32, #tpu.memory_space<vmem>>
    %dma_wait3A_781 = tpu.memref_squeeze %dma_wait3A_780 : memref<1x16x384xi32, #tpu.memory_space<vmem>> -> memref<16x384xi32, #tpu.memory_space<vmem>>
    tpu.wait_dma2 semaphore(%arg17 : memref<!tpu.dma_semaphore, #tpu.memory_space<semaphore_mem>>) src(%dma_wait3A_781 : memref<16x384xi32, #tpu.memory_space<vmem>>) dst(%dma_wait3A_777 : memref<16x384xi32, #tpu.memory_space<hbm>>)
    %dma_wait3A_782 = arith.constant 0 : i32
    %dma_wait3A_783 = arith.constant 0 : i32
    %dma_wait3A_784 = arith.constant 0 : i32
    %dma_wait3A_785 = tpu.memref_slice %arg14[%dma_wait3A_782, %dma_wait3A_783, %dma_wait3A_784] : memref<2x64x384xi32, #tpu.memory_space<vmem>> -> memref<1x16x384xi32, #tpu.memory_space<vmem>>
    %dma_wait3A_786 = tpu.memref_squeeze %dma_wait3A_785 : memref<1x16x384xi32, #tpu.memory_space<vmem>> -> memref<16x384xi32, #tpu.memory_space<vmem>>
    %dma_wait3A_787 = arith.constant 0 : i32
    %dma_wait3A_788 = arith.constant 0 : i32
    %dma_wait3A_789 = tpu.memref_slice %arg5[%dma_wait3A_787, %dma_wait3A_788] : memref<20800x384xi32, #tpu.memory_space<hbm>> -> memref<16x384xi32, #tpu.memory_space<hbm>>
    %dma_wait3A_790 = arith.constant 0 : i32
    %dma_wait3A_791 = arith.constant 0 : i32
    %dma_wait3A_792 = tpu.memref_slice %arg5[%dma_wait3A_790, %dma_wait3A_791] : memref<20800x384xi32, #tpu.memory_space<hbm>> -> memref<16x384xi32, #tpu.memory_space<hbm>>
    %dma_wait3A_793 = arith.constant 0 : i32
    %dma_wait3A_794 = arith.constant 0 : i32
    %dma_wait3A_795 = tpu.memref_slice %arg14[%dma_wait3A_782, %dma_wait3A_793, %dma_wait3A_794] : memref<2x64x384xi32, #tpu.memory_space<vmem>> -> memref<1x16x384xi32, #tpu.memory_space<vmem>>
    %dma_wait3A_796 = tpu.memref_squeeze %dma_wait3A_795 : memref<1x16x384xi32, #tpu.memory_space<vmem>> -> memref<16x384xi32, #tpu.memory_space<vmem>>
    tpu.wait_dma2 semaphore(%arg17 : memref<!tpu.dma_semaphore, #tpu.memory_space<semaphore_mem>>) src(%dma_wait3A_796 : memref<16x384xi32, #tpu.memory_space<vmem>>) dst(%dma_wait3A_792 : memref<16x384xi32, #tpu.memory_space<hbm>>)
    %dma_wait3A_797 = arith.constant 0 : i32
    %dma_wait3A_798 = arith.constant 0 : i32
    %dma_wait3A_799 = arith.constant 0 : i32
    %dma_wait3A_800 = tpu.memref_slice %arg14[%dma_wait3A_797, %dma_wait3A_798, %dma_wait3A_799] : memref<2x64x384xi32, #tpu.memory_space<vmem>> -> memref<1x16x384xi32, #tpu.memory_space<vmem>>
    %dma_wait3A_801 = tpu.memref_squeeze %dma_wait3A_800 : memref<1x16x384xi32, #tpu.memory_space<vmem>> -> memref<16x384xi32, #tpu.memory_space<vmem>>
    %dma_wait3A_802 = arith.constant 0 : i32
    %dma_wait3A_803 = arith.constant 0 : i32
    %dma_wait3A_804 = tpu.memref_slice %arg5[%dma_wait3A_802, %dma_wait3A_803] : memref<20800x384xi32, #tpu.memory_space<hbm>> -> memref<16x384xi32, #tpu.memory_space<hbm>>
    %dma_wait3A_805 = arith.constant 0 : i32
    %dma_wait3A_806 = arith.constant 0 : i32
    %dma_wait3A_807 = tpu.memref_slice %arg5[%dma_wait3A_805, %dma_wait3A_806] : memref<20800x384xi32, #tpu.memory_space<hbm>> -> memref<16x384xi32, #tpu.memory_space<hbm>>
    %dma_wait3A_808 = arith.constant 0 : i32
    %dma_wait3A_809 = arith.constant 0 : i32
    %dma_wait3A_810 = tpu.memref_slice %arg14[%dma_wait3A_797, %dma_wait3A_808, %dma_wait3A_809] : memref<2x64x384xi32, #tpu.memory_space<vmem>> -> memref<1x16x384xi32, #tpu.memory_space<vmem>>
    %dma_wait3A_811 = tpu.memref_squeeze %dma_wait3A_810 : memref<1x16x384xi32, #tpu.memory_space<vmem>> -> memref<16x384xi32, #tpu.memory_space<vmem>>
    tpu.wait_dma2 semaphore(%arg17 : memref<!tpu.dma_semaphore, #tpu.memory_space<semaphore_mem>>) src(%dma_wait3A_811 : memref<16x384xi32, #tpu.memory_space<vmem>>) dst(%dma_wait3A_807 : memref<16x384xi32, #tpu.memory_space<hbm>>)
    %dma_wait3A_812 = arith.constant 0 : i32
    %dma_wait3A_813 = arith.constant 0 : i32
    %dma_wait3A_814 = arith.constant 0 : i32
    %dma_wait3A_815 = tpu.memref_slice %arg14[%dma_wait3A_812, %dma_wait3A_813, %dma_wait3A_814] : memref<2x64x384xi32, #tpu.memory_space<vmem>> -> memref<1x16x384xi32, #tpu.memory_space<vmem>>
    %dma_wait3A_816 = tpu.memref_squeeze %dma_wait3A_815 : memref<1x16x384xi32, #tpu.memory_space<vmem>> -> memref<16x384xi32, #tpu.memory_space<vmem>>
    %dma_wait3A_817 = arith.constant 0 : i32
    %dma_wait3A_818 = arith.constant 0 : i32
    %dma_wait3A_819 = tpu.memref_slice %arg5[%dma_wait3A_817, %dma_wait3A_818] : memref<20800x384xi32, #tpu.memory_space<hbm>> -> memref<16x384xi32, #tpu.memory_space<hbm>>
    %dma_wait3A_820 = arith.constant 0 : i32
    %dma_wait3A_821 = arith.constant 0 : i32
    %dma_wait3A_822 = tpu.memref_slice %arg5[%dma_wait3A_820, %dma_wait3A_821] : memref<20800x384xi32, #tpu.memory_space<hbm>> -> memref<16x384xi32, #tpu.memory_space<hbm>>
    %dma_wait3A_823 = arith.constant 0 : i32
    %dma_wait3A_824 = arith.constant 0 : i32
    %dma_wait3A_825 = tpu.memref_slice %arg14[%dma_wait3A_812, %dma_wait3A_823, %dma_wait3A_824] : memref<2x64x384xi32, #tpu.memory_space<vmem>> -> memref<1x16x384xi32, #tpu.memory_space<vmem>>
    %dma_wait3A_826 = tpu.memref_squeeze %dma_wait3A_825 : memref<1x16x384xi32, #tpu.memory_space<vmem>> -> memref<16x384xi32, #tpu.memory_space<vmem>>
    tpu.wait_dma2 semaphore(%arg17 : memref<!tpu.dma_semaphore, #tpu.memory_space<semaphore_mem>>) src(%dma_wait3A_826 : memref<16x384xi32, #tpu.memory_space<vmem>>) dst(%dma_wait3A_822 : memref<16x384xi32, #tpu.memory_space<hbm>>)
    %dma_wait3A_827 = arith.constant 0 : i32
    %dma_wait3A_828 = arith.constant 0 : i32
    %dma_wait3A_829 = arith.constant 0 : i32
    %dma_wait3A_830 = tpu.memref_slice %arg14[%dma_wait3A_827, %dma_wait3A_828, %dma_wait3A_829] : memref<2x64x384xi32, #tpu.memory_space<vmem>> -> memref<1x16x384xi32, #tpu.memory_space<vmem>>
    %dma_wait3A_831 = tpu.memref_squeeze %dma_wait3A_830 : memref<1x16x384xi32, #tpu.memory_space<vmem>> -> memref<16x384xi32, #tpu.memory_space<vmem>>
    %dma_wait3A_832 = arith.constant 0 : i32
    %dma_wait3A_833 = arith.constant 0 : i32
    %dma_wait3A_834 = tpu.memref_slice %arg5[%dma_wait3A_832, %dma_wait3A_833] : memref<20800x384xi32, #tpu.memory_space<hbm>> -> memref<16x384xi32, #tpu.memory_space<hbm>>
    %dma_wait3A_835 = arith.constant 0 : i32
    %dma_wait3A_836 = arith.constant 0 : i32
    %dma_wait3A_837 = tpu.memref_slice %arg5[%dma_wait3A_835, %dma_wait3A_836] : memref<20800x384xi32, #tpu.memory_space<hbm>> -> memref<16x384xi32, #tpu.memory_space<hbm>>
    %dma_wait3A_838 = arith.constant 0 : i32
    %dma_wait3A_839 = arith.constant 0 : i32
    %dma_wait3A_840 = tpu.memref_slice %arg14[%dma_wait3A_827, %dma_wait3A_838, %dma_wait3A_839] : memref<2x64x384xi32, #tpu.memory_space<vmem>> -> memref<1x16x384xi32, #tpu.memory_space<vmem>>
    %dma_wait3A_841 = tpu.memref_squeeze %dma_wait3A_840 : memref<1x16x384xi32, #tpu.memory_space<vmem>> -> memref<16x384xi32, #tpu.memory_space<vmem>>
    tpu.wait_dma2 semaphore(%arg17 : memref<!tpu.dma_semaphore, #tpu.memory_space<semaphore_mem>>) src(%dma_wait3A_841 : memref<16x384xi32, #tpu.memory_space<vmem>>) dst(%dma_wait3A_837 : memref<16x384xi32, #tpu.memory_space<hbm>>)
    %add3A_842 = arith.constant 192 : i32
    %add3A_843 = arith.addi %mul3A_4, %add3A_842 : i32
    %dma_start3A_844 = arith.constant 1 : i32
    %dma_start3A_845 = arith.constant 0 : i32
    %dma_start3A_846 = arith.constant 0 : i32
    %dma_start3A_847 = tpu.memref_slice %arg14[%dma_start3A_844, %dma_start3A_845, %dma_start3A_846] : memref<2x64x384xi32, #tpu.memory_space<vmem>> -> memref<1x64x384xi32, #tpu.memory_space<vmem>>
    %dma_start3A_848 = tpu.memref_squeeze %dma_start3A_847 : memref<1x64x384xi32, #tpu.memory_space<vmem>> -> memref<64x384xi32, #tpu.memory_space<vmem>>
    %dma_start3A_849 = arith.constant 0 : i32
    %dma_start3A_850 = tpu.memref_slice %arg4[%add3A_843, %dma_start3A_849] : memref<8192x384xi32, #tpu.memory_space<hbm>> -> memref<64x384xi32, #tpu.memory_space<hbm>>
    %dma_start3A_851 = arith.constant 0 : i32
    %dma_start3A_852 = arith.constant 0 : i32
    %dma_start3A_853 = tpu.memref_slice %arg14[%dma_start3A_844, %dma_start3A_851, %dma_start3A_852] : memref<2x64x384xi32, #tpu.memory_space<vmem>> -> memref<1x64x384xi32, #tpu.memory_space<vmem>>
    %dma_start3A_854 = tpu.memref_squeeze %dma_start3A_853 : memref<1x64x384xi32, #tpu.memory_space<vmem>> -> memref<64x384xi32, #tpu.memory_space<vmem>>
    %dma_start3A_855 = arith.constant 0 : i32
    %dma_start3A_856 = tpu.memref_slice %arg4[%add3A_843, %dma_start3A_855] : memref<8192x384xi32, #tpu.memory_space<hbm>> -> memref<64x384xi32, #tpu.memory_space<hbm>>
    tpu.enqueue_dma source(%dma_start3A_856 : memref<64x384xi32, #tpu.memory_space<hbm>>) target(%dma_start3A_854 : memref<64x384xi32, #tpu.memory_space<vmem>>) target_semaphore(%arg16 : memref<!tpu.dma_semaphore, #tpu.memory_space<semaphore_mem>>)
    %dma_wait3A_857 = arith.constant 0 : i32
    %dma_wait3A_858 = arith.constant 0 : i32
    %dma_wait3A_859 = arith.constant 0 : i32
    %dma_wait3A_860 = tpu.memref_slice %arg14[%dma_wait3A_857, %dma_wait3A_858, %dma_wait3A_859] : memref<2x64x384xi32, #tpu.memory_space<vmem>> -> memref<1x64x384xi32, #tpu.memory_space<vmem>>
    %dma_wait3A_861 = tpu.memref_squeeze %dma_wait3A_860 : memref<1x64x384xi32, #tpu.memory_space<vmem>> -> memref<64x384xi32, #tpu.memory_space<vmem>>
    %dma_wait3A_862 = arith.constant 0 : i32
    %dma_wait3A_863 = arith.constant 0 : i32
    %dma_wait3A_864 = tpu.memref_slice %arg4[%dma_wait3A_862, %dma_wait3A_863] : memref<8192x384xi32, #tpu.memory_space<hbm>> -> memref<64x384xi32, #tpu.memory_space<hbm>>
    %dma_wait3A_865 = arith.constant 0 : i32
    %dma_wait3A_866 = arith.constant 0 : i32
    %dma_wait3A_867 = tpu.memref_slice %arg14[%dma_wait3A_857, %dma_wait3A_865, %dma_wait3A_866] : memref<2x64x384xi32, #tpu.memory_space<vmem>> -> memref<1x64x384xi32, #tpu.memory_space<vmem>>
    %dma_wait3A_868 = tpu.memref_squeeze %dma_wait3A_867 : memref<1x64x384xi32, #tpu.memory_space<vmem>> -> memref<64x384xi32, #tpu.memory_space<vmem>>
    %dma_wait3A_869 = arith.constant 0 : i32
    %dma_wait3A_870 = arith.constant 0 : i32
    %dma_wait3A_871 = tpu.memref_slice %arg4[%dma_wait3A_869, %dma_wait3A_870] : memref<8192x384xi32, #tpu.memory_space<hbm>> -> memref<64x384xi32, #tpu.memory_space<hbm>>
    tpu.wait_dma2 semaphore(%arg16 : memref<!tpu.dma_semaphore, #tpu.memory_space<semaphore_mem>>) src(%dma_wait3A_871 : memref<64x384xi32, #tpu.memory_space<hbm>>) dst(%dma_wait3A_868 : memref<64x384xi32, #tpu.memory_space<vmem>>)
    %get3A_872 = arith.constant 256 : index
    %get3A_873 = tpu.vector_load %arg11[%get3A_872] {strides = array<i32>} : memref<512xi32, #tpu.memory_space<vmem>>, vector<16xi32>,
    %get3A_874 = arith.constant 272 : index
    %get3A_875 = tpu.vector_load %arg11[%get3A_874] {strides = array<i32>} : memref<512xi32, #tpu.memory_space<vmem>>, vector<16xi32>,
    %dma_start3A_876 = arith.constant 0 : i32
    %dma_start3A_877 = arith.constant 0 : i32
    %dma_start3A_878 = arith.constant 0 : i32
    %dma_start3A_879 = tpu.memref_slice %arg14[%dma_start3A_876, %dma_start3A_877, %dma_start3A_878] : memref<2x64x384xi32, #tpu.memory_space<vmem>> -> memref<1x16x384xi32, #tpu.memory_space<vmem>>
    %dma_start3A_880 = tpu.memref_squeeze %dma_start3A_879 : memref<1x16x384xi32, #tpu.memory_space<vmem>> -> memref<16x384xi32, #tpu.memory_space<vmem>>
    %dma_start3A_881 = arith.constant 0 : i32
    %dma_start3A_882 = arith.constant 0 : i32
    %dma_start3A_883 = tpu.memref_slice %arg5[%dma_start3A_881, %dma_start3A_882] : memref<20800x384xi32, #tpu.memory_space<hbm>> -> memref<20800x384xi32, #tpu.memory_space<hbm>>
    tpu.enqueue_indirect_dma source(%dma_start3A_880 : memref<16x384xi32, #tpu.memory_space<vmem>>) target(%dma_start3A_883 : memref<20800x384xi32, #tpu.memory_space<hbm>>) offsets(%get3A_873 : vector<16xi32>) semaphore(%arg17 : memref<!tpu.dma_semaphore, #tpu.memory_space<semaphore_mem>>)
    %dma_start3A_884 = arith.constant 0 : i32
    %dma_start3A_885 = arith.constant 0 : i32
    %dma_start3A_886 = arith.constant 0 : i32
    %dma_start3A_887 = tpu.memref_slice %arg14[%dma_start3A_884, %dma_start3A_885, %dma_start3A_886] : memref<2x64x384xi32, #tpu.memory_space<vmem>> -> memref<1x16x384xi32, #tpu.memory_space<vmem>>
    %dma_start3A_888 = tpu.memref_squeeze %dma_start3A_887 : memref<1x16x384xi32, #tpu.memory_space<vmem>> -> memref<16x384xi32, #tpu.memory_space<vmem>>
    %dma_start3A_889 = arith.constant 0 : i32
    %dma_start3A_890 = arith.constant 0 : i32
    %dma_start3A_891 = tpu.memref_slice %arg5[%dma_start3A_889, %dma_start3A_890] : memref<20800x384xi32, #tpu.memory_space<hbm>> -> memref<20800x384xi32, #tpu.memory_space<hbm>>
    tpu.enqueue_indirect_dma source(%dma_start3A_888 : memref<16x384xi32, #tpu.memory_space<vmem>>) target(%dma_start3A_891 : memref<20800x384xi32, #tpu.memory_space<hbm>>) offsets(%get3A_875 : vector<16xi32>) semaphore(%arg17 : memref<!tpu.dma_semaphore, #tpu.memory_space<semaphore_mem>>)
    %get3A_892 = arith.constant 288 : index
    %get3A_893 = tpu.vector_load %arg11[%get3A_892] {strides = array<i32>} : memref<512xi32, #tpu.memory_space<vmem>>, vector<16xi32>,
    %get3A_894 = arith.constant 304 : index
    %get3A_895 = tpu.vector_load %arg11[%get3A_894] {strides = array<i32>} : memref<512xi32, #tpu.memory_space<vmem>>, vector<16xi32>,
    %dma_start3A_896 = arith.constant 0 : i32
    %dma_start3A_897 = arith.constant 16 : i32
    %dma_start3A_898 = arith.constant 0 : i32
    %dma_start3A_899 = tpu.memref_slice %arg14[%dma_start3A_896, %dma_start3A_897, %dma_start3A_898] : memref<2x64x384xi32, #tpu.memory_space<vmem>> -> memref<1x16x384xi32, #tpu.memory_space<vmem>>
    %dma_start3A_900 = tpu.memref_squeeze %dma_start3A_899 : memref<1x16x384xi32, #tpu.memory_space<vmem>> -> memref<16x384xi32, #tpu.memory_space<vmem>>
    %dma_start3A_901 = arith.constant 0 : i32
    %dma_start3A_902 = arith.constant 0 : i32
    %dma_start3A_903 = tpu.memref_slice %arg5[%dma_start3A_901, %dma_start3A_902] : memref<20800x384xi32, #tpu.memory_space<hbm>> -> memref<20800x384xi32, #tpu.memory_space<hbm>>
    tpu.enqueue_indirect_dma source(%dma_start3A_900 : memref<16x384xi32, #tpu.memory_space<vmem>>) target(%dma_start3A_903 : memref<20800x384xi32, #tpu.memory_space<hbm>>) offsets(%get3A_893 : vector<16xi32>) semaphore(%arg17 : memref<!tpu.dma_semaphore, #tpu.memory_space<semaphore_mem>>)
    %dma_start3A_904 = arith.constant 0 : i32
    %dma_start3A_905 = arith.constant 16 : i32
    %dma_start3A_906 = arith.constant 0 : i32
    %dma_start3A_907 = tpu.memref_slice %arg14[%dma_start3A_904, %dma_start3A_905, %dma_start3A_906] : memref<2x64x384xi32, #tpu.memory_space<vmem>> -> memref<1x16x384xi32, #tpu.memory_space<vmem>>
    %dma_start3A_908 = tpu.memref_squeeze %dma_start3A_907 : memref<1x16x384xi32, #tpu.memory_space<vmem>> -> memref<16x384xi32, #tpu.memory_space<vmem>>
    %dma_start3A_909 = arith.constant 0 : i32
    %dma_start3A_910 = arith.constant 0 : i32
    %dma_start3A_911 = tpu.memref_slice %arg5[%dma_start3A_909, %dma_start3A_910] : memref<20800x384xi32, #tpu.memory_space<hbm>> -> memref<20800x384xi32, #tpu.memory_space<hbm>>
    tpu.enqueue_indirect_dma source(%dma_start3A_908 : memref<16x384xi32, #tpu.memory_space<vmem>>) target(%dma_start3A_911 : memref<20800x384xi32, #tpu.memory_space<hbm>>) offsets(%get3A_895 : vector<16xi32>) semaphore(%arg17 : memref<!tpu.dma_semaphore, #tpu.memory_space<semaphore_mem>>)
    %get3A_912 = arith.constant 320 : index
    %get3A_913 = tpu.vector_load %arg11[%get3A_912] {strides = array<i32>} : memref<512xi32, #tpu.memory_space<vmem>>, vector<16xi32>,
    %get3A_914 = arith.constant 336 : index
    %get3A_915 = tpu.vector_load %arg11[%get3A_914] {strides = array<i32>} : memref<512xi32, #tpu.memory_space<vmem>>, vector<16xi32>,
    %dma_start3A_916 = arith.constant 0 : i32
    %dma_start3A_917 = arith.constant 32 : i32
    %dma_start3A_918 = arith.constant 0 : i32
    %dma_start3A_919 = tpu.memref_slice %arg14[%dma_start3A_916, %dma_start3A_917, %dma_start3A_918] : memref<2x64x384xi32, #tpu.memory_space<vmem>> -> memref<1x16x384xi32, #tpu.memory_space<vmem>>
    %dma_start3A_920 = tpu.memref_squeeze %dma_start3A_919 : memref<1x16x384xi32, #tpu.memory_space<vmem>> -> memref<16x384xi32, #tpu.memory_space<vmem>>
    %dma_start3A_921 = arith.constant 0 : i32
    %dma_start3A_922 = arith.constant 0 : i32
    %dma_start3A_923 = tpu.memref_slice %arg5[%dma_start3A_921, %dma_start3A_922] : memref<20800x384xi32, #tpu.memory_space<hbm>> -> memref<20800x384xi32, #tpu.memory_space<hbm>>
    tpu.enqueue_indirect_dma source(%dma_start3A_920 : memref<16x384xi32, #tpu.memory_space<vmem>>) target(%dma_start3A_923 : memref<20800x384xi32, #tpu.memory_space<hbm>>) offsets(%get3A_913 : vector<16xi32>) semaphore(%arg17 : memref<!tpu.dma_semaphore, #tpu.memory_space<semaphore_mem>>)
    %dma_start3A_924 = arith.constant 0 : i32
    %dma_start3A_925 = arith.constant 32 : i32
    %dma_start3A_926 = arith.constant 0 : i32
    %dma_start3A_927 = tpu.memref_slice %arg14[%dma_start3A_924, %dma_start3A_925, %dma_start3A_926] : memref<2x64x384xi32, #tpu.memory_space<vmem>> -> memref<1x16x384xi32, #tpu.memory_space<vmem>>
    %dma_start3A_928 = tpu.memref_squeeze %dma_start3A_927 : memref<1x16x384xi32, #tpu.memory_space<vmem>> -> memref<16x384xi32, #tpu.memory_space<vmem>>
    %dma_start3A_929 = arith.constant 0 : i32
    %dma_start3A_930 = arith.constant 0 : i32
    %dma_start3A_931 = tpu.memref_slice %arg5[%dma_start3A_929, %dma_start3A_930] : memref<20800x384xi32, #tpu.memory_space<hbm>> -> memref<20800x384xi32, #tpu.memory_space<hbm>>
    tpu.enqueue_indirect_dma source(%dma_start3A_928 : memref<16x384xi32, #tpu.memory_space<vmem>>) target(%dma_start3A_931 : memref<20800x384xi32, #tpu.memory_space<hbm>>) offsets(%get3A_915 : vector<16xi32>) semaphore(%arg17 : memref<!tpu.dma_semaphore, #tpu.memory_space<semaphore_mem>>)
    %get3A_932 = arith.constant 352 : index
    %get3A_933 = tpu.vector_load %arg11[%get3A_932] {strides = array<i32>} : memref<512xi32, #tpu.memory_space<vmem>>, vector<16xi32>,
    %get3A_934 = arith.constant 368 : index
    %get3A_935 = tpu.vector_load %arg11[%get3A_934] {strides = array<i32>} : memref<512xi32, #tpu.memory_space<vmem>>, vector<16xi32>,
    %dma_start3A_936 = arith.constant 0 : i32
    %dma_start3A_937 = arith.constant 48 : i32
    %dma_start3A_938 = arith.constant 0 : i32
    %dma_start3A_939 = tpu.memref_slice %arg14[%dma_start3A_936, %dma_start3A_937, %dma_start3A_938] : memref<2x64x384xi32, #tpu.memory_space<vmem>> -> memref<1x16x384xi32, #tpu.memory_space<vmem>>
    %dma_start3A_940 = tpu.memref_squeeze %dma_start3A_939 : memref<1x16x384xi32, #tpu.memory_space<vmem>> -> memref<16x384xi32, #tpu.memory_space<vmem>>
    %dma_start3A_941 = arith.constant 0 : i32
    %dma_start3A_942 = arith.constant 0 : i32
    %dma_start3A_943 = tpu.memref_slice %arg5[%dma_start3A_941, %dma_start3A_942] : memref<20800x384xi32, #tpu.memory_space<hbm>> -> memref<20800x384xi32, #tpu.memory_space<hbm>>
    tpu.enqueue_indirect_dma source(%dma_start3A_940 : memref<16x384xi32, #tpu.memory_space<vmem>>) target(%dma_start3A_943 : memref<20800x384xi32, #tpu.memory_space<hbm>>) offsets(%get3A_933 : vector<16xi32>) semaphore(%arg17 : memref<!tpu.dma_semaphore, #tpu.memory_space<semaphore_mem>>)
    %dma_start3A_944 = arith.constant 0 : i32
    %dma_start3A_945 = arith.constant 48 : i32
    %dma_start3A_946 = arith.constant 0 : i32
    %dma_start3A_947 = tpu.memref_slice %arg14[%dma_start3A_944, %dma_start3A_945, %dma_start3A_946] : memref<2x64x384xi32, #tpu.memory_space<vmem>> -> memref<1x16x384xi32, #tpu.memory_space<vmem>>
    %dma_start3A_948 = tpu.memref_squeeze %dma_start3A_947 : memref<1x16x384xi32, #tpu.memory_space<vmem>> -> memref<16x384xi32, #tpu.memory_space<vmem>>
    %dma_start3A_949 = arith.constant 0 : i32
    %dma_start3A_950 = arith.constant 0 : i32
    %dma_start3A_951 = tpu.memref_slice %arg5[%dma_start3A_949, %dma_start3A_950] : memref<20800x384xi32, #tpu.memory_space<hbm>> -> memref<20800x384xi32, #tpu.memory_space<hbm>>
    tpu.enqueue_indirect_dma source(%dma_start3A_948 : memref<16x384xi32, #tpu.memory_space<vmem>>) target(%dma_start3A_951 : memref<20800x384xi32, #tpu.memory_space<hbm>>) offsets(%get3A_935 : vector<16xi32>) semaphore(%arg17 : memref<!tpu.dma_semaphore, #tpu.memory_space<semaphore_mem>>)
    %dma_wait3A_952 = arith.constant 1 : i32
    %dma_wait3A_953 = arith.constant 0 : i32
    %dma_wait3A_954 = arith.constant 0 : i32
    %dma_wait3A_955 = tpu.memref_slice %arg14[%dma_wait3A_952, %dma_wait3A_953, %dma_wait3A_954] : memref<2x64x384xi32, #tpu.memory_space<vmem>> -> memref<1x64x384xi32, #tpu.memory_space<vmem>>
    %dma_wait3A_956 = tpu.memref_squeeze %dma_wait3A_955 : memref<1x64x384xi32, #tpu.memory_space<vmem>> -> memref<64x384xi32, #tpu.memory_space<vmem>>
    %dma_wait3A_957 = arith.constant 0 : i32
    %dma_wait3A_958 = arith.constant 0 : i32
    %dma_wait3A_959 = tpu.memref_slice %arg4[%dma_wait3A_957, %dma_wait3A_958] : memref<8192x384xi32, #tpu.memory_space<hbm>> -> memref<64x384xi32, #tpu.memory_space<hbm>>
    %dma_wait3A_960 = arith.constant 0 : i32
    %dma_wait3A_961 = arith.constant 0 : i32
    %dma_wait3A_962 = tpu.memref_slice %arg14[%dma_wait3A_952, %dma_wait3A_960, %dma_wait3A_961] : memref<2x64x384xi32, #tpu.memory_space<vmem>> -> memref<1x64x384xi32, #tpu.memory_space<vmem>>
    %dma_wait3A_963 = tpu.memref_squeeze %dma_wait3A_962 : memref<1x64x384xi32, #tpu.memory_space<vmem>> -> memref<64x384xi32, #tpu.memory_space<vmem>>
    %dma_wait3A_964 = arith.constant 0 : i32
    %dma_wait3A_965 = arith.constant 0 : i32
    %dma_wait3A_966 = tpu.memref_slice %arg4[%dma_wait3A_964, %dma_wait3A_965] : memref<8192x384xi32, #tpu.memory_space<hbm>> -> memref<64x384xi32, #tpu.memory_space<hbm>>
    tpu.wait_dma2 semaphore(%arg16 : memref<!tpu.dma_semaphore, #tpu.memory_space<semaphore_mem>>) src(%dma_wait3A_966 : memref<64x384xi32, #tpu.memory_space<hbm>>) dst(%dma_wait3A_963 : memref<64x384xi32, #tpu.memory_space<vmem>>)
    %get3A_967 = arith.constant 384 : index
    %get3A_968 = tpu.vector_load %arg11[%get3A_967] {strides = array<i32>} : memref<512xi32, #tpu.memory_space<vmem>>, vector<16xi32>,
    %get3A_969 = arith.constant 400 : index
    %get3A_970 = tpu.vector_load %arg11[%get3A_969] {strides = array<i32>} : memref<512xi32, #tpu.memory_space<vmem>>, vector<16xi32>,
    %dma_start3A_971 = arith.constant 1 : i32
    %dma_start3A_972 = arith.constant 0 : i32
    %dma_start3A_973 = arith.constant 0 : i32
    %dma_start3A_974 = tpu.memref_slice %arg14[%dma_start3A_971, %dma_start3A_972, %dma_start3A_973] : memref<2x64x384xi32, #tpu.memory_space<vmem>> -> memref<1x16x384xi32, #tpu.memory_space<vmem>>
    %dma_start3A_975 = tpu.memref_squeeze %dma_start3A_974 : memref<1x16x384xi32, #tpu.memory_space<vmem>> -> memref<16x384xi32, #tpu.memory_space<vmem>>
    %dma_start3A_976 = arith.constant 0 : i32
    %dma_start3A_977 = arith.constant 0 : i32
    %dma_start3A_978 = tpu.memref_slice %arg5[%dma_start3A_976, %dma_start3A_977] : memref<20800x384xi32, #tpu.memory_space<hbm>> -> memref<20800x384xi32, #tpu.memory_space<hbm>>
    tpu.enqueue_indirect_dma source(%dma_start3A_975 : memref<16x384xi32, #tpu.memory_space<vmem>>) target(%dma_start3A_978 : memref<20800x384xi32, #tpu.memory_space<hbm>>) offsets(%get3A_968 : vector<16xi32>) semaphore(%arg17 : memref<!tpu.dma_semaphore, #tpu.memory_space<semaphore_mem>>)
    %dma_start3A_979 = arith.constant 1 : i32
    %dma_start3A_980 = arith.constant 0 : i32
    %dma_start3A_981 = arith.constant 0 : i32
    %dma_start3A_982 = tpu.memref_slice %arg14[%dma_start3A_979, %dma_start3A_980, %dma_start3A_981] : memref<2x64x384xi32, #tpu.memory_space<vmem>> -> memref<1x16x384xi32, #tpu.memory_space<vmem>>
    %dma_start3A_983 = tpu.memref_squeeze %dma_start3A_982 : memref<1x16x384xi32, #tpu.memory_space<vmem>> -> memref<16x384xi32, #tpu.memory_space<vmem>>
    %dma_start3A_984 = arith.constant 0 : i32
    %dma_start3A_985 = arith.constant 0 : i32
    %dma_start3A_986 = tpu.memref_slice %arg5[%dma_start3A_984, %dma_start3A_985] : memref<20800x384xi32, #tpu.memory_space<hbm>> -> memref<20800x384xi32, #tpu.memory_space<hbm>>
    tpu.enqueue_indirect_dma source(%dma_start3A_983 : memref<16x384xi32, #tpu.memory_space<vmem>>) target(%dma_start3A_986 : memref<20800x384xi32, #tpu.memory_space<hbm>>) offsets(%get3A_970 : vector<16xi32>) semaphore(%arg17 : memref<!tpu.dma_semaphore, #tpu.memory_space<semaphore_mem>>)
    %get3A_987 = arith.constant 416 : index
    %get3A_988 = tpu.vector_load %arg11[%get3A_987] {strides = array<i32>} : memref<512xi32, #tpu.memory_space<vmem>>, vector<16xi32>,
    %get3A_989 = arith.constant 432 : index
    %get3A_990 = tpu.vector_load %arg11[%get3A_989] {strides = array<i32>} : memref<512xi32, #tpu.memory_space<vmem>>, vector<16xi32>,
    %dma_start3A_991 = arith.constant 1 : i32
    %dma_start3A_992 = arith.constant 16 : i32
    %dma_start3A_993 = arith.constant 0 : i32
    %dma_start3A_994 = tpu.memref_slice %arg14[%dma_start3A_991, %dma_start3A_992, %dma_start3A_993] : memref<2x64x384xi32, #tpu.memory_space<vmem>> -> memref<1x16x384xi32, #tpu.memory_space<vmem>>
    %dma_start3A_995 = tpu.memref_squeeze %dma_start3A_994 : memref<1x16x384xi32, #tpu.memory_space<vmem>> -> memref<16x384xi32, #tpu.memory_space<vmem>>
    %dma_start3A_996 = arith.constant 0 : i32
    %dma_start3A_997 = arith.constant 0 : i32
    %dma_start3A_998 = tpu.memref_slice %arg5[%dma_start3A_996, %dma_start3A_997] : memref<20800x384xi32, #tpu.memory_space<hbm>> -> memref<20800x384xi32, #tpu.memory_space<hbm>>
    tpu.enqueue_indirect_dma source(%dma_start3A_995 : memref<16x384xi32, #tpu.memory_space<vmem>>) target(%dma_start3A_998 : memref<20800x384xi32, #tpu.memory_space<hbm>>) offsets(%get3A_988 : vector<16xi32>) semaphore(%arg17 : memref<!tpu.dma_semaphore, #tpu.memory_space<semaphore_mem>>)
    %dma_start3A_999 = arith.constant 1 : i32
    %dma_start3A_1000 = arith.constant 16 : i32
    %dma_start3A_1001 = arith.constant 0 : i32
    %dma_start3A_1002 = tpu.memref_slice %arg14[%dma_start3A_999, %dma_start3A_1000, %dma_start3A_1001] : memref<2x64x384xi32, #tpu.memory_space<vmem>> -> memref<1x16x384xi32, #tpu.memory_space<vmem>>
    %dma_start3A_1003 = tpu.memref_squeeze %dma_start3A_1002 : memref<1x16x384xi32, #tpu.memory_space<vmem>> -> memref<16x384xi32, #tpu.memory_space<vmem>>
    %dma_start3A_1004 = arith.constant 0 : i32
    %dma_start3A_1005 = arith.constant 0 : i32
    %dma_start3A_1006 = tpu.memref_slice %arg5[%dma_start3A_1004, %dma_start3A_1005] : memref<20800x384xi32, #tpu.memory_space<hbm>> -> memref<20800x384xi32, #tpu.memory_space<hbm>>
    tpu.enqueue_indirect_dma source(%dma_start3A_1003 : memref<16x384xi32, #tpu.memory_space<vmem>>) target(%dma_start3A_1006 : memref<20800x384xi32, #tpu.memory_space<hbm>>) offsets(%get3A_990 : vector<16xi32>) semaphore(%arg17 : memref<!tpu.dma_semaphore, #tpu.memory_space<semaphore_mem>>)
    %get3A_1007 = arith.constant 448 : index
    %get3A_1008 = tpu.vector_load %arg11[%get3A_1007] {strides = array<i32>} : memref<512xi32, #tpu.memory_space<vmem>>, vector<16xi32>,
    %get3A_1009 = arith.constant 464 : index
    %get3A_1010 = tpu.vector_load %arg11[%get3A_1009] {strides = array<i32>} : memref<512xi32, #tpu.memory_space<vmem>>, vector<16xi32>,
    %dma_start3A_1011 = arith.constant 1 : i32
    %dma_start3A_1012 = arith.constant 32 : i32
    %dma_start3A_1013 = arith.constant 0 : i32
    %dma_start3A_1014 = tpu.memref_slice %arg14[%dma_start3A_1011, %dma_start3A_1012, %dma_start3A_1013] : memref<2x64x384xi32, #tpu.memory_space<vmem>> -> memref<1x16x384xi32, #tpu.memory_space<vmem>>
    %dma_start3A_1015 = tpu.memref_squeeze %dma_start3A_1014 : memref<1x16x384xi32, #tpu.memory_space<vmem>> -> memref<16x384xi32, #tpu.memory_space<vmem>>
    %dma_start3A_1016 = arith.constant 0 : i32
    %dma_start3A_1017 = arith.constant 0 : i32
    %dma_start3A_1018 = tpu.memref_slice %arg5[%dma_start3A_1016, %dma_start3A_1017] : memref<20800x384xi32, #tpu.memory_space<hbm>> -> memref<20800x384xi32, #tpu.memory_space<hbm>>
    tpu.enqueue_indirect_dma source(%dma_start3A_1015 : memref<16x384xi32, #tpu.memory_space<vmem>>) target(%dma_start3A_1018 : memref<20800x384xi32, #tpu.memory_space<hbm>>) offsets(%get3A_1008 : vector<16xi32>) semaphore(%arg17 : memref<!tpu.dma_semaphore, #tpu.memory_space<semaphore_mem>>)
    %dma_start3A_1019 = arith.constant 1 : i32
    %dma_start3A_1020 = arith.constant 32 : i32
    %dma_start3A_1021 = arith.constant 0 : i32
    %dma_start3A_1022 = tpu.memref_slice %arg14[%dma_start3A_1019, %dma_start3A_1020, %dma_start3A_1021] : memref<2x64x384xi32, #tpu.memory_space<vmem>> -> memref<1x16x384xi32, #tpu.memory_space<vmem>>
    %dma_start3A_1023 = tpu.memref_squeeze %dma_start3A_1022 : memref<1x16x384xi32, #tpu.memory_space<vmem>> -> memref<16x384xi32, #tpu.memory_space<vmem>>
    %dma_start3A_1024 = arith.constant 0 : i32
    %dma_start3A_1025 = arith.constant 0 : i32
    %dma_start3A_1026 = tpu.memref_slice %arg5[%dma_start3A_1024, %dma_start3A_1025] : memref<20800x384xi32, #tpu.memory_space<hbm>> -> memref<20800x384xi32, #tpu.memory_space<hbm>>
    tpu.enqueue_indirect_dma source(%dma_start3A_1023 : memref<16x384xi32, #tpu.memory_space<vmem>>) target(%dma_start3A_1026 : memref<20800x384xi32, #tpu.memory_space<hbm>>) offsets(%get3A_1010 : vector<16xi32>) semaphore(%arg17 : memref<!tpu.dma_semaphore, #tpu.memory_space<semaphore_mem>>)
    %get3A_1027 = arith.constant 480 : index
    %get3A_1028 = tpu.vector_load %arg11[%get3A_1027] {strides = array<i32>} : memref<512xi32, #tpu.memory_space<vmem>>, vector<16xi32>,
    %get3A_1029 = arith.constant 496 : index
    %get3A_1030 = tpu.vector_load %arg11[%get3A_1029] {strides = array<i32>} : memref<512xi32, #tpu.memory_space<vmem>>, vector<16xi32>,
    %dma_start3A_1031 = arith.constant 1 : i32
    %dma_start3A_1032 = arith.constant 48 : i32
    %dma_start3A_1033 = arith.constant 0 : i32
    %dma_start3A_1034 = tpu.memref_slice %arg14[%dma_start3A_1031, %dma_start3A_1032, %dma_start3A_1033] : memref<2x64x384xi32, #tpu.memory_space<vmem>> -> memref<1x16x384xi32, #tpu.memory_space<vmem>>
    %dma_start3A_1035 = tpu.memref_squeeze %dma_start3A_1034 : memref<1x16x384xi32, #tpu.memory_space<vmem>> -> memref<16x384xi32, #tpu.memory_space<vmem>>
    %dma_start3A_1036 = arith.constant 0 : i32
    %dma_start3A_1037 = arith.constant 0 : i32
    %dma_start3A_1038 = tpu.memref_slice %arg5[%dma_start3A_1036, %dma_start3A_1037] : memref<20800x384xi32, #tpu.memory_space<hbm>> -> memref<20800x384xi32, #tpu.memory_space<hbm>>
    tpu.enqueue_indirect_dma source(%dma_start3A_1035 : memref<16x384xi32, #tpu.memory_space<vmem>>) target(%dma_start3A_1038 : memref<20800x384xi32, #tpu.memory_space<hbm>>) offsets(%get3A_1028 : vector<16xi32>) semaphore(%arg17 : memref<!tpu.dma_semaphore, #tpu.memory_space<semaphore_mem>>)
    %dma_start3A_1039 = arith.constant 1 : i32
    %dma_start3A_1040 = arith.constant 48 : i32
    %dma_start3A_1041 = arith.constant 0 : i32
    %dma_start3A_1042 = tpu.memref_slice %arg14[%dma_start3A_1039, %dma_start3A_1040, %dma_start3A_1041] : memref<2x64x384xi32, #tpu.memory_space<vmem>> -> memref<1x16x384xi32, #tpu.memory_space<vmem>>
    %dma_start3A_1043 = tpu.memref_squeeze %dma_start3A_1042 : memref<1x16x384xi32, #tpu.memory_space<vmem>> -> memref<16x384xi32, #tpu.memory_space<vmem>>
    %dma_start3A_1044 = arith.constant 0 : i32
    %dma_start3A_1045 = arith.constant 0 : i32
    %dma_start3A_1046 = tpu.memref_slice %arg5[%dma_start3A_1044, %dma_start3A_1045] : memref<20800x384xi32, #tpu.memory_space<hbm>> -> memref<20800x384xi32, #tpu.memory_space<hbm>>
    tpu.enqueue_indirect_dma source(%dma_start3A_1043 : memref<16x384xi32, #tpu.memory_space<vmem>>) target(%dma_start3A_1046 : memref<20800x384xi32, #tpu.memory_space<hbm>>) offsets(%get3A_1030 : vector<16xi32>) semaphore(%arg17 : memref<!tpu.dma_semaphore, #tpu.memory_space<semaphore_mem>>)
    %dma_wait3A_1047 = arith.constant 0 : i32
    %dma_wait3A_1048 = arith.constant 0 : i32
    %dma_wait3A_1049 = arith.constant 0 : i32
    %dma_wait3A_1050 = tpu.memref_slice %arg14[%dma_wait3A_1047, %dma_wait3A_1048, %dma_wait3A_1049] : memref<2x64x384xi32, #tpu.memory_space<vmem>> -> memref<1x16x384xi32, #tpu.memory_space<vmem>>
    %dma_wait3A_1051 = tpu.memref_squeeze %dma_wait3A_1050 : memref<1x16x384xi32, #tpu.memory_space<vmem>> -> memref<16x384xi32, #tpu.memory_space<vmem>>
    %dma_wait3A_1052 = arith.constant 0 : i32
    %dma_wait3A_1053 = arith.constant 0 : i32
    %dma_wait3A_1054 = tpu.memref_slice %arg5[%dma_wait3A_1052, %dma_wait3A_1053] : memref<20800x384xi32, #tpu.memory_space<hbm>> -> memref<16x384xi32, #tpu.memory_space<hbm>>
    %dma_wait3A_1055 = arith.constant 0 : i32
    %dma_wait3A_1056 = arith.constant 0 : i32
    %dma_wait3A_1057 = tpu.memref_slice %arg5[%dma_wait3A_1055, %dma_wait3A_1056] : memref<20800x384xi32, #tpu.memory_space<hbm>> -> memref<16x384xi32, #tpu.memory_space<hbm>>
    %dma_wait3A_1058 = arith.constant 0 : i32
    %dma_wait3A_1059 = arith.constant 0 : i32
    %dma_wait3A_1060 = tpu.memref_slice %arg14[%dma_wait3A_1047, %dma_wait3A_1058, %dma_wait3A_1059] : memref<2x64x384xi32, #tpu.memory_space<vmem>> -> memref<1x16x384xi32, #tpu.memory_space<vmem>>
    %dma_wait3A_1061 = tpu.memref_squeeze %dma_wait3A_1060 : memref<1x16x384xi32, #tpu.memory_space<vmem>> -> memref<16x384xi32, #tpu.memory_space<vmem>>
    tpu.wait_dma2 semaphore(%arg17 : memref<!tpu.dma_semaphore, #tpu.memory_space<semaphore_mem>>) src(%dma_wait3A_1061 : memref<16x384xi32, #tpu.memory_space<vmem>>) dst(%dma_wait3A_1057 : memref<16x384xi32, #tpu.memory_space<hbm>>)
    %dma_wait3A_1062 = arith.constant 0 : i32
    %dma_wait3A_1063 = arith.constant 0 : i32
    %dma_wait3A_1064 = arith.constant 0 : i32
    %dma_wait3A_1065 = tpu.memref_slice %arg14[%dma_wait3A_1062, %dma_wait3A_1063, %dma_wait3A_1064] : memref<2x64x384xi32, #tpu.memory_space<vmem>> -> memref<1x16x384xi32, #tpu.memory_space<vmem>>
    %dma_wait3A_1066 = tpu.memref_squeeze %dma_wait3A_1065 : memref<1x16x384xi32, #tpu.memory_space<vmem>> -> memref<16x384xi32, #tpu.memory_space<vmem>>
    %dma_wait3A_1067 = arith.constant 0 : i32
    %dma_wait3A_1068 = arith.constant 0 : i32
    %dma_wait3A_1069 = tpu.memref_slice %arg5[%dma_wait3A_1067, %dma_wait3A_1068] : memref<20800x384xi32, #tpu.memory_space<hbm>> -> memref<16x384xi32, #tpu.memory_space<hbm>>
    %dma_wait3A_1070 = arith.constant 0 : i32
    %dma_wait3A_1071 = arith.constant 0 : i32
    %dma_wait3A_1072 = tpu.memref_slice %arg5[%dma_wait3A_1070, %dma_wait3A_1071] : memref<20800x384xi32, #tpu.memory_space<hbm>> -> memref<16x384xi32, #tpu.memory_space<hbm>>
    %dma_wait3A_1073 = arith.constant 0 : i32
    %dma_wait3A_1074 = arith.constant 0 : i32
    %dma_wait3A_1075 = tpu.memref_slice %arg14[%dma_wait3A_1062, %dma_wait3A_1073, %dma_wait3A_1074] : memref<2x64x384xi32, #tpu.memory_space<vmem>> -> memref<1x16x384xi32, #tpu.memory_space<vmem>>
    %dma_wait3A_1076 = tpu.memref_squeeze %dma_wait3A_1075 : memref<1x16x384xi32, #tpu.memory_space<vmem>> -> memref<16x384xi32, #tpu.memory_space<vmem>>
    tpu.wait_dma2 semaphore(%arg17 : memref<!tpu.dma_semaphore, #tpu.memory_space<semaphore_mem>>) src(%dma_wait3A_1076 : memref<16x384xi32, #tpu.memory_space<vmem>>) dst(%dma_wait3A_1072 : memref<16x384xi32, #tpu.memory_space<hbm>>)
    %dma_wait3A_1077 = arith.constant 0 : i32
    %dma_wait3A_1078 = arith.constant 0 : i32
    %dma_wait3A_1079 = arith.constant 0 : i32
    %dma_wait3A_1080 = tpu.memref_slice %arg14[%dma_wait3A_1077, %dma_wait3A_1078, %dma_wait3A_1079] : memref<2x64x384xi32, #tpu.memory_space<vmem>> -> memref<1x16x384xi32, #tpu.memory_space<vmem>>
    %dma_wait3A_1081 = tpu.memref_squeeze %dma_wait3A_1080 : memref<1x16x384xi32, #tpu.memory_space<vmem>> -> memref<16x384xi32, #tpu.memory_space<vmem>>
    %dma_wait3A_1082 = arith.constant 0 : i32
    %dma_wait3A_1083 = arith.constant 0 : i32
    %dma_wait3A_1084 = tpu.memref_slice %arg5[%dma_wait3A_1082, %dma_wait3A_1083] : memref<20800x384xi32, #tpu.memory_space<hbm>> -> memref<16x384xi32, #tpu.memory_space<hbm>>
    %dma_wait3A_1085 = arith.constant 0 : i32
    %dma_wait3A_1086 = arith.constant 0 : i32
    %dma_wait3A_1087 = tpu.memref_slice %arg5[%dma_wait3A_1085, %dma_wait3A_1086] : memref<20800x384xi32, #tpu.memory_space<hbm>> -> memref<16x384xi32, #tpu.memory_space<hbm>>
    %dma_wait3A_1088 = arith.constant 0 : i32
    %dma_wait3A_1089 = arith.constant 0 : i32
    %dma_wait3A_1090 = tpu.memref_slice %arg14[%dma_wait3A_1077, %dma_wait3A_1088, %dma_wait3A_1089] : memref<2x64x384xi32, #tpu.memory_space<vmem>> -> memref<1x16x384xi32, #tpu.memory_space<vmem>>
    %dma_wait3A_1091 = tpu.memref_squeeze %dma_wait3A_1090 : memref<1x16x384xi32, #tpu.memory_space<vmem>> -> memref<16x384xi32, #tpu.memory_space<vmem>>
    tpu.wait_dma2 semaphore(%arg17 : memref<!tpu.dma_semaphore, #tpu.memory_space<semaphore_mem>>) src(%dma_wait3A_1091 : memref<16x384xi32, #tpu.memory_space<vmem>>) dst(%dma_wait3A_1087 : memref<16x384xi32, #tpu.memory_space<hbm>>)
    %dma_wait3A_1092 = arith.constant 0 : i32
    %dma_wait3A_1093 = arith.constant 0 : i32
    %dma_wait3A_1094 = arith.constant 0 : i32
    %dma_wait3A_1095 = tpu.memref_slice %arg14[%dma_wait3A_1092, %dma_wait3A_1093, %dma_wait3A_1094] : memref<2x64x384xi32, #tpu.memory_space<vmem>> -> memref<1x16x384xi32, #tpu.memory_space<vmem>>
    %dma_wait3A_1096 = tpu.memref_squeeze %dma_wait3A_1095 : memref<1x16x384xi32, #tpu.memory_space<vmem>> -> memref<16x384xi32, #tpu.memory_space<vmem>>
    %dma_wait3A_1097 = arith.constant 0 : i32
    %dma_wait3A_1098 = arith.constant 0 : i32
    %dma_wait3A_1099 = tpu.memref_slice %arg5[%dma_wait3A_1097, %dma_wait3A_1098] : memref<20800x384xi32, #tpu.memory_space<hbm>> -> memref<16x384xi32, #tpu.memory_space<hbm>>
    %dma_wait3A_1100 = arith.constant 0 : i32
    %dma_wait3A_1101 = arith.constant 0 : i32
    %dma_wait3A_1102 = tpu.memref_slice %arg5[%dma_wait3A_1100, %dma_wait3A_1101] : memref<20800x384xi32, #tpu.memory_space<hbm>> -> memref<16x384xi32, #tpu.memory_space<hbm>>
    %dma_wait3A_1103 = arith.constant 0 : i32
    %dma_wait3A_1104 = arith.constant 0 : i32
    %dma_wait3A_1105 = tpu.memref_slice %arg14[%dma_wait3A_1092, %dma_wait3A_1103, %dma_wait3A_1104] : memref<2x64x384xi32, #tpu.memory_space<vmem>> -> memref<1x16x384xi32, #tpu.memory_space<vmem>>
    %dma_wait3A_1106 = tpu.memref_squeeze %dma_wait3A_1105 : memref<1x16x384xi32, #tpu.memory_space<vmem>> -> memref<16x384xi32, #tpu.memory_space<vmem>>
    tpu.wait_dma2 semaphore(%arg17 : memref<!tpu.dma_semaphore, #tpu.memory_space<semaphore_mem>>) src(%dma_wait3A_1106 : memref<16x384xi32, #tpu.memory_space<vmem>>) dst(%dma_wait3A_1102 : memref<16x384xi32, #tpu.memory_space<hbm>>)
    %dma_wait3A_1107 = arith.constant 0 : i32
    %dma_wait3A_1108 = arith.constant 0 : i32
    %dma_wait3A_1109 = arith.constant 0 : i32
    %dma_wait3A_1110 = tpu.memref_slice %arg14[%dma_wait3A_1107, %dma_wait3A_1108, %dma_wait3A_1109] : memref<2x64x384xi32, #tpu.memory_space<vmem>> -> memref<1x16x384xi32, #tpu.memory_space<vmem>>
    %dma_wait3A_1111 = tpu.memref_squeeze %dma_wait3A_1110 : memref<1x16x384xi32, #tpu.memory_space<vmem>> -> memref<16x384xi32, #tpu.memory_space<vmem>>
    %dma_wait3A_1112 = arith.constant 0 : i32
    %dma_wait3A_1113 = arith.constant 0 : i32
    %dma_wait3A_1114 = tpu.memref_slice %arg5[%dma_wait3A_1112, %dma_wait3A_1113] : memref<20800x384xi32, #tpu.memory_space<hbm>> -> memref<16x384xi32, #tpu.memory_space<hbm>>
    %dma_wait3A_1115 = arith.constant 0 : i32
    %dma_wait3A_1116 = arith.constant 0 : i32
    %dma_wait3A_1117 = tpu.memref_slice %arg5[%dma_wait3A_1115, %dma_wait3A_1116] : memref<20800x384xi32, #tpu.memory_space<hbm>> -> memref<16x384xi32, #tpu.memory_space<hbm>>
    %dma_wait3A_1118 = arith.constant 0 : i32
    %dma_wait3A_1119 = arith.constant 0 : i32
    %dma_wait3A_1120 = tpu.memref_slice %arg14[%dma_wait3A_1107, %dma_wait3A_1118, %dma_wait3A_1119] : memref<2x64x384xi32, #tpu.memory_space<vmem>> -> memref<1x16x384xi32, #tpu.memory_space<vmem>>
    %dma_wait3A_1121 = tpu.memref_squeeze %dma_wait3A_1120 : memref<1x16x384xi32, #tpu.memory_space<vmem>> -> memref<16x384xi32, #tpu.memory_space<vmem>>
    tpu.wait_dma2 semaphore(%arg17 : memref<!tpu.dma_semaphore, #tpu.memory_space<semaphore_mem>>) src(%dma_wait3A_1121 : memref<16x384xi32, #tpu.memory_space<vmem>>) dst(%dma_wait3A_1117 : memref<16x384xi32, #tpu.memory_space<hbm>>)
    %dma_wait3A_1122 = arith.constant 0 : i32
    %dma_wait3A_1123 = arith.constant 0 : i32
    %dma_wait3A_1124 = arith.constant 0 : i32
    %dma_wait3A_1125 = tpu.memref_slice %arg14[%dma_wait3A_1122, %dma_wait3A_1123, %dma_wait3A_1124] : memref<2x64x384xi32, #tpu.memory_space<vmem>> -> memref<1x16x384xi32, #tpu.memory_space<vmem>>
    %dma_wait3A_1126 = tpu.memref_squeeze %dma_wait3A_1125 : memref<1x16x384xi32, #tpu.memory_space<vmem>> -> memref<16x384xi32, #tpu.memory_space<vmem>>
    %dma_wait3A_1127 = arith.constant 0 : i32
    %dma_wait3A_1128 = arith.constant 0 : i32
    %dma_wait3A_1129 = tpu.memref_slice %arg5[%dma_wait3A_1127, %dma_wait3A_1128] : memref<20800x384xi32, #tpu.memory_space<hbm>> -> memref<16x384xi32, #tpu.memory_space<hbm>>
    %dma_wait3A_1130 = arith.constant 0 : i32
    %dma_wait3A_1131 = arith.constant 0 : i32
    %dma_wait3A_1132 = tpu.memref_slice %arg5[%dma_wait3A_1130, %dma_wait3A_1131] : memref<20800x384xi32, #tpu.memory_space<hbm>> -> memref<16x384xi32, #tpu.memory_space<hbm>>
    %dma_wait3A_1133 = arith.constant 0 : i32
    %dma_wait3A_1134 = arith.constant 0 : i32
    %dma_wait3A_1135 = tpu.memref_slice %arg14[%dma_wait3A_1122, %dma_wait3A_1133, %dma_wait3A_1134] : memref<2x64x384xi32, #tpu.memory_space<vmem>> -> memref<1x16x384xi32, #tpu.memory_space<vmem>>
    %dma_wait3A_1136 = tpu.memref_squeeze %dma_wait3A_1135 : memref<1x16x384xi32, #tpu.memory_space<vmem>> -> memref<16x384xi32, #tpu.memory_space<vmem>>
    tpu.wait_dma2 semaphore(%arg17 : memref<!tpu.dma_semaphore, #tpu.memory_space<semaphore_mem>>) src(%dma_wait3A_1136 : memref<16x384xi32, #tpu.memory_space<vmem>>) dst(%dma_wait3A_1132 : memref<16x384xi32, #tpu.memory_space<hbm>>)
    %dma_wait3A_1137 = arith.constant 0 : i32
    %dma_wait3A_1138 = arith.constant 0 : i32
    %dma_wait3A_1139 = arith.constant 0 : i32
    %dma_wait3A_1140 = tpu.memref_slice %arg14[%dma_wait3A_1137, %dma_wait3A_1138, %dma_wait3A_1139] : memref<2x64x384xi32, #tpu.memory_space<vmem>> -> memref<1x16x384xi32, #tpu.memory_space<vmem>>
    %dma_wait3A_1141 = tpu.memref_squeeze %dma_wait3A_1140 : memref<1x16x384xi32, #tpu.memory_space<vmem>> -> memref<16x384xi32, #tpu.memory_space<vmem>>
    %dma_wait3A_1142 = arith.constant 0 : i32
    %dma_wait3A_1143 = arith.constant 0 : i32
    %dma_wait3A_1144 = tpu.memref_slice %arg5[%dma_wait3A_1142, %dma_wait3A_1143] : memref<20800x384xi32, #tpu.memory_space<hbm>> -> memref<16x384xi32, #tpu.memory_space<hbm>>
    %dma_wait3A_1145 = arith.constant 0 : i32
    %dma_wait3A_1146 = arith.constant 0 : i32
    %dma_wait3A_1147 = tpu.memref_slice %arg5[%dma_wait3A_1145, %dma_wait3A_1146] : memref<20800x384xi32, #tpu.memory_space<hbm>> -> memref<16x384xi32, #tpu.memory_space<hbm>>
    %dma_wait3A_1148 = arith.constant 0 : i32
    %dma_wait3A_1149 = arith.constant 0 : i32
    %dma_wait3A_1150 = tpu.memref_slice %arg14[%dma_wait3A_1137, %dma_wait3A_1148, %dma_wait3A_1149] : memref<2x64x384xi32, #tpu.memory_space<vmem>> -> memref<1x16x384xi32, #tpu.memory_space<vmem>>
    %dma_wait3A_1151 = tpu.memref_squeeze %dma_wait3A_1150 : memref<1x16x384xi32, #tpu.memory_space<vmem>> -> memref<16x384xi32, #tpu.memory_space<vmem>>
    tpu.wait_dma2 semaphore(%arg17 : memref<!tpu.dma_semaphore, #tpu.memory_space<semaphore_mem>>) src(%dma_wait3A_1151 : memref<16x384xi32, #tpu.memory_space<vmem>>) dst(%dma_wait3A_1147 : memref<16x384xi32, #tpu.memory_space<hbm>>)
    %dma_wait3A_1152 = arith.constant 0 : i32
    %dma_wait3A_1153 = arith.constant 0 : i32
    %dma_wait3A_1154 = arith.constant 0 : i32
    %dma_wait3A_1155 = tpu.memref_slice %arg14[%dma_wait3A_1152, %dma_wait3A_1153, %dma_wait3A_1154] : memref<2x64x384xi32, #tpu.memory_space<vmem>> -> memref<1x16x384xi32, #tpu.memory_space<vmem>>
    %dma_wait3A_1156 = tpu.memref_squeeze %dma_wait3A_1155 : memref<1x16x384xi32, #tpu.memory_space<vmem>> -> memref<16x384xi32, #tpu.memory_space<vmem>>
    %dma_wait3A_1157 = arith.constant 0 : i32
    %dma_wait3A_1158 = arith.constant 0 : i32
    %dma_wait3A_1159 = tpu.memref_slice %arg5[%dma_wait3A_1157, %dma_wait3A_1158] : memref<20800x384xi32, #tpu.memory_space<hbm>> -> memref<16x384xi32, #tpu.memory_space<hbm>>
    %dma_wait3A_1160 = arith.constant 0 : i32
    %dma_wait3A_1161 = arith.constant 0 : i32
    %dma_wait3A_1162 = tpu.memref_slice %arg5[%dma_wait3A_1160, %dma_wait3A_1161] : memref<20800x384xi32, #tpu.memory_space<hbm>> -> memref<16x384xi32, #tpu.memory_space<hbm>>
    %dma_wait3A_1163 = arith.constant 0 : i32
    %dma_wait3A_1164 = arith.constant 0 : i32
    %dma_wait3A_1165 = tpu.memref_slice %arg14[%dma_wait3A_1152, %dma_wait3A_1163, %dma_wait3A_1164] : memref<2x64x384xi32, #tpu.memory_space<vmem>> -> memref<1x16x384xi32, #tpu.memory_space<vmem>>
    %dma_wait3A_1166 = tpu.memref_squeeze %dma_wait3A_1165 : memref<1x16x384xi32, #tpu.memory_space<vmem>> -> memref<16x384xi32, #tpu.memory_space<vmem>>
    tpu.wait_dma2 semaphore(%arg17 : memref<!tpu.dma_semaphore, #tpu.memory_space<semaphore_mem>>) src(%dma_wait3A_1166 : memref<16x384xi32, #tpu.memory_space<vmem>>) dst(%dma_wait3A_1162 : memref<16x384xi32, #tpu.memory_space<hbm>>)
    %dma_wait3A_1167 = arith.constant 0 : i32
    %dma_wait3A_1168 = arith.constant 0 : i32
    %dma_wait3A_1169 = arith.constant 0 : i32
    %dma_wait3A_1170 = tpu.memref_slice %arg14[%dma_wait3A_1167, %dma_wait3A_1168, %dma_wait3A_1169] : memref<2x64x384xi32, #tpu.memory_space<vmem>> -> memref<1x16x384xi32, #tpu.memory_space<vmem>>
    %dma_wait3A_1171 = tpu.memref_squeeze %dma_wait3A_1170 : memref<1x16x384xi32, #tpu.memory_space<vmem>> -> memref<16x384xi32, #tpu.memory_space<vmem>>
    %dma_wait3A_1172 = arith.constant 0 : i32
    %dma_wait3A_1173 = arith.constant 0 : i32
    %dma_wait3A_1174 = tpu.memref_slice %arg5[%dma_wait3A_1172, %dma_wait3A_1173] : memref<20800x384xi32, #tpu.memory_space<hbm>> -> memref<16x384xi32, #tpu.memory_space<hbm>>
    %dma_wait3A_1175 = arith.constant 0 : i32
    %dma_wait3A_1176 = arith.constant 0 : i32
    %dma_wait3A_1177 = tpu.memref_slice %arg5[%dma_wait3A_1175, %dma_wait3A_1176] : memref<20800x384xi32, #tpu.memory_space<hbm>> -> memref<16x384xi32, #tpu.memory_space<hbm>>
    %dma_wait3A_1178 = arith.constant 0 : i32
    %dma_wait3A_1179 = arith.constant 0 : i32
    %dma_wait3A_1180 = tpu.memref_slice %arg14[%dma_wait3A_1167, %dma_wait3A_1178, %dma_wait3A_1179] : memref<2x64x384xi32, #tpu.memory_space<vmem>> -> memref<1x16x384xi32, #tpu.memory_space<vmem>>
    %dma_wait3A_1181 = tpu.memref_squeeze %dma_wait3A_1180 : memref<1x16x384xi32, #tpu.memory_space<vmem>> -> memref<16x384xi32, #tpu.memory_space<vmem>>
    tpu.wait_dma2 semaphore(%arg17 : memref<!tpu.dma_semaphore, #tpu.memory_space<semaphore_mem>>) src(%dma_wait3A_1181 : memref<16x384xi32, #tpu.memory_space<vmem>>) dst(%dma_wait3A_1177 : memref<16x384xi32, #tpu.memory_space<hbm>>)
    %dma_wait3A_1182 = arith.constant 0 : i32
    %dma_wait3A_1183 = arith.constant 0 : i32
    %dma_wait3A_1184 = arith.constant 0 : i32
    %dma_wait3A_1185 = tpu.memref_slice %arg14[%dma_wait3A_1182, %dma_wait3A_1183, %dma_wait3A_1184] : memref<2x64x384xi32, #tpu.memory_space<vmem>> -> memref<1x16x384xi32, #tpu.memory_space<vmem>>
    %dma_wait3A_1186 = tpu.memref_squeeze %dma_wait3A_1185 : memref<1x16x384xi32, #tpu.memory_space<vmem>> -> memref<16x384xi32, #tpu.memory_space<vmem>>
    %dma_wait3A_1187 = arith.constant 0 : i32
    %dma_wait3A_1188 = arith.constant 0 : i32
    %dma_wait3A_1189 = tpu.memref_slice %arg5[%dma_wait3A_1187, %dma_wait3A_1188] : memref<20800x384xi32, #tpu.memory_space<hbm>> -> memref<16x384xi32, #tpu.memory_space<hbm>>
    %dma_wait3A_1190 = arith.constant 0 : i32
    %dma_wait3A_1191 = arith.constant 0 : i32
    %dma_wait3A_1192 = tpu.memref_slice %arg5[%dma_wait3A_1190, %dma_wait3A_1191] : memref<20800x384xi32, #tpu.memory_space<hbm>> -> memref<16x384xi32, #tpu.memory_space<hbm>>
    %dma_wait3A_1193 = arith.constant 0 : i32
    %dma_wait3A_1194 = arith.constant 0 : i32
    %dma_wait3A_1195 = tpu.memref_slice %arg14[%dma_wait3A_1182, %dma_wait3A_1193, %dma_wait3A_1194] : memref<2x64x384xi32, #tpu.memory_space<vmem>> -> memref<1x16x384xi32, #tpu.memory_space<vmem>>
    %dma_wait3A_1196 = tpu.memref_squeeze %dma_wait3A_1195 : memref<1x16x384xi32, #tpu.memory_space<vmem>> -> memref<16x384xi32, #tpu.memory_space<vmem>>
    tpu.wait_dma2 semaphore(%arg17 : memref<!tpu.dma_semaphore, #tpu.memory_space<semaphore_mem>>) src(%dma_wait3A_1196 : memref<16x384xi32, #tpu.memory_space<vmem>>) dst(%dma_wait3A_1192 : memref<16x384xi32, #tpu.memory_space<hbm>>)
    %dma_wait3A_1197 = arith.constant 0 : i32
    %dma_wait3A_1198 = arith.constant 0 : i32
    %dma_wait3A_1199 = arith.constant 0 : i32
    %dma_wait3A_1200 = tpu.memref_slice %arg14[%dma_wait3A_1197, %dma_wait3A_1198, %dma_wait3A_1199] : memref<2x64x384xi32, #tpu.memory_space<vmem>> -> memref<1x16x384xi32, #tpu.memory_space<vmem>>
    %dma_wait3A_1201 = tpu.memref_squeeze %dma_wait3A_1200 : memref<1x16x384xi32, #tpu.memory_space<vmem>> -> memref<16x384xi32, #tpu.memory_space<vmem>>
    %dma_wait3A_1202 = arith.constant 0 : i32
    %dma_wait3A_1203 = arith.constant 0 : i32
    %dma_wait3A_1204 = tpu.memref_slice %arg5[%dma_wait3A_1202, %dma_wait3A_1203] : memref<20800x384xi32, #tpu.memory_space<hbm>> -> memref<16x384xi32, #tpu.memory_space<hbm>>
    %dma_wait3A_1205 = arith.constant 0 : i32
    %dma_wait3A_1206 = arith.constant 0 : i32
    %dma_wait3A_1207 = tpu.memref_slice %arg5[%dma_wait3A_1205, %dma_wait3A_1206] : memref<20800x384xi32, #tpu.memory_space<hbm>> -> memref<16x384xi32, #tpu.memory_space<hbm>>
    %dma_wait3A_1208 = arith.constant 0 : i32
    %dma_wait3A_1209 = arith.constant 0 : i32
    %dma_wait3A_1210 = tpu.memref_slice %arg14[%dma_wait3A_1197, %dma_wait3A_1208, %dma_wait3A_1209] : memref<2x64x384xi32, #tpu.memory_space<vmem>> -> memref<1x16x384xi32, #tpu.memory_space<vmem>>
    %dma_wait3A_1211 = tpu.memref_squeeze %dma_wait3A_1210 : memref<1x16x384xi32, #tpu.memory_space<vmem>> -> memref<16x384xi32, #tpu.memory_space<vmem>>
    tpu.wait_dma2 semaphore(%arg17 : memref<!tpu.dma_semaphore, #tpu.memory_space<semaphore_mem>>) src(%dma_wait3A_1211 : memref<16x384xi32, #tpu.memory_space<vmem>>) dst(%dma_wait3A_1207 : memref<16x384xi32, #tpu.memory_space<hbm>>)
    %dma_wait3A_1212 = arith.constant 0 : i32
    %dma_wait3A_1213 = arith.constant 0 : i32
    %dma_wait3A_1214 = arith.constant 0 : i32
    %dma_wait3A_1215 = tpu.memref_slice %arg14[%dma_wait3A_1212, %dma_wait3A_1213, %dma_wait3A_1214] : memref<2x64x384xi32, #tpu.memory_space<vmem>> -> memref<1x16x384xi32, #tpu.memory_space<vmem>>
    %dma_wait3A_1216 = tpu.memref_squeeze %dma_wait3A_1215 : memref<1x16x384xi32, #tpu.memory_space<vmem>> -> memref<16x384xi32, #tpu.memory_space<vmem>>
    %dma_wait3A_1217 = arith.constant 0 : i32
    %dma_wait3A_1218 = arith.constant 0 : i32
    %dma_wait3A_1219 = tpu.memref_slice %arg5[%dma_wait3A_1217, %dma_wait3A_1218] : memref<20800x384xi32, #tpu.memory_space<hbm>> -> memref<16x384xi32, #tpu.memory_space<hbm>>
    %dma_wait3A_1220 = arith.constant 0 : i32
    %dma_wait3A_1221 = arith.constant 0 : i32
    %dma_wait3A_1222 = tpu.memref_slice %arg5[%dma_wait3A_1220, %dma_wait3A_1221] : memref<20800x384xi32, #tpu.memory_space<hbm>> -> memref<16x384xi32, #tpu.memory_space<hbm>>
    %dma_wait3A_1223 = arith.constant 0 : i32
    %dma_wait3A_1224 = arith.constant 0 : i32
    %dma_wait3A_1225 = tpu.memref_slice %arg14[%dma_wait3A_1212, %dma_wait3A_1223, %dma_wait3A_1224] : memref<2x64x384xi32, #tpu.memory_space<vmem>> -> memref<1x16x384xi32, #tpu.memory_space<vmem>>
    %dma_wait3A_1226 = tpu.memref_squeeze %dma_wait3A_1225 : memref<1x16x384xi32, #tpu.memory_space<vmem>> -> memref<16x384xi32, #tpu.memory_space<vmem>>
    tpu.wait_dma2 semaphore(%arg17 : memref<!tpu.dma_semaphore, #tpu.memory_space<semaphore_mem>>) src(%dma_wait3A_1226 : memref<16x384xi32, #tpu.memory_space<vmem>>) dst(%dma_wait3A_1222 : memref<16x384xi32, #tpu.memory_space<hbm>>)
    %dma_wait3A_1227 = arith.constant 0 : i32
    %dma_wait3A_1228 = arith.constant 0 : i32
    %dma_wait3A_1229 = arith.constant 0 : i32
    %dma_wait3A_1230 = tpu.memref_slice %arg14[%dma_wait3A_1227, %dma_wait3A_1228, %dma_wait3A_1229] : memref<2x64x384xi32, #tpu.memory_space<vmem>> -> memref<1x16x384xi32, #tpu.memory_space<vmem>>
    %dma_wait3A_1231 = tpu.memref_squeeze %dma_wait3A_1230 : memref<1x16x384xi32, #tpu.memory_space<vmem>> -> memref<16x384xi32, #tpu.memory_space<vmem>>
    %dma_wait3A_1232 = arith.constant 0 : i32
    %dma_wait3A_1233 = arith.constant 0 : i32
    %dma_wait3A_1234 = tpu.memref_slice %arg5[%dma_wait3A_1232, %dma_wait3A_1233] : memref<20800x384xi32, #tpu.memory_space<hbm>> -> memref<16x384xi32, #tpu.memory_space<hbm>>
    %dma_wait3A_1235 = arith.constant 0 : i32
    %dma_wait3A_1236 = arith.constant 0 : i32
    %dma_wait3A_1237 = tpu.memref_slice %arg5[%dma_wait3A_1235, %dma_wait3A_1236] : memref<20800x384xi32, #tpu.memory_space<hbm>> -> memref<16x384xi32, #tpu.memory_space<hbm>>
    %dma_wait3A_1238 = arith.constant 0 : i32
    %dma_wait3A_1239 = arith.constant 0 : i32
    %dma_wait3A_1240 = tpu.memref_slice %arg14[%dma_wait3A_1227, %dma_wait3A_1238, %dma_wait3A_1239] : memref<2x64x384xi32, #tpu.memory_space<vmem>> -> memref<1x16x384xi32, #tpu.memory_space<vmem>>
    %dma_wait3A_1241 = tpu.memref_squeeze %dma_wait3A_1240 : memref<1x16x384xi32, #tpu.memory_space<vmem>> -> memref<16x384xi32, #tpu.memory_space<vmem>>
    tpu.wait_dma2 semaphore(%arg17 : memref<!tpu.dma_semaphore, #tpu.memory_space<semaphore_mem>>) src(%dma_wait3A_1241 : memref<16x384xi32, #tpu.memory_space<vmem>>) dst(%dma_wait3A_1237 : memref<16x384xi32, #tpu.memory_space<hbm>>)
    %dma_wait3A_1242 = arith.constant 0 : i32
    %dma_wait3A_1243 = arith.constant 0 : i32
    %dma_wait3A_1244 = arith.constant 0 : i32
    %dma_wait3A_1245 = tpu.memref_slice %arg14[%dma_wait3A_1242, %dma_wait3A_1243, %dma_wait3A_1244] : memref<2x64x384xi32, #tpu.memory_space<vmem>> -> memref<1x16x384xi32, #tpu.memory_space<vmem>>
    %dma_wait3A_1246 = tpu.memref_squeeze %dma_wait3A_1245 : memref<1x16x384xi32, #tpu.memory_space<vmem>> -> memref<16x384xi32, #tpu.memory_space<vmem>>
    %dma_wait3A_1247 = arith.constant 0 : i32
    %dma_wait3A_1248 = arith.constant 0 : i32
    %dma_wait3A_1249 = tpu.memref_slice %arg5[%dma_wait3A_1247, %dma_wait3A_1248] : memref<20800x384xi32, #tpu.memory_space<hbm>> -> memref<16x384xi32, #tpu.memory_space<hbm>>
    %dma_wait3A_1250 = arith.constant 0 : i32
    %dma_wait3A_1251 = arith.constant 0 : i32
    %dma_wait3A_1252 = tpu.memref_slice %arg5[%dma_wait3A_1250, %dma_wait3A_1251] : memref<20800x384xi32, #tpu.memory_space<hbm>> -> memref<16x384xi32, #tpu.memory_space<hbm>>
    %dma_wait3A_1253 = arith.constant 0 : i32
    %dma_wait3A_1254 = arith.constant 0 : i32
    %dma_wait3A_1255 = tpu.memref_slice %arg14[%dma_wait3A_1242, %dma_wait3A_1253, %dma_wait3A_1254] : memref<2x64x384xi32, #tpu.memory_space<vmem>> -> memref<1x16x384xi32, #tpu.memory_space<vmem>>
    %dma_wait3A_1256 = tpu.memref_squeeze %dma_wait3A_1255 : memref<1x16x384xi32, #tpu.memory_space<vmem>> -> memref<16x384xi32, #tpu.memory_space<vmem>>
    tpu.wait_dma2 semaphore(%arg17 : memref<!tpu.dma_semaphore, #tpu.memory_space<semaphore_mem>>) src(%dma_wait3A_1256 : memref<16x384xi32, #tpu.memory_space<vmem>>) dst(%dma_wait3A_1252 : memref<16x384xi32, #tpu.memory_space<hbm>>)
    %dma_wait3A_1257 = arith.constant 0 : i32
    %dma_wait3A_1258 = arith.constant 0 : i32
    %dma_wait3A_1259 = arith.constant 0 : i32
    %dma_wait3A_1260 = tpu.memref_slice %arg14[%dma_wait3A_1257, %dma_wait3A_1258, %dma_wait3A_1259] : memref<2x64x384xi32, #tpu.memory_space<vmem>> -> memref<1x16x384xi32, #tpu.memory_space<vmem>>
    %dma_wait3A_1261 = tpu.memref_squeeze %dma_wait3A_1260 : memref<1x16x384xi32, #tpu.memory_space<vmem>> -> memref<16x384xi32, #tpu.memory_space<vmem>>
    %dma_wait3A_1262 = arith.constant 0 : i32
    %dma_wait3A_1263 = arith.constant 0 : i32
    %dma_wait3A_1264 = tpu.memref_slice %arg5[%dma_wait3A_1262, %dma_wait3A_1263] : memref<20800x384xi32, #tpu.memory_space<hbm>> -> memref<16x384xi32, #tpu.memory_space<hbm>>
    %dma_wait3A_1265 = arith.constant 0 : i32
    %dma_wait3A_1266 = arith.constant 0 : i32
    %dma_wait3A_1267 = tpu.memref_slice %arg5[%dma_wait3A_1265, %dma_wait3A_1266] : memref<20800x384xi32, #tpu.memory_space<hbm>> -> memref<16x384xi32, #tpu.memory_space<hbm>>
    %dma_wait3A_1268 = arith.constant 0 : i32
    %dma_wait3A_1269 = arith.constant 0 : i32
    %dma_wait3A_1270 = tpu.memref_slice %arg14[%dma_wait3A_1257, %dma_wait3A_1268, %dma_wait3A_1269] : memref<2x64x384xi32, #tpu.memory_space<vmem>> -> memref<1x16x384xi32, #tpu.memory_space<vmem>>
    %dma_wait3A_1271 = tpu.memref_squeeze %dma_wait3A_1270 : memref<1x16x384xi32, #tpu.memory_space<vmem>> -> memref<16x384xi32, #tpu.memory_space<vmem>>
    tpu.wait_dma2 semaphore(%arg17 : memref<!tpu.dma_semaphore, #tpu.memory_space<semaphore_mem>>) src(%dma_wait3A_1271 : memref<16x384xi32, #tpu.memory_space<vmem>>) dst(%dma_wait3A_1267 : memref<16x384xi32, #tpu.memory_space<hbm>>)
    %dma_wait3A_1272 = arith.constant 0 : i32
    %dma_wait3A_1273 = arith.constant 0 : i32
    %dma_wait3A_1274 = arith.constant 0 : i32
    %dma_wait3A_1275 = tpu.memref_slice %arg14[%dma_wait3A_1272, %dma_wait3A_1273, %dma_wait3A_1274] : memref<2x64x384xi32, #tpu.memory_space<vmem>> -> memref<1x16x384xi32, #tpu.memory_space<vmem>>
    %dma_wait3A_1276 = tpu.memref_squeeze %dma_wait3A_1275 : memref<1x16x384xi32, #tpu.memory_space<vmem>> -> memref<16x384xi32, #tpu.memory_space<vmem>>
    %dma_wait3A_1277 = arith.constant 0 : i32
    %dma_wait3A_1278 = arith.constant 0 : i32
    %dma_wait3A_1279 = tpu.memref_slice %arg5[%dma_wait3A_1277, %dma_wait3A_1278] : memref<20800x384xi32, #tpu.memory_space<hbm>> -> memref<16x384xi32, #tpu.memory_space<hbm>>
    %dma_wait3A_1280 = arith.constant 0 : i32
    %dma_wait3A_1281 = arith.constant 0 : i32
    %dma_wait3A_1282 = tpu.memref_slice %arg5[%dma_wait3A_1280, %dma_wait3A_1281] : memref<20800x384xi32, #tpu.memory_space<hbm>> -> memref<16x384xi32, #tpu.memory_space<hbm>>
    %dma_wait3A_1283 = arith.constant 0 : i32
    %dma_wait3A_1284 = arith.constant 0 : i32
    %dma_wait3A_1285 = tpu.memref_slice %arg14[%dma_wait3A_1272, %dma_wait3A_1283, %dma_wait3A_1284] : memref<2x64x384xi32, #tpu.memory_space<vmem>> -> memref<1x16x384xi32, #tpu.memory_space<vmem>>
    %dma_wait3A_1286 = tpu.memref_squeeze %dma_wait3A_1285 : memref<1x16x384xi32, #tpu.memory_space<vmem>> -> memref<16x384xi32, #tpu.memory_space<vmem>>
    tpu.wait_dma2 semaphore(%arg17 : memref<!tpu.dma_semaphore, #tpu.memory_space<semaphore_mem>>) src(%dma_wait3A_1286 : memref<16x384xi32, #tpu.memory_space<vmem>>) dst(%dma_wait3A_1282 : memref<16x384xi32, #tpu.memory_space<hbm>>)
    %dma_wait3A_1287 = arith.constant 0 : i32
    %dma_wait3A_1288 = tpu.memref_slice %arg6[%dma_wait3A_1287] : memref<16384xi32, #tpu.memory_space<hbm>> -> memref<512xi32, #tpu.memory_space<hbm>>
    %dma_wait3A_1289 = arith.constant 0 : i32
    %dma_wait3A_1290 = tpu.memref_slice %arg6[%dma_wait3A_1289] : memref<16384xi32, #tpu.memory_space<hbm>> -> memref<512xi32, #tpu.memory_space<hbm>>
    tpu.wait_dma2 semaphore(%arg15 : memref<!tpu.dma_semaphore, #tpu.memory_space<semaphore_mem>>) src(%arg12 : memref<512xi32, #tpu.memory_space<vmem>>) dst(%dma_wait3A_1290 : memref<512xi32, #tpu.memory_space<hbm>>)
    %dma_wait3A_1291 = arith.constant 0 : i32
    %dma_wait3A_1292 = tpu.memref_slice %arg7[%dma_wait3A_1291] : memref<16384xf32, #tpu.memory_space<hbm>> -> memref<512xf32, #tpu.memory_space<hbm>>
    %dma_wait3A_1293 = arith.constant 0 : i32
    %dma_wait3A_1294 = tpu.memref_slice %arg7[%dma_wait3A_1293] : memref<16384xf32, #tpu.memory_space<hbm>> -> memref<512xf32, #tpu.memory_space<hbm>>
    tpu.wait_dma2 semaphore(%arg15 : memref<!tpu.dma_semaphore, #tpu.memory_space<semaphore_mem>>) src(%arg13 : memref<512xf32, #tpu.memory_space<vmem>>) dst(%dma_wait3A_1294 : memref<512xf32, #tpu.memory_space<hbm>>)
    return
  }
}

module attributes {stable_mosaic.version = 14 : i64} {
  func.func @_router_body(%arg0: i32, %arg1: memref<1024x768xf32, #tpu.memory_space<vmem>>, %arg2: memref<768x64xf32, #tpu.memory_space<vmem>>, %arg3: memref<1024x1024xbf16, #tpu.memory_space<vmem>>, %arg4: memref<1024x2xi32, #tpu.memory_space<vmem>>, %arg5: memref<1024x384xi32, #tpu.memory_space<vmem>>, %arg6: memref<1x1x64xf32, #tpu.memory_space<vmem>>, %arg7: memref<1x1x64xf32, #tpu.memory_space<vmem>>) attributes {dimension_semantics = [#tpu.dimension_semantics<parallel>], iteration_bounds = array<i64: 8>, scalar_prefetch = 0 : i64, scratch_operands = 0 : i64, tpu.core_type = #tpu.core_type<tc>, window_params = [{transform_indices = @transform_0, window_bounds = array<i64: 1024, 768>}, {pipeline_mode = #tpu.pipeline_mode<synchronous>, transform_indices = @transform_1, window_bounds = array<i64: 768, 64>}, {pipeline_mode = #tpu.pipeline_mode<synchronous>, transform_indices = @transform_2, window_bounds = array<i64: 1024, 1024>}, {transform_indices = @transform_3, window_bounds = array<i64: 1024, 2>}, {transform_indices = @transform_4, window_bounds = array<i64: 1024, 384>}, {transform_indices = @transform_5, window_bounds = array<i64: 1, 1, 64>}, {transform_indices = @transform_6, window_bounds = array<i64: 1, 1, 64>}]} {
    %get3A = arith.constant 0 : index
    %get3A_0 = arith.constant 0 : index
    %get3A_1 = vector.load %arg1[%get3A, %get3A_0] : memref<1024x768xf32, #tpu.memory_space<vmem>>, vector<1024x768xf32>
    %get3A_2 = arith.constant 0 : index
    %get3A_3 = arith.constant 0 : index
    %get3A_4 = vector.load %arg2[%get3A_2, %get3A_3] : memref<768x64xf32, #tpu.memory_space<vmem>>, vector<768x64xf32>
    %convert_element_type3A = arith.truncf %get3A_1 : vector<1024x768xf32> to vector<1024x768xbf16>
    %slice3A = vector.extract_strided_slice %convert_element_type3A {offsets = [0, 0], sizes = [1024, 384], strides = [1, 1]} : vector<1024x768xbf16> to vector<1024x384xbf16>
    %bitcast_convert_type3A = tpu.bitcast %slice3A : vector<1024x384xbf16> -> vector<1024x384xi16>
    %slice3A_5 = vector.extract_strided_slice %convert_element_type3A {offsets = [0, 384], sizes = [1024, 384], strides = [1, 1]} : vector<1024x768xbf16> to vector<1024x384xbf16>
    %bitcast_convert_type3A_6 = tpu.bitcast %slice3A_5 : vector<1024x384xbf16> -> vector<1024x384xi16>
    %convert_element_type3A_7 = arith.extui %bitcast_convert_type3A : vector<1024x384xi16> to vector<1024x384xi32>
    %convert_element_type3A_8 = arith.extui %bitcast_convert_type3A_6 : vector<1024x384xi16> to vector<1024x384xi32>
    %shift_left3A = arith.constant 16 : i32
    %shift_left3A_9 = vector.broadcast %shift_left3A : i32 to vector<1024x384xi32>
    %shift_left3A_10 = arith.shli %convert_element_type3A_8, %shift_left3A_9 : vector<1024x384xi32>
    %or3A = arith.ori %convert_element_type3A_7, %shift_left3A_10 : vector<1024x384xi32>
    %bitcast_convert_type3A_11 = tpu.bitcast %or3A : vector<1024x384xi32> -> vector<1024x384xi32>
    %swap3A = arith.constant 0 : index
    %swap3A_12 = arith.constant 0 : index
    %swap3A_13 = vector.load %arg5[%swap3A, %swap3A_12] : memref<1024x384xi32, #tpu.memory_space<vmem>>, vector<1024x384xi32>
    tpu.vector_store %arg5[%swap3A, %swap3A_12], %bitcast_convert_type3A_11 {strides = array<i32>} : memref<1024x384xi32, #tpu.memory_space<vmem>>, vector<1024x384xi32>,
    %dot_general3A = arith.constant dense<0.000000e+00> : vector<1024x64xf32>
    %dot_general3A_14 = tpu.matmul %get3A_1, %get3A_4, %dot_general3A {dimension_numbers = #tpu.dot_dimension_numbers<[1], [0], [0], [1], [0, 0, 1, 1], [], []>, transpose_lhs_hint = false} : vector<1024x768xf32>, vector<768x64xf32>, vector<1024x64xf32> -> vector<1024x64xf32>
    %reduce_max3A = arith.constant dense<0xFF800000> : vector<1024xf32>
    %reduce_max3A_15 = vector.multi_reduction <maximumf>, %dot_general3A_14, %reduce_max3A [1] : vector<1024x64xf32> to vector<1024xf32>
    %broadcast_in_dim3A = vector.shape_cast %reduce_max3A_15 : vector<1024xf32> to vector<1024x1xf32>
    %sub3A = vector.broadcast %broadcast_in_dim3A : vector<1024x1xf32> to vector<1024x64xf32>
    %sub3A_16 = arith.subf %dot_general3A_14, %sub3A : vector<1024x64xf32>
    %exp3A = math.exp %sub3A_16 : vector<1024x64xf32>
    %reduce_sum3A = arith.constant dense<0.000000e+00> : vector<1024xf32>
    %reduce_sum3A_17 = vector.multi_reduction <add>, %exp3A, %reduce_sum3A [1] : vector<1024x64xf32> to vector<1024xf32>
    %broadcast_in_dim3A_18 = vector.shape_cast %reduce_sum3A_17 : vector<1024xf32> to vector<1024x1xf32>
    %div3A = vector.broadcast %broadcast_in_dim3A_18 : vector<1024x1xf32> to vector<1024x64xf32>
    %div3A_19 = arith.divf %exp3A, %div3A : vector<1024x64xf32>
    %iota3A = tpu.iota {dimensions = array<i32: 1>} : vector<1024x64xi32>
    %reduce_max3A_20 = arith.constant dense<0xFF800000> : vector<1024xf32>
    %reduce_max3A_21 = vector.multi_reduction <maximumf>, %div3A_19, %reduce_max3A_20 [1] : vector<1024x64xf32> to vector<1024xf32>
    %broadcast_in_dim3A_22 = vector.shape_cast %reduce_max3A_21 : vector<1024xf32> to vector<1024x1xf32>
    %eq3A = vector.broadcast %broadcast_in_dim3A_22 : vector<1024x1xf32> to vector<1024x64xf32>
    %eq3A_23 = arith.cmpf oeq, %div3A_19, %eq3A : vector<1024x64xf32>
    %jit3A = arith.constant 64 : i32
    %broadcast_in_dim3A_24 = vector.broadcast %jit3A : i32 to vector<1024x64xi32>
    %select_n3A = arith.select %eq3A_23, %iota3A, %broadcast_in_dim3A_24 : vector<1024x64xi1>, vector<1024x64xi32>
    %reduce_min3A = arith.constant dense<2147483647> : vector<1024xi32>
    %reduce_min3A_25 = vector.multi_reduction <minsi>, %select_n3A, %reduce_min3A [1] : vector<1024x64xi32> to vector<1024xi32>
    %broadcast_in_dim3A_26 = vector.shape_cast %reduce_min3A_25 : vector<1024xi32> to vector<1024x1xi32>
    %eq3A_27 = vector.broadcast %broadcast_in_dim3A_26 : vector<1024x1xi32> to vector<1024x64xi32>
    %eq3A_28 = arith.cmpi eq, %iota3A, %eq3A_27 : vector<1024x64xi32>
    %jit3A_29 = arith.constant -1.000000e+00 : f32
    %broadcast_in_dim3A_30 = vector.broadcast %jit3A_29 : f32 to vector<1024x64xf32>
    %select_n3A_31 = arith.select %eq3A_28, %broadcast_in_dim3A_30, %div3A_19 : vector<1024x64xi1>, vector<1024x64xf32>
    %reduce_max3A_32 = arith.constant dense<0xFF800000> : vector<1024xf32>
    %reduce_max3A_33 = vector.multi_reduction <maximumf>, %select_n3A_31, %reduce_max3A_32 [1] : vector<1024x64xf32> to vector<1024xf32>
    %broadcast_in_dim3A_34 = vector.shape_cast %reduce_max3A_33 : vector<1024xf32> to vector<1024x1xf32>
    %eq3A_35 = vector.broadcast %broadcast_in_dim3A_34 : vector<1024x1xf32> to vector<1024x64xf32>
    %eq3A_36 = arith.cmpf oeq, %select_n3A_31, %eq3A_35 : vector<1024x64xf32>
    %jit3A_37 = arith.constant 64 : i32
    %broadcast_in_dim3A_38 = vector.broadcast %jit3A_37 : i32 to vector<1024x64xi32>
    %select_n3A_39 = arith.select %eq3A_36, %iota3A, %broadcast_in_dim3A_38 : vector<1024x64xi1>, vector<1024x64xi32>
    %reduce_min3A_40 = arith.constant dense<2147483647> : vector<1024xi32>
    %reduce_min3A_41 = vector.multi_reduction <minsi>, %select_n3A_39, %reduce_min3A_40 [1] : vector<1024x64xi32> to vector<1024xi32>
    %broadcast_in_dim3A_42 = vector.shape_cast %reduce_min3A_41 : vector<1024xi32> to vector<1024x1xi32>
    %eq3A_43 = vector.broadcast %broadcast_in_dim3A_26 : vector<1024x1xi32> to vector<1024x64xi32>
    %eq3A_44 = arith.cmpi eq, %iota3A, %eq3A_43 : vector<1024x64xi32>
    %convert_element_type3A_45 = arith.extui %eq3A_44 : vector<1024x64xi1> to vector<1024x64xi32>
    %convert_element_type3A_46 = arith.sitofp %convert_element_type3A_45 : vector<1024x64xi32> to vector<1024x64xf32>
    %eq3A_47 = vector.broadcast %broadcast_in_dim3A_42 : vector<1024x1xi32> to vector<1024x64xi32>
    %eq3A_48 = arith.cmpi eq, %iota3A, %eq3A_47 : vector<1024x64xi32>
    %convert_element_type3A_49 = arith.extui %eq3A_48 : vector<1024x64xi1> to vector<1024x64xi32>
    %convert_element_type3A_50 = arith.sitofp %convert_element_type3A_49 : vector<1024x64xi32> to vector<1024x64xf32>
    %add3A = arith.addf %convert_element_type3A_46, %convert_element_type3A_50 : vector<1024x64xf32>
    %get3A_51 = arith.constant 0 : index
    %get3A_52 = arith.constant 0 : index
    %get3A_53 = vector.load %arg3[%get3A_51, %get3A_52] : memref<1024x1024xbf16, #tpu.memory_space<vmem>>, vector<1024x1024xbf16>
    %convert_element_type3A_54 = arith.truncf %add3A : vector<1024x64xf32> to vector<1024x64xbf16>
    %dot_general3A_55 = arith.constant dense<0.000000e+00> : vector<1024x64xf32>
    %dot_general3A_56 = tpu.matmul %get3A_53, %convert_element_type3A_54, %dot_general3A_55 {dimension_numbers = #tpu.dot_dimension_numbers<[1], [0], [0], [1], [0, 0, 1, 1], [], []>, transpose_lhs_hint = false} : vector<1024x1024xbf16>, vector<1024x64xbf16>, vector<1024x64xf32> -> vector<1024x64xf32>
    %eq3A_57 = vector.broadcast %broadcast_in_dim3A_26 : vector<1024x1xi32> to vector<1024x64xi32>
    %eq3A_58 = arith.cmpi eq, %iota3A, %eq3A_57 : vector<1024x64xi32>
    %jit3A_59 = arith.constant 0.000000e+00 : f32
    %broadcast_in_dim3A_60 = vector.broadcast %jit3A_59 : f32 to vector<1024x64xf32>
    %select_n3A_61 = arith.select %eq3A_58, %dot_general3A_56, %broadcast_in_dim3A_60 : vector<1024x64xi1>, vector<1024x64xf32>
    %reduce_sum3A_62 = arith.constant dense<0.000000e+00> : vector<1024xf32>
    %reduce_sum3A_63 = vector.multi_reduction <add>, %select_n3A_61, %reduce_sum3A_62 [1] : vector<1024x64xf32> to vector<1024xf32>
    %broadcast_in_dim3A_64 = vector.shape_cast %reduce_sum3A_63 : vector<1024xf32> to vector<1024x1xf32>
    %eq3A_65 = vector.broadcast %broadcast_in_dim3A_42 : vector<1024x1xi32> to vector<1024x64xi32>
    %eq3A_66 = arith.cmpi eq, %iota3A, %eq3A_65 : vector<1024x64xi32>
    %jit3A_67 = arith.constant 0.000000e+00 : f32
    %broadcast_in_dim3A_68 = vector.broadcast %jit3A_67 : f32 to vector<1024x64xf32>
    %select_n3A_69 = arith.select %eq3A_66, %dot_general3A_56, %broadcast_in_dim3A_68 : vector<1024x64xi1>, vector<1024x64xf32>
    %reduce_sum3A_70 = arith.constant dense<0.000000e+00> : vector<1024xf32>
    %reduce_sum3A_71 = vector.multi_reduction <add>, %select_n3A_69, %reduce_sum3A_70 [1] : vector<1024x64xf32> to vector<1024xf32>
    %broadcast_in_dim3A_72 = vector.shape_cast %reduce_sum3A_71 : vector<1024xf32> to vector<1024x1xf32>
    %concatenate3A = tpu.concatenate %broadcast_in_dim3A_22, %broadcast_in_dim3A_34 in 1 : vector<1024x1xf32>, vector<1024x1xf32> -> vector<1024x2xf32>
    %convert_element_type3A_73 = arith.truncf %concatenate3A : vector<1024x2xf32> to vector<1024x2xbf16>
    %bitcast_convert_type3A_74 = tpu.bitcast %convert_element_type3A_73 : vector<1024x2xbf16> -> vector<1024x2xi16>
    %convert_element_type3A_75 = arith.extui %bitcast_convert_type3A_74 : vector<1024x2xi16> to vector<1024x2xi32>
    %concatenate3A_76 = tpu.concatenate %broadcast_in_dim3A_64, %broadcast_in_dim3A_72 in 1 : vector<1024x1xf32>, vector<1024x1xf32> -> vector<1024x2xf32>
    %convert_element_type3A_77 = arith.fptoui %concatenate3A_76 : vector<1024x2xf32> to vector<1024x2xi32>
    %concatenate3A_78 = tpu.concatenate %broadcast_in_dim3A_26, %broadcast_in_dim3A_42 in 1 : vector<1024x1xi32>, vector<1024x1xi32> -> vector<1024x2xi32>
    %shift_left3A_79 = arith.constant 17 : i32
    %shift_left3A_80 = vector.broadcast %shift_left3A_79 : i32 to vector<1024x2xi32>
    %shift_left3A_81 = arith.shli %convert_element_type3A_75, %shift_left3A_80 : vector<1024x2xi32>
    %shift_left3A_82 = arith.constant 6 : i32
    %shift_left3A_83 = vector.broadcast %shift_left3A_82 : i32 to vector<1024x2xi32>
    %shift_left3A_84 = arith.shli %convert_element_type3A_77, %shift_left3A_83 : vector<1024x2xi32>
    %or3A_85 = arith.ori %shift_left3A_81, %shift_left3A_84 : vector<1024x2xi32>
    %or3A_86 = arith.ori %or3A_85, %concatenate3A_78 : vector<1024x2xi32>
    %bitcast_convert_type3A_87 = tpu.bitcast %or3A_86 : vector<1024x2xi32> -> vector<1024x2xi32>
    %swap3A_88 = arith.constant 0 : index
    %swap3A_89 = arith.constant 0 : index
    %swap3A_90 = vector.load %arg4[%swap3A_88, %swap3A_89] : memref<1024x2xi32, #tpu.memory_space<vmem>>, vector<1024x2xi32>
    tpu.vector_store %arg4[%swap3A_88, %swap3A_89], %bitcast_convert_type3A_87 {strides = array<i32>} : memref<1024x2xi32, #tpu.memory_space<vmem>>, vector<1024x2xi32>,
    %reduce_sum3A_91 = arith.constant dense<0.000000e+00> : vector<64xf32>
    %reduce_sum3A_92 = vector.multi_reduction <add>, %div3A_19, %reduce_sum3A_91 [0] : vector<1024x64xf32> to vector<64xf32>
    %broadcast_in_dim3A_93 = vector.shape_cast %reduce_sum3A_92 : vector<64xf32> to vector<1x64xf32>
    %broadcast_in_dim3A_94 = vector.shape_cast %broadcast_in_dim3A_93 : vector<1x64xf32> to vector<1x1x64xf32>
    %swap3A_95 = arith.constant 0 : index
    %swap3A_96 = arith.constant 0 : index
    %swap3A_97 = arith.constant 0 : index
    %swap3A_98 = vector.load %arg6[%swap3A_95, %swap3A_96, %swap3A_97] : memref<1x1x64xf32, #tpu.memory_space<vmem>>, vector<1x1x64xf32>
    tpu.vector_store %arg6[%swap3A_95, %swap3A_96, %swap3A_97], %broadcast_in_dim3A_94 {strides = array<i32>} : memref<1x1x64xf32, #tpu.memory_space<vmem>>, vector<1x1x64xf32>,
    %reduce_sum3A_99 = arith.constant dense<0.000000e+00> : vector<64xf32>
    %reduce_sum3A_100 = vector.multi_reduction <add>, %add3A, %reduce_sum3A_99 [0] : vector<1024x64xf32> to vector<64xf32>
    %broadcast_in_dim3A_101 = vector.shape_cast %reduce_sum3A_100 : vector<64xf32> to vector<1x64xf32>
    %broadcast_in_dim3A_102 = vector.shape_cast %broadcast_in_dim3A_101 : vector<1x64xf32> to vector<1x1x64xf32>
    %swap3A_103 = arith.constant 0 : index
    %swap3A_104 = arith.constant 0 : index
    %swap3A_105 = arith.constant 0 : index
    %swap3A_106 = vector.load %arg7[%swap3A_103, %swap3A_104, %swap3A_105] : memref<1x1x64xf32, #tpu.memory_space<vmem>>, vector<1x1x64xf32>
    tpu.vector_store %arg7[%swap3A_103, %swap3A_104, %swap3A_105], %broadcast_in_dim3A_102 {strides = array<i32>} : memref<1x1x64xf32, #tpu.memory_space<vmem>>, vector<1x1x64xf32>,
    return
  }
  func.func @transform_0(%arg0: i32) -> (i32, i32) {
    %c0_i32 = arith.constant 0 : i32
    %c0_i32_0 = arith.constant 0 : i32
    return %arg0, %c0_i32 : i32, i32
  }
  func.func @transform_1(%arg0: i32) -> (i32, i32) {
    %c0_i32 = arith.constant 0 : i32
    %c0_i32_0 = arith.constant 0 : i32
    %c0_i32_1 = arith.constant 0 : i32
    return %c0_i32, %c0_i32_0 : i32, i32
  }
  func.func @transform_2(%arg0: i32) -> (i32, i32) {
    %c0_i32 = arith.constant 0 : i32
    %c0_i32_0 = arith.constant 0 : i32
    %c0_i32_1 = arith.constant 0 : i32
    return %c0_i32, %c0_i32_0 : i32, i32
  }
  func.func @transform_3(%arg0: i32) -> (i32, i32) {
    %c0_i32 = arith.constant 0 : i32
    %c0_i32_0 = arith.constant 0 : i32
    return %arg0, %c0_i32 : i32, i32
  }
  func.func @transform_4(%arg0: i32) -> (i32, i32) {
    %c0_i32 = arith.constant 0 : i32
    %c0_i32_0 = arith.constant 0 : i32
    return %arg0, %c0_i32 : i32, i32
  }
  func.func @transform_5(%arg0: i32) -> (i32, i32, i32) {
    %c0_i32 = arith.constant 0 : i32
    %c0_i32_0 = arith.constant 0 : i32
    %c0_i32_1 = arith.constant 0 : i32
    return %arg0, %c0_i32, %c0_i32_0 : i32, i32, i32
  }
  func.func @transform_6(%arg0: i32) -> (i32, i32, i32) {
    %c0_i32 = arith.constant 0 : i32
    %c0_i32_0 = arith.constant 0 : i32
    %c0_i32_1 = arith.constant 0 : i32
    return %arg0, %c0_i32, %c0_i32_0 : i32, i32, i32
  }
}

module attributes {stable_mosaic.version = 14 : i64} {
  func.func @_shared_body(%arg0: i32, %arg1: memref<1024x384xi32, #tpu.memory_space<vmem>>, %arg2: memref<768x1xf32, #tpu.memory_space<vmem>>, %arg3: memref<768x256xf32, #tpu.memory_space<vmem>>, %arg4: memref<256x768xf32, #tpu.memory_space<vmem>>, %arg5: memref<1024x384xi32, #tpu.memory_space<vmem>>) attributes {dimension_semantics = [#tpu.dimension_semantics<parallel>], iteration_bounds = array<i64: 8>, scalar_prefetch = 0 : i64, scratch_operands = 0 : i64, tpu.core_type = #tpu.core_type<tc>, window_params = [{transform_indices = @transform_0, window_bounds = array<i64: 1024, 384>}, {pipeline_mode = #tpu.pipeline_mode<synchronous>, transform_indices = @transform_1, window_bounds = array<i64: 768, 1>}, {pipeline_mode = #tpu.pipeline_mode<synchronous>, transform_indices = @transform_2, window_bounds = array<i64: 768, 256>}, {pipeline_mode = #tpu.pipeline_mode<synchronous>, transform_indices = @transform_3, window_bounds = array<i64: 256, 768>}, {transform_indices = @transform_4, window_bounds = array<i64: 1024, 384>}]} {
    %get3A = arith.constant 0 : index
    %get3A_0 = arith.constant 0 : index
    %get3A_1 = vector.load %arg1[%get3A, %get3A_0] : memref<1024x384xi32, #tpu.memory_space<vmem>>, vector<1024x384xi32>
    %bitcast_convert_type3A = tpu.bitcast %get3A_1 : vector<1024x384xi32> -> vector<1024x384xi32>
    %and3A = arith.constant 65535 : i32
    %and3A_2 = vector.broadcast %and3A : i32 to vector<1024x384xi32>
    %and3A_3 = arith.andi %bitcast_convert_type3A, %and3A_2 : vector<1024x384xi32>
    %convert_element_type3A = arith.trunci %and3A_3 : vector<1024x384xi32> to vector<1024x384xi16>
    %bitcast_convert_type3A_4 = tpu.bitcast %convert_element_type3A : vector<1024x384xi16> -> vector<1024x384xbf16>
    %shift_right_logical3A = arith.constant 16 : i32
    %shift_right_logical3A_5 = vector.broadcast %shift_right_logical3A : i32 to vector<1024x384xi32>
    %shift_right_logical3A_6 = arith.shrui %bitcast_convert_type3A, %shift_right_logical3A_5 : vector<1024x384xi32>
    %convert_element_type3A_7 = arith.trunci %shift_right_logical3A_6 : vector<1024x384xi32> to vector<1024x384xi16>
    %bitcast_convert_type3A_8 = tpu.bitcast %convert_element_type3A_7 : vector<1024x384xi16> -> vector<1024x384xbf16>
    %get3A_9 = arith.constant 0 : index
    %get3A_10 = arith.constant 0 : index
    %get3A_11 = vector.load %arg2[%get3A_9, %get3A_10] : memref<768x1xf32, #tpu.memory_space<vmem>>, vector<768x1xf32>
    %convert_element_type3A_12 = arith.truncf %get3A_11 : vector<768x1xf32> to vector<768x1xbf16>
    %slice3A = vector.extract_strided_slice %convert_element_type3A_12 {offsets = [0, 0], sizes = [384, 1], strides = [1, 1]} : vector<768x1xbf16> to vector<384x1xbf16>
    %dot_general3A = arith.constant dense<0.000000e+00> : vector<1024x1xf32>
    %dot_general3A_13 = tpu.matmul %bitcast_convert_type3A_4, %slice3A, %dot_general3A {dimension_numbers = #tpu.dot_dimension_numbers<[1], [0], [0], [1], [0, 0, 1, 1], [], []>, transpose_lhs_hint = false} : vector<1024x384xbf16>, vector<384x1xbf16>, vector<1024x1xf32> -> vector<1024x1xf32>
    %slice3A_14 = vector.extract_strided_slice %convert_element_type3A_12 {offsets = [384, 0], sizes = [384, 1], strides = [1, 1]} : vector<768x1xbf16> to vector<384x1xbf16>
    %dot_general3A_15 = arith.constant dense<0.000000e+00> : vector<1024x1xf32>
    %dot_general3A_16 = tpu.matmul %bitcast_convert_type3A_8, %slice3A_14, %dot_general3A_15 {dimension_numbers = #tpu.dot_dimension_numbers<[1], [0], [0], [1], [0, 0, 1, 1], [], []>, transpose_lhs_hint = false} : vector<1024x384xbf16>, vector<384x1xbf16>, vector<1024x1xf32> -> vector<1024x1xf32>
    %add3A = arith.addf %dot_general3A_13, %dot_general3A_16 : vector<1024x1xf32>
    %neg3A = arith.constant 0.000000e+00 : f32
    %neg3A_17 = vector.broadcast %neg3A : f32 to vector<1024x1xf32>
    %neg3A_18 = arith.subf %neg3A_17, %add3A : vector<1024x1xf32>
    %exp3A = math.exp %neg3A_18 : vector<1024x1xf32>
    %add3A_19 = arith.constant 1.000000e+00 : f32
    %add3A_20 = vector.broadcast %add3A_19 : f32 to vector<1024x1xf32>
    %add3A_21 = arith.addf %add3A_20, %exp3A : vector<1024x1xf32>
    %div3A = arith.constant 1.000000e+00 : f32
    %div3A_22 = vector.broadcast %div3A : f32 to vector<1024x1xf32>
    %div3A_23 = arith.divf %div3A_22, %add3A_21 : vector<1024x1xf32>
    %get3A_24 = arith.constant 0 : index
    %get3A_25 = arith.constant 0 : index
    %get3A_26 = vector.load %arg3[%get3A_24, %get3A_25] : memref<768x256xf32, #tpu.memory_space<vmem>>, vector<768x256xf32>
    %convert_element_type3A_27 = arith.truncf %get3A_26 : vector<768x256xf32> to vector<768x256xbf16>
    %slice3A_28 = vector.extract_strided_slice %convert_element_type3A_27 {offsets = [0, 0], sizes = [384, 256], strides = [1, 1]} : vector<768x256xbf16> to vector<384x256xbf16>
    %dot_general3A_29 = arith.constant dense<0.000000e+00> : vector<1024x256xf32>
    %dot_general3A_30 = tpu.matmul %bitcast_convert_type3A_4, %slice3A_28, %dot_general3A_29 {dimension_numbers = #tpu.dot_dimension_numbers<[1], [0], [0], [1], [0, 0, 1, 1], [], []>, transpose_lhs_hint = false} : vector<1024x384xbf16>, vector<384x256xbf16>, vector<1024x256xf32> -> vector<1024x256xf32>
    %slice3A_31 = vector.extract_strided_slice %convert_element_type3A_27 {offsets = [384, 0], sizes = [384, 256], strides = [1, 1]} : vector<768x256xbf16> to vector<384x256xbf16>
    %dot_general3A_32 = arith.constant dense<0.000000e+00> : vector<1024x256xf32>
    %dot_general3A_33 = tpu.matmul %bitcast_convert_type3A_8, %slice3A_31, %dot_general3A_32 {dimension_numbers = #tpu.dot_dimension_numbers<[1], [0], [0], [1], [0, 0, 1, 1], [], []>, transpose_lhs_hint = false} : vector<1024x384xbf16>, vector<384x256xbf16>, vector<1024x256xf32> -> vector<1024x256xf32>
    %add3A_34 = arith.addf %dot_general3A_30, %dot_general3A_33 : vector<1024x256xf32>
    %mul3A = arith.constant 5.000000e-01 : f32
    %mul3A_35 = vector.broadcast %mul3A : f32 to vector<1024x256xf32>
    %mul3A_36 = arith.mulf %mul3A_35, %add3A_34 : vector<1024x256xf32>
    %mul3A_37 = arith.constant 0.707106769 : f32
    %mul3A_38 = vector.broadcast %mul3A_37 : f32 to vector<1024x256xf32>
    %mul3A_39 = arith.mulf %add3A_34, %mul3A_38 : vector<1024x256xf32>
    %abs3A = math.absf %mul3A_39 : vector<1024x256xf32>
    %mul3A_40 = arith.constant 0.327591091 : f32
    %mul3A_41 = vector.broadcast %mul3A_40 : f32 to vector<1024x256xf32>
    %mul3A_42 = arith.mulf %mul3A_41, %abs3A : vector<1024x256xf32>
    %add3A_43 = arith.constant 1.000000e+00 : f32
    %add3A_44 = vector.broadcast %add3A_43 : f32 to vector<1024x256xf32>
    %add3A_45 = arith.addf %add3A_44, %mul3A_42 : vector<1024x256xf32>
    %div3A_46 = arith.constant 1.000000e+00 : f32
    %div3A_47 = vector.broadcast %div3A_46 : f32 to vector<1024x256xf32>
    %div3A_48 = arith.divf %div3A_47, %add3A_45 : vector<1024x256xf32>
    %mul3A_49 = arith.constant 1.06140542 : f32
    %mul3A_50 = vector.broadcast %mul3A_49 : f32 to vector<1024x256xf32>
    %mul3A_51 = arith.mulf %mul3A_50, %div3A_48 : vector<1024x256xf32>
    %add3A_52 = arith.constant -1.45315206 : f32
    %add3A_53 = vector.broadcast %add3A_52 : f32 to vector<1024x256xf32>
    %add3A_54 = arith.addf %mul3A_51, %add3A_53 : vector<1024x256xf32>
    %mul3A_55 = arith.mulf %add3A_54, %div3A_48 : vector<1024x256xf32>
    %add3A_56 = arith.constant 1.42141378 : f32
    %add3A_57 = vector.broadcast %add3A_56 : f32 to vector<1024x256xf32>
    %add3A_58 = arith.addf %mul3A_55, %add3A_57 : vector<1024x256xf32>
    %mul3A_59 = arith.mulf %add3A_58, %div3A_48 : vector<1024x256xf32>
    %add3A_60 = arith.constant -0.284496725 : f32
    %add3A_61 = vector.broadcast %add3A_60 : f32 to vector<1024x256xf32>
    %add3A_62 = arith.addf %mul3A_59, %add3A_61 : vector<1024x256xf32>
    %mul3A_63 = arith.mulf %add3A_62, %div3A_48 : vector<1024x256xf32>
    %add3A_64 = arith.constant 0.254829586 : f32
    %add3A_65 = vector.broadcast %add3A_64 : f32 to vector<1024x256xf32>
    %add3A_66 = arith.addf %mul3A_63, %add3A_65 : vector<1024x256xf32>
    %mul3A_67 = arith.mulf %add3A_66, %div3A_48 : vector<1024x256xf32>
    %neg3A_68 = arith.constant 0.000000e+00 : f32
    %neg3A_69 = vector.broadcast %neg3A_68 : f32 to vector<1024x256xf32>
    %neg3A_70 = arith.subf %neg3A_69, %abs3A : vector<1024x256xf32>
    %mul3A_71 = arith.mulf %neg3A_70, %abs3A : vector<1024x256xf32>
    %exp3A_72 = math.exp %mul3A_71 : vector<1024x256xf32>
    %mul3A_73 = arith.mulf %mul3A_67, %exp3A_72 : vector<1024x256xf32>
    %sub3A = arith.constant 1.000000e+00 : f32
    %sub3A_74 = vector.broadcast %sub3A : f32 to vector<1024x256xf32>
    %sub3A_75 = arith.subf %sub3A_74, %mul3A_73 : vector<1024x256xf32>
    %sign3A = tpu.bitcast %mul3A_39 : vector<1024x256xf32> -> vector<1024x256xi32>
    %sign3A_76 = arith.constant -2147483648 : i32
    %sign3A_77 = vector.broadcast %sign3A_76 : i32 to vector<1024x256xi32>
    %sign3A_78 = arith.andi %sign3A, %sign3A_77 : vector<1024x256xi32>
    %sign3A_79 = arith.constant 1065353216 : i32
    %sign3A_80 = vector.broadcast %sign3A_79 : i32 to vector<1024x256xi32>
    %sign3A_81 = arith.ori %sign3A_80, %sign3A_78 : vector<1024x256xi32>
    %sign3A_82 = tpu.bitcast %sign3A_81 : vector<1024x256xi32> -> vector<1024x256xf32>
    %sign3A_83 = math.absf %mul3A_39 : vector<1024x256xf32>
    %sign3A_84 = arith.constant 0.000000e+00 : f32
    %sign3A_85 = vector.broadcast %sign3A_84 : f32 to vector<1024x256xf32>
    %sign3A_86 = arith.cmpf ogt, %sign3A_83, %sign3A_85 : vector<1024x256xf32>
    %sign3A_87 = arith.select %sign3A_86, %sign3A_82, %mul3A_39 : vector<1024x256xi1>, vector<1024x256xf32>
    %mul3A_88 = arith.mulf %sign3A_87, %sub3A_75 : vector<1024x256xf32>
    %add3A_89 = arith.constant 1.000000e+00 : f32
    %add3A_90 = vector.broadcast %add3A_89 : f32 to vector<1024x256xf32>
    %add3A_91 = arith.addf %add3A_90, %mul3A_88 : vector<1024x256xf32>
    %mul3A_92 = arith.mulf %mul3A_36, %add3A_91 : vector<1024x256xf32>
    %convert_element_type3A_93 = arith.truncf %mul3A_92 : vector<1024x256xf32> to vector<1024x256xbf16>
    %get3A_94 = arith.constant 0 : index
    %get3A_95 = arith.constant 0 : index
    %get3A_96 = vector.load %arg4[%get3A_94, %get3A_95] : memref<256x768xf32, #tpu.memory_space<vmem>>, vector<256x768xf32>
    %convert_element_type3A_97 = arith.truncf %get3A_96 : vector<256x768xf32> to vector<256x768xbf16>
    %slice3A_98 = vector.extract_strided_slice %convert_element_type3A_97 {offsets = [0, 0], sizes = [256, 384], strides = [1, 1]} : vector<256x768xbf16> to vector<256x384xbf16>
    %dot_general3A_99 = arith.constant dense<0.000000e+00> : vector<1024x384xf32>
    %dot_general3A_100 = tpu.matmul %convert_element_type3A_93, %slice3A_98, %dot_general3A_99 {dimension_numbers = #tpu.dot_dimension_numbers<[1], [0], [0], [1], [0, 0, 1, 1], [], []>, transpose_lhs_hint = false} : vector<1024x256xbf16>, vector<256x384xbf16>, vector<1024x384xf32> -> vector<1024x384xf32>
    %mul3A_101 = vector.broadcast %div3A_23 : vector<1024x1xf32> to vector<1024x384xf32>
    %mul3A_102 = arith.mulf %mul3A_101, %dot_general3A_100 : vector<1024x384xf32>
    %slice3A_103 = vector.extract_strided_slice %convert_element_type3A_97 {offsets = [0, 384], sizes = [256, 384], strides = [1, 1]} : vector<256x768xbf16> to vector<256x384xbf16>
    %dot_general3A_104 = arith.constant dense<0.000000e+00> : vector<1024x384xf32>
    %dot_general3A_105 = tpu.matmul %convert_element_type3A_93, %slice3A_103, %dot_general3A_104 {dimension_numbers = #tpu.dot_dimension_numbers<[1], [0], [0], [1], [0, 0, 1, 1], [], []>, transpose_lhs_hint = false} : vector<1024x256xbf16>, vector<256x384xbf16>, vector<1024x384xf32> -> vector<1024x384xf32>
    %mul3A_106 = vector.broadcast %div3A_23 : vector<1024x1xf32> to vector<1024x384xf32>
    %mul3A_107 = arith.mulf %mul3A_106, %dot_general3A_105 : vector<1024x384xf32>
    %convert_element_type3A_108 = arith.truncf %mul3A_102 : vector<1024x384xf32> to vector<1024x384xbf16>
    %bitcast_convert_type3A_109 = tpu.bitcast %convert_element_type3A_108 : vector<1024x384xbf16> -> vector<1024x384xi16>
    %convert_element_type3A_110 = arith.truncf %mul3A_107 : vector<1024x384xf32> to vector<1024x384xbf16>
    %bitcast_convert_type3A_111 = tpu.bitcast %convert_element_type3A_110 : vector<1024x384xbf16> -> vector<1024x384xi16>
    %convert_element_type3A_112 = arith.extui %bitcast_convert_type3A_109 : vector<1024x384xi16> to vector<1024x384xi32>
    %convert_element_type3A_113 = arith.extui %bitcast_convert_type3A_111 : vector<1024x384xi16> to vector<1024x384xi32>
    %shift_left3A = arith.constant 16 : i32
    %shift_left3A_114 = vector.broadcast %shift_left3A : i32 to vector<1024x384xi32>
    %shift_left3A_115 = arith.shli %convert_element_type3A_113, %shift_left3A_114 : vector<1024x384xi32>
    %or3A = arith.ori %convert_element_type3A_112, %shift_left3A_115 : vector<1024x384xi32>
    %bitcast_convert_type3A_116 = tpu.bitcast %or3A : vector<1024x384xi32> -> vector<1024x384xi32>
    %swap3A = arith.constant 0 : index
    %swap3A_117 = arith.constant 0 : index
    %swap3A_118 = vector.load %arg5[%swap3A, %swap3A_117] : memref<1024x384xi32, #tpu.memory_space<vmem>>, vector<1024x384xi32>
    tpu.vector_store %arg5[%swap3A, %swap3A_117], %bitcast_convert_type3A_116 {strides = array<i32>} : memref<1024x384xi32, #tpu.memory_space<vmem>>, vector<1024x384xi32>,
    return
  }
  func.func @transform_0(%arg0: i32) -> (i32, i32) {
    %c0_i32 = arith.constant 0 : i32
    %c0_i32_0 = arith.constant 0 : i32
    return %arg0, %c0_i32 : i32, i32
  }
  func.func @transform_1(%arg0: i32) -> (i32, i32) {
    %c0_i32 = arith.constant 0 : i32
    %c0_i32_0 = arith.constant 0 : i32
    %c0_i32_1 = arith.constant 0 : i32
    return %c0_i32, %c0_i32_0 : i32, i32
  }
  func.func @transform_2(%arg0: i32) -> (i32, i32) {
    %c0_i32 = arith.constant 0 : i32
    %c0_i32_0 = arith.constant 0 : i32
    %c0_i32_1 = arith.constant 0 : i32
    return %c0_i32, %c0_i32_0 : i32, i32
  }
  func.func @transform_3(%arg0: i32) -> (i32, i32) {
    %c0_i32 = arith.constant 0 : i32
    %c0_i32_0 = arith.constant 0 : i32
    %c0_i32_1 = arith.constant 0 : i32
    return %c0_i32, %c0_i32_0 : i32, i32
  }
  func.func @transform_4(%arg0: i32) -> (i32, i32) {
    %c0_i32 = arith.constant 0 : i32
    %c0_i32_0 = arith.constant 0 : i32
    return %arg0, %c0_i32 : i32, i32
  }
}

module attributes {stable_mosaic.version = 14 : i64} {
  func.func @_expert_body(%arg0: i32, %arg1: memref<320x384xi32, #tpu.memory_space<vmem>>, %arg2: memref<1x768x128xf32, #tpu.memory_space<vmem>>, %arg3: memref<1x128x768xf32, #tpu.memory_space<vmem>>, %arg4: memref<320x384xi32, #tpu.memory_space<vmem>>) attributes {dimension_semantics = [#tpu.dimension_semantics<parallel>], iteration_bounds = array<i64: 64>, scalar_prefetch = 0 : i64, scratch_operands = 0 : i64, tpu.core_type = #tpu.core_type<tc>, window_params = [{transform_indices = @transform_0, window_bounds = array<i64: 320, 384>}, {transform_indices = @transform_1, window_bounds = array<i64: 1, 768, 128>}, {transform_indices = @transform_2, window_bounds = array<i64: 1, 128, 768>}, {transform_indices = @transform_3, window_bounds = array<i64: 320, 384>}]} {
    %get3A = arith.constant 0 : index
    %get3A_0 = arith.constant 0 : index
    %get3A_1 = vector.load %arg1[%get3A, %get3A_0] : memref<320x384xi32, #tpu.memory_space<vmem>>, vector<320x384xi32>
    %bitcast_convert_type3A = tpu.bitcast %get3A_1 : vector<320x384xi32> -> vector<320x384xi32>
    %and3A = arith.constant 65535 : i32
    %and3A_2 = vector.broadcast %and3A : i32 to vector<320x384xi32>
    %and3A_3 = arith.andi %bitcast_convert_type3A, %and3A_2 : vector<320x384xi32>
    %convert_element_type3A = arith.trunci %and3A_3 : vector<320x384xi32> to vector<320x384xi16>
    %bitcast_convert_type3A_4 = tpu.bitcast %convert_element_type3A : vector<320x384xi16> -> vector<320x384xbf16>
    %shift_right_logical3A = arith.constant 16 : i32
    %shift_right_logical3A_5 = vector.broadcast %shift_right_logical3A : i32 to vector<320x384xi32>
    %shift_right_logical3A_6 = arith.shrui %bitcast_convert_type3A, %shift_right_logical3A_5 : vector<320x384xi32>
    %convert_element_type3A_7 = arith.trunci %shift_right_logical3A_6 : vector<320x384xi32> to vector<320x384xi16>
    %bitcast_convert_type3A_8 = tpu.bitcast %convert_element_type3A_7 : vector<320x384xi16> -> vector<320x384xbf16>
    %get3A_9 = arith.constant 0 : index
    %get3A_10 = arith.constant 0 : index
    %get3A_11 = arith.constant 0 : index
    %get3A_12 = vector.load %arg2[%get3A_9, %get3A_10, %get3A_11] : memref<1x768x128xf32, #tpu.memory_space<vmem>>, vector<1x768x128xf32>
    %get3A_13 = vector.shape_cast %get3A_12 : vector<1x768x128xf32> to vector<768x128xf32>
    %convert_element_type3A_14 = arith.truncf %get3A_13 : vector<768x128xf32> to vector<768x128xbf16>
    %slice3A = vector.extract_strided_slice %convert_element_type3A_14 {offsets = [0, 0], sizes = [384, 128], strides = [1, 1]} : vector<768x128xbf16> to vector<384x128xbf16>
    %dot_general3A = arith.constant dense<0.000000e+00> : vector<320x128xf32>
    %dot_general3A_15 = tpu.matmul %bitcast_convert_type3A_4, %slice3A, %dot_general3A {dimension_numbers = #tpu.dot_dimension_numbers<[1], [0], [0], [1], [0, 0, 1, 1], [], []>, transpose_lhs_hint = false} : vector<320x384xbf16>, vector<384x128xbf16>, vector<320x128xf32> -> vector<320x128xf32>
    %slice3A_16 = vector.extract_strided_slice %convert_element_type3A_14 {offsets = [384, 0], sizes = [384, 128], strides = [1, 1]} : vector<768x128xbf16> to vector<384x128xbf16>
    %dot_general3A_17 = arith.constant dense<0.000000e+00> : vector<320x128xf32>
    %dot_general3A_18 = tpu.matmul %bitcast_convert_type3A_8, %slice3A_16, %dot_general3A_17 {dimension_numbers = #tpu.dot_dimension_numbers<[1], [0], [0], [1], [0, 0, 1, 1], [], []>, transpose_lhs_hint = false} : vector<320x384xbf16>, vector<384x128xbf16>, vector<320x128xf32> -> vector<320x128xf32>
    %add3A = arith.addf %dot_general3A_15, %dot_general3A_18 : vector<320x128xf32>
    %mul3A = arith.constant 5.000000e-01 : f32
    %mul3A_19 = vector.broadcast %mul3A : f32 to vector<320x128xf32>
    %mul3A_20 = arith.mulf %mul3A_19, %add3A : vector<320x128xf32>
    %mul3A_21 = arith.constant 0.707106769 : f32
    %mul3A_22 = vector.broadcast %mul3A_21 : f32 to vector<320x128xf32>
    %mul3A_23 = arith.mulf %add3A, %mul3A_22 : vector<320x128xf32>
    %abs3A = math.absf %mul3A_23 : vector<320x128xf32>
    %mul3A_24 = arith.constant 0.327591091 : f32
    %mul3A_25 = vector.broadcast %mul3A_24 : f32 to vector<320x128xf32>
    %mul3A_26 = arith.mulf %mul3A_25, %abs3A : vector<320x128xf32>
    %add3A_27 = arith.constant 1.000000e+00 : f32
    %add3A_28 = vector.broadcast %add3A_27 : f32 to vector<320x128xf32>
    %add3A_29 = arith.addf %add3A_28, %mul3A_26 : vector<320x128xf32>
    %div3A = arith.constant 1.000000e+00 : f32
    %div3A_30 = vector.broadcast %div3A : f32 to vector<320x128xf32>
    %div3A_31 = arith.divf %div3A_30, %add3A_29 : vector<320x128xf32>
    %mul3A_32 = arith.constant 1.06140542 : f32
    %mul3A_33 = vector.broadcast %mul3A_32 : f32 to vector<320x128xf32>
    %mul3A_34 = arith.mulf %mul3A_33, %div3A_31 : vector<320x128xf32>
    %add3A_35 = arith.constant -1.45315206 : f32
    %add3A_36 = vector.broadcast %add3A_35 : f32 to vector<320x128xf32>
    %add3A_37 = arith.addf %mul3A_34, %add3A_36 : vector<320x128xf32>
    %mul3A_38 = arith.mulf %add3A_37, %div3A_31 : vector<320x128xf32>
    %add3A_39 = arith.constant 1.42141378 : f32
    %add3A_40 = vector.broadcast %add3A_39 : f32 to vector<320x128xf32>
    %add3A_41 = arith.addf %mul3A_38, %add3A_40 : vector<320x128xf32>
    %mul3A_42 = arith.mulf %add3A_41, %div3A_31 : vector<320x128xf32>
    %add3A_43 = arith.constant -0.284496725 : f32
    %add3A_44 = vector.broadcast %add3A_43 : f32 to vector<320x128xf32>
    %add3A_45 = arith.addf %mul3A_42, %add3A_44 : vector<320x128xf32>
    %mul3A_46 = arith.mulf %add3A_45, %div3A_31 : vector<320x128xf32>
    %add3A_47 = arith.constant 0.254829586 : f32
    %add3A_48 = vector.broadcast %add3A_47 : f32 to vector<320x128xf32>
    %add3A_49 = arith.addf %mul3A_46, %add3A_48 : vector<320x128xf32>
    %mul3A_50 = arith.mulf %add3A_49, %div3A_31 : vector<320x128xf32>
    %neg3A = arith.constant 0.000000e+00 : f32
    %neg3A_51 = vector.broadcast %neg3A : f32 to vector<320x128xf32>
    %neg3A_52 = arith.subf %neg3A_51, %abs3A : vector<320x128xf32>
    %mul3A_53 = arith.mulf %neg3A_52, %abs3A : vector<320x128xf32>
    %exp3A = math.exp %mul3A_53 : vector<320x128xf32>
    %mul3A_54 = arith.mulf %mul3A_50, %exp3A : vector<320x128xf32>
    %sub3A = arith.constant 1.000000e+00 : f32
    %sub3A_55 = vector.broadcast %sub3A : f32 to vector<320x128xf32>
    %sub3A_56 = arith.subf %sub3A_55, %mul3A_54 : vector<320x128xf32>
    %sign3A = tpu.bitcast %mul3A_23 : vector<320x128xf32> -> vector<320x128xi32>
    %sign3A_57 = arith.constant -2147483648 : i32
    %sign3A_58 = vector.broadcast %sign3A_57 : i32 to vector<320x128xi32>
    %sign3A_59 = arith.andi %sign3A, %sign3A_58 : vector<320x128xi32>
    %sign3A_60 = arith.constant 1065353216 : i32
    %sign3A_61 = vector.broadcast %sign3A_60 : i32 to vector<320x128xi32>
    %sign3A_62 = arith.ori %sign3A_61, %sign3A_59 : vector<320x128xi32>
    %sign3A_63 = tpu.bitcast %sign3A_62 : vector<320x128xi32> -> vector<320x128xf32>
    %sign3A_64 = math.absf %mul3A_23 : vector<320x128xf32>
    %sign3A_65 = arith.constant 0.000000e+00 : f32
    %sign3A_66 = vector.broadcast %sign3A_65 : f32 to vector<320x128xf32>
    %sign3A_67 = arith.cmpf ogt, %sign3A_64, %sign3A_66 : vector<320x128xf32>
    %sign3A_68 = arith.select %sign3A_67, %sign3A_63, %mul3A_23 : vector<320x128xi1>, vector<320x128xf32>
    %mul3A_69 = arith.mulf %sign3A_68, %sub3A_56 : vector<320x128xf32>
    %add3A_70 = arith.constant 1.000000e+00 : f32
    %add3A_71 = vector.broadcast %add3A_70 : f32 to vector<320x128xf32>
    %add3A_72 = arith.addf %add3A_71, %mul3A_69 : vector<320x128xf32>
    %mul3A_73 = arith.mulf %mul3A_20, %add3A_72 : vector<320x128xf32>
    %convert_element_type3A_74 = arith.truncf %mul3A_73 : vector<320x128xf32> to vector<320x128xbf16>
    %get3A_75 = arith.constant 0 : index
    %get3A_76 = arith.constant 0 : index
    %get3A_77 = arith.constant 0 : index
    %get3A_78 = vector.load %arg3[%get3A_75, %get3A_76, %get3A_77] : memref<1x128x768xf32, #tpu.memory_space<vmem>>, vector<1x128x768xf32>
    %get3A_79 = vector.shape_cast %get3A_78 : vector<1x128x768xf32> to vector<128x768xf32>
    %convert_element_type3A_80 = arith.truncf %get3A_79 : vector<128x768xf32> to vector<128x768xbf16>
    %slice3A_81 = vector.extract_strided_slice %convert_element_type3A_80 {offsets = [0, 0], sizes = [128, 384], strides = [1, 1]} : vector<128x768xbf16> to vector<128x384xbf16>
    %dot_general3A_82 = arith.constant dense<0.000000e+00> : vector<320x384xf32>
    %dot_general3A_83 = tpu.matmul %convert_element_type3A_74, %slice3A_81, %dot_general3A_82 {dimension_numbers = #tpu.dot_dimension_numbers<[1], [0], [0], [1], [0, 0, 1, 1], [], []>, transpose_lhs_hint = false} : vector<320x128xbf16>, vector<128x384xbf16>, vector<320x384xf32> -> vector<320x384xf32>
    %slice3A_84 = vector.extract_strided_slice %convert_element_type3A_80 {offsets = [0, 384], sizes = [128, 384], strides = [1, 1]} : vector<128x768xbf16> to vector<128x384xbf16>
    %dot_general3A_85 = arith.constant dense<0.000000e+00> : vector<320x384xf32>
    %dot_general3A_86 = tpu.matmul %convert_element_type3A_74, %slice3A_84, %dot_general3A_85 {dimension_numbers = #tpu.dot_dimension_numbers<[1], [0], [0], [1], [0, 0, 1, 1], [], []>, transpose_lhs_hint = false} : vector<320x128xbf16>, vector<128x384xbf16>, vector<320x384xf32> -> vector<320x384xf32>
    %convert_element_type3A_87 = arith.truncf %dot_general3A_83 : vector<320x384xf32> to vector<320x384xbf16>
    %bitcast_convert_type3A_88 = tpu.bitcast %convert_element_type3A_87 : vector<320x384xbf16> -> vector<320x384xi16>
    %convert_element_type3A_89 = arith.truncf %dot_general3A_86 : vector<320x384xf32> to vector<320x384xbf16>
    %bitcast_convert_type3A_90 = tpu.bitcast %convert_element_type3A_89 : vector<320x384xbf16> -> vector<320x384xi16>
    %convert_element_type3A_91 = arith.extui %bitcast_convert_type3A_88 : vector<320x384xi16> to vector<320x384xi32>
    %convert_element_type3A_92 = arith.extui %bitcast_convert_type3A_90 : vector<320x384xi16> to vector<320x384xi32>
    %shift_left3A = arith.constant 16 : i32
    %shift_left3A_93 = vector.broadcast %shift_left3A : i32 to vector<320x384xi32>
    %shift_left3A_94 = arith.shli %convert_element_type3A_92, %shift_left3A_93 : vector<320x384xi32>
    %or3A = arith.ori %convert_element_type3A_91, %shift_left3A_94 : vector<320x384xi32>
    %bitcast_convert_type3A_95 = tpu.bitcast %or3A : vector<320x384xi32> -> vector<320x384xi32>
    %swap3A = arith.constant 0 : index
    %swap3A_96 = arith.constant 0 : index
    %swap3A_97 = vector.load %arg4[%swap3A, %swap3A_96] : memref<320x384xi32, #tpu.memory_space<vmem>>, vector<320x384xi32>
    tpu.vector_store %arg4[%swap3A, %swap3A_96], %bitcast_convert_type3A_95 {strides = array<i32>} : memref<320x384xi32, #tpu.memory_space<vmem>>, vector<320x384xi32>,
    return
  }
  func.func @transform_0(%arg0: i32) -> (i32, i32) {
    %c0_i32 = arith.constant 0 : i32
    %c0_i32_0 = arith.constant 0 : i32
    return %arg0, %c0_i32 : i32, i32
  }
  func.func @transform_1(%arg0: i32) -> (i32, i32, i32) {
    %c0_i32 = arith.constant 0 : i32
    %c0_i32_0 = arith.constant 0 : i32
    %c0_i32_1 = arith.constant 0 : i32
    return %arg0, %c0_i32, %c0_i32_0 : i32, i32, i32
  }
  func.func @transform_2(%arg0: i32) -> (i32, i32, i32) {
    %c0_i32 = arith.constant 0 : i32
    %c0_i32_0 = arith.constant 0 : i32
    %c0_i32_1 = arith.constant 0 : i32
    return %arg0, %c0_i32, %c0_i32_0 : i32, i32, i32
  }
  func.func @transform_3(%arg0: i32) -> (i32, i32) {
    %c0_i32 = arith.constant 0 : i32
    %c0_i32_0 = arith.constant 0 : i32
    return %arg0, %c0_i32 : i32, i32
  }
}

</mosaic_0001>

<sc_bundles>
// kernel: kernel.10.cloned.1.call-start
scs
__scs_entry_jumppad:
0x0: {  	(pc) =	sbr.rel $0x88, $3  }
0x1: {  	(tag) =	ssettag $0x0;
	lr =	simm.s32 $0x1  }
0x2: {  	[smem:$0x3F99] =	sst lr;
	_ =	strace $0xD0000000  }
0x3: {  	_ = 	snop  }
0x4: {  	_ = 	snop  }
0x5: {  	_ = 	snop  }
0x6: {  	_ = 	snop  }
0x7: {  	_ = 	snop  }
__scs_overlays_trampoline_lowered:
0x8: {  	[smem:$0x3FA8] =	sst s0  }
0x9: {  	[smem:$0x3FA9] =	sst s1  }
0xa: {  	[smem:$0x3FAA] =	sst s2  }
0xb: {  	[smem:$0x3FAB] =	sst s3  }
0xc: {  	[smem:$0x3FAC] =	sst s4  }
0xd: {  	[smem:$0x3FAD] =	sst s5  }
0xe: {  	[smem:$0x3FAE] =	sst s6  }
0xf: {  	[smem:$0x3FAF] =	sst s7  }
0x10: {  	[smem:$0x3FB0] =	sst s8  }
0x11: {  	[smem:$0x3FB1] =	sst s9;
	s0 =	simm.s32 @!p0 $0x0  }
0x12: {  	s1 =	sld [smem:$0x3F97];
	s0 =	simm.s32 @p0 $0x1  }
0x13: {  	[smem:$0x3FB2] =	sst s0;
	s0 =	simm.s32 @!p1 $0x0  }
0x14: {  	s2 =	sld [smem:$0x3F96];
	s0 =	simm.s32 @p1 $0x1  }
0x15: {  	[smem:$0x3FB3] =	sst s0;
	s0 =	simm.s32 @!p2 $0x0  }
0x16: {  	s3 =	sld [smem:$0x3FDB];
	s0 =	simm.s32 @p2 $0x1  }
0x17: {  	s4 =	simm.s32 $0x1BF5;
	[smem:$0x3FB5] =	sst s0  }
0x18: {  	s0 =	sld [smem:$0x3F98];
	_ =	swait.ge [sflag:s4], $0x0  }
0x19: {  	s7 =	sld [smem:$0x3F99]  }
0x1a: {  	s8 =	sadd.s32 $0xFFFFE003, lr  }
0x1b: {  	s9 =	sadd.s32 $0xFFFFFEF7, lr;
	s5 =	simm.s32 $0xFFFFFFFF;
	p2 =	slt.u32 s8, $0xFFFFF086  }
0x1c: {  	p1 =	slt.u32 s9, $0xF7A;
	s5 =	simm.s32 @!p2 $0x0  }
0x1d: {  	s5 =	simm.s32 @p1 $0x1;
	p0 =	seq.s32 s7, s2  }
0x1e: {  	s7 =	smul.u32 @!p0 $0xF7A, s2;
	p2 =	seq.s32 @!p0 s5, $0x0  }
0x1f: {  	s9 =	smul.u32 $0xF7A, s1;
	s8 =	simm.s32 @!p0 $0x1BF5;
	p2 =	por !p2, p0  }
0x20: {  	[sflag:s8] =	ssyncset.s32 @!p0 $0xFFFFF086;
	s6 =	sadd.s32 @!p0 s3, s7;
	s7 =	simm.s32 @!p0 $0x108  }
0x21: {  	s3 =	sadd.s32 s3, s9;
	s6 =	sadd.s32 @!p0 $0x88, s6;
	s7 =	simm.s32 @p2 $0x1082  }
0x22: {  	[simem:s7], [sflag:s8] =	dma.local @!p0 [hbm:s6], $0xF7A  }
0x23: {  	s9 =	sor.u32 $0xD0000000, s2;
	s6 =	simm.s32 $0x108;
	_ =	swait.ge @!p0 [sflag:s8], $0x0  }
0x24: {  	s3 =	sadd.s32 $0x88, s3;
	s6 =	simm.s32 @!p1 $0x1082;
	[sflag:s4] =	ssyncset.s32 $0xFFFFF086  }
0x25: {  	[simem:s6], [sflag:s4] =	dma.local [hbm:s3], $0xF7A  }
0x26: {  	[smem:$0x3F99] =	sst s1;
	(tag) =	ssettag s2;
	_ =	strace s9  }
0x27: {  	s1 =	sld [smem:$0x3FA9]  }
0x28: {  	s2 =	sld [smem:$0x3FAA]  }
0x29: {  	s4 =	sld [smem:$0x3FAC]  }
0x2a: {  	p0 =	seq.s32 s5, $0x0;
	s5 =	sld [smem:$0x3FAD]  }
0x2b: {  	s6 =	sld [smem:$0x3FAE]  }
0x2c: {  	s7 =	sld [smem:$0x3FAF]  }
0x2d: {  	s3 =	simm.s32 $0x108;
	s8 =	sld [smem:$0x3FB0]  }
0x2e: {  	s3 =	simm.s32 @!p0 $0x1082;
	s9 =	sld [smem:$0x3FB1]  }
0x2f: {  	lr =	sadd.s32 s0, s3;
	s0 =	sld [smem:$0x3FA8]  }
0x30: {  	s3 =	sld [smem:$0x3FAB]  }
0x31: {  	[smem:$0x3FB4] =	sst s10  }
0x32: {  	s10 =	sld [smem:$0x3FB2];
	_ =	sdelay $0x3  }
0x33: {  	p0 =	seq.s32 s10, $0x1;
	s10 =	sld [smem:$0x3FB4];
	_ =	sdelay $0x3  }
0x34: {  	[smem:$0x3FB4] =	sst s10  }
0x35: {  	s10 =	sld [smem:$0x3FB3];
	_ =	sdelay $0x3  }
0x36: {  	p1 =	seq.s32 s10, $0x1;
	s10 =	sld [smem:$0x3FB4];
	_ =	sdelay $0x3  }
0x37: {  	[smem:$0x3FB4] =	sst s10  }
0x38: {  	s10 =	sld [smem:$0x3FB5]  }
0x39: {  	_ = 	snop;
	(pc) =	sbr.ind lr, $3  }
0x3a: {  	_ = 	snop  }
0x3b: {  	_ = 	snop  }
0x3c: {  	p2 =	seq.s32 s10, $0x1;
	s10 =	sld [smem:$0x3FB4]  }
0x3d: {  	_ =	shalt  }
0x3e: {  	_ =	shalt  }
0x3f: {  	_ =	shalt  }
0x40: {  	_ =	shalt  }
0x41: {  	_ =	shalt  }
0x42: {  	_ =	shalt  }
0x43: {  	_ =	shalt  }
0x44: {  	_ =	shalt  }
0x45: {  	_ =	shalt  }
0x46: {  	_ =	shalt  }
0x47: {  	_ =	shalt  }
0x48: {  	_ =	shalt  }
0x49: {  	_ =	shalt  }
0x4a: {  	_ =	shalt  }
0x4b: {  	_ =	shalt  }
0x4c: {  	_ =	shalt  }
0x4d: {  	_ =	shalt  }
0x4e: {  	_ =	shalt  }
0x4f: {  	_ =	shalt  }
0x50: {  	_ =	shalt  }
0x51: {  	_ =	shalt  }
0x52: {  	_ =	shalt  }
0x53: {  	_ =	shalt  }
0x54: {  	_ =	shalt  }
0x55: {  	_ =	shalt  }
0x56: {  	_ =	shalt  }
0x57: {  	_ =	shalt  }
0x58: {  	_ =	shalt  }
0x59: {  	_ =	shalt  }
0x5a: {  	_ =	shalt  }
0x5b: {  	_ =	shalt  }
0x5c: {  	_ =	shalt  }
0x5d: {  	_ =	shalt  }
0x5e: {  	_ =	shalt  }
0x5f: {  	_ =	shalt  }
0x60: {  	_ =	shalt  }
0x61: {  	_ =	shalt  }
0x62: {  	_ =	shalt  }
0x63: {  	_ =	shalt  }
0x64: {  	_ =	shalt  }
0x65: {  	_ =	shalt  }
0x66: {  	_ =	shalt  }
0x67: {  	_ =	shalt  }
0x68: {  	_ =	shalt  }
0x69: {  	_ =	shalt  }
0x6a: {  	_ =	shalt  }
0x6b: {  	_ =	shalt  }
0x6c: {  	_ =	shalt  }
0x6d: {  	_ =	shalt  }
0x6e: {  	_ =	shalt  }
0x6f: {  	_ =	shalt  }
0x70: {  	_ =	shalt  }
0x71: {  	_ =	shalt  }
0x72: {  	_ =	shalt  }
0x73: {  	_ =	shalt  }
0x74: {  	_ =	shalt  }
0x75: {  	_ =	shalt  }
0x76: {  	_ =	shalt  }
0x77: {  	_ =	shalt  }
0x78: {  	_ =	shalt  }
0x79: {  	_ =	shalt  }
0x7a: {  	_ =	shalt  }
0x7b: {  	_ =	shalt  }
0x7c: {  	_ =	shalt  }
0x7d: {  	_ =	shalt  }
0x7e: {  	_ =	shalt  }
0x7f: {  	_ =	shalt  }
0x80: {  	_ =	shalt  }
0x81: {  	_ =	shalt  }
0x82: {  	_ =	shalt  }
0x83: {  	_ =	shalt  }
0x84: {  	_ =	shalt  }
0x85: {  	_ =	shalt  }
0x86: {  	_ =	shalt  }
0x87: {  	_ =	shalt  }
.Lfunc_end0:
.L_simem_size_0:
called_computation.1_lowered:
.L_overlay_start_0:
0x88: {  	s2 =	sld [smem:$0x3FD9]  }
0x89: {  	s3 =	sld [smem:$0x3FFE];
	_ =	sdelay $0x1  }
0x8a: {  	s1 =	srdreg.scid  }
0x8b: {  	s0 =	sand.u32 $0x1, s1  }
0x8c: {  	s14 =	sshll.u32 s0, $0xA;
	s2 =	sadd.s32 s3, s2  }
0x8d: {  	s2 =	sadd.s32 s2, s14  }
0x8e: {  	[smem:$0x3FC0] =	sst s2  }
0x8f: {  	_ = 	snop  }
0x90: {  	s2 =	sld [smem:$0x3FD0];
	_ =	sdelay $0x2  }
0x91: {  	s15 =	simm.s32 $0xA;
	s4 =	simm.s32 $0x10  }
0x92: {  	[smem:s4], [sflag:s15] =	dma.local [hbm:s2], $0x1  }
0x93: {  	_ =	swait.eq [sflag:s15], $0x1  }
0x94: {  	[sflag:s15] =	ssyncset.done $0x0  }
0x95: {  	[sflag:s15] =	ssyncadd.s32 $0xFFFFFFFF  }
0x96: {  	s16 =	sld [smem:$0x10];
	(tm) =	ssettm $0x1  }
0x97: {  	s17 =	sld [smem:$0x3FFB];
	_ =	sdelay $0x3  }
0x98: {  	_ =	strace s17  }
0x99: {  	s3 =	sld [smem:$0x3FFC];
	_ =	sdelay $0x3  }
0x9a: {  	_ =	strace s3  }
0x9b: {  	s3 =	sld [smem:$0x3FFD];
	_ =	sdelay $0x3  }
0x9c: {  	_ =	strace s3  }
0x9d: {  	_ =	strace $0x8FFFFFFF  }
0x9e: {  	s18 =	sld [smem:$0x3FDB];
	_ =	sdelay $0x1  }
0x9f: {  	s19 =	simm.s32 $_scs_section_size  }
0xa0: {  	s5 =	simm.s32 $_size__tile_overlayer_lowered;
	s6 =	simm.s32 $_tile_overlayer_lowered  }
0xa1: {  	s22 =	simm.s32 $0x1BFF;
	s21 =	sshll.u32 s6, $0x1;
	s3 =	sadd.s32 s19, s18  }
0xa2: {  	s7 =	simm.s32 $0x0;
	s20 =	sshll.u32 s5, $0x1;
	s5 =	sadd.s32 s21, s3  }
0xa3: {  	[timem:s7], [sflag:s22] =	dma.local [hbm:s5], s20  }
0xa4: {  	_ =	swait.ge [sflag:s22], s20  }
0xa5: {  	s4 =	ssub.s32 $0x0, s20;
	[sflag:s22] =	ssyncset.done $0x0  }
0xa6: {  	[sflag:s22] =	ssyncadd.s32 s4;
	_ =	sdelay $0x1  }
0xa7: {  	s23 =	simm.s32 $0x1B8B  }
0xa8: {  	_ =	swait.ge [sflag:s23], $0x1  }
0xa9: {  	[sflag:s23] =	ssyncset.done $0x0  }
0xaa: {  	s25 =	simm.s32 $0x1B8E;
	s24 =	sld [smem:$0x3FFE];
	[sflag:s23] =	ssyncadd.s32 $0xFFFFFFFF  }
0xab: {  	s26 =	simm.s32 $execute0_lowered;
	[smem:$0x3FD2] =	sst s25  }
0xac: {  	s5 =	sshll.u32 s26, $0x1;
	_ =	strace $0x80000049;
	[dreg:$0x1] =	wrdreg $0xFFFFFFFF  }
0xad: {  	s28 =	simm.s32 $_size_execute0_lowered;
	s3 =	sadd.s32 s3, s5;
	[dreg:$0x0] =	wrdreg $0x0  }
0xae: {  	s5 =	sshll.u32 s28, $0x1;
	[dreg:$0x2] =	wrdreg s3  }
0xaf: {  	[dreg:$0x3] =	wrdreg s5  }
0xb0: {  	[dreg:$0x4] =	wrdreg $0xC0  }
0xb1: {  	_ =	task [dreg:s7], $0x5FFFF  }
0xb2: {  	[dreg:$0x1] =	wrdreg $0xFFFFFFFF  }
0xb3: {  	[dreg:$0x0] =	wrdreg $0x60  }
0xb4: {  	[dreg:$0x2] =	wrdreg s24  }
0xb5: {  	[dreg:$0x3] =	wrdreg s16  }
0xb6: {  	[dreg:$0x4] =	wrdreg $0x9  }
0xb7: {  	_ =	task.clear_ibuf [dreg:s7], $0x5FFFF;
	_ =	strace $0x90000049  }
0xb8: {  	s29 =	simm.s32 $0x9;
	_ =	strace $0x8000004B  }
0xb9: {  	_ =	swait.ge [sflag:s29], $0x1  }
0xba: {  	[sflag:s29] =	ssyncadd.s32 $0xFFFFFFFF  }
0xbb: {  	_ =	strace $0x9000004B  }
0xbc: {  	_ =	sfence  }
0xbd: {  	s30 =	sld [smem:$0x0];
	_ =	sdelay $0x2  }
0xbe: {  	s31 =	sshll.u32 s1, $0xD;
	s1 =	sshrl.u32 s1, $0x2  }
0xbf: {  	s3 =	sand.u32 $0x4000, s31;
	s1 =	sadd.s32 s1, s30  }
0xc0: {  	s0 =	sor.u32 s3, s0;
	s1 =	sshll.u32 s1, $0x11  }
0xc1: {  	s0 =	sor.u32 s1, s0  }
0xc2: {  	s0 =	sadd.s32 $0x8F2B, s0  }
0xc3: {  	[sflag:s0] =	ssyncadd.remote.s32 $0x1  }
0xc4: {  	_ =	sfence.sel $0xFFFF  }
0xc5: {  	[dreg:$0x0] =	wrdreg $0xFFFFFFFF;
	(pc) =	sbr.abs _section_cstart, $3  }
0xc6: {  	[dreg:$0x1] =	wrdreg $0xFFFFFFFF  }
0xc7: {  	_ =	task.clear_ibuf [dreg:s7], $0x2FFFF;
	_ =	strace $0x9FFFFFFF  }
0xc8: {  	(tm) =	ssettm $0x7FFFFFFF  }
0xc9: {  	_ =	shalt  }
tec
execute0_lowered:
.L_overlay_start_1:
0x0: {  	(tag) =	ssettag $0x1  }
0x1: {  	s0 =	rddreg [dreg:$0x0]  }
0x2: {  	s1 =	srdreg.scid;
	s3 =	stileid.u32  }
0x3: {  	s2 =	rddreg [dreg:$0x1];
	s23 =	simm.s32 $0x1C80;
	s24 =	simm.s32 $0x2480  }
0x4: {  	s28 =	simm.s32 $0x4C80;
	s29 =	simm.s32 $0x5480;
	s30 =	simm.s32 $0x5880  }
0x5: {  	s31 =	simm.s32 $0x6080;
	s13 =	simm.s32 $0x9480;
	s14 =	simm.s32 $0xC480  }
0x6: {  	s15 =	simm.s32 $0x2;
	s16 =	simm.s32 $0x0;
	s1 =	sand.u32 $0x1, s1  }
0x7: {  	s4 =	sshll.u32 s3, $0x1;
	s3 =	simm.s32 $0x0;
	s5 =	sadd.s32 $0xF6400, s0  }
0x8: {  	s7 =	sor.u32 s1, s4;
	[smem:$0x7FF] =	sst s3;
	s1 =	ssub.s32 $0x2, s1  }
0x9: {  	s4 =	sshll.u32 s7, $0x6;
	_ =	strace $0x8000004A;
	s6 =	sshrl.u32 s1, $0x1  }
0xa: {  	s8 =	sadd.s32 s4, s0;
	s4 =	sadd.s32 $0x156400, s0;
	s1 =	ssub.s32 s1, s6  }
0xb: {  	s6 =	sshll.u32 s7, $0x8;
	s7 =	smul.u32 $0x3000, s7;
	s9 =	sadd.s32 $0xF5400, s8  }
0xc: {  	s8 =	sadd.s32 $0xF5C00, s8;
	s26 =	smax.u32 s1, $0x1;
	[dreg:$0x3] =	wrdreg s9  }
0xd: {  	v2 =	vlaneseq.u32;
	s1 =	simm.s32 $0x7C80;
	[dreg:$0x4] =	wrdreg s8;
	s9 =	sadd.s32 $0x156500, s0  }
0xe: {  	vm0 =	vmmov $0xffff;
	vm1 =	vmmov $0xff;
	v1 =	vshrl.u32 v2, $0x3;
	s25 =	sadd.s32 s5, s7;
	[dreg:$0x6] =	wrdreg s26;
	s26 =	simm.s32 $0x3080  }
0xf: {  	v0 =	vand.u32 $0x7, v2;
	v2 =	vor.u32 $0x8, v2;
	v1 =	vmul.u32 $0x8, v1;
	s0 =	simm.s32 $0x1;
	[dreg:$0x5] =	wrdreg s25;
	s25 =	simm.s32 $0x2880  }
.LBB2_1:
0x10: {  	s7 =	rddreg [dreg:$0x3];
	s8 =	simm.s32 $0x3  }
0x11: {  	[tilespmem:s3], [sflag:$0x3] =	stream.linear.gather [hbm4b:s7+s3], $0x200, $0x38;
	[tilespmem:$0xF480] =	vst v63  }
0x12: {  	_ =	swait.ge [sflag:s8], $0x200  }
0x13: {  	[sflag:s8] =	ssyncset.done $0x0  }
0x14: {  	s10 =	simm.s32 $0x200;
	s22 =	rddreg [dreg:$0x4];
	[sflag:s8] =	ssyncadd.s32 $0xFFFFFE00  }
0x15: {  	[tilespmem:s10], [sflag:$0x3] =	stream.linear.gather [hbm4b:s22+s3], $0x200, $0x38;
	[tilespmem:$0xF480] =	vst v63  }
0x16: {  	_ =	swait.ge [sflag:s8], $0x200  }
0x17: {  	[sflag:s8] =	ssyncset.done $0x0  }
0x18: {  	[sflag:s8] =	ssyncadd.s32 $0xFFFFFE00  }
0x19: {  	v3 =	vld [tilespmem:$0x0];
	_ =	sdelay $0x4  }
0x1a: {  	v4 =	vshrl.u32 v3, $0x3  }
0x1b: {  	v4 =	vmul.u32 $0x18, v4  }
0x1c: {  	v3 =	vand.u32 $0x7, v3  }
0x1d: {  	v5 =	vld [tilespmem:$0x10];
	v3 =	vor.u32 v3, v4  }
0x1e: {  	v4 =	vperm.xlane v3, v0;
	_ =	sdelay $0x1  }
0x1f: {  	v4 =	vadd.s32 v1, v4;
	_ =	sdelay $0x1  }
0x20: {  	v6 =	vshrl.u32 v5, $0x3;
	v3 =	vperm.xlane v3, v2  }
0x21: {  	v6 =	vmul.u32 $0x18, v6  }
0x22: {  	s8 =	simm.s32 $0x480;
	v5 =	vand.u32 $0x7, v5;
	v3 =	vadd.s32 v1, v3  }
0x23: {  	v5 =	vor.u32 v5, v6;
	[tilespmem:s8], [sflag:$0x1] =	stream.indirect_vreg.gather [hbm4b:s4+s3], $0x80, v4, vm0, $0xb8;
	[tilespmem:$0xF480] =	vst v63  }
0x24: {  	s10 =	simm.s32 $0xC80;
	v6 =	vperm.xlane v5, v0  }
0x25: {  	[tilespmem:s10], [sflag:$0x1] =	stream.indirect_vreg.gather [hbm4b:s9+s3], $0x80, v4, vm1, $0xb8;
	[tilespmem:$0xF480] =	vst v63  }
0x26: {  	s11 =	simm.s32 $0x1080;
	v63 =	vadd.s32 v1, v6  }
0x27: {  	[tilespmem:s11], [sflag:$0x1] =	stream.indirect_vreg.gather [hbm4b:s4+s3], $0x80, v3, vm0, $0xb8;
	[tilespmem:$0xF480] =	vst v63  }
0x28: {  	s12 =	simm.s32 $0x1880;
	v5 =	vperm.xlane v5, v2  }
0x29: {  	[tilespmem:s12], [sflag:$0x1] =	stream.indirect_vreg.gather [hbm4b:s9+s3], $0x80, v3, vm1, $0xb8;
	[tilespmem:$0xF480] =	vst v63  }
0x2a: {  	s17 =	simm.s32 $0x3480;
	v3 =	vadd.s32 v1, v5  }
0x2b: {  	[tilespmem:s17], [sflag:$0x1] =	stream.indirect_vreg.gather [hbm4b:s4+s3], $0x80, v63, vm0, $0xb8;
	[tilespmem:$0xF480] =	vst v63  }
0x2c: {  	s18 =	simm.s32 $0x3C80  }
0x2d: {  	[tilespmem:s18], [sflag:$0x1] =	stream.indirect_vreg.gather [hbm4b:s9+s3], $0x80, v63, vm1, $0xb8;
	[tilespmem:$0xF480] =	vst v63  }
0x2e: {  	s19 =	simm.s32 $0x4080  }
0x2f: {  	[tilespmem:s19], [sflag:$0x1] =	stream.indirect_vreg.gather [hbm4b:s4+s3], $0x80, v3, vm0, $0xb8;
	[tilespmem:$0xF480] =	vst v63  }
0x30: {  	s20 =	simm.s32 $0x4880;
	s7 =	simm.s32 $0x210;
	s22 =	simm.s32 $0x6480  }
0x31: {  	[tilespmem:s20], [sflag:$0x1] =	stream.indirect_vreg.gather [hbm4b:s9+s3], $0x80, v3, vm1, $0xb8;
	[tilespmem:$0xF480] =	vst v63  }
0x32: {  	s21 =	rddreg [dreg:$0x5];
	s18 =	simm.s32 $0x230;
	s19 =	simm.s32 $0x0  }
0x33: {  	[tilespmem:s22], [sflag:$0x1] =	stream.linear.gather [hbm4b:s21+s3], $0x1800, $0x38;
	[tilespmem:$0xF480] =	vst v63  }
.LBB2_2:
0x34: {  	s8 =	sshllo.u32 s19, $0x1  }
0x35: {  	s10 =	sshll.u32 s8, $0x5  }
0x36: {  	v3 =	vld [tilespmem:s10+$0x0];
	_ =	sdelay $0x4  }
0x37: {  	v4 =	vshrl.u32 v3, $0x3  }
0x38: {  	v4 =	vmul.u32 $0x18, v4  }
0x39: {  	v3 =	vand.u32 $0x7, v3  }
0x3a: {  	v5 =	vld [tilespmem:s10+$0x10];
	v3 =	vor.u32 v3, v4  }
0x3b: {  	v4 =	vperm.xlane v3, v0;
	_ =	sdelay $0x1  }
0x3c: {  	v4 =	vadd.s32 v1, v4;
	_ =	sdelay $0x1  }
0x3d: {  	v6 =	vshrl.u32 v5, $0x3;
	v3 =	vperm.xlane v3, v2  }
0x3e: {  	v6 =	vmul.u32 $0x18, v6  }
0x3f: {  	v5 =	vand.u32 $0x7, v5;
	v3 =	vadd.s32 v1, v3  }
0x40: {  	v5 =	vor.u32 v5, v6;
	[tilespmem:s23], [sflag:$0x1] =	stream.indirect_vreg.gather [hbm4b:s4+s3], $0x80, v4, vm0, $0xb8;
	[tilespmem:$0xF480] =	vst v63  }
0x41: {  	v6 =	vperm.xlane v5, v0  }
0x42: {  	[tilespmem:s24], [sflag:$0x1] =	stream.indirect_vreg.gather [hbm4b:s9+s3], $0x80, v4, vm1, $0xb8;
	[tilespmem:$0xF480] =	vst v63  }
0x43: {  	v63 =	vadd.s32 v1, v6  }
0x44: {  	[tilespmem:s25], [sflag:$0x1] =	stream.indirect_vreg.gather [hbm4b:s4+s3], $0x80, v3, vm0, $0xb8;
	[tilespmem:$0xF480] =	vst v63  }
0x45: {  	v5 =	vperm.xlane v5, v2  }
0x46: {  	[tilespmem:s26], [sflag:$0x1] =	stream.indirect_vreg.gather [hbm4b:s9+s3], $0x80, v3, vm1, $0xb8;
	[tilespmem:$0xF480] =	vst v63  }
0x47: {  	s8 =	sshll.u32 s8, $0x4;
	v3 =	vadd.s32 v1, v5  }
0x48: {  	[tilespmem:s28], [sflag:$0x1] =	stream.indirect_vreg.gather [hbm4b:s4+s3], $0x80, v63, vm0, $0xb8;
	[tilespmem:$0xF480] =	vst v63  }
0x49: {  	s8 =	sadd.s32 s6, s8  }
0x4a: {  	[tilespmem:s29], [sflag:$0x1] =	stream.indirect_vreg.gather [hbm4b:s9+s3], $0x80, v63, vm1, $0xb8;
	[tilespmem:$0xF480] =	vst v63  }
0x4b: {  	s20 =	sshrl.u32 s8, $0x3  }
0x4c: {  	[tilespmem:s30], [sflag:$0x1] =	stream.indirect_vreg.gather [hbm4b:s4+s3], $0x80, v3, vm0, $0xb8;
	[tilespmem:$0xF480] =	vst v63  }
0x4d: {  	s8 =	smul.u32 $0x180, s20  }
0x4e: {  	[tilespmem:s31], [sflag:$0x1] =	stream.indirect_vreg.gather [hbm4b:s9+s3], $0x80, v3, vm1, $0xb8;
	[tilespmem:$0xF480] =	vst v63  }
0x4f: {  	s8 =	sadd.s32 s5, s8  }
0x50: {  	[tilespmem:s1], [sflag:$0x1] =	stream.linear.gather [hbm4b:s8+s3], $0x1800, $0x38;
	[tilespmem:$0xF480] =	vst v63  }
0x51: {  	_ =	swait.ge [sflag:s0], $0x1800  }
0x52: {  	[sflag:s0] =	ssyncset.done $0x0  }
0x53: {  	[sflag:s0] =	ssyncadd.s32 $0xFFFFE800  }
0x54: {  	_ =	swait.ge [sflag:s0], $0x1800  }
0x55: {  	[sflag:s0] =	ssyncset.done $0x0  }
0x56: {  	[sflag:s0] =	ssyncadd.s32 $0xFFFFE800  }
0x57: {  	_ =	swait.ge [sflag:s0], $0x1800  }
0x58: {  	p0 =	seq.s32 s19, $0x0;
	[sflag:s0] =	ssyncset.done $0x0  }
0x59: {  	s8 =	simm.s32 @!p0 $0x2;
	[sflag:s0] =	ssyncadd.s32 $0xFFFFE800  }
0x5a: {  	_ =	swait.ge @!p0 [sflag:s8], $0x3000  }
0x5b: {  	s21 =	sshll.u32 s19, $0x1;
	s22 =	simm.s32 $0x0;
	[sflag:s8] =	ssyncset.done @!p0 $0x0  }
0x5c: {  	s17 =	smov.u32 s7;
	[sflag:s8] =	ssyncadd.s32 @!p0 $0xFFFFD000;
	s8 =	simm.s32 $0x0  }
.LBB2_3:
0x5d: {  	v3 =	vld [tilespmem:s17+$0xFFFFFFF0]  }
0x5e: {  	s11 =	sshrl.u32 s8, $0x3  }
0x5f: {  	v4 =	vld [tilespmem:s17+$0x0];
	s10 =	smul.u32 $0xC00, s11  }
0x60: {  	s12 =	sand.u32 $0x380, s22  }
0x61: {  	s10 =	sor.u32 s12, s10  }
0x62: {  	v5 =	vld [tilespmem:s10+$0x480];
	v3 =	vadd.f32 $0.0e+00, v3  }
0x63: {  	v6 =	vld [tilespmem:s10+$0x3480]  }
0x64: {  	v7 =	vld [tilespmem:s10+$0x6480];
	v4 =	vadd.f32 $0.0e+00, v4;
	v3 =	vbroadcast v3, $0x0;
	_ =	sdelay $0x1  }
0x65: {  	v4 =	vbroadcast v4, $0x0;
	v3 =	vpack.i.f32.bf16 v3, v3  }
0x66: {  	v5 =	vmul.bf16 v5, v3  }
0x67: {  	v4 =	vpack.i.f32.bf16 v4, v4  }
0x68: {  	v6 =	vmul.bf16 v6, v4;
	v5 =	vadd.bf16 v7, v5  }
0x69: {  	s11 =	smul.u32 $0x6000, s11  }
0x6a: {  	v5 =	vadd.bf16 v5, v6  }
0x6b: {  	s11 =	sshra.s32 s11, $0x2  }
0x6c: {  	s11 =	sor.u32 s12, s11;
	v6 =	vunpack.i.l.bf16.f32 v5  }
0x6d: {  	v5 =	vunpack.i.u.bf16.f32 v5;
	[tilespmem:s11+$0x9480] =	vst v6  }
0x6e: {  	[tilespmem:s11+$0xA080] =	vst v5  }
0x6f: {  	v5 =	vld [tilespmem:s10+$0x490]  }
0x70: {  	v6 =	vld [tilespmem:s10+$0x3490]  }
0x71: {  	v41 =	vld [tilespmem:s10+$0x6490];
	_ =	sdelay $0x2  }
0x72: {  	v5 =	vmul.bf16 v5, v3;
	_ =	sdelay $0x1  }
0x73: {  	v6 =	vmul.bf16 v6, v4;
	v5 =	vadd.bf16 v41, v5;
	_ =	sdelay $0x1  }
0x74: {  	v5 =	vadd.bf16 v5, v6;
	_ =	sdelay $0x1  }
0x75: {  	v6 =	vunpack.i.l.bf16.f32 v5  }
0x76: {  	v5 =	vunpack.i.u.bf16.f32 v5;
	[tilespmem:s11+$0x9490] =	vst v6  }
0x77: {  	[tilespmem:s11+$0xA090] =	vst v5  }
0x78: {  	v5 =	vld [tilespmem:s10+$0x4A0]  }
0x79: {  	v6 =	vld [tilespmem:s10+$0x34A0]  }
0x7a: {  	v42 =	vld [tilespmem:s10+$0x64A0];
	_ =	sdelay $0x2  }
0x7b: {  	v5 =	vmul.bf16 v5, v3;
	_ =	sdelay $0x1  }
0x7c: {  	v6 =	vmul.bf16 v6, v4;
	v5 =	vadd.bf16 v42, v5;
	_ =	sdelay $0x1  }
0x7d: {  	v5 =	vadd.bf16 v5, v6;
	_ =	sdelay $0x1  }
0x7e: {  	v6 =	vunpack.i.l.bf16.f32 v5  }
0x7f: {  	v5 =	vunpack.i.u.bf16.f32 v5;
	[tilespmem:s11+$0x94A0] =	vst v6  }
0x80: {  	[tilespmem:s11+$0xA0A0] =	vst v5  }
0x81: {  	v5 =	vld [tilespmem:s10+$0x4B0]  }
0x82: {  	v6 =	vld [tilespmem:s10+$0x34B0]  }
0x83: {  	v43 =	vld [tilespmem:s10+$0x64B0];
	_ =	sdelay $0x2  }
0x84: {  	v5 =	vmul.bf16 v5, v3;
	_ =	sdelay $0x1  }
0x85: {  	v6 =	vmul.bf16 v6, v4;
	v5 =	vadd.bf16 v43, v5;
	_ =	sdelay $0x1  }
0x86: {  	v5 =	vadd.bf16 v5, v6;
	_ =	sdelay $0x1  }
0x87: {  	v6 =	vunpack.i.l.bf16.f32 v5  }
0x88: {  	v5 =	vunpack.i.u.bf16.f32 v5;
	[tilespmem:s11+$0x94B0] =	vst v6  }
0x89: {  	[tilespmem:s11+$0xA0B0] =	vst v5  }
0x8a: {  	v5 =	vld [tilespmem:s10+$0x4C0]  }
0x8b: {  	v6 =	vld [tilespmem:s10+$0x34C0]  }
0x8c: {  	v44 =	vld [tilespmem:s10+$0x64C0];
	_ =	sdelay $0x2  }
0x8d: {  	v5 =	vmul.bf16 v5, v3;
	_ =	sdelay $0x1  }
0x8e: {  	v6 =	vmul.bf16 v6, v4;
	v5 =	vadd.bf16 v44, v5;
	_ =	sdelay $0x1  }
0x8f: {  	v5 =	vadd.bf16 v5, v6;
	_ =	sdelay $0x1  }
0x90: {  	v6 =	vunpack.i.l.bf16.f32 v5  }
0x91: {  	v5 =	vunpack.i.u.bf16.f32 v5;
	[tilespmem:s11+$0x94C0] =	vst v6  }
0x92: {  	[tilespmem:s11+$0xA0C0] =	vst v5  }
0x93: {  	v5 =	vld [tilespmem:s10+$0x4D0]  }
0x94: {  	v6 =	vld [tilespmem:s10+$0x34D0]  }
0x95: {  	v45 =	vld [tilespmem:s10+$0x64D0];
	_ =	sdelay $0x2  }
0x96: {  	v5 =	vmul.bf16 v5, v3;
	_ =	sdelay $0x1  }
0x97: {  	v6 =	vmul.bf16 v6, v4;
	v5 =	vadd.bf16 v45, v5;
	_ =	sdelay $0x1  }
0x98: {  	v5 =	vadd.bf16 v5, v6;
	_ =	sdelay $0x1  }
0x99: {  	v6 =	vunpack.i.l.bf16.f32 v5  }
0x9a: {  	v5 =	vunpack.i.u.bf16.f32 v5;
	[tilespmem:s11+$0x94D0] =	vst v6  }
0x9b: {  	[tilespmem:s11+$0xA0D0] =	vst v5  }
0x9c: {  	v5 =	vld [tilespmem:s10+$0x4E0]  }
0x9d: {  	v6 =	vld [tilespmem:s10+$0x34E0]  }
0x9e: {  	v46 =	vld [tilespmem:s10+$0x64E0];
	_ =	sdelay $0x2  }
0x9f: {  	v5 =	vmul.bf16 v5, v3;
	_ =	sdelay $0x1  }
0xa0: {  	v6 =	vmul.bf16 v6, v4;
	v5 =	vadd.bf16 v46, v5;
	_ =	sdelay $0x1  }
0xa1: {  	v5 =	vadd.bf16 v5, v6;
	_ =	sdelay $0x1  }
0xa2: {  	v6 =	vunpack.i.l.bf16.f32 v5  }
0xa3: {  	v5 =	vunpack.i.u.bf16.f32 v5;
	[tilespmem:s11+$0x94E0] =	vst v6  }
0xa4: {  	[tilespmem:s11+$0xA0E0] =	vst v5  }
0xa5: {  	v5 =	vld [tilespmem:s10+$0x4F0]  }
0xa6: {  	v6 =	vld [tilespmem:s10+$0x34F0]  }
0xa7: {  	v47 =	vld [tilespmem:s10+$0x64F0];
	_ =	sdelay $0x2  }
0xa8: {  	v5 =	vmul.bf16 v5, v3;
	_ =	sdelay $0x1  }
0xa9: {  	v6 =	vmul.bf16 v6, v4;
	v5 =	vadd.bf16 v47, v5;
	_ =	sdelay $0x1  }
0xaa: {  	v5 =	vadd.bf16 v5, v6;
	_ =	sdelay $0x1  }
0xab: {  	v6 =	vunpack.i.l.bf16.f32 v5  }
0xac: {  	v5 =	vunpack.i.u.bf16.f32 v5;
	[tilespmem:s11+$0x94F0] =	vst v6  }
0xad: {  	[tilespmem:s11+$0xA0F0] =	vst v5  }
0xae: {  	v5 =	vld [tilespmem:s10+$0x880]  }
0xaf: {  	v6 =	vld [tilespmem:s10+$0x3880]  }
0xb0: {  	v48 =	vld [tilespmem:s10+$0x6880];
	_ =	sdelay $0x2  }
0xb1: {  	v5 =	vmul.bf16 v5, v3;
	_ =	sdelay $0x1  }
0xb2: {  	v6 =	vmul.bf16 v6, v4;
	v5 =	vadd.bf16 v48, v5;
	_ =	sdelay $0x1  }
0xb3: {  	v5 =	vadd.bf16 v5, v6;
	_ =	sdelay $0x1  }
0xb4: {  	v6 =	vunpack.i.l.bf16.f32 v5  }
0xb5: {  	v5 =	vunpack.i.u.bf16.f32 v5;
	[tilespmem:s11+$0x9880] =	vst v6  }
0xb6: {  	[tilespmem:s11+$0xA480] =	vst v5  }
0xb7: {  	v5 =	vld [tilespmem:s10+$0x890]  }
0xb8: {  	v6 =	vld [tilespmem:s10+$0x3890]  }
0xb9: {  	v49 =	vld [tilespmem:s10+$0x6890];
	_ =	sdelay $0x2  }
0xba: {  	v5 =	vmul.bf16 v5, v3;
	_ =	sdelay $0x1  }
0xbb: {  	v6 =	vmul.bf16 v6, v4;
	v5 =	vadd.bf16 v49, v5;
	_ =	sdelay $0x1  }
0xbc: {  	v5 =	vadd.bf16 v5, v6;
	_ =	sdelay $0x1  }
0xbd: {  	v6 =	vunpack.i.l.bf16.f32 v5  }
0xbe: {  	v5 =	vunpack.i.u.bf16.f32 v5;
	[tilespmem:s11+$0x9890] =	vst v6  }
0xbf: {  	[tilespmem:s11+$0xA490] =	vst v5  }
0xc0: {  	v5 =	vld [tilespmem:s10+$0x8A0]  }
0xc1: {  	v6 =	vld [tilespmem:s10+$0x38A0]  }
0xc2: {  	v50 =	vld [tilespmem:s10+$0x68A0];
	_ =	sdelay $0x2  }
0xc3: {  	v5 =	vmul.bf16 v5, v3;
	_ =	sdelay $0x1  }
0xc4: {  	v6 =	vmul.bf16 v6, v4;
	v5 =	vadd.bf16 v50, v5;
	_ =	sdelay $0x1  }
0xc5: {  	v5 =	vadd.bf16 v5, v6;
	_ =	sdelay $0x1  }
0xc6: {  	v6 =	vunpack.i.l.bf16.f32 v5  }
0xc7: {  	v5 =	vunpack.i.u.bf16.f32 v5;
	[tilespmem:s11+$0x98A0] =	vst v6  }
0xc8: {  	[tilespmem:s11+$0xA4A0] =	vst v5  }
0xc9: {  	v5 =	vld [tilespmem:s10+$0x8B0]  }
0xca: {  	v6 =	vld [tilespmem:s10+$0x38B0]  }
0xcb: {  	v51 =	vld [tilespmem:s10+$0x68B0];
	_ =	sdelay $0x2  }
0xcc: {  	v5 =	vmul.bf16 v5, v3;
	_ =	sdelay $0x1  }
0xcd: {  	v6 =	vmul.bf16 v6, v4;
	v5 =	vadd.bf16 v51, v5;
	_ =	sdelay $0x1  }
0xce: {  	v5 =	vadd.bf16 v5, v6;
	_ =	sdelay $0x1  }
0xcf: {  	v6 =	vunpack.i.l.bf16.f32 v5  }
0xd0: {  	v5 =	vunpack.i.u.bf16.f32 v5;
	[tilespmem:s11+$0x98B0] =	vst v6  }
0xd1: {  	[tilespmem:s11+$0xA4B0] =	vst v5  }
0xd2: {  	v5 =	vld [tilespmem:s10+$0x8C0]  }
0xd3: {  	v6 =	vld [tilespmem:s10+$0x38C0]  }
0xd4: {  	v52 =	vld [tilespmem:s10+$0x68C0];
	_ =	sdelay $0x2  }
0xd5: {  	v5 =	vmul.bf16 v5, v3;
	_ =	sdelay $0x1  }
0xd6: {  	v6 =	vmul.bf16 v6, v4;
	v5 =	vadd.bf16 v52, v5;
	_ =	sdelay $0x1  }
0xd7: {  	v5 =	vadd.bf16 v5, v6;
	_ =	sdelay $0x1  }
0xd8: {  	v6 =	vunpack.i.l.bf16.f32 v5  }
0xd9: {  	v5 =	vunpack.i.u.bf16.f32 v5;
	[tilespmem:s11+$0x98C0] =	vst v6  }
0xda: {  	[tilespmem:s11+$0xA4C0] =	vst v5  }
0xdb: {  	v5 =	vld [tilespmem:s10+$0x8D0]  }
0xdc: {  	v6 =	vld [tilespmem:s10+$0x38D0]  }
0xdd: {  	v53 =	vld [tilespmem:s10+$0x68D0];
	_ =	sdelay $0x2  }
0xde: {  	v5 =	vmul.bf16 v5, v3;
	_ =	sdelay $0x1  }
0xdf: {  	v6 =	vmul.bf16 v6, v4;
	v5 =	vadd.bf16 v53, v5;
	_ =	sdelay $0x1  }
0xe0: {  	v5 =	vadd.bf16 v5, v6;
	_ =	sdelay $0x1  }
0xe1: {  	v6 =	vunpack.i.l.bf16.f32 v5  }
0xe2: {  	v5 =	vunpack.i.u.bf16.f32 v5;
	[tilespmem:s11+$0x98D0] =	vst v6  }
0xe3: {  	[tilespmem:s11+$0xA4D0] =	vst v5  }
0xe4: {  	v5 =	vld [tilespmem:s10+$0x8E0]  }
0xe5: {  	v6 =	vld [tilespmem:s10+$0x38E0]  }
0xe6: {  	v54 =	vld [tilespmem:s10+$0x68E0];
	_ =	sdelay $0x2  }
0xe7: {  	v5 =	vmul.bf16 v5, v3;
	_ =	sdelay $0x1  }
0xe8: {  	v6 =	vmul.bf16 v6, v4;
	v5 =	vadd.bf16 v54, v5;
	_ =	sdelay $0x1  }
0xe9: {  	v5 =	vadd.bf16 v5, v6;
	_ =	sdelay $0x1  }
0xea: {  	v6 =	vunpack.i.l.bf16.f32 v5  }
0xeb: {  	v5 =	vunpack.i.u.bf16.f32 v5;
	[tilespmem:s11+$0x98E0] =	vst v6  }
0xec: {  	[tilespmem:s11+$0xA4E0] =	vst v5  }
0xed: {  	v5 =	vld [tilespmem:s10+$0x8F0]  }
0xee: {  	v6 =	vld [tilespmem:s10+$0x38F0]  }
0xef: {  	v55 =	vld [tilespmem:s10+$0x68F0];
	_ =	sdelay $0x2  }
0xf0: {  	v5 =	vmul.bf16 v5, v3;
	_ =	sdelay $0x1  }
0xf1: {  	v6 =	vmul.bf16 v6, v4;
	v5 =	vadd.bf16 v55, v5;
	_ =	sdelay $0x1  }
0xf2: {  	v5 =	vadd.bf16 v5, v6;
	_ =	sdelay $0x1  }
0xf3: {  	v6 =	vunpack.i.l.bf16.f32 v5  }
0xf4: {  	v5 =	vunpack.i.u.bf16.f32 v5;
	[tilespmem:s11+$0x98F0] =	vst v6  }
0xf5: {  	[tilespmem:s11+$0xA4F0] =	vst v5  }
0xf6: {  	v5 =	vld [tilespmem:s10+$0xC80]  }
0xf7: {  	v6 =	vld [tilespmem:s10+$0x3C80]  }
0xf8: {  	v56 =	vld [tilespmem:s10+$0x6C80];
	_ =	sdelay $0x2  }
0xf9: {  	v5 =	vmul.bf16 v5, v3;
	_ =	sdelay $0x1  }
0xfa: {  	v6 =	vmul.bf16 v6, v4;
	v5 =	vadd.bf16 v56, v5;
	_ =	sdelay $0x1  }
0xfb: {  	v5 =	vadd.bf16 v5, v6;
	_ =	sdelay $0x1  }
0xfc: {  	v6 =	vunpack.i.l.bf16.f32 v5  }
0xfd: {  	v5 =	vunpack.i.u.bf16.f32 v5;
	[tilespmem:s11+$0x9C80] =	vst v6  }
0xfe: {  	[tilespmem:s11+$0xA880] =	vst v5  }
0xff: {  	v5 =	vld [tilespmem:s10+$0xC90]  }
0x100: {  	v6 =	vld [tilespmem:s10+$0x3C90]  }
0x101: {  	v57 =	vld [tilespmem:s10+$0x6C90];
	_ =	sdelay $0x2  }
0x102: {  	v5 =	vmul.bf16 v5, v3;
	_ =	sdelay $0x1  }
0x103: {  	v6 =	vmul.bf16 v6, v4;
	v5 =	vadd.bf16 v57, v5;
	_ =	sdelay $0x1  }
0x104: {  	v5 =	vadd.bf16 v5, v6;
	_ =	sdelay $0x1  }
0x105: {  	v6 =	vunpack.i.l.bf16.f32 v5  }
0x106: {  	v5 =	vunpack.i.u.bf16.f32 v5;
	[tilespmem:s11+$0x9C90] =	vst v6  }
0x107: {  	[tilespmem:s11+$0xA890] =	vst v5  }
0x108: {  	v5 =	vld [tilespmem:s10+$0xCA0]  }
0x109: {  	v6 =	vld [tilespmem:s10+$0x3CA0]  }
0x10a: {  	v58 =	vld [tilespmem:s10+$0x6CA0];
	_ =	sdelay $0x2  }
0x10b: {  	v5 =	vmul.bf16 v5, v3;
	_ =	sdelay $0x1  }
0x10c: {  	v6 =	vmul.bf16 v6, v4;
	v5 =	vadd.bf16 v58, v5;
	_ =	sdelay $0x1  }
0x10d: {  	v5 =	vadd.bf16 v5, v6;
	_ =	sdelay $0x1  }
0x10e: {  	v6 =	vunpack.i.l.bf16.f32 v5  }
0x10f: {  	v5 =	vunpack.i.u.bf16.f32 v5;
	[tilespmem:s11+$0x9CA0] =	vst v6  }
0x110: {  	[tilespmem:s11+$0xA8A0] =	vst v5  }
0x111: {  	v5 =	vld [tilespmem:s10+$0xCB0]  }
0x112: {  	v6 =	vld [tilespmem:s10+$0x3CB0]  }
0x113: {  	v59 =	vld [tilespmem:s10+$0x6CB0];
	_ =	sdelay $0x2  }
0x114: {  	v5 =	vmul.bf16 v5, v3;
	_ =	sdelay $0x1  }
0x115: {  	v6 =	vmul.bf16 v6, v4;
	v5 =	vadd.bf16 v59, v5;
	_ =	sdelay $0x1  }
0x116: {  	v5 =	vadd.bf16 v5, v6;
	_ =	sdelay $0x1  }
0x117: {  	v6 =	vunpack.i.l.bf16.f32 v5  }
0x118: {  	v5 =	vunpack.i.u.bf16.f32 v5;
	[tilespmem:s11+$0x9CB0] =	vst v6  }
0x119: {  	[tilespmem:s11+$0xA8B0] =	vst v5  }
0x11a: {  	v5 =	vld [tilespmem:s10+$0xCC0]  }
0x11b: {  	v6 =	vld [tilespmem:s10+$0x3CC0]  }
0x11c: {  	v60 =	vld [tilespmem:s10+$0x6CC0];
	_ =	sdelay $0x2  }
0x11d: {  	v5 =	vmul.bf16 v5, v3;
	_ =	sdelay $0x1  }
0x11e: {  	v6 =	vmul.bf16 v6, v4;
	v5 =	vadd.bf16 v60, v5;
	_ =	sdelay $0x1  }
0x11f: {  	v5 =	vadd.bf16 v5, v6;
	_ =	sdelay $0x1  }
0x120: {  	v6 =	vunpack.i.l.bf16.f32 v5  }
0x121: {  	v5 =	vunpack.i.u.bf16.f32 v5;
	[tilespmem:s11+$0x9CC0] =	vst v6  }
0x122: {  	[tilespmem:s11+$0xA8C0] =	vst v5  }
0x123: {  	v5 =	vld [tilespmem:s10+$0xCD0]  }
0x124: {  	v6 =	vld [tilespmem:s10+$0x3CD0]  }
0x125: {  	v61 =	vld [tilespmem:s10+$0x6CD0];
	_ =	sdelay $0x2  }
0x126: {  	v5 =	vmul.bf16 v5, v3;
	_ =	sdelay $0x1  }
0x127: {  	v6 =	vmul.bf16 v6, v4;
	v5 =	vadd.bf16 v61, v5;
	_ =	sdelay $0x1  }
0x128: {  	v5 =	vadd.bf16 v5, v6;
	_ =	sdelay $0x1  }
0x129: {  	v6 =	vunpack.i.l.bf16.f32 v5  }
0x12a: {  	v5 =	vunpack.i.u.bf16.f32 v5;
	[tilespmem:s11+$0x9CD0] =	vst v6  }
0x12b: {  	[tilespmem:s11+$0xA8D0] =	vst v5  }
0x12c: {  	v5 =	vld [tilespmem:s10+$0xCE0]  }
0x12d: {  	v6 =	vld [tilespmem:s10+$0x3CE0]  }
0x12e: {  	v62 =	vld [tilespmem:s10+$0x6CE0];
	_ =	sdelay $0x2  }
0x12f: {  	v5 =	vmul.bf16 v5, v3;
	_ =	sdelay $0x1  }
0x130: {  	v6 =	vmul.bf16 v6, v4;
	v5 =	vadd.bf16 v62, v5;
	_ =	sdelay $0x1  }
0x131: {  	v5 =	vadd.bf16 v5, v6;
	_ =	sdelay $0x1  }
0x132: {  	v6 =	vunpack.i.l.bf16.f32 v5  }
0x133: {  	v5 =	vunpack.i.u.bf16.f32 v5;
	[tilespmem:s11+$0x9CE0] =	vst v6  }
0x134: {  	[tilespmem:s11+$0xA8E0] =	vst v5  }
0x135: {  	v5 =	vld [tilespmem:s10+$0xCF0]  }
0x136: {  	v6 =	vld [tilespmem:s10+$0x3CF0]  }
0x137: {  	v63 =	vld [tilespmem:s10+$0x6CF0];
	_ =	sdelay $0x2  }
0x138: {  	v3 =	vmul.bf16 v5, v3;
	_ =	sdelay $0x1  }
0x139: {  	v4 =	vmul.bf16 v6, v4;
	v3 =	vadd.bf16 v63, v3  }
0x13a: {  	p1 =	sne.s32 s8, $0xF  }
.Ltmp0:
0x13b: {  	v3 =	vadd.bf16 v3, v4;
	(pc) =	sbr.rel @p1 .LBB2_3-.Ltmp0, $4  }
0x13c: {  	_ = 	snop  }
0x13d: {  	v4 =	vunpack.i.l.bf16.f32 v3  }
0x13e: {  	v3 =	vunpack.i.u.bf16.f32 v3;
	[tilespmem:s11+$0x9CF0] =	vst v4  }
0x13f: {  	s22 =	sadd.s32 $0x80, s22;
	s17 =	sadd.s32 $0x1, s17;
	s8 =	sadd.s32 $0x1, s8;
	[tilespmem:s11+$0xA8F0] =	vst v3  }
0x140: {  	s8 =	sshll.u32 s19, $0x5  }
0x141: {  	s8 =	sadd.s32 s6, s8  }
0x142: {  	s8 =	sshrl.u32 s8, $0x3  }
0x143: {  	s8 =	smul.u32 $0x300, s8;
	_ =	sdelay $0x1  }
0x144: {  	p1 =	seq.s32 s19, $0x7;
	s8 =	sadd.s32 s2, s8  }
0x145: {  	[hbm4b:s8+s3] =	stream.linear.scatter [tilespmem:s13], [sflag:$0x2], $0x3000, $0x38;
	[tilespmem:$0xF480] =	vst v63  }
0x146: {  	s8 =	sadd.s32 @!p1 $0x2, s21  }
0x147: {  	s10 =	sshll.u32 @!p1 s8, $0x5  }
0x148: {  	s10 =	sand.u32 @!p1 $0x3FFFFFE0, s10  }
0x149: {  	v3 =	vld @!p1 [tilespmem:s10+$0x0];
	_ =	sdelay $0x4  }
0x14a: {  	v4 =	vshrl.u32 @!p1 v3, $0x3  }
0x14b: {  	v4 =	vmul.u32 @!p1 $0x18, v4  }
0x14c: {  	v5 =	vlaneseq.u32 @!p1;
	v3 =	vand.u32 @!p1 $0x7, v3  }
0x14d: {  	v7 =	vshrl.u32 @!p1 v5, $0x3;
	v6 =	vld @!p1 [tilespmem:s10+$0x10];
	v3 =	vor.u32 @!p1 v3, v4;
	v4 =	vand.u32 @!p1 $0x7, v5  }
0x14e: {  	v7 =	vmul.u32 @!p1 $0x8, v7;
	v8 =	vperm.xlane @!p1 v3, v4;
	_ =	sdelay $0x1  }
0x14f: {  	v8 =	vadd.s32 @!p1 v7, v8  }
0x150: {  	v5 =	vor.u32 @!p1 $0x8, v5  }
0x151: {  	v9 =	vshrl.u32 @!p1 v6, $0x3;
	v3 =	vperm.xlane @!p1 v3, v5  }
0x152: {  	v9 =	vmul.u32 @!p1 $0x18, v9  }
0x153: {  	vm2 =	vmmov @!p1 $0xffff;
	s11 =	simm.s32 @!p1 $0x480;
	s10 =	simm.s32 @!p1 $0x0;
	v6 =	vand.u32 @!p1 $0x7, v6;
	v3 =	vadd.s32 @!p1 v7, v3  }
0x154: {  	v6 =	vor.u32 @!p1 v6, v9;
	[tilespmem:s11], [sflag:$0x1] =	stream.indirect_vreg.gather @!p1 [hbm4b:s4+s10], $0x80, v8, vm2, $0xb8;
	[tilespmem:$0xF480] =	vst v63  }
0x155: {  	vm3 =	vmmov @!p1 $0xff;
	v4 =	vperm.xlane @!p1 v6, v4;
	s11 =	simm.s32 @!p1 $0xC80  }
0x156: {  	[tilespmem:s11], [sflag:$0x1] =	stream.indirect_vreg.gather @!p1 [hbm4b:s9+s10], $0x80, v8, vm3, $0xb8;
	[tilespmem:$0xF480] =	vst v63  }
0x157: {  	v4 =	vadd.s32 @!p1 v7, v4;
	s11 =	simm.s32 @!p1 $0x1080  }
0x158: {  	[tilespmem:s11], [sflag:$0x1] =	stream.indirect_vreg.gather @!p1 [hbm4b:s4+s10], $0x80, v3, vm2, $0xb8;
	[tilespmem:$0xF480] =	vst v63  }
0x159: {  	v5 =	vperm.xlane @!p1 v6, v5;
	s11 =	simm.s32 @!p1 $0x1880  }
0x15a: {  	[tilespmem:s11], [sflag:$0x1] =	stream.indirect_vreg.gather @!p1 [hbm4b:s9+s10], $0x80, v3, vm3, $0xb8;
	[tilespmem:$0xF480] =	vst v63  }
0x15b: {  	s8 =	sshll.u32 @!p1 s8, $0x4;
	s11 =	simm.s32 @!p1 $0x3480;
	v3 =	vadd.s32 @!p1 v7, v5  }
0x15c: {  	[tilespmem:s11], [sflag:$0x1] =	stream.indirect_vreg.gather @!p1 [hbm4b:s4+s10], $0x80, v4, vm2, $0xb8;
	[tilespmem:$0xF480] =	vst v63  }
0x15d: {  	s8 =	sadd.s32 @!p1 s6, s8;
	s11 =	simm.s32 @!p1 $0x3C80  }
0x15e: {  	[tilespmem:s11], [sflag:$0x1] =	stream.indirect_vreg.gather @!p1 [hbm4b:s9+s10], $0x80, v4, vm3, $0xb8;
	[tilespmem:$0xF480] =	vst v63  }
0x15f: {  	s8 =	sshrl.u32 @!p1 s8, $0x3;
	s11 =	simm.s32 @!p1 $0x4080  }
0x160: {  	[tilespmem:s11], [sflag:$0x1] =	stream.indirect_vreg.gather @!p1 [hbm4b:s4+s10], $0x80, v3, vm2, $0xb8;
	[tilespmem:$0xF480] =	vst v63  }
0x161: {  	s8 =	smul.u32 @!p1 $0x180, s8;
	s11 =	simm.s32 @!p1 $0x4880  }
0x162: {  	[tilespmem:s11], [sflag:$0x1] =	stream.indirect_vreg.gather @!p1 [hbm4b:s9+s10], $0x80, v3, vm3, $0xb8;
	[tilespmem:$0xF480] =	vst v63  }
0x163: {  	s8 =	sadd.s32 @!p1 s5, s8;
	s11 =	simm.s32 @!p1 $0x6480  }
0x164: {  	[tilespmem:s11], [sflag:$0x1] =	stream.linear.gather @!p1 [hbm4b:s8+s10], $0x1800, $0x38;
	[tilespmem:$0xF480] =	vst v63  }
0x165: {  	_ =	swait.ge [sflag:s0], $0x1800  }
0x166: {  	[sflag:s0] =	ssyncset.done $0x0  }
0x167: {  	[sflag:s0] =	ssyncadd.s32 $0xFFFFE800  }
0x168: {  	_ =	swait.ge [sflag:s0], $0x1800  }
0x169: {  	[sflag:s0] =	ssyncset.done $0x0  }
0x16a: {  	[sflag:s0] =	ssyncadd.s32 $0xFFFFE800  }
0x16b: {  	_ =	swait.ge [sflag:s0], $0x1800  }
0x16c: {  	[sflag:s0] =	ssyncset.done $0x0  }
0x16d: {  	s8 =	simm.s32 @!p0 $0x2;
	[sflag:s0] =	ssyncadd.s32 $0xFFFFE800  }
0x16e: {  	_ =	swait.ge @!p0 [sflag:s8], $0x3000  }
0x16f: {  	s22 =	smov.u32 s18;
	[sflag:s8] =	ssyncset.done @!p0 $0x0  }
0x170: {  	s17 =	simm.s32 $0x0;
	s21 =	simm.s32 $0x0;
	[sflag:s8] =	ssyncadd.s32 @!p0 $0xFFFFD000  }
.LBB2_5:
0x171: {  	v3 =	vld [tilespmem:s22+$0xFFFFFFF0]  }
0x172: {  	s10 =	sshrl.u32 s17, $0x3  }
0x173: {  	v4 =	vld [tilespmem:s22+$0x0];
	s8 =	smul.u32 $0xC00, s10  }
0x174: {  	s12 =	sand.u32 $0x380, s21  }
0x175: {  	s8 =	sor.u32 s12, s8  }
0x176: {  	v5 =	vld [tilespmem:s8+$0x1C80];
	v3 =	vadd.f32 $0.0e+00, v3  }
0x177: {  	v6 =	vld [tilespmem:s8+$0x4C80]  }
0x178: {  	v7 =	vld [tilespmem:s8+$0x7C80];
	v4 =	vadd.f32 $0.0e+00, v4;
	v3 =	vbroadcast v3, $0x0;
	_ =	sdelay $0x1  }
0x179: {  	v4 =	vbroadcast v4, $0x0;
	v3 =	vpack.i.f32.bf16 v3, v3  }
0x17a: {  	v5 =	vmul.bf16 v5, v3  }
0x17b: {  	v4 =	vpack.i.f32.bf16 v4, v4  }
0x17c: {  	v6 =	vmul.bf16 v6, v4;
	v5 =	vadd.bf16 v7, v5;
	_ =	sdelay $0x1  }
0x17d: {  	s11 =	smul.u32 $0x1800, s10;
	v5 =	vadd.bf16 v5, v6;
	_ =	sdelay $0x1  }
0x17e: {  	s10 =	sor.u32 s12, s11;
	v6 =	vunpack.i.l.bf16.f32 v5  }
0x17f: {  	v5 =	vunpack.i.u.bf16.f32 v5;
	[tilespmem:s10+$0xC480] =	vst v6  }
0x180: {  	[tilespmem:s10+$0xD080] =	vst v5  }
0x181: {  	v5 =	vld [tilespmem:s8+$0x1C90]  }
0x182: {  	v6 =	vld [tilespmem:s8+$0x4C90]  }
0x183: {  	v41 =	vld [tilespmem:s8+$0x7C90];
	_ =	sdelay $0x2  }
0x184: {  	v5 =	vmul.bf16 v5, v3;
	_ =	sdelay $0x1  }
0x185: {  	v6 =	vmul.bf16 v6, v4;
	v5 =	vadd.bf16 v41, v5;
	_ =	sdelay $0x1  }
0x186: {  	v5 =	vadd.bf16 v5, v6;
	_ =	sdelay $0x1  }
0x187: {  	v6 =	vunpack.i.l.bf16.f32 v5  }
0x188: {  	v5 =	vunpack.i.u.bf16.f32 v5;
	[tilespmem:s10+$0xC490] =	vst v6  }
0x189: {  	[tilespmem:s10+$0xD090] =	vst v5  }
0x18a: {  	v5 =	vld [tilespmem:s8+$0x1CA0]  }
0x18b: {  	v6 =	vld [tilespmem:s8+$0x4CA0]  }
0x18c: {  	v42 =	vld [tilespmem:s8+$0x7CA0];
	_ =	sdelay $0x2  }
0x18d: {  	v5 =	vmul.bf16 v5, v3;
	_ =	sdelay $0x1  }
0x18e: {  	v6 =	vmul.bf16 v6, v4;
	v5 =	vadd.bf16 v42, v5;
	_ =	sdelay $0x1  }
0x18f: {  	v5 =	vadd.bf16 v5, v6;
	_ =	sdelay $0x1  }
0x190: {  	v6 =	vunpack.i.l.bf16.f32 v5  }
0x191: {  	v5 =	vunpack.i.u.bf16.f32 v5;
	[tilespmem:s10+$0xC4A0] =	vst v6  }
0x192: {  	[tilespmem:s10+$0xD0A0] =	vst v5  }
0x193: {  	v5 =	vld [tilespmem:s8+$0x1CB0]  }
0x194: {  	v6 =	vld [tilespmem:s8+$0x4CB0]  }
0x195: {  	v43 =	vld [tilespmem:s8+$0x7CB0];
	_ =	sdelay $0x2  }
0x196: {  	v5 =	vmul.bf16 v5, v3;
	_ =	sdelay $0x1  }
0x197: {  	v6 =	vmul.bf16 v6, v4;
	v5 =	vadd.bf16 v43, v5;
	_ =	sdelay $0x1  }
0x198: {  	v5 =	vadd.bf16 v5, v6;
	_ =	sdelay $0x1  }
0x199: {  	v6 =	vunpack.i.l.bf16.f32 v5  }
0x19a: {  	v5 =	vunpack.i.u.bf16.f32 v5;
	[tilespmem:s10+$0xC4B0] =	vst v6  }
0x19b: {  	[tilespmem:s10+$0xD0B0] =	vst v5  }
0x19c: {  	v5 =	vld [tilespmem:s8+$0x1CC0]  }
0x19d: {  	v6 =	vld [tilespmem:s8+$0x4CC0]  }
0x19e: {  	v44 =	vld [tilespmem:s8+$0x7CC0];
	_ =	sdelay $0x2  }
0x19f: {  	v5 =	vmul.bf16 v5, v3;
	_ =	sdelay $0x1  }
0x1a0: {  	v6 =	vmul.bf16 v6, v4;
	v5 =	vadd.bf16 v44, v5;
	_ =	sdelay $0x1  }
0x1a1: {  	v5 =	vadd.bf16 v5, v6;
	_ =	sdelay $0x1  }
0x1a2: {  	v6 =	vunpack.i.l.bf16.f32 v5  }
0x1a3: {  	v5 =	vunpack.i.u.bf16.f32 v5;
	[tilespmem:s10+$0xC4C0] =	vst v6  }
0x1a4: {  	[tilespmem:s10+$0xD0C0] =	vst v5  }
0x1a5: {  	v5 =	vld [tilespmem:s8+$0x1CD0]  }
0x1a6: {  	v6 =	vld [tilespmem:s8+$0x4CD0]  }
0x1a7: {  	v45 =	vld [tilespmem:s8+$0x7CD0];
	_ =	sdelay $0x2  }
0x1a8: {  	v5 =	vmul.bf16 v5, v3;
	_ =	sdelay $0x1  }
0x1a9: {  	v6 =	vmul.bf16 v6, v4;
	v5 =	vadd.bf16 v45, v5;
	_ =	sdelay $0x1  }
0x1aa: {  	v5 =	vadd.bf16 v5, v6;
	_ =	sdelay $0x1  }
0x1ab: {  	v6 =	vunpack.i.l.bf16.f32 v5  }
0x1ac: {  	v5 =	vunpack.i.u.bf16.f32 v5;
	[tilespmem:s10+$0xC4D0] =	vst v6  }
0x1ad: {  	[tilespmem:s10+$0xD0D0] =	vst v5  }
0x1ae: {  	v5 =	vld [tilespmem:s8+$0x1CE0]  }
0x1af: {  	v6 =	vld [tilespmem:s8+$0x4CE0]  }
0x1b0: {  	v46 =	vld [tilespmem:s8+$0x7CE0];
	_ =	sdelay $0x2  }
0x1b1: {  	v5 =	vmul.bf16 v5, v3;
	_ =	sdelay $0x1  }
0x1b2: {  	v6 =	vmul.bf16 v6, v4;
	v5 =	vadd.bf16 v46, v5;
	_ =	sdelay $0x1  }
0x1b3: {  	v5 =	vadd.bf16 v5, v6;
	_ =	sdelay $0x1  }
0x1b4: {  	v6 =	vunpack.i.l.bf16.f32 v5  }
0x1b5: {  	v5 =	vunpack.i.u.bf16.f32 v5;
	[tilespmem:s10+$0xC4E0] =	vst v6  }
0x1b6: {  	[tilespmem:s10+$0xD0E0] =	vst v5  }
0x1b7: {  	v5 =	vld [tilespmem:s8+$0x1CF0]  }
0x1b8: {  	v6 =	vld [tilespmem:s8+$0x4CF0]  }
0x1b9: {  	v47 =	vld [tilespmem:s8+$0x7CF0];
	_ =	sdelay $0x2  }
0x1ba: {  	v5 =	vmul.bf16 v5, v3;
	_ =	sdelay $0x1  }
0x1bb: {  	v6 =	vmul.bf16 v6, v4;
	v5 =	vadd.bf16 v47, v5;
	_ =	sdelay $0x1  }
0x1bc: {  	v5 =	vadd.bf16 v5, v6;
	_ =	sdelay $0x1  }
0x1bd: {  	v6 =	vunpack.i.l.bf16.f32 v5  }
0x1be: {  	v5 =	vunpack.i.u.bf16.f32 v5;
	[tilespmem:s10+$0xC4F0] =	vst v6  }
0x1bf: {  	[tilespmem:s10+$0xD0F0] =	vst v5  }
0x1c0: {  	v5 =	vld [tilespmem:s8+$0x2080]  }
0x1c1: {  	v6 =	vld [tilespmem:s8+$0x5080]  }
0x1c2: {  	v48 =	vld [tilespmem:s8+$0x8080];
	_ =	sdelay $0x2  }
0x1c3: {  	v5 =	vmul.bf16 v5, v3;
	_ =	sdelay $0x1  }
0x1c4: {  	v6 =	vmul.bf16 v6, v4;
	v5 =	vadd.bf16 v48, v5;
	_ =	sdelay $0x1  }
0x1c5: {  	v5 =	vadd.bf16 v5, v6;
	_ =	sdelay $0x1  }
0x1c6: {  	v6 =	vunpack.i.l.bf16.f32 v5  }
0x1c7: {  	v5 =	vunpack.i.u.bf16.f32 v5;
	[tilespmem:s10+$0xC880] =	vst v6  }
0x1c8: {  	[tilespmem:s10+$0xD480] =	vst v5  }
0x1c9: {  	v5 =	vld [tilespmem:s8+$0x2090]  }
0x1ca: {  	v6 =	vld [tilespmem:s8+$0x5090]  }
0x1cb: {  	v49 =	vld [tilespmem:s8+$0x8090];
	_ =	sdelay $0x2  }
0x1cc: {  	v5 =	vmul.bf16 v5, v3;
	_ =	sdelay $0x1  }
0x1cd: {  	v6 =	vmul.bf16 v6, v4;
	v5 =	vadd.bf16 v49, v5;
	_ =	sdelay $0x1  }
0x1ce: {  	v5 =	vadd.bf16 v5, v6;
	_ =	sdelay $0x1  }
0x1cf: {  	v6 =	vunpack.i.l.bf16.f32 v5  }
0x1d0: {  	v5 =	vunpack.i.u.bf16.f32 v5;
	[tilespmem:s10+$0xC890] =	vst v6  }
0x1d1: {  	[tilespmem:s10+$0xD490] =	vst v5  }
0x1d2: {  	v5 =	vld [tilespmem:s8+$0x20A0]  }
0x1d3: {  	v6 =	vld [tilespmem:s8+$0x50A0]  }
0x1d4: {  	v50 =	vld [tilespmem:s8+$0x80A0];
	_ =	sdelay $0x2  }
0x1d5: {  	v5 =	vmul.bf16 v5, v3;
	_ =	sdelay $0x1  }
0x1d6: {  	v6 =	vmul.bf16 v6, v4;
	v5 =	vadd.bf16 v50, v5;
	_ =	sdelay $0x1  }
0x1d7: {  	v5 =	vadd.bf16 v5, v6;
	_ =	sdelay $0x1  }
0x1d8: {  	v6 =	vunpack.i.l.bf16.f32 v5  }
0x1d9: {  	v5 =	vunpack.i.u.bf16.f32 v5;
	[tilespmem:s10+$0xC8A0] =	vst v6  }
0x1da: {  	[tilespmem:s10+$0xD4A0] =	vst v5  }
0x1db: {  	v5 =	vld [tilespmem:s8+$0x20B0]  }
0x1dc: {  	v6 =	vld [tilespmem:s8+$0x50B0]  }
0x1dd: {  	v51 =	vld [tilespmem:s8+$0x80B0];
	_ =	sdelay $0x2  }
0x1de: {  	v5 =	vmul.bf16 v5, v3;
	_ =	sdelay $0x1  }
0x1df: {  	v6 =	vmul.bf16 v6, v4;
	v5 =	vadd.bf16 v51, v5;
	_ =	sdelay $0x1  }
0x1e0: {  	v5 =	vadd.bf16 v5, v6;
	_ =	sdelay $0x1  }
0x1e1: {  	v6 =	vunpack.i.l.bf16.f32 v5  }
0x1e2: {  	v5 =	vunpack.i.u.bf16.f32 v5;
	[tilespmem:s10+$0xC8B0] =	vst v6  }
0x1e3: {  	[tilespmem:s10+$0xD4B0] =	vst v5  }
0x1e4: {  	v5 =	vld [tilespmem:s8+$0x20C0]  }
0x1e5: {  	v6 =	vld [tilespmem:s8+$0x50C0]  }
0x1e6: {  	v52 =	vld [tilespmem:s8+$0x80C0];
	_ =	sdelay $0x2  }
0x1e7: {  	v5 =	vmul.bf16 v5, v3;
	_ =	sdelay $0x1  }
0x1e8: {  	v6 =	vmul.bf16 v6, v4;
	v5 =	vadd.bf16 v52, v5;
	_ =	sdelay $0x1  }
0x1e9: {  	v5 =	vadd.bf16 v5, v6;
	_ =	sdelay $0x1  }
0x1ea: {  	v6 =	vunpack.i.l.bf16.f32 v5  }
0x1eb: {  	v5 =	vunpack.i.u.bf16.f32 v5;
	[tilespmem:s10+$0xC8C0] =	vst v6  }
0x1ec: {  	[tilespmem:s10+$0xD4C0] =	vst v5  }
0x1ed: {  	v5 =	vld [tilespmem:s8+$0x20D0]  }
0x1ee: {  	v6 =	vld [tilespmem:s8+$0x50D0]  }
0x1ef: {  	v53 =	vld [tilespmem:s8+$0x80D0];
	_ =	sdelay $0x2  }
0x1f0: {  	v5 =	vmul.bf16 v5, v3;
	_ =	sdelay $0x1  }
0x1f1: {  	v6 =	vmul.bf16 v6, v4;
	v5 =	vadd.bf16 v53, v5;
	_ =	sdelay $0x1  }
0x1f2: {  	v5 =	vadd.bf16 v5, v6;
	_ =	sdelay $0x1  }
0x1f3: {  	v6 =	vunpack.i.l.bf16.f32 v5  }
0x1f4: {  	v5 =	vunpack.i.u.bf16.f32 v5;
	[tilespmem:s10+$0xC8D0] =	vst v6  }
0x1f5: {  	[tilespmem:s10+$0xD4D0] =	vst v5  }
0x1f6: {  	v5 =	vld [tilespmem:s8+$0x20E0]  }
0x1f7: {  	v6 =	vld [tilespmem:s8+$0x50E0]  }
0x1f8: {  	v54 =	vld [tilespmem:s8+$0x80E0];
	_ =	sdelay $0x2  }
0x1f9: {  	v5 =	vmul.bf16 v5, v3;
	_ =	sdelay $0x1  }
0x1fa: {  	v6 =	vmul.bf16 v6, v4;
	v5 =	vadd.bf16 v54, v5;
	_ =	sdelay $0x1  }
0x1fb: {  	v5 =	vadd.bf16 v5, v6;
	_ =	sdelay $0x1  }
0x1fc: {  	v6 =	vunpack.i.l.bf16.f32 v5  }
0x1fd: {  	v5 =	vunpack.i.u.bf16.f32 v5;
	[tilespmem:s10+$0xC8E0] =	vst v6  }
0x1fe: {  	[tilespmem:s10+$0xD4E0] =	vst v5  }
0x1ff: {  	v5 =	vld [tilespmem:s8+$0x20F0]  }
0x200: {  	v6 =	vld [tilespmem:s8+$0x50F0]  }
0x201: {  	v55 =	vld [tilespmem:s8+$0x80F0];
	_ =	sdelay $0x2  }
0x202: {  	v5 =	vmul.bf16 v5, v3;
	_ =	sdelay $0x1  }
0x203: {  	v6 =	vmul.bf16 v6, v4;
	v5 =	vadd.bf16 v55, v5;
	_ =	sdelay $0x1  }
0x204: {  	v5 =	vadd.bf16 v5, v6;
	_ =	sdelay $0x1  }
0x205: {  	v6 =	vunpack.i.l.bf16.f32 v5  }
0x206: {  	v5 =	vunpack.i.u.bf16.f32 v5;
	[tilespmem:s10+$0xC8F0] =	vst v6  }
0x207: {  	[tilespmem:s10+$0xD4F0] =	vst v5  }
0x208: {  	v5 =	vld [tilespmem:s8+$0x2480]  }
0x209: {  	v6 =	vld [tilespmem:s8+$0x5480]  }
0x20a: {  	v56 =	vld [tilespmem:s8+$0x8480];
	_ =	sdelay $0x2  }
0x20b: {  	v5 =	vmul.bf16 v5, v3;
	_ =	sdelay $0x1  }
0x20c: {  	v6 =	vmul.bf16 v6, v4;
	v5 =	vadd.bf16 v56, v5;
	_ =	sdelay $0x1  }
0x20d: {  	v5 =	vadd.bf16 v5, v6;
	_ =	sdelay $0x1  }
0x20e: {  	s11 =	sor.u32 s11, s21;
	v6 =	vunpack.i.l.bf16.f32 v5  }
0x20f: {  	s11 =	sor.u32 $0x4400, s11;
	v5 =	vunpack.i.u.bf16.f32 v5;
	[tilespmem:s10+$0xCC80] =	vst v6  }
0x210: {  	[tilespmem:s11+$0x9480] =	vst v5  }
0x211: {  	v5 =	vld [tilespmem:s8+$0x2490]  }
0x212: {  	v6 =	vld [tilespmem:s8+$0x5490]  }
0x213: {  	v57 =	vld [tilespmem:s8+$0x8490];
	_ =	sdelay $0x2  }
0x214: {  	v5 =	vmul.bf16 v5, v3;
	_ =	sdelay $0x1  }
0x215: {  	v6 =	vmul.bf16 v6, v4;
	v5 =	vadd.bf16 v57, v5;
	_ =	sdelay $0x1  }
0x216: {  	v5 =	vadd.bf16 v5, v6;
	_ =	sdelay $0x1  }
0x217: {  	v6 =	vunpack.i.l.bf16.f32 v5  }
0x218: {  	v5 =	vunpack.i.u.bf16.f32 v5;
	[tilespmem:s10+$0xCC90] =	vst v6  }
0x219: {  	[tilespmem:s11+$0x9490] =	vst v5  }
0x21a: {  	v5 =	vld [tilespmem:s8+$0x24A0]  }
0x21b: {  	v6 =	vld [tilespmem:s8+$0x54A0]  }
0x21c: {  	v58 =	vld [tilespmem:s8+$0x84A0];
	_ =	sdelay $0x2  }
0x21d: {  	v5 =	vmul.bf16 v5, v3;
	_ =	sdelay $0x1  }
0x21e: {  	v6 =	vmul.bf16 v6, v4;
	v5 =	vadd.bf16 v58, v5;
	_ =	sdelay $0x1  }
0x21f: {  	v5 =	vadd.bf16 v5, v6;
	_ =	sdelay $0x1  }
0x220: {  	v6 =	vunpack.i.l.bf16.f32 v5  }
0x221: {  	v5 =	vunpack.i.u.bf16.f32 v5;
	[tilespmem:s10+$0xCCA0] =	vst v6  }
0x222: {  	[tilespmem:s11+$0x94A0] =	vst v5  }
0x223: {  	v5 =	vld [tilespmem:s8+$0x24B0]  }
0x224: {  	v6 =	vld [tilespmem:s8+$0x54B0]  }
0x225: {  	v59 =	vld [tilespmem:s8+$0x84B0];
	_ =	sdelay $0x2  }
0x226: {  	v5 =	vmul.bf16 v5, v3;
	_ =	sdelay $0x1  }
0x227: {  	v6 =	vmul.bf16 v6, v4;
	v5 =	vadd.bf16 v59, v5;
	_ =	sdelay $0x1  }
0x228: {  	v5 =	vadd.bf16 v5, v6;
	_ =	sdelay $0x1  }
0x229: {  	v6 =	vunpack.i.l.bf16.f32 v5  }
0x22a: {  	v5 =	vunpack.i.u.bf16.f32 v5;
	[tilespmem:s10+$0xCCB0] =	vst v6  }
0x22b: {  	[tilespmem:s11+$0x94B0] =	vst v5  }
0x22c: {  	v5 =	vld [tilespmem:s8+$0x24C0]  }
0x22d: {  	v6 =	vld [tilespmem:s8+$0x54C0]  }
0x22e: {  	v60 =	vld [tilespmem:s8+$0x84C0];
	_ =	sdelay $0x2  }
0x22f: {  	v5 =	vmul.bf16 v5, v3;
	_ =	sdelay $0x1  }
0x230: {  	v6 =	vmul.bf16 v6, v4;
	v5 =	vadd.bf16 v60, v5;
	_ =	sdelay $0x1  }
0x231: {  	v5 =	vadd.bf16 v5, v6;
	_ =	sdelay $0x1  }
0x232: {  	v6 =	vunpack.i.l.bf16.f32 v5  }
0x233: {  	v5 =	vunpack.i.u.bf16.f32 v5;
	[tilespmem:s10+$0xCCC0] =	vst v6  }
0x234: {  	[tilespmem:s11+$0x94C0] =	vst v5  }
0x235: {  	v5 =	vld [tilespmem:s8+$0x24D0]  }
0x236: {  	v6 =	vld [tilespmem:s8+$0x54D0]  }
0x237: {  	v61 =	vld [tilespmem:s8+$0x84D0];
	_ =	sdelay $0x2  }
0x238: {  	v5 =	vmul.bf16 v5, v3;
	_ =	sdelay $0x1  }
0x239: {  	v6 =	vmul.bf16 v6, v4;
	v5 =	vadd.bf16 v61, v5;
	_ =	sdelay $0x1  }
0x23a: {  	v5 =	vadd.bf16 v5, v6;
	_ =	sdelay $0x1  }
0x23b: {  	v6 =	vunpack.i.l.bf16.f32 v5  }
0x23c: {  	v5 =	vunpack.i.u.bf16.f32 v5;
	[tilespmem:s10+$0xCCD0] =	vst v6  }
0x23d: {  	[tilespmem:s11+$0x94D0] =	vst v5  }
0x23e: {  	v5 =	vld [tilespmem:s8+$0x24E0]  }
0x23f: {  	v6 =	vld [tilespmem:s8+$0x54E0]  }
0x240: {  	v62 =	vld [tilespmem:s8+$0x84E0];
	_ =	sdelay $0x2  }
0x241: {  	v5 =	vmul.bf16 v5, v3;
	_ =	sdelay $0x1  }
0x242: {  	v6 =	vmul.bf16 v6, v4;
	v5 =	vadd.bf16 v62, v5;
	_ =	sdelay $0x1  }
0x243: {  	v5 =	vadd.bf16 v5, v6;
	_ =	sdelay $0x1  }
0x244: {  	v6 =	vunpack.i.l.bf16.f32 v5  }
0x245: {  	v5 =	vunpack.i.u.bf16.f32 v5;
	[tilespmem:s10+$0xCCE0] =	vst v6  }
0x246: {  	[tilespmem:s11+$0x94E0] =	vst v5  }
0x247: {  	v5 =	vld [tilespmem:s8+$0x24F0]  }
0x248: {  	v6 =	vld [tilespmem:s8+$0x54F0]  }
0x249: {  	v63 =	vld [tilespmem:s8+$0x84F0];
	_ =	sdelay $0x2  }
0x24a: {  	v3 =	vmul.bf16 v5, v3;
	_ =	sdelay $0x1  }
0x24b: {  	v4 =	vmul.bf16 v6, v4;
	v3 =	vadd.bf16 v63, v3  }
0x24c: {  	p0 =	sne.s32 s17, $0xF  }
.Ltmp1:
0x24d: {  	v3 =	vadd.bf16 v3, v4;
	(pc) =	sbr.rel @p0 .LBB2_5-.Ltmp1, $4  }
0x24e: {  	_ = 	snop  }
0x24f: {  	v4 =	vunpack.i.l.bf16.f32 v3  }
0x250: {  	v3 =	vunpack.i.u.bf16.f32 v3;
	[tilespmem:s10+$0xCCF0] =	vst v4  }
0x251: {  	s22 =	sadd.s32 $0x1, s22;
	s17 =	sadd.s32 $0x1, s17;
	s21 =	sadd.s32 $0x80, s21;
	[tilespmem:s11+$0x94F0] =	vst v3  }
0x252: {  	s19 =	sadd.s32 $0x1, s19  }
0x253: {  	p0 =	sne.s32 s19, $0x8  }
.Ltmp2:
0x254: {  	_ = 	snop;
	(pc) =	sbr.rel @p0 .LBB2_2-.Ltmp2, $3  }
0x255: {  	s8 =	smul.u32 $0x300, s20;
	_ =	sdelay $0x1  }
0x256: {  	s7 =	sadd.s32 $0x40, s7;
	s18 =	sadd.s32 $0x40, s18;
	s8 =	sadd.s32 s2, s8  }
0x257: {  	[hbm4b:s8+s3] =	stream.linear.scatter [tilespmem:s14], [sflag:$0x2], $0x3000, $0x38;
	[tilespmem:$0xF480] =	vst v63  }
0x258: {  	_ =	swait.ge [sflag:s15], $0x3000  }
0x259: {  	[sflag:s15] =	ssyncset.done $0x0  }
0x25a: {  	[sflag:s15] =	ssyncadd.s32 $0xFFFFD000  }
0x25b: {  	_ =	swait.ge [sflag:s15], $0x3000  }
0x25c: {  	s16 =	sadd.s32 $0x1, s16;
	s7 =	rddreg [dreg:$0x6]  }
0x25d: {  	p0 =	sne.s32 s16, s7  }
.Ltmp3:
0x25e: {  	_ = 	snop;
	(pc) =	sbr.rel @p0 .LBB2_1-.Ltmp3, $3  }
0x25f: {  	_ =	sdelay $0x1  }
0x260: {  	[sflag:s15] =	ssyncset.done $0x0  }
0x261: {  	[sflag:s15] =	ssyncadd.s32 $0xFFFFD000  }
0x262: {  	_ =	sfence.sel $0x180000  }
0x263: {  	[bflag:$0x0] =	sbarrier.arrive $0xFFFF  }
0x264: {  	_ =	strace $0x9000004A  }
0x265: {  	s0 =	stileid.u32;
	[bflag:$0x2] =	sbarrier.arrive $0xFFFF  }
0x266: {  	p0 =	sne.s32 s0, $0x0;
	s0 =	rddreg [dreg:$0x2]  }
0x267: {  	s0 =	sadd.s32 @!p0 $0x100000, s0  }
0x268: {  	[sflag:s0] =	ssyncadd.tile.s32 @!p0 $0x1;
	_ =	shalt  }
.Lfunc_end2:
_tile_overlayer_lowered:
.L_overlay_start_2:
0x269: {  	(tag) =	ssettag $0x2  }
0x26a: {  	s0 =	rddreg [dreg:$0x0];
	s2 =	stileid.u32  }
0x26b: {  	s1 =	rddreg [dreg:$0x1];
	p0 =	sne.s32 s2, $0x0  }
0x26c: {  	s3 =	rddreg [dreg:$0x2];
	[bflag:$0x3] =	sbarrier.arrive $0xFFFF;
	s2 =	simm.s32 @!p0 $0x1C03  }
0x26d: {  	[timem:s3], [sflag:s2] =	dma.local @!p0 [hbm:s0], s1  }
0x26e: {  	s0 =	simm.s32 @!p0 $0x3  }
0x26f: {  	_ =	swait.ge @!p0 [sflag:s0], s1  }
0x270: {  	s1 =	ssub.s32 @!p0 $0x0, s1;
	[sflag:s0] =	ssyncset.done @!p0 $0x0  }
0x271: {  	[sflag:s0] =	ssyncadd.s32 @!p0 s1  }
0x272: {  	[bflag:$0x3] =	sbarrier.arrive $0xFFFF  }
0x273: {  	_ =	shalt  }

// kernel: kernel.7.cloned.1.call-start
scs
__scs_entry_jumppad:
0x0: {  	(pc) =	sbr.rel $0x88, $3  }
0x1: {  	(tag) =	ssettag $0x0;
	lr =	simm.s32 $0x1  }
0x2: {  	[smem:$0x3F99] =	sst lr;
	_ =	strace $0xD0000000  }
0x3: {  	_ = 	snop  }
0x4: {  	_ = 	snop  }
0x5: {  	_ = 	snop  }
0x6: {  	_ = 	snop  }
0x7: {  	_ = 	snop  }
__scs_overlays_trampoline_lowered:
0x8: {  	[smem:$0x3FA8] =	sst s0  }
0x9: {  	[smem:$0x3FA9] =	sst s1  }
0xa: {  	[smem:$0x3FAA] =	sst s2  }
0xb: {  	[smem:$0x3FAB] =	sst s3  }
0xc: {  	[smem:$0x3FAC] =	sst s4  }
0xd: {  	[smem:$0x3FAD] =	sst s5  }
0xe: {  	[smem:$0x3FAE] =	sst s6  }
0xf: {  	[smem:$0x3FAF] =	sst s7  }
0x10: {  	[smem:$0x3FB0] =	sst s8  }
0x11: {  	[smem:$0x3FB1] =	sst s9;
	s0 =	simm.s32 @!p0 $0x0  }
0x12: {  	s1 =	sld [smem:$0x3F97];
	s0 =	simm.s32 @p0 $0x1  }
0x13: {  	[smem:$0x3FB2] =	sst s0;
	s0 =	simm.s32 @!p1 $0x0  }
0x14: {  	s2 =	sld [smem:$0x3F96];
	s0 =	simm.s32 @p1 $0x1  }
0x15: {  	[smem:$0x3FB3] =	sst s0;
	s0 =	simm.s32 @!p2 $0x0  }
0x16: {  	s3 =	sld [smem:$0x3FDB];
	s0 =	simm.s32 @p2 $0x1  }
0x17: {  	s4 =	simm.s32 $0x1BF5;
	[smem:$0x3FB5] =	sst s0  }
0x18: {  	s0 =	sld [smem:$0x3F98];
	_ =	swait.ge [sflag:s4], $0x0  }
0x19: {  	s7 =	sld [smem:$0x3F99]  }
0x1a: {  	s8 =	sadd.s32 $0xFFFFE003, lr  }
0x1b: {  	s9 =	sadd.s32 $0xFFFFFEF7, lr;
	s5 =	simm.s32 $0xFFFFFFFF;
	p2 =	slt.u32 s8, $0xFFFFF086  }
0x1c: {  	p1 =	slt.u32 s9, $0xF7A;
	s5 =	simm.s32 @!p2 $0x0  }
0x1d: {  	s5 =	simm.s32 @p1 $0x1;
	p0 =	seq.s32 s7, s2  }
0x1e: {  	s7 =	smul.u32 @!p0 $0xF7A, s2;
	p2 =	seq.s32 @!p0 s5, $0x0  }
0x1f: {  	s9 =	smul.u32 $0xF7A, s1;
	s8 =	simm.s32 @!p0 $0x1BF5;
	p2 =	por !p2, p0  }
0x20: {  	[sflag:s8] =	ssyncset.s32 @!p0 $0xFFFFF086;
	s6 =	sadd.s32 @!p0 s3, s7;
	s7 =	simm.s32 @!p0 $0x108  }
0x21: {  	s3 =	sadd.s32 s3, s9;
	s6 =	sadd.s32 @!p0 $0x88, s6;
	s7 =	simm.s32 @p2 $0x1082  }
0x22: {  	[simem:s7], [sflag:s8] =	dma.local @!p0 [hbm:s6], $0xF7A  }
0x23: {  	s9 =	sor.u32 $0xD0000000, s2;
	s6 =	simm.s32 $0x108;
	_ =	swait.ge @!p0 [sflag:s8], $0x0  }
0x24: {  	s3 =	sadd.s32 $0x88, s3;
	s6 =	simm.s32 @!p1 $0x1082;
	[sflag:s4] =	ssyncset.s32 $0xFFFFF086  }
0x25: {  	[simem:s6], [sflag:s4] =	dma.local [hbm:s3], $0xF7A  }
0x26: {  	[smem:$0x3F99] =	sst s1;
	(tag) =	ssettag s2;
	_ =	strace s9  }
0x27: {  	s1 =	sld [smem:$0x3FA9]  }
0x28: {  	s2 =	sld [smem:$0x3FAA]  }
0x29: {  	s4 =	sld [smem:$0x3FAC]  }
0x2a: {  	p0 =	seq.s32 s5, $0x0;
	s5 =	sld [smem:$0x3FAD]  }
0x2b: {  	s6 =	sld [smem:$0x3FAE]  }
0x2c: {  	s7 =	sld [smem:$0x3FAF]  }
0x2d: {  	s3 =	simm.s32 $0x108;
	s8 =	sld [smem:$0x3FB0]  }
0x2e: {  	s3 =	simm.s32 @!p0 $0x1082;
	s9 =	sld [smem:$0x3FB1]  }
0x2f: {  	lr =	sadd.s32 s0, s3;
	s0 =	sld [smem:$0x3FA8]  }
0x30: {  	s3 =	sld [smem:$0x3FAB]  }
0x31: {  	[smem:$0x3FB4] =	sst s10  }
0x32: {  	s10 =	sld [smem:$0x3FB2];
	_ =	sdelay $0x3  }
0x33: {  	p0 =	seq.s32 s10, $0x1;
	s10 =	sld [smem:$0x3FB4];
	_ =	sdelay $0x3  }
0x34: {  	[smem:$0x3FB4] =	sst s10  }
0x35: {  	s10 =	sld [smem:$0x3FB3];
	_ =	sdelay $0x3  }
0x36: {  	p1 =	seq.s32 s10, $0x1;
	s10 =	sld [smem:$0x3FB4];
	_ =	sdelay $0x3  }
0x37: {  	[smem:$0x3FB4] =	sst s10  }
0x38: {  	s10 =	sld [smem:$0x3FB5]  }
0x39: {  	_ = 	snop;
	(pc) =	sbr.ind lr, $3  }
0x3a: {  	_ = 	snop  }
0x3b: {  	_ = 	snop  }
0x3c: {  	p2 =	seq.s32 s10, $0x1;
	s10 =	sld [smem:$0x3FB4]  }
0x3d: {  	_ =	shalt  }
0x3e: {  	_ =	shalt  }
0x3f: {  	_ =	shalt  }
0x40: {  	_ =	shalt  }
0x41: {  	_ =	shalt  }
0x42: {  	_ =	shalt  }
0x43: {  	_ =	shalt  }
0x44: {  	_ =	shalt  }
0x45: {  	_ =	shalt  }
0x46: {  	_ =	shalt  }
0x47: {  	_ =	shalt  }
0x48: {  	_ =	shalt  }
0x49: {  	_ =	shalt  }
0x4a: {  	_ =	shalt  }
0x4b: {  	_ =	shalt  }
0x4c: {  	_ =	shalt  }
0x4d: {  	_ =	shalt  }
0x4e: {  	_ =	shalt  }
0x4f: {  	_ =	shalt  }
0x50: {  	_ =	shalt  }
0x51: {  	_ =	shalt  }
0x52: {  	_ =	shalt  }
0x53: {  	_ =	shalt  }
0x54: {  	_ =	shalt  }
0x55: {  	_ =	shalt  }
0x56: {  	_ =	shalt  }
0x57: {  	_ =	shalt  }
0x58: {  	_ =	shalt  }
0x59: {  	_ =	shalt  }
0x5a: {  	_ =	shalt  }
0x5b: {  	_ =	shalt  }
0x5c: {  	_ =	shalt  }
0x5d: {  	_ =	shalt  }
0x5e: {  	_ =	shalt  }
0x5f: {  	_ =	shalt  }
0x60: {  	_ =	shalt  }
0x61: {  	_ =	shalt  }
0x62: {  	_ =	shalt  }
0x63: {  	_ =	shalt  }
0x64: {  	_ =	shalt  }
0x65: {  	_ =	shalt  }
0x66: {  	_ =	shalt  }
0x67: {  	_ =	shalt  }
0x68: {  	_ =	shalt  }
0x69: {  	_ =	shalt  }
0x6a: {  	_ =	shalt  }
0x6b: {  	_ =	shalt  }
0x6c: {  	_ =	shalt  }
0x6d: {  	_ =	shalt  }
0x6e: {  	_ =	shalt  }
0x6f: {  	_ =	shalt  }
0x70: {  	_ =	shalt  }
0x71: {  	_ =	shalt  }
0x72: {  	_ =	shalt  }
0x73: {  	_ =	shalt  }
0x74: {  	_ =	shalt  }
0x75: {  	_ =	shalt  }
0x76: {  	_ =	shalt  }
0x77: {  	_ =	shalt  }
0x78: {  	_ =	shalt  }
0x79: {  	_ =	shalt  }
0x7a: {  	_ =	shalt  }
0x7b: {  	_ =	shalt  }
0x7c: {  	_ =	shalt  }
0x7d: {  	_ =	shalt  }
0x7e: {  	_ =	shalt  }
0x7f: {  	_ =	shalt  }
0x80: {  	_ =	shalt  }
0x81: {  	_ =	shalt  }
0x82: {  	_ =	shalt  }
0x83: {  	_ =	shalt  }
0x84: {  	_ =	shalt  }
0x85: {  	_ =	shalt  }
0x86: {  	_ =	shalt  }
0x87: {  	_ =	shalt  }
.Lfunc_end0:
.L_simem_size_0:
called_computation_lowered:
.L_overlay_start_0:
0x88: {  	s2 =	sld [smem:$0x3FD9]  }
0x89: {  	s3 =	sld [smem:$0x3FFE];
	_ =	sdelay $0x1  }
0x8a: {  	s1 =	srdreg.scid  }
0x8b: {  	s0 =	sand.u32 $0x1, s1  }
0x8c: {  	s14 =	sshll.u32 s0, $0xA;
	s2 =	sadd.s32 s3, s2  }
0x8d: {  	s2 =	sadd.s32 s2, s14  }
0x8e: {  	[smem:$0x3FC0] =	sst s2  }
0x8f: {  	_ = 	snop  }
0x90: {  	s2 =	sld [smem:$0x3FD0];
	_ =	sdelay $0x2  }
0x91: {  	s15 =	simm.s32 $0xA;
	s4 =	simm.s32 $0x10  }
0x92: {  	[smem:s4], [sflag:s15] =	dma.local [hbm:s2], $0x1  }
0x93: {  	_ =	swait.eq [sflag:s15], $0x1  }
0x94: {  	[sflag:s15] =	ssyncset.done $0x0  }
0x95: {  	[sflag:s15] =	ssyncadd.s32 $0xFFFFFFFF  }
0x96: {  	s16 =	sld [smem:$0x10];
	(tm) =	ssettm $0x1  }
0x97: {  	s17 =	sld [smem:$0x3FFB];
	_ =	sdelay $0x3  }
0x98: {  	_ =	strace s17  }
0x99: {  	s3 =	sld [smem:$0x3FFC];
	_ =	sdelay $0x3  }
0x9a: {  	_ =	strace s3  }
0x9b: {  	s3 =	sld [smem:$0x3FFD];
	_ =	sdelay $0x3  }
0x9c: {  	_ =	strace s3  }
0x9d: {  	_ =	strace $0x8FFFFFFF  }
0x9e: {  	s18 =	sld [smem:$0x3FDB];
	_ =	sdelay $0x1  }
0x9f: {  	s19 =	simm.s32 $_scs_section_size  }
0xa0: {  	s5 =	simm.s32 $_size__tile_overlayer_lowered;
	s6 =	simm.s32 $_tile_overlayer_lowered  }
0xa1: {  	s22 =	simm.s32 $0x1BFF;
	s21 =	sshll.u32 s6, $0x1;
	s3 =	sadd.s32 s19, s18  }
0xa2: {  	s7 =	simm.s32 $0x0;
	s20 =	sshll.u32 s5, $0x1;
	s5 =	sadd.s32 s21, s3  }
0xa3: {  	[timem:s7], [sflag:s22] =	dma.local [hbm:s5], s20  }
0xa4: {  	_ =	swait.ge [sflag:s22], s20  }
0xa5: {  	s4 =	ssub.s32 $0x0, s20;
	[sflag:s22] =	ssyncset.done $0x0  }
0xa6: {  	[sflag:s22] =	ssyncadd.s32 s4;
	_ =	sdelay $0x1  }
0xa7: {  	s23 =	simm.s32 $0x1B8B  }
0xa8: {  	_ =	swait.ge [sflag:s23], $0x1  }
0xa9: {  	[sflag:s23] =	ssyncset.done $0x0  }
0xaa: {  	s25 =	simm.s32 $0x1B8E;
	s24 =	sld [smem:$0x3FFE];
	[sflag:s23] =	ssyncadd.s32 $0xFFFFFFFF  }
0xab: {  	s26 =	simm.s32 $execute0_lowered;
	[smem:$0x3FD2] =	sst s25  }
0xac: {  	s5 =	sshll.u32 s26, $0x1;
	_ =	strace $0x80000046;
	[dreg:$0x1] =	wrdreg $0xFFFFFFFF  }
0xad: {  	s28 =	simm.s32 $_size_execute0_lowered;
	s3 =	sadd.s32 s3, s5;
	[dreg:$0x0] =	wrdreg $0x0  }
0xae: {  	s5 =	sshll.u32 s28, $0x1;
	[dreg:$0x2] =	wrdreg s3  }
0xaf: {  	[dreg:$0x3] =	wrdreg s5  }
0xb0: {  	[dreg:$0x4] =	wrdreg $0xC0  }
0xb1: {  	_ =	task [dreg:s7], $0x5FFFF  }
0xb2: {  	[dreg:$0x1] =	wrdreg $0xFFFFFFFF  }
0xb3: {  	[dreg:$0x0] =	wrdreg $0x60  }
0xb4: {  	[dreg:$0x2] =	wrdreg s24  }
0xb5: {  	[dreg:$0x3] =	wrdreg s16  }
0xb6: {  	[dreg:$0x4] =	wrdreg $0x9  }
0xb7: {  	_ =	task.clear_ibuf [dreg:s7], $0x5FFFF;
	_ =	strace $0x90000046  }
0xb8: {  	s29 =	simm.s32 $0x9;
	_ =	strace $0x80000048  }
0xb9: {  	_ =	swait.ge [sflag:s29], $0x1  }
0xba: {  	[sflag:s29] =	ssyncadd.s32 $0xFFFFFFFF  }
0xbb: {  	_ =	strace $0x90000048  }
0xbc: {  	_ =	sfence  }
0xbd: {  	s30 =	sld [smem:$0x0];
	_ =	sdelay $0x2  }
0xbe: {  	s31 =	sshll.u32 s1, $0xD;
	s1 =	sshrl.u32 s1, $0x2  }
0xbf: {  	s3 =	sand.u32 $0x4000, s31;
	s1 =	sadd.s32 s1, s30  }
0xc0: {  	s0 =	sor.u32 s3, s0;
	s1 =	sshll.u32 s1, $0x11  }
0xc1: {  	s0 =	sor.u32 s1, s0  }
0xc2: {  	s0 =	sadd.s32 $0x8F2B, s0  }
0xc3: {  	[sflag:s0] =	ssyncadd.remote.s32 $0x1  }
0xc4: {  	_ =	sfence.sel $0xFFFF  }
0xc5: {  	[dreg:$0x0] =	wrdreg $0xFFFFFFFF;
	(pc) =	sbr.abs _section_cstart, $3  }
0xc6: {  	[dreg:$0x1] =	wrdreg $0xFFFFFFFF  }
0xc7: {  	_ =	task.clear_ibuf [dreg:s7], $0x2FFFF;
	_ =	strace $0x9FFFFFFF  }
0xc8: {  	(tm) =	ssettm $0x7FFFFFFF  }
0xc9: {  	_ =	shalt  }
tec
execute0_lowered:
.L_overlay_start_1:
0x0: {  	(tag) =	ssettag $0x1  }
0x1: {  	s0 =	rddreg [dreg:$0x0]  }
0x2: {  	s1 =	rddreg [dreg:$0x1];
	s2 =	simm.s32 $0x0  }
0x3: {  	s3 =	srdreg.scid;
	s10 =	stileid.u32;
	s9 =	simm.f32 $0.0e+00  }
0x4: {  	s11 =	simm.f32 $1.000000000e+00;
	s12 =	simm.f32 $1.000000000e+00;
	s13 =	simm.f32 $1.000000000e+00  }
0x5: {  	s14 =	simm.f32 $1.000000000e+00;
	s23 =	simm.f32 $1.000000000e+00;
	s28 =	simm.s32 $0x4E80  }
0x6: {  	s17 =	simm.s32 $0x6A80;
	s29 =	simm.s32 $0x9680;
	s30 =	simm.s32 $0xAE80  }
0x7: {  	s31 =	simm.s32 $0xC680;
	[smem:$0x7FF] =	sst s2;
	s3 =	sand.u32 $0x1, s3  }
0x8: {  	s4 =	sshll.u32 s10, $0x1;
	s5 =	sadd.s32 $0x1600, s0;
	s19 =	sshrl.u32 s10, $0x1  }
0x9: {  	_ =	strace $0x80000047;
	[dreg:$0x3] =	wrdreg s5;
	s18 =	sor.u32 s3, s4  }
0xa: {  	s3 =	ssub.s32 $0x2, s3;
	s4 =	sadd.s32 $0x1800, s0;
	p0 =	seq.s32 s19, $0x0  }
0xb: {  	s6 =	sshll.u32 s18, $0x6;
	s7 =	sshrl.u32 s3, $0x1;
	s8 =	smul.u32 $0x3000, s18  }
0xc: {  	s9 =	simm.s32 @!p0 $0x3F800000;
	p0 =	sgt.u32 s10, $0x3;
	s5 =	smul.u32 $0x18000, s18  }
0xd: {  	s18 =	simm.s32 $0x400;
	s6 =	sadd.s32 s6, s0;
	s3 =	ssub.s32 s3, s7  }
0xe: {  	s11 =	simm.s32 @!p0 $0x0;
	p0 =	sgt.u32 s10, $0x5;
	v0 =	vmov s9;
	s9 =	simm.s32 $0x3  }
0xf: {  	s12 =	simm.s32 @!p0 $0x0;
	p0 =	sgt.u32 s10, $0x7;
	s15 =	sadd.s32 $0xE00, s6  }
0x10: {  	s20 =	sadd.s32 s1, s8;
	s8 =	simm.f32 $1.000000000e+00;
	s5 =	sshrl.u32 s5, $0x3  }
0x11: {  	s22 =	sadd.s32 $0xF5400, s6;
	s6 =	sadd.s32 $0xF5C00, s6;
	[dreg:$0x4] =	wrdreg s15  }
0x12: {  	s26 =	smax.u32 s3, $0x1;
	s3 =	simm.s32 $0x2;
	[dreg:$0x5] =	wrdreg s20  }
0x13: {  	s13 =	simm.s32 @!p0 $0x0;
	p0 =	sgt.u32 s10, $0x9;
	[dreg:$0x7] =	wrdreg s22  }
0x14: {  	s21 =	sadd.s32 $0xC00, s20;
	[dreg:$0x8] =	wrdreg s6;
	s1 =	sadd.s32 s1, s5  }
0x15: {  	[dreg:$0xb] =	wrdreg s26;
	s6 =	simm.s32 $0x1;
	s20 =	simm.s32 $0x680  }
0x16: {  	v2 =	vmov s12;
	s15 =	simm.s32 $0x7E80;
	s22 =	simm.s32 $0x8280;
	s12 =	simm.s32 $0x8E80  }
0x17: {  	s26 =	simm.s32 $0xBE80;
	s14 =	simm.s32 @!p0 $0x0;
	p0 =	sgt.u32 s10, $0xB  }
0x18: {  	[dreg:$0x6] =	wrdreg s21;
	s10 =	sadd.s32 $0x1900, s0;
	s24 =	sadd.s32 $0x1800, s1  }
0x19: {  	v7 =	vlaneseq.u32;
	v8 =	vimm.s32 $0x0;
	vm0 =	vmmov $0xffff;
	s25 =	sadd.s32 $0x2400, s1;
	s0 =	simm.s32 $0xA80;
	s1 =	simm.s32 $0x6A80  }
0x1a: {  	vm1 =	vmmov $0xff;
	v9 =	vand.u32 $0x1, v7;
	s21 =	simm.s32 $0x880;
	v3 =	vmov s13;
	s13 =	simm.s32 $0xA280;
	[dreg:$0x9] =	wrdreg s24  }
0x1b: {  	v11 =	vshrl.u32 v7, $0x3;
	v10 =	vand.u32 $0x7, v7;
	v12 =	vor.u32 $0x8, v7;
	s8 =	simm.s32 @!p0 $0x0;
	p0 =	seq.s32 s19, $0x7;
	[dreg:$0xa] =	wrdreg s25  }
0x1c: {  	v9 =	vmul.u32 $0x10, v9;
	v11 =	vmul.u32 $0x8, v11;
	s19 =	simm.s32 $0x480;
	v4 =	vmov s14;
	s14 =	simm.s32 $0x7680;
	s23 =	simm.s32 @!p0 $0x0  }
0x1d: {  	v1 =	vmov s11;
	s25 =	simm.s32 $0xA680;
	s24 =	simm.s32 $0xBA80;
	v5 =	vmov s8;
	v6 =	vmov s23;
	s23 =	simm.s32 $0x0  }
.LBB2_1:
0x1e: {  	s5 =	rddreg [dreg:$0x4]  }
0x1f: {  	[tilespmem:s2], [sflag:$0x1] =	stream.linear.gather [hbm4b:s5+s2], $0x200, $0x38;
	[tilespmem:$0xCA80] =	vst v63  }
0x20: {  	s8 =	rddreg [dreg:$0x3];
	s7 =	simm.s32 $0x200  }
0x21: {  	[tilespmem:s7], [sflag:$0x1] =	stream.linear.gather [hbm4b:s8+s2], $0x200, $0x38;
	[tilespmem:$0xCA80] =	vst v63  }
0x22: {  	s11 =	rddreg [dreg:$0x5]  }
0x23: {  	[tilespmem:s0], [sflag:$0x2] =	stream.linear.gather [hbm4b:s11+s2], $0x6000, $0x38;
	[tilespmem:$0xCA80] =	vst v63  }
0x24: {  	s16 =	rddreg [dreg:$0x6]  }
0x25: {  	[tilespmem:s1], [sflag:$0x2] =	stream.linear.gather [hbm4b:s16+s2], $0x6000, $0x38;
	[tilespmem:$0xCA80] =	vst v63  }
0x26: {  	_ =	swait.ge [sflag:s6], $0x200  }
0x27: {  	[sflag:s6] =	ssyncset.done $0x0  }
0x28: {  	[sflag:s6] =	ssyncadd.s32 $0xFFFFFE00  }
0x29: {  	_ =	swait.ge [sflag:s6], $0x200  }
0x2a: {  	[sflag:s6] =	ssyncset.done $0x0  }
0x2b: {  	[sflag:s6] =	ssyncadd.s32 $0xFFFFFE00  }
0x2c: {  	v13 =	vld [tilespmem:$0x200]  }
0x2d: {  	v14 =	vld [tilespmem:$0x240]  }
0x2e: {  	v15 =	vld [tilespmem:$0x280]  }
0x2f: {  	v16 =	vld [tilespmem:$0x2C0]  }
0x30: {  	v17 =	vld [tilespmem:$0x300]  }
0x31: {  	v18 =	vld [tilespmem:$0x340]  }
0x32: {  	v19 =	vld [tilespmem:$0x380]  }
0x33: {  	v20 =	vld [tilespmem:$0x3C0]  }
0x34: {  	v21 =	vld [tilespmem:$0x210]  }
0x35: {  	v22 =	vld [tilespmem:$0x250]  }
0x36: {  	v23 =	vld [tilespmem:$0x290]  }
0x37: {  	v24 =	vld [tilespmem:$0x2D0]  }
0x38: {  	v25 =	vld [tilespmem:$0x310]  }
0x39: {  	v26 =	vld [tilespmem:$0x350];
	v13 =	vmul.f32 v13, v0  }
0x3a: {  	v29 =	vld [tilespmem:$0x220]  }
0x3b: {  	v35 =	vld [tilespmem:$0x260];
	v14 =	vmul.f32 v14, v1;
	v13 =	vadd.f32 $0.0e+00, v13  }
0x3c: {  	v38 =	vld [tilespmem:$0x2A0];
	v21 =	vmul.f32 v21, v0  }
0x3d: {  	v22 =	vmul.f32 v22, v1;
	v13 =	vadd.f32 v14, v13;
	v14 =	vmul.f32 v15, v2;
	v15 =	vld [tilespmem:$0x230]  }
0x3e: {  	v36 =	vld [tilespmem:$0x270];
	v34 =	vmul.f32 v23, v2;
	v37 =	vmul.f32 v24, v3  }
0x3f: {  	v40 =	vld [tilespmem:$0x2B0];
	v39 =	vmul.f32 v29, v0;
	v13 =	vadd.f32 v14, v13;
	v14 =	vmul.f32 v16, v3  }
0x40: {  	v42 =	vld [tilespmem:$0x2E0];
	v41 =	vmul.f32 v25, v4;
	v43 =	vmul.f32 v35, v1  }
0x41: {  	v44 =	vld [tilespmem:$0x2F0];
	v18 =	vmul.f32 v18, v5;
	v13 =	vadd.f32 v14, v13;
	v14 =	vmul.f32 v17, v4  }
0x42: {  	v45 =	vld [tilespmem:$0x320];
	v46 =	vmul.f32 v38, v2;
	v21 =	vadd.f32 $0.0e+00, v21;
	v15 =	vmul.f32 v15, v0  }
0x43: {  	v27 =	vld [tilespmem:$0x390];
	v26 =	vmul.f32 v26, v5;
	v13 =	vadd.f32 v14, v13;
	v14 =	vadd.f32 $0.0e+00, v39  }
0x44: {  	v47 =	vld [tilespmem:$0x330];
	v21 =	vadd.f32 v22, v21;
	v16 =	vmul.f32 v36, v1;
	v15 =	vadd.f32 $0.0e+00, v15  }
0x45: {  	v51 =	vld [tilespmem:$0x3A0];
	v29 =	vmul.f32 v40, v2;
	v49 =	vmul.f32 v42, v3;
	v14 =	vadd.f32 v43, v14  }
0x46: {  	v48 =	vld [tilespmem:$0x360];
	v23 =	vmul.f32 v44, v3;
	v21 =	vadd.f32 v34, v21;
	v15 =	vadd.f32 v16, v15  }
0x47: {  	v50 =	vld [tilespmem:$0x370];
	v19 =	vmul.f32 v19, v6;
	v52 =	vmul.f32 v45, v4;
	v14 =	vadd.f32 v46, v14  }
0x48: {  	v28 =	vld [tilespmem:$0x3D0];
	v54 =	vmul.f32 v27, v6;
	v21 =	vadd.f32 v37, v21;
	v15 =	vadd.f32 v29, v15  }
0x49: {  	v53 =	vld [tilespmem:$0x3B0];
	v24 =	vmul.f32 v47, v4;
	v58 =	vmul.f32 $0.0e+00, v20;
	v14 =	vadd.f32 v49, v14  }
0x4a: {  	v55 =	vld [tilespmem:$0x3E0];
	v59 =	vmul.f32 v51, v6;
	v21 =	vadd.f32 v41, v21;
	v15 =	vadd.f32 v23, v15  }
0x4b: {  	v56 =	vld [tilespmem:$0x3F0];
	v13 =	vadd.f32 v18, v13;
	v16 =	vmul.f32 v48, v5;
	v14 =	vadd.f32 v52, v14  }
0x4c: {  	v21 =	vadd.f32 v26, v21;
	v18 =	vmul.f32 v50, v5;
	v15 =	vadd.f32 v24, v15  }
0x4d: {  	v60 =	vmul.f32 $0.0e+00, v28;
	v13 =	vadd.f32 v19, v13;
	v14 =	vadd.f32 v16, v14  }
0x4e: {  	v61 =	vmul.f32 v53, v6;
	v57 =	vadd.f32 v54, v21;
	v15 =	vadd.f32 v18, v15  }
0x4f: {  	v62 =	vmul.f32 $0.0e+00, v55;
	v13 =	vadd.f32 v58, v13;
	v14 =	vadd.f32 v59, v14  }
0x50: {  	v17 =	vmul.f32 $0.0e+00, v56;
	v18 =	vadd.f32 v60, v57;
	v15 =	vadd.f32 v61, v15  }
0x51: {  	v13 =	vtrunc.f32 v13;
	v14 =	vadd.f32 v62, v14  }
0x52: {  	v13 =	vcvt.f32.s32 v13;
	v63 =	vtrunc.f32 v18;
	v15 =	vadd.f32 v17, v15  }
0x53: {  	v16 =	vcvt.f32.s32 v63;
	v14 =	vtrunc.f32 v14  }
0x54: {  	[tilespmem:$0x400] =	vst v13;
	v13 =	vcvt.f32.s32 v14;
	v14 =	vtrunc.f32 v15  }
0x55: {  	[tilespmem:$0x410] =	vst v16;
	v14 =	vcvt.f32.s32 v14  }
0x56: {  	[tilespmem:$0x420] =	vst v13  }
0x57: {  	[tilespmem:$0x430] =	vst v14  }
0x58: {  	v13 =	vld [tilespmem:s2+$0x0];
	_ =	sdelay $0x1  }
0x59: {  	s5 =	simm.s32 $0x0;
	s7 =	simm.s32 $0x10;
	s8 =	simm.s32 $0x0  }
.LBB2_2:
0x5a: {  	p0 =	sne.s32 s7, $0x1F0;
	_ =	sdelay $0x1  }
0x5b: {  	v15 =	vor.u32 s5, v7;
	v14 =	vand.u32 $0x3F, v13  }
0x5c: {  	v16 =	vmov s5;
	v17 =	vand.u32 $0x1F, v15  }
0x5d: {  	vm2 =	veq.s32 v16, v7;
	vm3 =	vne.s32 v17, $0x0  }
0x5e: {  	vm2 =	vmand vm2, vm3  }
0x5f: {  	v16 =	vsel vm2, $0xFFFFFFFF, v8  }
0x60: {  	v16 =	vshll.u32 v16, $0x5;
	v17 =	vld.idx.msk [tilespmem:v14+s18+$0x0], $0xffff  }
0x61: {  	v15 =	vshrl.u32 v15, $0x1;
	v16 =	vadd.s32 s5, v16;
	s5 =	smov.u32 s7  }
0x62: {  	v15 =	vand.u32 $0xF, v15;
	v16 =	vand.u32 $0xFFFFFFE0, v16  }
0x63: {  	v15 =	vor.u32 v16, v15  }
0x64: {  	v16 =	vshrl.u32 v13, $0x6;
	v15 =	vor.u32 v9, v15  }
0x65: {  	v14 =	vmul.u32 $0x140, v14;
	v16 =	vand.u32 $0x7FF, v16  }
0x66: {  	v16 =	vadd.s32 v17, v16  }
0x67: {  	vm2 =	vlt.s32 v16, $0x140;
	v16 =	vadd.s32 v14, v16  }
0x68: {  	v13 =	vshrl.u32 v13, $0x1;
	v17 =	vnsel vm2, $0x5000, v16  }
0x69: {  	v13 =	vand.u32 $0x7FFF0000, v13;
	v14 =	vsel vm2, v16, v14;
	[tilespmem:v15+s19+$0x0] =	vst.idx.msk $0xffff, v17  }
.Ltmp0:
0x6a: {  	v13 =	vnsel vm2, $0x0, v13;
	[tilespmem:v15+s20+$0x0] =	vst.idx.msk $0xffff, v14;
	(pc) =	sbr.rel @p0 .LBB2_2-.Ltmp0, $3  }
0x6b: {  	s8 =	sadd.s32 $0x10, s8;
	[tilespmem:v15+s21+$0x0] =	vst.idx.msk $0xffff, v13  }
0x6c: {  	v13 =	vld [tilespmem:s8+$0x0];
	_ =	sdelay $0x1  }
0x6d: {  	s7 =	sadd.s32 $0x10, s7  }
0x6e: {  	_ = 	snop  }
0x6f: {  	v14 =	vor.u32 s5, v7  }
0x70: {  	v16 =	vmov s5;
	v17 =	vand.u32 $0x1F, v14;
	v15 =	vand.u32 $0x3F, v13  }
0x71: {  	vm2 =	veq.s32 v16, v7;
	vm3 =	vne.s32 v17, $0x0  }
0x72: {  	vm2 =	vmand vm2, vm3  }
0x73: {  	v44 =	vsel vm2, $0xFFFFFFFF, v8  }
0x74: {  	v16 =	vshll.u32 v44, $0x5  }
0x75: {  	v14 =	vshrl.u32 v14, $0x1;
	v16 =	vadd.s32 s5, v16;
	v45 =	vld.idx.msk [tilespmem:v15+s18+$0x0], $0xffff  }
0x76: {  	v14 =	vand.u32 $0xF, v14;
	v16 =	vand.u32 $0xFFFFFFE0, v16  }
0x77: {  	v14 =	vor.u32 v16, v14  }
0x78: {  	v46 =	vshrl.u32 v13, $0x6;
	v14 =	vor.u32 v9, v14  }
0x79: {  	v15 =	vmul.u32 $0x140, v15;
	v16 =	vand.u32 $0x7FF, v46  }
0x7a: {  	v16 =	vadd.s32 v45, v16  }
0x7b: {  	vm2 =	vlt.s32 v16, $0x140;
	v16 =	vadd.s32 v15, v16  }
0x7c: {  	v13 =	vshrl.u32 v13, $0x1;
	v47 =	vnsel vm2, $0x5000, v16  }
0x7d: {  	v13 =	vand.u32 $0x7FFF0000, v13;
	v15 =	vsel vm2, v16, v15;
	[tilespmem:v14+s19+$0x0] =	vst.idx.msk $0xffff, v47  }
0x7e: {  	v13 =	vnsel vm2, $0x0, v13;
	[tilespmem:v14+s20+$0x0] =	vst.idx.msk $0xffff, v15  }
0x7f: {  	s8 =	rddreg [dreg:$0x7];
	[tilespmem:v14+s21+$0x0] =	vst.idx.msk $0xffff, v13  }
0x80: {  	[hbm4b:s8+s2] =	stream.linear.scatter [tilespmem:s20], [sflag:$0x1], $0x200, $0x38;
	[tilespmem:$0xCA80] =	vst v63  }
0x81: {  	s11 =	rddreg [dreg:$0x8]  }
0x82: {  	[hbm4b:s11+s2] =	stream.linear.scatter [tilespmem:s21], [sflag:$0x1], $0x200, $0x38;
	[tilespmem:$0xCA80] =	vst v63  }
0x83: {  	_ =	swait.ge [sflag:s3], $0x6000  }
0x84: {  	[sflag:s3] =	ssyncset.done $0x0  }
0x85: {  	[sflag:s3] =	ssyncadd.s32 $0xFFFFA000  }
0x86: {  	v13 =	vld [tilespmem:$0x480];
	_ =	sdelay $0x4  }
0x87: {  	v14 =	vshrl.u32 v13, $0x3  }
0x88: {  	v14 =	vmul.u32 $0x18, v14  }
0x89: {  	v13 =	vand.u32 $0x7, v13  }
0x8a: {  	v15 =	vld [tilespmem:$0x490];
	v13 =	vor.u32 v13, v14  }
0x8b: {  	v14 =	vperm.xlane v13, v10;
	_ =	sdelay $0x1  }
0x8c: {  	v14 =	vadd.s32 v11, v14;
	_ =	sdelay $0x1  }
0x8d: {  	v48 =	vshrl.u32 v15, $0x3;
	v13 =	vperm.xlane v13, v12  }
0x8e: {  	v16 =	vmul.u32 $0x18, v48  }
0x8f: {  	v15 =	vand.u32 $0x7, v15;
	v13 =	vadd.s32 v11, v13  }
0x90: {  	v15 =	vor.u32 v15, v16;
	[hbm4b:s4+s2] =	stream.indirect_vreg.scatter [tilespmem:s0], [sflag:$0x3], $0x80, v14, vm0, $0xb8;
	[tilespmem:$0xCA80] =	vst v63  }
0x91: {  	s16 =	simm.s32 $0x1280;
	v16 =	vperm.xlane v15, v10  }
0x92: {  	[hbm4b:s10+s2] =	stream.indirect_vreg.scatter [tilespmem:s16], [sflag:$0x3], $0x80, v14, vm1, $0xb8;
	[tilespmem:$0xCA80] =	vst v63  }
0x93: {  	s6 =	simm.s32 $0x1680;
	v14 =	vadd.s32 v11, v16  }
0x94: {  	[hbm4b:s4+s2] =	stream.indirect_vreg.scatter [tilespmem:s6], [sflag:$0x3], $0x80, v13, vm0, $0xb8;
	[tilespmem:$0xCA80] =	vst v63  }
0x95: {  	s7 =	simm.s32 $0x1E80;
	v15 =	vperm.xlane v15, v12  }
0x96: {  	[hbm4b:s10+s2] =	stream.indirect_vreg.scatter [tilespmem:s7], [sflag:$0x3], $0x80, v13, vm1, $0xb8;
	[tilespmem:$0xCA80] =	vst v63  }
0x97: {  	v13 =	vadd.s32 v11, v15  }
0x98: {  	[hbm4b:s4+s2] =	stream.indirect_vreg.scatter [tilespmem:s0], [sflag:$0x3], $0x80, v14, vm0, $0xb8;
	[tilespmem:$0xCA80] =	vst v63  }
0x99: {  	_ = 	snop  }
0x9a: {  	[hbm4b:s10+s2] =	stream.indirect_vreg.scatter [tilespmem:s16], [sflag:$0x3], $0x80, v14, vm1, $0xb8;
	[tilespmem:$0xCA80] =	vst v63  }
0x9b: {  	_ = 	snop  }
0x9c: {  	[hbm4b:s4+s2] =	stream.indirect_vreg.scatter [tilespmem:s6], [sflag:$0x3], $0x80, v13, vm0, $0xb8;
	[tilespmem:$0xCA80] =	vst v63  }
0x9d: {  	_ = 	snop  }
0x9e: {  	[hbm4b:s10+s2] =	stream.indirect_vreg.scatter [tilespmem:s7], [sflag:$0x3], $0x80, v13, vm1, $0xb8;
	[tilespmem:$0xCA80] =	vst v63  }
0x9f: {  	v13 =	vld [tilespmem:$0x4A0];
	_ =	sdelay $0x4  }
0xa0: {  	v14 =	vshrl.u32 v13, $0x3  }
0xa1: {  	v14 =	vmul.u32 $0x18, v14  }
0xa2: {  	v13 =	vand.u32 $0x7, v13  }
0xa3: {  	v15 =	vld [tilespmem:$0x4B0];
	v13 =	vor.u32 v13, v14  }
0xa4: {  	v14 =	vperm.xlane v13, v10;
	_ =	sdelay $0x1  }
0xa5: {  	v14 =	vadd.s32 v11, v14;
	_ =	sdelay $0x1  }
0xa6: {  	v49 =	vshrl.u32 v15, $0x3;
	v13 =	vperm.xlane v13, v12  }
0xa7: {  	v16 =	vmul.u32 $0x18, v49  }
0xa8: {  	s7 =	simm.s32 $0x2280;
	v15 =	vand.u32 $0x7, v15;
	v13 =	vadd.s32 v11, v13  }
0xa9: {  	v15 =	vor.u32 v15, v16;
	[hbm4b:s4+s2] =	stream.indirect_vreg.scatter [tilespmem:s7], [sflag:$0x3], $0x80, v14, vm0, $0xb8;
	[tilespmem:$0xCA80] =	vst v63  }
0xaa: {  	s8 =	simm.s32 $0x2A80;
	v16 =	vperm.xlane v15, v10  }
0xab: {  	[hbm4b:s10+s2] =	stream.indirect_vreg.scatter [tilespmem:s8], [sflag:$0x3], $0x80, v14, vm1, $0xb8;
	[tilespmem:$0xCA80] =	vst v63  }
0xac: {  	s11 =	simm.s32 $0x2E80;
	v14 =	vadd.s32 v11, v16  }
0xad: {  	[hbm4b:s4+s2] =	stream.indirect_vreg.scatter [tilespmem:s11], [sflag:$0x3], $0x80, v13, vm0, $0xb8;
	[tilespmem:$0xCA80] =	vst v63  }
0xae: {  	s16 =	simm.s32 $0x3680;
	v15 =	vperm.xlane v15, v12  }
0xaf: {  	[hbm4b:s10+s2] =	stream.indirect_vreg.scatter [tilespmem:s16], [sflag:$0x3], $0x80, v13, vm1, $0xb8;
	[tilespmem:$0xCA80] =	vst v63  }
0xb0: {  	v13 =	vadd.s32 v11, v15  }
0xb1: {  	[hbm4b:s4+s2] =	stream.indirect_vreg.scatter [tilespmem:s7], [sflag:$0x3], $0x80, v14, vm0, $0xb8;
	[tilespmem:$0xCA80] =	vst v63  }
0xb2: {  	_ = 	snop  }
0xb3: {  	[hbm4b:s10+s2] =	stream.indirect_vreg.scatter [tilespmem:s8], [sflag:$0x3], $0x80, v14, vm1, $0xb8;
	[tilespmem:$0xCA80] =	vst v63  }
0xb4: {  	_ = 	snop  }
0xb5: {  	[hbm4b:s4+s2] =	stream.indirect_vreg.scatter [tilespmem:s11], [sflag:$0x3], $0x80, v13, vm0, $0xb8;
	[tilespmem:$0xCA80] =	vst v63  }
0xb6: {  	_ = 	snop  }
0xb7: {  	[hbm4b:s10+s2] =	stream.indirect_vreg.scatter [tilespmem:s16], [sflag:$0x3], $0x80, v13, vm1, $0xb8;
	[tilespmem:$0xCA80] =	vst v63  }
0xb8: {  	v13 =	vld [tilespmem:$0x4C0];
	_ =	sdelay $0x4  }
0xb9: {  	v14 =	vshrl.u32 v13, $0x3  }
0xba: {  	v14 =	vmul.u32 $0x18, v14  }
0xbb: {  	v13 =	vand.u32 $0x7, v13  }
0xbc: {  	v15 =	vld [tilespmem:$0x4D0];
	v13 =	vor.u32 v13, v14  }
0xbd: {  	v14 =	vperm.xlane v13, v10;
	_ =	sdelay $0x1  }
0xbe: {  	v14 =	vadd.s32 v11, v14;
	_ =	sdelay $0x1  }
0xbf: {  	v50 =	vshrl.u32 v15, $0x3;
	v13 =	vperm.xlane v13, v12  }
0xc0: {  	v16 =	vmul.u32 $0x18, v50  }
0xc1: {  	s8 =	simm.s32 $0x3A80;
	v15 =	vand.u32 $0x7, v15;
	v13 =	vadd.s32 v11, v13  }
0xc2: {  	v15 =	vor.u32 v15, v16;
	[hbm4b:s4+s2] =	stream.indirect_vreg.scatter [tilespmem:s8], [sflag:$0x3], $0x80, v14, vm0, $0xb8;
	[tilespmem:$0xCA80] =	vst v63  }
0xc3: {  	s11 =	simm.s32 $0x4280;
	v16 =	vperm.xlane v15, v10  }
0xc4: {  	[hbm4b:s10+s2] =	stream.indirect_vreg.scatter [tilespmem:s11], [sflag:$0x3], $0x80, v14, vm1, $0xb8;
	[tilespmem:$0xCA80] =	vst v63  }
0xc5: {  	s16 =	simm.s32 $0x4680;
	v14 =	vadd.s32 v11, v16  }
0xc6: {  	[hbm4b:s4+s2] =	stream.indirect_vreg.scatter [tilespmem:s16], [sflag:$0x3], $0x80, v13, vm0, $0xb8;
	[tilespmem:$0xCA80] =	vst v63  }
0xc7: {  	v15 =	vperm.xlane v15, v12  }
0xc8: {  	[hbm4b:s10+s2] =	stream.indirect_vreg.scatter [tilespmem:s28], [sflag:$0x3], $0x80, v13, vm1, $0xb8;
	[tilespmem:$0xCA80] =	vst v63  }
0xc9: {  	v13 =	vadd.s32 v11, v15  }
0xca: {  	[hbm4b:s4+s2] =	stream.indirect_vreg.scatter [tilespmem:s8], [sflag:$0x3], $0x80, v14, vm0, $0xb8;
	[tilespmem:$0xCA80] =	vst v63  }
0xcb: {  	_ = 	snop  }
0xcc: {  	[hbm4b:s10+s2] =	stream.indirect_vreg.scatter [tilespmem:s11], [sflag:$0x3], $0x80, v14, vm1, $0xb8;
	[tilespmem:$0xCA80] =	vst v63  }
0xcd: {  	_ = 	snop  }
0xce: {  	[hbm4b:s4+s2] =	stream.indirect_vreg.scatter [tilespmem:s16], [sflag:$0x3], $0x80, v13, vm0, $0xb8;
	[tilespmem:$0xCA80] =	vst v63  }
0xcf: {  	_ = 	snop  }
0xd0: {  	[hbm4b:s10+s2] =	stream.indirect_vreg.scatter [tilespmem:s28], [sflag:$0x3], $0x80, v13, vm1, $0xb8;
	[tilespmem:$0xCA80] =	vst v63  }
0xd1: {  	v13 =	vld [tilespmem:$0x4E0];
	_ =	sdelay $0x4  }
0xd2: {  	v14 =	vshrl.u32 v13, $0x3  }
0xd3: {  	v14 =	vmul.u32 $0x18, v14  }
0xd4: {  	v13 =	vand.u32 $0x7, v13  }
0xd5: {  	v15 =	vld [tilespmem:$0x4F0];
	v13 =	vor.u32 v13, v14  }
0xd6: {  	v14 =	vperm.xlane v13, v10;
	_ =	sdelay $0x1  }
0xd7: {  	v14 =	vadd.s32 v11, v14;
	_ =	sdelay $0x1  }
0xd8: {  	v51 =	vshrl.u32 v15, $0x3;
	v13 =	vperm.xlane v13, v12  }
0xd9: {  	v16 =	vmul.u32 $0x18, v51  }
0xda: {  	s6 =	simm.s32 $0x5280;
	v15 =	vand.u32 $0x7, v15;
	v13 =	vadd.s32 v11, v13  }
0xdb: {  	v15 =	vor.u32 v15, v16;
	[hbm4b:s4+s2] =	stream.indirect_vreg.scatter [tilespmem:s6], [sflag:$0x3], $0x80, v14, vm0, $0xb8;
	[tilespmem:$0xCA80] =	vst v63  }
0xdc: {  	s7 =	simm.s32 $0x5A80;
	v16 =	vperm.xlane v15, v10  }
0xdd: {  	[hbm4b:s10+s2] =	stream.indirect_vreg.scatter [tilespmem:s7], [sflag:$0x3], $0x80, v14, vm1, $0xb8;
	[tilespmem:$0xCA80] =	vst v63  }
0xde: {  	s8 =	simm.s32 $0x5E80;
	v14 =	vadd.s32 v11, v16  }
0xdf: {  	[hbm4b:s4+s2] =	stream.indirect_vreg.scatter [tilespmem:s8], [sflag:$0x3], $0x80, v13, vm0, $0xb8;
	[tilespmem:$0xCA80] =	vst v63  }
0xe0: {  	s11 =	simm.s32 $0x6680;
	v15 =	vperm.xlane v15, v12  }
0xe1: {  	[hbm4b:s10+s2] =	stream.indirect_vreg.scatter [tilespmem:s11], [sflag:$0x3], $0x80, v13, vm1, $0xb8;
	[tilespmem:$0xCA80] =	vst v63  }
0xe2: {  	v13 =	vadd.s32 v11, v15  }
0xe3: {  	[hbm4b:s4+s2] =	stream.indirect_vreg.scatter [tilespmem:s6], [sflag:$0x3], $0x80, v14, vm0, $0xb8;
	[tilespmem:$0xCA80] =	vst v63  }
0xe4: {  	_ = 	snop  }
0xe5: {  	[hbm4b:s10+s2] =	stream.indirect_vreg.scatter [tilespmem:s7], [sflag:$0x3], $0x80, v14, vm1, $0xb8;
	[tilespmem:$0xCA80] =	vst v63  }
0xe6: {  	_ = 	snop  }
0xe7: {  	[hbm4b:s4+s2] =	stream.indirect_vreg.scatter [tilespmem:s8], [sflag:$0x3], $0x80, v13, vm0, $0xb8;
	[tilespmem:$0xCA80] =	vst v63  }
0xe8: {  	_ = 	snop  }
0xe9: {  	[hbm4b:s10+s2] =	stream.indirect_vreg.scatter [tilespmem:s11], [sflag:$0x3], $0x80, v13, vm1, $0xb8;
	[tilespmem:$0xCA80] =	vst v63  }
0xea: {  	_ =	swait.ge [sflag:s9], $0x1800  }
0xeb: {  	[sflag:s9] =	ssyncset.done $0x0  }
0xec: {  	[sflag:s9] =	ssyncadd.s32 $0xFFFFE800  }
0xed: {  	_ =	swait.ge [sflag:s9], $0x1800  }
0xee: {  	[sflag:s9] =	ssyncset.done $0x0  }
0xef: {  	[sflag:s9] =	ssyncadd.s32 $0xFFFFE800  }
0xf0: {  	_ =	swait.ge [sflag:s9], $0x1800  }
0xf1: {  	[sflag:s9] =	ssyncset.done $0x0  }
0xf2: {  	[sflag:s9] =	ssyncadd.s32 $0xFFFFE800  }
0xf3: {  	_ =	swait.ge [sflag:s9], $0x1800  }
0xf4: {  	[sflag:s9] =	ssyncset.done $0x0  }
0xf5: {  	[sflag:s9] =	ssyncadd.s32 $0xFFFFE800  }
0xf6: {  	_ =	swait.ge [sflag:s9], $0x1800  }
0xf7: {  	[sflag:s9] =	ssyncset.done $0x0  }
0xf8: {  	[sflag:s9] =	ssyncadd.s32 $0xFFFFE800  }
0xf9: {  	_ =	swait.ge [sflag:s9], $0x1800  }
0xfa: {  	[sflag:s9] =	ssyncset.done $0x0  }
0xfb: {  	[sflag:s9] =	ssyncadd.s32 $0xFFFFE800  }
0xfc: {  	_ =	swait.ge [sflag:s9], $0x1800  }
0xfd: {  	[sflag:s9] =	ssyncset.done $0x0  }
0xfe: {  	[sflag:s9] =	ssyncadd.s32 $0xFFFFE800  }
0xff: {  	_ =	swait.ge [sflag:s9], $0x1800  }
0x100: {  	[sflag:s9] =	ssyncset.done $0x0  }
0x101: {  	s16 =	simm.s32 $0xA80;
	s8 =	rddreg [dreg:$0x9];
	[sflag:s9] =	ssyncadd.s32 $0xFFFFE800  }
0x102: {  	[tilespmem:s16], [sflag:$0x2] =	stream.linear.gather [hbm4b:s8+s2], $0x6000, $0x38;
	[tilespmem:$0xCA80] =	vst v63  }
0x103: {  	_ =	swait.ge [sflag:s3], $0x6000  }
0x104: {  	[sflag:s3] =	ssyncset.done $0x0  }
0x105: {  	[sflag:s3] =	ssyncadd.s32 $0xFFFFA000  }
0x106: {  	v13 =	vld [tilespmem:$0x500];
	_ =	sdelay $0x4  }
0x107: {  	v14 =	vshrl.u32 v13, $0x3  }
0x108: {  	v14 =	vmul.u32 $0x18, v14  }
0x109: {  	v13 =	vand.u32 $0x7, v13  }
0x10a: {  	v15 =	vld [tilespmem:$0x510];
	v13 =	vor.u32 v13, v14  }
0x10b: {  	v14 =	vperm.xlane v13, v10;
	_ =	sdelay $0x1  }
0x10c: {  	v14 =	vadd.s32 v11, v14;
	_ =	sdelay $0x1  }
0x10d: {  	v52 =	vshrl.u32 v15, $0x3;
	v13 =	vperm.xlane v13, v12  }
0x10e: {  	v16 =	vmul.u32 $0x18, v52  }
0x10f: {  	v15 =	vand.u32 $0x7, v15;
	v13 =	vadd.s32 v11, v13  }
0x110: {  	v15 =	vor.u32 v15, v16;
	[hbm4b:s4+s2] =	stream.indirect_vreg.scatter [tilespmem:s1], [sflag:$0x3], $0x80, v14, vm0, $0xb8;
	[tilespmem:$0xCA80] =	vst v63  }
0x111: {  	v16 =	vperm.xlane v15, v10;
	s1 =	simm.s32 $0x7280  }
0x112: {  	[hbm4b:s10+s2] =	stream.indirect_vreg.scatter [tilespmem:s1], [sflag:$0x3], $0x80, v14, vm1, $0xb8;
	[tilespmem:$0xCA80] =	vst v63  }
0x113: {  	v14 =	vadd.s32 v11, v16  }
0x114: {  	[hbm4b:s4+s2] =	stream.indirect_vreg.scatter [tilespmem:s14], [sflag:$0x3], $0x80, v13, vm0, $0xb8;
	[tilespmem:$0xCA80] =	vst v63  }
0x115: {  	v15 =	vperm.xlane v15, v12  }
0x116: {  	[hbm4b:s10+s2] =	stream.indirect_vreg.scatter [tilespmem:s15], [sflag:$0x3], $0x80, v13, vm1, $0xb8;
	[tilespmem:$0xCA80] =	vst v63  }
0x117: {  	v13 =	vadd.s32 v11, v15  }
0x118: {  	[hbm4b:s4+s2] =	stream.indirect_vreg.scatter [tilespmem:s17], [sflag:$0x3], $0x80, v14, vm0, $0xb8;
	[tilespmem:$0xCA80] =	vst v63  }
0x119: {  	_ = 	snop  }
0x11a: {  	[hbm4b:s10+s2] =	stream.indirect_vreg.scatter [tilespmem:s1], [sflag:$0x3], $0x80, v14, vm1, $0xb8;
	[tilespmem:$0xCA80] =	vst v63  }
0x11b: {  	_ = 	snop  }
0x11c: {  	[hbm4b:s4+s2] =	stream.indirect_vreg.scatter [tilespmem:s14], [sflag:$0x3], $0x80, v13, vm0, $0xb8;
	[tilespmem:$0xCA80] =	vst v63  }
0x11d: {  	_ = 	snop  }
0x11e: {  	[hbm4b:s10+s2] =	stream.indirect_vreg.scatter [tilespmem:s15], [sflag:$0x3], $0x80, v13, vm1, $0xb8;
	[tilespmem:$0xCA80] =	vst v63  }
0x11f: {  	v13 =	vld [tilespmem:$0x520];
	_ =	sdelay $0x4  }
0x120: {  	v14 =	vshrl.u32 v13, $0x3  }
0x121: {  	v14 =	vmul.u32 $0x18, v14  }
0x122: {  	v13 =	vand.u32 $0x7, v13  }
0x123: {  	v15 =	vld [tilespmem:$0x530];
	v13 =	vor.u32 v13, v14  }
0x124: {  	v14 =	vperm.xlane v13, v10;
	_ =	sdelay $0x1  }
0x125: {  	v14 =	vadd.s32 v11, v14;
	_ =	sdelay $0x1  }
0x126: {  	v53 =	vshrl.u32 v15, $0x3;
	v13 =	vperm.xlane v13, v12  }
0x127: {  	v16 =	vmul.u32 $0x18, v53  }
0x128: {  	v15 =	vand.u32 $0x7, v15;
	v13 =	vadd.s32 v11, v13  }
0x129: {  	v15 =	vor.u32 v15, v16;
	[hbm4b:s4+s2] =	stream.indirect_vreg.scatter [tilespmem:s22], [sflag:$0x3], $0x80, v14, vm0, $0xb8;
	[tilespmem:$0xCA80] =	vst v63  }
0x12a: {  	s6 =	simm.s32 $0x8A80;
	v16 =	vperm.xlane v15, v10  }
0x12b: {  	[hbm4b:s10+s2] =	stream.indirect_vreg.scatter [tilespmem:s6], [sflag:$0x3], $0x80, v14, vm1, $0xb8;
	[tilespmem:$0xCA80] =	vst v63  }
0x12c: {  	v14 =	vadd.s32 v11, v16  }
0x12d: {  	[hbm4b:s4+s2] =	stream.indirect_vreg.scatter [tilespmem:s12], [sflag:$0x3], $0x80, v13, vm0, $0xb8;
	[tilespmem:$0xCA80] =	vst v63  }
0x12e: {  	v15 =	vperm.xlane v15, v12  }
0x12f: {  	[hbm4b:s10+s2] =	stream.indirect_vreg.scatter [tilespmem:s29], [sflag:$0x3], $0x80, v13, vm1, $0xb8;
	[tilespmem:$0xCA80] =	vst v63  }
0x130: {  	v13 =	vadd.s32 v11, v15  }
0x131: {  	[hbm4b:s4+s2] =	stream.indirect_vreg.scatter [tilespmem:s22], [sflag:$0x3], $0x80, v14, vm0, $0xb8;
	[tilespmem:$0xCA80] =	vst v63  }
0x132: {  	_ = 	snop  }
0x133: {  	[hbm4b:s10+s2] =	stream.indirect_vreg.scatter [tilespmem:s6], [sflag:$0x3], $0x80, v14, vm1, $0xb8;
	[tilespmem:$0xCA80] =	vst v63  }
0x134: {  	_ = 	snop  }
0x135: {  	[hbm4b:s4+s2] =	stream.indirect_vreg.scatter [tilespmem:s12], [sflag:$0x3], $0x80, v13, vm0, $0xb8;
	[tilespmem:$0xCA80] =	vst v63  }
0x136: {  	_ = 	snop  }
0x137: {  	[hbm4b:s10+s2] =	stream.indirect_vreg.scatter [tilespmem:s29], [sflag:$0x3], $0x80, v13, vm1, $0xb8;
	[tilespmem:$0xCA80] =	vst v63  }
0x138: {  	v13 =	vld [tilespmem:$0x540];
	_ =	sdelay $0x4  }
0x139: {  	v14 =	vshrl.u32 v13, $0x3  }
0x13a: {  	v14 =	vmul.u32 $0x18, v14  }
0x13b: {  	v13 =	vand.u32 $0x7, v13  }
0x13c: {  	v15 =	vld [tilespmem:$0x550];
	v13 =	vor.u32 v13, v14  }
0x13d: {  	v14 =	vperm.xlane v13, v10;
	_ =	sdelay $0x1  }
0x13e: {  	v14 =	vadd.s32 v11, v14;
	_ =	sdelay $0x1  }
0x13f: {  	v54 =	vshrl.u32 v15, $0x3;
	v13 =	vperm.xlane v13, v12  }
0x140: {  	v16 =	vmul.u32 $0x18, v54  }
0x141: {  	s7 =	simm.s32 $0x9A80;
	v15 =	vand.u32 $0x7, v15;
	v13 =	vadd.s32 v11, v13  }
0x142: {  	v15 =	vor.u32 v15, v16;
	[hbm4b:s4+s2] =	stream.indirect_vreg.scatter [tilespmem:s7], [sflag:$0x3], $0x80, v14, vm0, $0xb8;
	[tilespmem:$0xCA80] =	vst v63  }
0x143: {  	v16 =	vperm.xlane v15, v10  }
0x144: {  	[hbm4b:s10+s2] =	stream.indirect_vreg.scatter [tilespmem:s13], [sflag:$0x3], $0x80, v14, vm1, $0xb8;
	[tilespmem:$0xCA80] =	vst v63  }
0x145: {  	v14 =	vadd.s32 v11, v16  }
0x146: {  	[hbm4b:s4+s2] =	stream.indirect_vreg.scatter [tilespmem:s25], [sflag:$0x3], $0x80, v13, vm0, $0xb8;
	[tilespmem:$0xCA80] =	vst v63  }
0x147: {  	v15 =	vperm.xlane v15, v12  }
0x148: {  	[hbm4b:s10+s2] =	stream.indirect_vreg.scatter [tilespmem:s30], [sflag:$0x3], $0x80, v13, vm1, $0xb8;
	[tilespmem:$0xCA80] =	vst v63  }
0x149: {  	v13 =	vadd.s32 v11, v15  }
0x14a: {  	[hbm4b:s4+s2] =	stream.indirect_vreg.scatter [tilespmem:s7], [sflag:$0x3], $0x80, v14, vm0, $0xb8;
	[tilespmem:$0xCA80] =	vst v63  }
0x14b: {  	_ = 	snop  }
0x14c: {  	[hbm4b:s10+s2] =	stream.indirect_vreg.scatter [tilespmem:s13], [sflag:$0x3], $0x80, v14, vm1, $0xb8;
	[tilespmem:$0xCA80] =	vst v63  }
0x14d: {  	_ = 	snop  }
0x14e: {  	[hbm4b:s4+s2] =	stream.indirect_vreg.scatter [tilespmem:s25], [sflag:$0x3], $0x80, v13, vm0, $0xb8;
	[tilespmem:$0xCA80] =	vst v63  }
0x14f: {  	_ = 	snop  }
0x150: {  	[hbm4b:s10+s2] =	stream.indirect_vreg.scatter [tilespmem:s30], [sflag:$0x3], $0x80, v13, vm1, $0xb8;
	[tilespmem:$0xCA80] =	vst v63  }
0x151: {  	v13 =	vld [tilespmem:$0x560];
	_ =	sdelay $0x4  }
0x152: {  	v14 =	vshrl.u32 v13, $0x3  }
0x153: {  	v14 =	vmul.u32 $0x18, v14  }
0x154: {  	v13 =	vand.u32 $0x7, v13  }
0x155: {  	v15 =	vld [tilespmem:$0x570];
	v13 =	vor.u32 v13, v14  }
0x156: {  	v14 =	vperm.xlane v13, v10;
	_ =	sdelay $0x1  }
0x157: {  	v14 =	vadd.s32 v11, v14;
	_ =	sdelay $0x1  }
0x158: {  	v55 =	vshrl.u32 v15, $0x3;
	v13 =	vperm.xlane v13, v12  }
0x159: {  	v16 =	vmul.u32 $0x18, v55  }
0x15a: {  	s8 =	simm.s32 $0xB280;
	v15 =	vand.u32 $0x7, v15;
	v13 =	vadd.s32 v11, v13  }
0x15b: {  	v15 =	vor.u32 v15, v16;
	[hbm4b:s4+s2] =	stream.indirect_vreg.scatter [tilespmem:s8], [sflag:$0x3], $0x80, v14, vm0, $0xb8;
	[tilespmem:$0xCA80] =	vst v63  }
0x15c: {  	v16 =	vperm.xlane v15, v10  }
0x15d: {  	[hbm4b:s10+s2] =	stream.indirect_vreg.scatter [tilespmem:s24], [sflag:$0x3], $0x80, v14, vm1, $0xb8;
	[tilespmem:$0xCA80] =	vst v63  }
0x15e: {  	v14 =	vadd.s32 v11, v16  }
0x15f: {  	[hbm4b:s4+s2] =	stream.indirect_vreg.scatter [tilespmem:s26], [sflag:$0x3], $0x80, v13, vm0, $0xb8;
	[tilespmem:$0xCA80] =	vst v63  }
0x160: {  	v15 =	vperm.xlane v15, v12  }
0x161: {  	[hbm4b:s10+s2] =	stream.indirect_vreg.scatter [tilespmem:s31], [sflag:$0x3], $0x80, v13, vm1, $0xb8;
	[tilespmem:$0xCA80] =	vst v63  }
0x162: {  	v13 =	vadd.s32 v11, v15  }
0x163: {  	[hbm4b:s4+s2] =	stream.indirect_vreg.scatter [tilespmem:s8], [sflag:$0x3], $0x80, v14, vm0, $0xb8;
	[tilespmem:$0xCA80] =	vst v63  }
0x164: {  	_ = 	snop  }
0x165: {  	[hbm4b:s10+s2] =	stream.indirect_vreg.scatter [tilespmem:s24], [sflag:$0x3], $0x80, v14, vm1, $0xb8;
	[tilespmem:$0xCA80] =	vst v63  }
0x166: {  	_ = 	snop  }
0x167: {  	[hbm4b:s4+s2] =	stream.indirect_vreg.scatter [tilespmem:s26], [sflag:$0x3], $0x80, v13, vm0, $0xb8;
	[tilespmem:$0xCA80] =	vst v63  }
0x168: {  	_ = 	snop  }
0x169: {  	[hbm4b:s10+s2] =	stream.indirect_vreg.scatter [tilespmem:s31], [sflag:$0x3], $0x80, v13, vm1, $0xb8;
	[tilespmem:$0xCA80] =	vst v63  }
0x16a: {  	_ =	swait.ge [sflag:s9], $0x1800  }
0x16b: {  	[sflag:s9] =	ssyncset.done $0x0  }
0x16c: {  	[sflag:s9] =	ssyncadd.s32 $0xFFFFE800  }
0x16d: {  	_ =	swait.ge [sflag:s9], $0x1800  }
0x16e: {  	[sflag:s9] =	ssyncset.done $0x0  }
0x16f: {  	[sflag:s9] =	ssyncadd.s32 $0xFFFFE800  }
0x170: {  	_ =	swait.ge [sflag:s9], $0x1800  }
0x171: {  	[sflag:s9] =	ssyncset.done $0x0  }
0x172: {  	[sflag:s9] =	ssyncadd.s32 $0xFFFFE800  }
0x173: {  	_ =	swait.ge [sflag:s9], $0x1800  }
0x174: {  	[sflag:s9] =	ssyncset.done $0x0  }
0x175: {  	[sflag:s9] =	ssyncadd.s32 $0xFFFFE800  }
0x176: {  	_ =	swait.ge [sflag:s9], $0x1800  }
0x177: {  	[sflag:s9] =	ssyncset.done $0x0  }
0x178: {  	[sflag:s9] =	ssyncadd.s32 $0xFFFFE800  }
0x179: {  	_ =	swait.ge [sflag:s9], $0x1800  }
0x17a: {  	[sflag:s9] =	ssyncset.done $0x0  }
0x17b: {  	[sflag:s9] =	ssyncadd.s32 $0xFFFFE800  }
0x17c: {  	_ =	swait.ge [sflag:s9], $0x1800  }
0x17d: {  	[sflag:s9] =	ssyncset.done $0x0  }
0x17e: {  	[sflag:s9] =	ssyncadd.s32 $0xFFFFE800  }
0x17f: {  	_ =	swait.ge [sflag:s9], $0x1800  }
0x180: {  	[sflag:s9] =	ssyncset.done $0x0  }
0x181: {  	s11 =	rddreg [dreg:$0xa];
	[sflag:s9] =	ssyncadd.s32 $0xFFFFE800  }
0x182: {  	[tilespmem:s17], [sflag:$0x2] =	stream.linear.gather [hbm4b:s11+s2], $0x6000, $0x38;
	[tilespmem:$0xCA80] =	vst v63  }
0x183: {  	_ =	swait.ge [sflag:s3], $0x6000  }
0x184: {  	[sflag:s3] =	ssyncset.done $0x0  }
0x185: {  	[sflag:s3] =	ssyncadd.s32 $0xFFFFA000  }
0x186: {  	v13 =	vld [tilespmem:$0x580];
	_ =	sdelay $0x4  }
0x187: {  	v14 =	vshrl.u32 v13, $0x3  }
0x188: {  	v14 =	vmul.u32 $0x18, v14  }
0x189: {  	v13 =	vand.u32 $0x7, v13  }
0x18a: {  	v15 =	vld [tilespmem:$0x590];
	v13 =	vor.u32 v13, v14  }
0x18b: {  	v14 =	vperm.xlane v13, v10;
	_ =	sdelay $0x1  }
0x18c: {  	v14 =	vadd.s32 v11, v14;
	_ =	sdelay $0x1  }
0x18d: {  	v56 =	vshrl.u32 v15, $0x3;
	v13 =	vperm.xlane v13, v12  }
0x18e: {  	v16 =	vmul.u32 $0x18, v56  }
0x18f: {  	v15 =	vand.u32 $0x7, v15;
	v13 =	vadd.s32 v11, v13  }
0x190: {  	v15 =	vor.u32 v15, v16;
	[hbm4b:s4+s2] =	stream.indirect_vreg.scatter [tilespmem:s16], [sflag:$0x3], $0x80, v14, vm0, $0xb8;
	[tilespmem:$0xCA80] =	vst v63  }
0x191: {  	s5 =	simm.s32 $0x1280;
	v16 =	vperm.xlane v15, v10  }
0x192: {  	[hbm4b:s10+s2] =	stream.indirect_vreg.scatter [tilespmem:s5], [sflag:$0x3], $0x80, v14, vm1, $0xb8;
	[tilespmem:$0xCA80] =	vst v63  }
0x193: {  	s0 =	simm.s32 $0x1680;
	v14 =	vadd.s32 v11, v16  }
0x194: {  	[hbm4b:s4+s2] =	stream.indirect_vreg.scatter [tilespmem:s0], [sflag:$0x3], $0x80, v13, vm0, $0xb8;
	[tilespmem:$0xCA80] =	vst v63  }
0x195: {  	s11 =	simm.s32 $0x1E80;
	v15 =	vperm.xlane v15, v12  }
0x196: {  	[hbm4b:s10+s2] =	stream.indirect_vreg.scatter [tilespmem:s11], [sflag:$0x3], $0x80, v13, vm1, $0xb8;
	[tilespmem:$0xCA80] =	vst v63  }
0x197: {  	v13 =	vadd.s32 v11, v15  }
0x198: {  	[hbm4b:s4+s2] =	stream.indirect_vreg.scatter [tilespmem:s16], [sflag:$0x3], $0x80, v14, vm0, $0xb8;
	[tilespmem:$0xCA80] =	vst v63  }
0x199: {  	_ = 	snop  }
0x19a: {  	[hbm4b:s10+s2] =	stream.indirect_vreg.scatter [tilespmem:s5], [sflag:$0x3], $0x80, v14, vm1, $0xb8;
	[tilespmem:$0xCA80] =	vst v63  }
0x19b: {  	_ = 	snop  }
0x19c: {  	[hbm4b:s4+s2] =	stream.indirect_vreg.scatter [tilespmem:s0], [sflag:$0x3], $0x80, v13, vm0, $0xb8;
	[tilespmem:$0xCA80] =	vst v63  }
0x19d: {  	_ = 	snop  }
0x19e: {  	[hbm4b:s10+s2] =	stream.indirect_vreg.scatter [tilespmem:s11], [sflag:$0x3], $0x80, v13, vm1, $0xb8;
	[tilespmem:$0xCA80] =	vst v63  }
0x19f: {  	v13 =	vld [tilespmem:$0x5A0];
	_ =	sdelay $0x4  }
0x1a0: {  	v14 =	vshrl.u32 v13, $0x3  }
0x1a1: {  	v14 =	vmul.u32 $0x18, v14  }
0x1a2: {  	v13 =	vand.u32 $0x7, v13  }
0x1a3: {  	v15 =	vld [tilespmem:$0x5B0];
	v13 =	vor.u32 v13, v14  }
0x1a4: {  	v14 =	vperm.xlane v13, v10;
	_ =	sdelay $0x1  }
0x1a5: {  	v14 =	vadd.s32 v11, v14;
	_ =	sdelay $0x1  }
0x1a6: {  	v57 =	vshrl.u32 v15, $0x3;
	v13 =	vperm.xlane v13, v12  }
0x1a7: {  	v16 =	vmul.u32 $0x18, v57  }
0x1a8: {  	s5 =	simm.s32 $0x2280;
	v15 =	vand.u32 $0x7, v15;
	v13 =	vadd.s32 v11, v13  }
0x1a9: {  	v15 =	vor.u32 v15, v16;
	[hbm4b:s4+s2] =	stream.indirect_vreg.scatter [tilespmem:s5], [sflag:$0x3], $0x80, v14, vm0, $0xb8;
	[tilespmem:$0xCA80] =	vst v63  }
0x1aa: {  	s16 =	simm.s32 $0x2A80;
	v16 =	vperm.xlane v15, v10  }
0x1ab: {  	[hbm4b:s10+s2] =	stream.indirect_vreg.scatter [tilespmem:s16], [sflag:$0x3], $0x80, v14, vm1, $0xb8;
	[tilespmem:$0xCA80] =	vst v63  }
0x1ac: {  	s0 =	simm.s32 $0x2E80;
	v14 =	vadd.s32 v11, v16  }
0x1ad: {  	[hbm4b:s4+s2] =	stream.indirect_vreg.scatter [tilespmem:s0], [sflag:$0x3], $0x80, v13, vm0, $0xb8;
	[tilespmem:$0xCA80] =	vst v63  }
0x1ae: {  	s11 =	simm.s32 $0x3680;
	v15 =	vperm.xlane v15, v12  }
0x1af: {  	[hbm4b:s10+s2] =	stream.indirect_vreg.scatter [tilespmem:s11], [sflag:$0x3], $0x80, v13, vm1, $0xb8;
	[tilespmem:$0xCA80] =	vst v63  }
0x1b0: {  	v13 =	vadd.s32 v11, v15  }
0x1b1: {  	[hbm4b:s4+s2] =	stream.indirect_vreg.scatter [tilespmem:s5], [sflag:$0x3], $0x80, v14, vm0, $0xb8;
	[tilespmem:$0xCA80] =	vst v63  }
0x1b2: {  	_ = 	snop  }
0x1b3: {  	[hbm4b:s10+s2] =	stream.indirect_vreg.scatter [tilespmem:s16], [sflag:$0x3], $0x80, v14, vm1, $0xb8;
	[tilespmem:$0xCA80] =	vst v63  }
0x1b4: {  	_ = 	snop  }
0x1b5: {  	[hbm4b:s4+s2] =	stream.indirect_vreg.scatter [tilespmem:s0], [sflag:$0x3], $0x80, v13, vm0, $0xb8;
	[tilespmem:$0xCA80] =	vst v63  }
0x1b6: {  	_ = 	snop  }
0x1b7: {  	[hbm4b:s10+s2] =	stream.indirect_vreg.scatter [tilespmem:s11], [sflag:$0x3], $0x80, v13, vm1, $0xb8;
	[tilespmem:$0xCA80] =	vst v63  }
0x1b8: {  	v13 =	vld [tilespmem:$0x5C0];
	_ =	sdelay $0x4  }
0x1b9: {  	v14 =	vshrl.u32 v13, $0x3  }
0x1ba: {  	v14 =	vmul.u32 $0x18, v14  }
0x1bb: {  	v13 =	vand.u32 $0x7, v13  }
0x1bc: {  	v15 =	vld [tilespmem:$0x5D0];
	v13 =	vor.u32 v13, v14  }
0x1bd: {  	v14 =	vperm.xlane v13, v10;
	_ =	sdelay $0x1  }
0x1be: {  	v14 =	vadd.s32 v11, v14;
	_ =	sdelay $0x1  }
0x1bf: {  	v58 =	vshrl.u32 v15, $0x3;
	v13 =	vperm.xlane v13, v12  }
0x1c0: {  	v16 =	vmul.u32 $0x18, v58  }
0x1c1: {  	s16 =	simm.s32 $0x3A80;
	v15 =	vand.u32 $0x7, v15;
	v13 =	vadd.s32 v11, v13  }
0x1c2: {  	v15 =	vor.u32 v15, v16;
	[hbm4b:s4+s2] =	stream.indirect_vreg.scatter [tilespmem:s16], [sflag:$0x3], $0x80, v14, vm0, $0xb8;
	[tilespmem:$0xCA80] =	vst v63  }
0x1c3: {  	s0 =	simm.s32 $0x4280;
	v16 =	vperm.xlane v15, v10  }
0x1c4: {  	[hbm4b:s10+s2] =	stream.indirect_vreg.scatter [tilespmem:s0], [sflag:$0x3], $0x80, v14, vm1, $0xb8;
	[tilespmem:$0xCA80] =	vst v63  }
0x1c5: {  	s11 =	simm.s32 $0x4680;
	v14 =	vadd.s32 v11, v16  }
0x1c6: {  	[hbm4b:s4+s2] =	stream.indirect_vreg.scatter [tilespmem:s11], [sflag:$0x3], $0x80, v13, vm0, $0xb8;
	[tilespmem:$0xCA80] =	vst v63  }
0x1c7: {  	v15 =	vperm.xlane v15, v12  }
0x1c8: {  	[hbm4b:s10+s2] =	stream.indirect_vreg.scatter [tilespmem:s28], [sflag:$0x3], $0x80, v13, vm1, $0xb8;
	[tilespmem:$0xCA80] =	vst v63  }
0x1c9: {  	v13 =	vadd.s32 v11, v15  }
0x1ca: {  	[hbm4b:s4+s2] =	stream.indirect_vreg.scatter [tilespmem:s16], [sflag:$0x3], $0x80, v14, vm0, $0xb8;
	[tilespmem:$0xCA80] =	vst v63  }
0x1cb: {  	_ = 	snop  }
0x1cc: {  	[hbm4b:s10+s2] =	stream.indirect_vreg.scatter [tilespmem:s0], [sflag:$0x3], $0x80, v14, vm1, $0xb8;
	[tilespmem:$0xCA80] =	vst v63  }
0x1cd: {  	_ = 	snop  }
0x1ce: {  	[hbm4b:s4+s2] =	stream.indirect_vreg.scatter [tilespmem:s11], [sflag:$0x3], $0x80, v13, vm0, $0xb8;
	[tilespmem:$0xCA80] =	vst v63  }
0x1cf: {  	_ = 	snop  }
0x1d0: {  	[hbm4b:s10+s2] =	stream.indirect_vreg.scatter [tilespmem:s28], [sflag:$0x3], $0x80, v13, vm1, $0xb8;
	[tilespmem:$0xCA80] =	vst v63  }
0x1d1: {  	v13 =	vld [tilespmem:$0x5E0];
	_ =	sdelay $0x4  }
0x1d2: {  	v14 =	vshrl.u32 v13, $0x3  }
0x1d3: {  	v14 =	vmul.u32 $0x18, v14  }
0x1d4: {  	v13 =	vand.u32 $0x7, v13  }
0x1d5: {  	v15 =	vld [tilespmem:$0x5F0];
	v13 =	vor.u32 v13, v14  }
0x1d6: {  	v14 =	vperm.xlane v13, v10;
	_ =	sdelay $0x1  }
0x1d7: {  	v14 =	vadd.s32 v11, v14;
	_ =	sdelay $0x1  }
0x1d8: {  	v59 =	vshrl.u32 v15, $0x3;
	v13 =	vperm.xlane v13, v12  }
0x1d9: {  	v16 =	vmul.u32 $0x18, v59  }
0x1da: {  	s5 =	simm.s32 $0x5280;
	v15 =	vand.u32 $0x7, v15;
	v13 =	vadd.s32 v11, v13  }
0x1db: {  	v15 =	vor.u32 v15, v16;
	[hbm4b:s4+s2] =	stream.indirect_vreg.scatter [tilespmem:s5], [sflag:$0x3], $0x80, v14, vm0, $0xb8;
	[tilespmem:$0xCA80] =	vst v63  }
0x1dc: {  	s16 =	simm.s32 $0x5A80;
	v16 =	vperm.xlane v15, v10  }
0x1dd: {  	[hbm4b:s10+s2] =	stream.indirect_vreg.scatter [tilespmem:s16], [sflag:$0x3], $0x80, v14, vm1, $0xb8;
	[tilespmem:$0xCA80] =	vst v63  }
0x1de: {  	s0 =	simm.s32 $0x5E80;
	v14 =	vadd.s32 v11, v16  }
0x1df: {  	[hbm4b:s4+s2] =	stream.indirect_vreg.scatter [tilespmem:s0], [sflag:$0x3], $0x80, v13, vm0, $0xb8;
	[tilespmem:$0xCA80] =	vst v63  }
0x1e0: {  	s11 =	simm.s32 $0x6680;
	v15 =	vperm.xlane v15, v12  }
0x1e1: {  	[hbm4b:s10+s2] =	stream.indirect_vreg.scatter [tilespmem:s11], [sflag:$0x3], $0x80, v13, vm1, $0xb8;
	[tilespmem:$0xCA80] =	vst v63  }
0x1e2: {  	v13 =	vadd.s32 v11, v15  }
0x1e3: {  	[hbm4b:s4+s2] =	stream.indirect_vreg.scatter [tilespmem:s5], [sflag:$0x3], $0x80, v14, vm0, $0xb8;
	[tilespmem:$0xCA80] =	vst v63  }
0x1e4: {  	_ = 	snop  }
0x1e5: {  	[hbm4b:s10+s2] =	stream.indirect_vreg.scatter [tilespmem:s16], [sflag:$0x3], $0x80, v14, vm1, $0xb8;
	[tilespmem:$0xCA80] =	vst v63  }
0x1e6: {  	_ = 	snop  }
0x1e7: {  	[hbm4b:s4+s2] =	stream.indirect_vreg.scatter [tilespmem:s0], [sflag:$0x3], $0x80, v13, vm0, $0xb8;
	[tilespmem:$0xCA80] =	vst v63  }
0x1e8: {  	_ = 	snop  }
0x1e9: {  	[hbm4b:s10+s2] =	stream.indirect_vreg.scatter [tilespmem:s11], [sflag:$0x3], $0x80, v13, vm1, $0xb8;
	[tilespmem:$0xCA80] =	vst v63  }
0x1ea: {  	_ =	swait.ge [sflag:s3], $0x6000  }
0x1eb: {  	[sflag:s3] =	ssyncset.done $0x0  }
0x1ec: {  	[sflag:s3] =	ssyncadd.s32 $0xFFFFA000  }
0x1ed: {  	v13 =	vld [tilespmem:$0x600];
	_ =	sdelay $0x4  }
0x1ee: {  	v14 =	vshrl.u32 v13, $0x3  }
0x1ef: {  	v14 =	vmul.u32 $0x18, v14  }
0x1f0: {  	v13 =	vand.u32 $0x7, v13  }
0x1f1: {  	v15 =	vld [tilespmem:$0x610];
	v13 =	vor.u32 v13, v14  }
0x1f2: {  	v14 =	vperm.xlane v13, v10;
	_ =	sdelay $0x1  }
0x1f3: {  	v14 =	vadd.s32 v11, v14;
	_ =	sdelay $0x1  }
0x1f4: {  	v60 =	vshrl.u32 v15, $0x3;
	v13 =	vperm.xlane v13, v12  }
0x1f5: {  	v16 =	vmul.u32 $0x18, v60  }
0x1f6: {  	v15 =	vand.u32 $0x7, v15;
	v13 =	vadd.s32 v11, v13  }
0x1f7: {  	v15 =	vor.u32 v15, v16;
	[hbm4b:s4+s2] =	stream.indirect_vreg.scatter [tilespmem:s17], [sflag:$0x3], $0x80, v14, vm0, $0xb8;
	[tilespmem:$0xCA80] =	vst v63  }
0x1f8: {  	v16 =	vperm.xlane v15, v10  }
0x1f9: {  	[hbm4b:s10+s2] =	stream.indirect_vreg.scatter [tilespmem:s1], [sflag:$0x3], $0x80, v14, vm1, $0xb8;
	[tilespmem:$0xCA80] =	vst v63  }
0x1fa: {  	v14 =	vadd.s32 v11, v16  }
0x1fb: {  	[hbm4b:s4+s2] =	stream.indirect_vreg.scatter [tilespmem:s14], [sflag:$0x3], $0x80, v13, vm0, $0xb8;
	[tilespmem:$0xCA80] =	vst v63  }
0x1fc: {  	v15 =	vperm.xlane v15, v12  }
0x1fd: {  	[hbm4b:s10+s2] =	stream.indirect_vreg.scatter [tilespmem:s15], [sflag:$0x3], $0x80, v13, vm1, $0xb8;
	[tilespmem:$0xCA80] =	vst v63  }
0x1fe: {  	v13 =	vadd.s32 v11, v15  }
0x1ff: {  	[hbm4b:s4+s2] =	stream.indirect_vreg.scatter [tilespmem:s17], [sflag:$0x3], $0x80, v14, vm0, $0xb8;
	[tilespmem:$0xCA80] =	vst v63  }
0x200: {  	_ = 	snop  }
0x201: {  	[hbm4b:s10+s2] =	stream.indirect_vreg.scatter [tilespmem:s1], [sflag:$0x3], $0x80, v14, vm1, $0xb8;
	[tilespmem:$0xCA80] =	vst v63  }
0x202: {  	_ = 	snop  }
0x203: {  	[hbm4b:s4+s2] =	stream.indirect_vreg.scatter [tilespmem:s14], [sflag:$0x3], $0x80, v13, vm0, $0xb8;
	[tilespmem:$0xCA80] =	vst v63  }
0x204: {  	_ = 	snop  }
0x205: {  	[hbm4b:s10+s2] =	stream.indirect_vreg.scatter [tilespmem:s15], [sflag:$0x3], $0x80, v13, vm1, $0xb8;
	[tilespmem:$0xCA80] =	vst v63  }
0x206: {  	v13 =	vld [tilespmem:$0x620];
	_ =	sdelay $0x4  }
0x207: {  	v14 =	vshrl.u32 v13, $0x3  }
0x208: {  	v14 =	vmul.u32 $0x18, v14  }
0x209: {  	v13 =	vand.u32 $0x7, v13  }
0x20a: {  	v15 =	vld [tilespmem:$0x630];
	v13 =	vor.u32 v13, v14  }
0x20b: {  	v14 =	vperm.xlane v13, v10;
	_ =	sdelay $0x1  }
0x20c: {  	v14 =	vadd.s32 v11, v14;
	_ =	sdelay $0x1  }
0x20d: {  	v61 =	vshrl.u32 v15, $0x3;
	v13 =	vperm.xlane v13, v12  }
0x20e: {  	v16 =	vmul.u32 $0x18, v61  }
0x20f: {  	v15 =	vand.u32 $0x7, v15;
	v13 =	vadd.s32 v11, v13  }
0x210: {  	v15 =	vor.u32 v15, v16;
	[hbm4b:s4+s2] =	stream.indirect_vreg.scatter [tilespmem:s22], [sflag:$0x3], $0x80, v14, vm0, $0xb8;
	[tilespmem:$0xCA80] =	vst v63  }
0x211: {  	v16 =	vperm.xlane v15, v10  }
0x212: {  	[hbm4b:s10+s2] =	stream.indirect_vreg.scatter [tilespmem:s6], [sflag:$0x3], $0x80, v14, vm1, $0xb8;
	[tilespmem:$0xCA80] =	vst v63  }
0x213: {  	v14 =	vadd.s32 v11, v16  }
0x214: {  	[hbm4b:s4+s2] =	stream.indirect_vreg.scatter [tilespmem:s12], [sflag:$0x3], $0x80, v13, vm0, $0xb8;
	[tilespmem:$0xCA80] =	vst v63  }
0x215: {  	v15 =	vperm.xlane v15, v12  }
0x216: {  	[hbm4b:s10+s2] =	stream.indirect_vreg.scatter [tilespmem:s29], [sflag:$0x3], $0x80, v13, vm1, $0xb8;
	[tilespmem:$0xCA80] =	vst v63  }
0x217: {  	v13 =	vadd.s32 v11, v15  }
0x218: {  	[hbm4b:s4+s2] =	stream.indirect_vreg.scatter [tilespmem:s22], [sflag:$0x3], $0x80, v14, vm0, $0xb8;
	[tilespmem:$0xCA80] =	vst v63  }
0x219: {  	_ = 	snop  }
0x21a: {  	[hbm4b:s10+s2] =	stream.indirect_vreg.scatter [tilespmem:s6], [sflag:$0x3], $0x80, v14, vm1, $0xb8;
	[tilespmem:$0xCA80] =	vst v63  }
0x21b: {  	_ = 	snop  }
0x21c: {  	[hbm4b:s4+s2] =	stream.indirect_vreg.scatter [tilespmem:s12], [sflag:$0x3], $0x80, v13, vm0, $0xb8;
	[tilespmem:$0xCA80] =	vst v63  }
0x21d: {  	_ = 	snop  }
0x21e: {  	[hbm4b:s10+s2] =	stream.indirect_vreg.scatter [tilespmem:s29], [sflag:$0x3], $0x80, v13, vm1, $0xb8;
	[tilespmem:$0xCA80] =	vst v63  }
0x21f: {  	v13 =	vld [tilespmem:$0x640];
	_ =	sdelay $0x4  }
0x220: {  	v14 =	vshrl.u32 v13, $0x3  }
0x221: {  	v14 =	vmul.u32 $0x18, v14  }
0x222: {  	v13 =	vand.u32 $0x7, v13  }
0x223: {  	v15 =	vld [tilespmem:$0x650];
	v13 =	vor.u32 v13, v14  }
0x224: {  	v14 =	vperm.xlane v13, v10;
	_ =	sdelay $0x1  }
0x225: {  	v14 =	vadd.s32 v11, v14;
	_ =	sdelay $0x1  }
0x226: {  	v62 =	vshrl.u32 v15, $0x3;
	v13 =	vperm.xlane v13, v12  }
0x227: {  	v16 =	vmul.u32 $0x18, v62  }
0x228: {  	v15 =	vand.u32 $0x7, v15;
	v13 =	vadd.s32 v11, v13  }
0x229: {  	v15 =	vor.u32 v15, v16;
	[hbm4b:s4+s2] =	stream.indirect_vreg.scatter [tilespmem:s7], [sflag:$0x3], $0x80, v14, vm0, $0xb8;
	[tilespmem:$0xCA80] =	vst v63  }
0x22a: {  	v16 =	vperm.xlane v15, v10  }
0x22b: {  	[hbm4b:s10+s2] =	stream.indirect_vreg.scatter [tilespmem:s13], [sflag:$0x3], $0x80, v14, vm1, $0xb8;
	[tilespmem:$0xCA80] =	vst v63  }
0x22c: {  	v14 =	vadd.s32 v11, v16  }
0x22d: {  	[hbm4b:s4+s2] =	stream.indirect_vreg.scatter [tilespmem:s25], [sflag:$0x3], $0x80, v13, vm0, $0xb8;
	[tilespmem:$0xCA80] =	vst v63  }
0x22e: {  	v15 =	vperm.xlane v15, v12  }
0x22f: {  	[hbm4b:s10+s2] =	stream.indirect_vreg.scatter [tilespmem:s30], [sflag:$0x3], $0x80, v13, vm1, $0xb8;
	[tilespmem:$0xCA80] =	vst v63  }
0x230: {  	v13 =	vadd.s32 v11, v15  }
0x231: {  	[hbm4b:s4+s2] =	stream.indirect_vreg.scatter [tilespmem:s7], [sflag:$0x3], $0x80, v14, vm0, $0xb8;
	[tilespmem:$0xCA80] =	vst v63  }
0x232: {  	_ = 	snop  }
0x233: {  	[hbm4b:s10+s2] =	stream.indirect_vreg.scatter [tilespmem:s13], [sflag:$0x3], $0x80, v14, vm1, $0xb8;
	[tilespmem:$0xCA80] =	vst v63  }
0x234: {  	_ = 	snop  }
0x235: {  	[hbm4b:s4+s2] =	stream.indirect_vreg.scatter [tilespmem:s25], [sflag:$0x3], $0x80, v13, vm0, $0xb8;
	[tilespmem:$0xCA80] =	vst v63  }
0x236: {  	_ = 	snop  }
0x237: {  	[hbm4b:s10+s2] =	stream.indirect_vreg.scatter [tilespmem:s30], [sflag:$0x3], $0x80, v13, vm1, $0xb8;
	[tilespmem:$0xCA80] =	vst v63  }
0x238: {  	v13 =	vld [tilespmem:$0x660];
	_ =	sdelay $0x4  }
0x239: {  	v14 =	vshrl.u32 v13, $0x3  }
0x23a: {  	v14 =	vmul.u32 $0x18, v14  }
0x23b: {  	v13 =	vand.u32 $0x7, v13  }
0x23c: {  	v15 =	vld [tilespmem:$0x670];
	v13 =	vor.u32 v13, v14  }
0x23d: {  	v14 =	vperm.xlane v13, v10;
	_ =	sdelay $0x1  }
0x23e: {  	v14 =	vadd.s32 v11, v14;
	_ =	sdelay $0x1  }
0x23f: {  	v63 =	vshrl.u32 v15, $0x3;
	v13 =	vperm.xlane v13, v12  }
0x240: {  	v16 =	vmul.u32 $0x18, v63  }
0x241: {  	v15 =	vand.u32 $0x7, v15;
	v13 =	vadd.s32 v11, v13  }
0x242: {  	v15 =	vor.u32 v15, v16;
	[hbm4b:s4+s2] =	stream.indirect_vreg.scatter [tilespmem:s8], [sflag:$0x3], $0x80, v14, vm0, $0xb8;
	[tilespmem:$0xCA80] =	vst v63  }
0x243: {  	v16 =	vperm.xlane v15, v10  }
0x244: {  	[hbm4b:s10+s2] =	stream.indirect_vreg.scatter [tilespmem:s24], [sflag:$0x3], $0x80, v14, vm1, $0xb8;
	[tilespmem:$0xCA80] =	vst v63  }
0x245: {  	v14 =	vadd.s32 v11, v16  }
0x246: {  	[hbm4b:s4+s2] =	stream.indirect_vreg.scatter [tilespmem:s26], [sflag:$0x3], $0x80, v13, vm0, $0xb8;
	[tilespmem:$0xCA80] =	vst v63  }
0x247: {  	v15 =	vperm.xlane v15, v12  }
0x248: {  	[hbm4b:s10+s2] =	stream.indirect_vreg.scatter [tilespmem:s31], [sflag:$0x3], $0x80, v13, vm1, $0xb8;
	[tilespmem:$0xCA80] =	vst v63  }
0x249: {  	v13 =	vadd.s32 v11, v15  }
0x24a: {  	[hbm4b:s4+s2] =	stream.indirect_vreg.scatter [tilespmem:s8], [sflag:$0x3], $0x80, v14, vm0, $0xb8;
	[tilespmem:$0xCA80] =	vst v63  }
0x24b: {  	_ = 	snop  }
0x24c: {  	[hbm4b:s10+s2] =	stream.indirect_vreg.scatter [tilespmem:s24], [sflag:$0x3], $0x80, v14, vm1, $0xb8;
	[tilespmem:$0xCA80] =	vst v63  }
0x24d: {  	_ = 	snop  }
0x24e: {  	[hbm4b:s4+s2] =	stream.indirect_vreg.scatter [tilespmem:s26], [sflag:$0x3], $0x80, v13, vm0, $0xb8;
	[tilespmem:$0xCA80] =	vst v63  }
0x24f: {  	_ = 	snop  }
0x250: {  	[hbm4b:s10+s2] =	stream.indirect_vreg.scatter [tilespmem:s31], [sflag:$0x3], $0x80, v13, vm1, $0xb8;
	[tilespmem:$0xCA80] =	vst v63  }
0x251: {  	_ =	swait.ge [sflag:s9], $0x1800  }
0x252: {  	[sflag:s9] =	ssyncset.done $0x0  }
0x253: {  	[sflag:s9] =	ssyncadd.s32 $0xFFFFE800  }
0x254: {  	_ =	swait.ge [sflag:s9], $0x1800  }
0x255: {  	[sflag:s9] =	ssyncset.done $0x0  }
0x256: {  	[sflag:s9] =	ssyncadd.s32 $0xFFFFE800  }
0x257: {  	_ =	swait.ge [sflag:s9], $0x1800  }
0x258: {  	[sflag:s9] =	ssyncset.done $0x0  }
0x259: {  	[sflag:s9] =	ssyncadd.s32 $0xFFFFE800  }
0x25a: {  	_ =	swait.ge [sflag:s9], $0x1800  }
0x25b: {  	[sflag:s9] =	ssyncset.done $0x0  }
0x25c: {  	[sflag:s9] =	ssyncadd.s32 $0xFFFFE800  }
0x25d: {  	_ =	swait.ge [sflag:s9], $0x1800  }
0x25e: {  	[sflag:s9] =	ssyncset.done $0x0  }
0x25f: {  	[sflag:s9] =	ssyncadd.s32 $0xFFFFE800  }
0x260: {  	_ =	swait.ge [sflag:s9], $0x1800  }
0x261: {  	[sflag:s9] =	ssyncset.done $0x0  }
0x262: {  	[sflag:s9] =	ssyncadd.s32 $0xFFFFE800  }
0x263: {  	_ =	swait.ge [sflag:s9], $0x1800  }
0x264: {  	[sflag:s9] =	ssyncset.done $0x0  }
0x265: {  	[sflag:s9] =	ssyncadd.s32 $0xFFFFE800  }
0x266: {  	_ =	swait.ge [sflag:s9], $0x1800  }
0x267: {  	[sflag:s9] =	ssyncset.done $0x0  }
0x268: {  	[sflag:s9] =	ssyncadd.s32 $0xFFFFE800  }
0x269: {  	_ =	swait.ge [sflag:s9], $0x1800  }
0x26a: {  	[sflag:s9] =	ssyncset.done $0x0  }
0x26b: {  	[sflag:s9] =	ssyncadd.s32 $0xFFFFE800  }
0x26c: {  	_ =	swait.ge [sflag:s9], $0x1800  }
0x26d: {  	[sflag:s9] =	ssyncset.done $0x0  }
0x26e: {  	[sflag:s9] =	ssyncadd.s32 $0xFFFFE800  }
0x26f: {  	_ =	swait.ge [sflag:s9], $0x1800  }
0x270: {  	[sflag:s9] =	ssyncset.done $0x0  }
0x271: {  	[sflag:s9] =	ssyncadd.s32 $0xFFFFE800  }
0x272: {  	_ =	swait.ge [sflag:s9], $0x1800  }
0x273: {  	[sflag:s9] =	ssyncset.done $0x0  }
0x274: {  	[sflag:s9] =	ssyncadd.s32 $0xFFFFE800  }
0x275: {  	_ =	swait.ge [sflag:s9], $0x1800  }
0x276: {  	[sflag:s9] =	ssyncset.done $0x0  }
0x277: {  	[sflag:s9] =	ssyncadd.s32 $0xFFFFE800  }
0x278: {  	_ =	swait.ge [sflag:s9], $0x1800  }
0x279: {  	[sflag:s9] =	ssyncset.done $0x0  }
0x27a: {  	[sflag:s9] =	ssyncadd.s32 $0xFFFFE800  }
0x27b: {  	_ =	swait.ge [sflag:s9], $0x1800  }
0x27c: {  	[sflag:s9] =	ssyncset.done $0x0  }
0x27d: {  	[sflag:s9] =	ssyncadd.s32 $0xFFFFE800  }
0x27e: {  	_ =	swait.ge [sflag:s9], $0x1800  }
0x27f: {  	[sflag:s9] =	ssyncset.done $0x0  }
0x280: {  	s6 =	simm.s32 $0x1;
	[sflag:s9] =	ssyncadd.s32 $0xFFFFE800  }
0x281: {  	_ =	swait.ge [sflag:s6], $0x200  }
0x282: {  	[sflag:s6] =	ssyncset.done $0x0  }
0x283: {  	[sflag:s6] =	ssyncadd.s32 $0xFFFFFE00  }
0x284: {  	_ =	swait.ge [sflag:s6], $0x200  }
0x285: {  	s23 =	sadd.s32 $0x1, s23;
	s16 =	rddreg [dreg:$0xb]  }
0x286: {  	p0 =	sne.s32 s23, s16  }
.Ltmp1:
0x287: {  	_ = 	snop;
	(pc) =	sbr.rel @p0 .LBB2_1-.Ltmp1, $3  }
0x288: {  	_ =	sdelay $0x1  }
0x289: {  	[sflag:s6] =	ssyncset.done $0x0  }
0x28a: {  	s0 =	simm.s32 $0xA80;
	s1 =	simm.s32 $0x6A80;
	[sflag:s6] =	ssyncadd.s32 $0xFFFFFE00  }
0x28b: {  	_ =	sfence.sel $0x180000  }
0x28c: {  	[bflag:$0x0] =	sbarrier.arrive $0xFFFF  }
0x28d: {  	_ =	strace $0x90000047  }
0x28e: {  	s0 =	stileid.u32;
	[bflag:$0x2] =	sbarrier.arrive $0xFFFF  }
0x28f: {  	p0 =	sne.s32 s0, $0x0;
	s0 =	rddreg [dreg:$0x2]  }
0x290: {  	s0 =	sadd.s32 @!p0 $0x100000, s0  }
0x291: {  	[sflag:s0] =	ssyncadd.tile.s32 @!p0 $0x1;
	_ =	shalt  }
.Lfunc_end2:
_tile_overlayer_lowered:
.L_overlay_start_2:
0x292: {  	(tag) =	ssettag $0x2  }
0x293: {  	s0 =	rddreg [dreg:$0x0];
	s2 =	stileid.u32  }
0x294: {  	s1 =	rddreg [dreg:$0x1];
	p0 =	sne.s32 s2, $0x0  }
0x295: {  	s3 =	rddreg [dreg:$0x2];
	[bflag:$0x3] =	sbarrier.arrive $0xFFFF;
	s2 =	simm.s32 @!p0 $0x1C04  }
0x296: {  	[timem:s3], [sflag:s2] =	dma.local @!p0 [hbm:s0], s1  }
0x297: {  	s0 =	simm.s32 @!p0 $0x4  }
0x298: {  	_ =	swait.ge @!p0 [sflag:s0], s1  }
0x299: {  	s1 =	ssub.s32 @!p0 $0x0, s1;
	[sflag:s0] =	ssyncset.done @!p0 $0x0  }
0x29a: {  	[sflag:s0] =	ssyncadd.s32 @!p0 s1  }
0x29b: {  	[bflag:$0x3] =	sbarrier.arrive $0xFFFF  }
0x29c: {  	_ =	shalt  }

</sc_bundles>
